<compile_context>
chip_gen: v7x
topology: tpu7x:2x2x1
jax: 0.10.2.dev20260603
libtpu: 0.0.44.dev20260713+nightly
codegen_flags: <defaults>
</compile_context>

<pallas_src>
import functools

import numpy as np

import jax
import jax.numpy as jnp
from jax import lax
from jax.experimental import pallas as pl
from jax.experimental.pallas import tpu as pltpu
from jax.experimental.pallas import tpu_sc as plsc

B, Q, D = 2, 1000, 256
H = 8
LK = 16
Cv = 256
Hs, Ws = 100, 100
SCALE = 0.5

BQ = B * Q
BLK = 200
GRID = BQ // BLK
BPB = Q // BLK

R = H * BQ
NW = 32
RPW = R // NW
OG = 20

HLK = H * LK
_SEG = np.kron(np.eye(H * LK // LK, dtype=np.float32),
               np.ones((LK, LK), np.float32))

QS = 2.0 ** -9
QBIAS = 32768
_PERM = np.empty(Cv, dtype=np.int32)
for _t in range(Cv // 32):
    for _i in range(16):
        _PERM[32 * _t + _i] = 32 * _t + 2 * _i
        _PERM[32 * _t + 16 + _i] = 32 * _t + 2 * _i + 1
KR = 5
CH = 100



def _sigmoid(x):
    return 1.0 / (1.0 + jnp.exp(-x))



def _stage_a_body(q_ref, g_ref, wa_ref, ba_ref, wo_ref, bo_ref, seg_ref,
                  idx_ref, w_ref, sumw_ref):
    i = pl.program_id(0)
    base = (i // BPB) * (Hs * Ws)

    q = q_ref[...]
    geom = g_ref[...]
    box_x = _sigmoid(geom[:, 0:1])
    box_y = _sigmoid(geom[:, 1:2])
    sx = box_x * (SCALE / LK)
    sy = box_y * (SCALE / LK)

    seg = seg_ref[...]

    logits = jnp.dot(q, wa_ref[...], preferred_element_type=jnp.float32)
    logits = logits + ba_ref[...]
    e = jnp.exp(logits - jnp.max(logits, axis=1, keepdims=True))
    attn = e / jnp.dot(e, seg, preferred_element_type=jnp.float32)

    off = jnp.dot(q, wo_ref[...], preferred_element_type=jnp.float32)
    off = off + bo_ref[...]
    locx = box_x + off[:, :HLK] * sx
    locy = box_y + off[:, HLK:] * sy

    gx = ((jnp.clip(2.0 * locx - 1.0, -1.0, 1.0) + 1.0) * Ws - 1.0) * 0.5
    gy = ((jnp.clip(2.0 * locy - 1.0, -1.0, 1.0) + 1.0) * Hs - 1.0) * 0.5

    x0f = jnp.floor(gx)
    y0f = jnp.floor(gy)
    wx1 = gx - x0f
    wx0 = 1.0 - wx1
    wy1 = gy - y0f
    wy0 = 1.0 - wy1

    def corner(xf, yf, wx, wy):
        valid = ((xf >= 0.0) & (xf <= Ws - 1.0)
                 & (yf >= 0.0) & (yf <= Hs - 1.0))
        xi = jnp.clip(xf, 0.0, Ws - 1.0).astype(jnp.int32)
        yi = jnp.clip(yf, 0.0, Hs - 1.0).astype(jnp.int32)
        idx = yi * Ws + xi + base
        w = attn * (wx * wy) * valid.astype(jnp.float32)
        return idx, w

    i00, w00 = corner(x0f, y0f, wx0, wy0)
    i10, w10 = corner(x0f + 1.0, y0f, wx1, wy0)
    i01, w01 = corner(x0f, y0f + 1.0, wx0, wy1)
    i11, w11 = corner(x0f + 1.0, y0f + 1.0, wx1, wy1)

    gsum = jnp.dot(w00 + w10 + w01 + w11, seg,
                   preferred_element_type=jnp.float32)

    zi = jnp.zeros((BLK, 64), jnp.int32)
    zf = jnp.zeros((BLK, 64), jnp.float32)
    sumw_cols = []
    for h in range(H):
        s0, s1 = 16 * h, 16 * h + 16
        idx_ref[h] = jnp.concatenate(
            [i00[:, s0:s1], i10[:, s0:s1], i01[:, s0:s1], i11[:, s0:s1], zi],
            axis=1)
        w_ref[h] = jnp.concatenate(
            [w00[:, s0:s1], w10[:, s0:s1], w01[:, s0:s1], w11[:, s0:s1], zf],
            axis=1) * QS
        sumw_cols.append(gsum[:, s0:s0 + 1])

    sumw_ref[...] = jnp.concatenate(sumw_cols, axis=1)


def _run_stage_a(q2d, geom, wa, ba, wo, bo, seg):
    return pl.pallas_call(
        _stage_a_body,
        grid=(GRID,),
        in_specs=[
            pl.BlockSpec((BLK, D), lambda i: (i, 0)),
            pl.BlockSpec((BLK, 4), lambda i: (i, 0)),
            pl.BlockSpec((D, HLK), lambda i: (0, 0)),
            pl.BlockSpec((1, HLK), lambda i: (0, 0)),
            pl.BlockSpec((D, 2 * HLK), lambda i: (0, 0)),
            pl.BlockSpec((1, 2 * HLK), lambda i: (0, 0)),
            pl.BlockSpec((HLK, HLK), lambda i: (0, 0)),
        ],
        out_specs=[
            pl.BlockSpec((H, BLK, 128), lambda i: (0, i, 0)),
            pl.BlockSpec((H, BLK, 128), lambda i: (0, i, 0)),
            pl.BlockSpec((BLK, H), lambda i: (i, 0)),
        ],
        out_shape=[
            jax.ShapeDtypeStruct((H, BQ, 128), jnp.int32),
            jax.ShapeDtypeStruct((H, BQ, 128), jnp.float32),
            jax.ShapeDtypeStruct((BQ, H), jnp.float32),
        ],
    )(q2d, geom, wa, ba, wo, bo, seg)



def _sc_body(table_hbm, idx_hbm, w_hbm, out_hbm, idx_c, w_c, gbuf, obuf, gsem,
             csem, osem):
    wid = lax.axis_index("s") * 2 + lax.axis_index("c")
    rbase = wid * RPW

    pltpu.sync_copy(idx_hbm.at[pl.ds(rbase * 128, CH * 128)],
                    idx_c.at[pl.ds(0, CH * 128)])
    pltpu.sync_copy(w_hbm.at[pl.ds(rbase * 128, CH * 128)],
                    w_c.at[pl.ds(0, CH * 128)])
    for k in range(KR - 1):
        pltpu.async_copy(table_hbm.at[idx_c.at[pl.ds(k * 128, 64)]],
                         gbuf.at[k], gsem.at[k])

    def step(i, carry):
        p = lax.rem(i, KR)
        cslot = lax.rem(i // CH, 2)
        nxt = i + KR - 1

        nchunk = nxt // CH + 1

        @pl.when(jnp.logical_and(nchunk * CH < RPW,
                                 lax.rem(nxt, CH) == CH // 2))
        def _():
            nbase = lax.rem(nchunk, 2) * (CH * 128)
            off = (rbase + nchunk * CH) * 128
            pltpu.async_copy(idx_hbm.at[pl.ds(off, CH * 128)],
                             idx_c.at[pl.ds(nbase, CH * 128)], csem.at[0])
            pltpu.async_copy(w_hbm.at[pl.ds(off, CH * 128)],
                             w_c.at[pl.ds(nbase, CH * 128)], csem.at[1])

        @pl.when(jnp.logical_and(nxt < RPW, lax.rem(nxt, CH) == 0))
        def _():
            nbase = lax.rem(nxt // CH, 2) * (CH * 128)
            off = (rbase + nxt) * 128
            pltpu.make_async_copy(idx_hbm.at[pl.ds(off, CH * 128)],
                                  idx_c.at[pl.ds(nbase, CH * 128)],
                                  csem.at[0]).wait()
            pltpu.make_async_copy(w_hbm.at[pl.ds(off, CH * 128)],
                                  w_c.at[pl.ds(nbase, CH * 128)],
                                  csem.at[1]).wait()

        @pl.when(nxt < RPW)
        def _():
            nbase = lax.rem(nxt // CH, 2) * (CH * 128)
            loff = nbase + lax.rem(nxt, CH) * 128
            pltpu.async_copy(table_hbm.at[idx_c.at[pl.ds(loff, 64)]],
                             gbuf.at[lax.rem(nxt, KR)],
                             gsem.at[lax.rem(nxt, KR)])

        pltpu.make_async_copy(
            table_hbm.at[idx_c.at[pl.ds(cslot * (CH * 128)
                                        + lax.rem(i, CH) * 128, 64)]],
            gbuf.at[p], gsem.at[p]).wait()

        woff = cslot * (CH * 128) + lax.rem(i, CH) * 128

        def jjbody(jj, carry):
            acc, wsum = carry
            wvec = w_c[pl.ds(woff + jj * 16, 16)]
            for l in range(16):
                j = jj * 16 + l
                ws = wvec[l]
                wsum = wsum + ws
                new = list(acc)
                for t in range(8):
                    x = gbuf[p, j, pl.ds(t * 16, 16)]
                    lo = jnp.bitwise_and(x, 65535).astype(jnp.float32)
                    hi = lax.shift_right_logical(x, 16).astype(jnp.float32)
                    new[2 * t] = new[2 * t] + lo * ws
                    new[2 * t + 1] = new[2 * t + 1] + hi * ws
                acc = tuple(new)
            return acc, wsum

        acc, wsum = lax.fori_loop(
            0, 4, jjbody,
            (tuple(jnp.zeros((16,), jnp.float32) for _ in range(16)),
             jnp.zeros((16,), jnp.float32)))

        beta = wsum * float(QBIAS)
        r = lax.rem(i, OG)
        oslot = lax.rem(i // OG, 2) * (OG * Cv)

        @pl.when(jnp.logical_and(r == 0, i >= 2 * OG))
        def _():
            pltpu.make_async_copy(
                obuf.at[pl.ds(oslot, OG * Cv)],
                out_hbm.at[pl.ds((rbase + i - 2 * OG) * Cv, OG * Cv)],
                osem.at[lax.rem(i // OG, 2)]).wait()

        for c in range(16):
            obuf[pl.ds(oslot + r * Cv + c * 16, 16)] = acc[c] - beta

        @pl.when(r == OG - 1)
        def _():
            pltpu.async_copy(
                obuf.at[pl.ds(oslot, OG * Cv)],
                out_hbm.at[pl.ds((rbase + i + 1 - OG) * Cv, OG * Cv)],
                osem.at[lax.rem(i // OG, 2)])

        return carry

    lax.fori_loop(0, RPW, step, 0)
    for g in (RPW // OG - 2, RPW // OG - 1):
        pltpu.make_async_copy(
            obuf.at[pl.ds((g % 2) * (OG * Cv), OG * Cv)],
            out_hbm.at[pl.ds((rbase + g * OG) * Cv, OG * Cv)],
            osem.at[g % 2]).wait()


def _run_stage_b(table, idx_flat, w_flat):
    mesh = plsc.VectorSubcoreMesh(core_axis_name="c", subcore_axis_name="s")
    f = functools.partial(
        pl.kernel,
        out_type=jax.ShapeDtypeStruct((R * Cv,), jnp.float32),
        mesh=mesh,
        scratch_types=[
            pltpu.VMEM((2 * CH * 128,), jnp.int32),
            pltpu.VMEM((2 * CH * 128,), jnp.float32),
            pltpu.VMEM((KR, 64, Cv // 2), jnp.int32),
            pltpu.VMEM((2 * OG * Cv,), jnp.float32),
            pltpu.SemaphoreType.DMA((KR,)),
            pltpu.SemaphoreType.DMA((2,)),
            pltpu.SemaphoreType.DMA((2,)),
        ],
    )(_sc_body)
    return f(table, idx_flat, w_flat)



def _precompute_body(wv_ref, wf_ref, bv_ref, wc_ref, bb_ref):
    wv = wv_ref[...]
    bv = bv_ref[...]
    bb_rows = []
    for h in range(H):
        wf = wf_ref[h]
        wc_ref[h] = jnp.dot(wv, wf, preferred_element_type=jnp.float32)
        bb_rows.append(jnp.dot(bv, wf, preferred_element_type=jnp.float32))
    bb_ref[...] = jnp.concatenate(bb_rows, axis=0)


def _run_precompute(W_val, W_final, b_val_2d):
    return pl.pallas_call(
        _precompute_body,
        out_shape=[
            jax.ShapeDtypeStruct((H, Cv, Cv), jnp.float32),
            jax.ShapeDtypeStruct((H, Cv), jnp.float32),
        ],
    )(W_val, W_final, b_val_2d)


def _stage_c_body(heads_ref, sumw_ref, wc_ref, bb_ref, bf_ref, out_ref):
    acc = jnp.dot(sumw_ref[...], bb_ref[...],
                  preferred_element_type=jnp.float32)
    for h in range(H):
        acc = acc + jnp.dot(heads_ref[h], wc_ref[h],
                            preferred_element_type=jnp.float32)
    acc = acc + jnp.sum(bf_ref[...], axis=0)[None, :]
    out_ref[...] = acc


def _run_stage_c(heads3, sumw, wc, bb, b_final):
    return pl.pallas_call(
        _stage_c_body,
        grid=(GRID,),
        in_specs=[
            pl.BlockSpec((H, BLK, Cv), lambda i: (0, i, 0)),
            pl.BlockSpec((BLK, H), lambda i: (i, 0)),
            pl.BlockSpec((H, Cv, Cv), lambda i: (0, 0, 0)),
            pl.BlockSpec((H, Cv), lambda i: (0, 0)),
            pl.BlockSpec((H, Cv), lambda i: (0, 0)),
        ],
        out_specs=pl.BlockSpec((BLK, Cv), lambda i: (i, 0)),
        out_shape=jax.ShapeDtypeStruct((BQ, Cv), jnp.float32),
    )(heads3, sumw, wc, bb, b_final)



def kernel(queries, query_geometry_logits, value, W_off, b_off, W_attn,
           b_attn, W_val, b_val, W_final, b_final):
    q2d = queries.reshape(BQ, D)
    geom = query_geometry_logits.reshape(BQ, 4)

    wo = W_off.reshape(D, H, LK, 2).transpose(0, 3, 1, 2).reshape(D, 2 * HLK)
    bo = b_off.reshape(1, H, LK, 2).transpose(0, 3, 1, 2).reshape(1, 2 * HLK)
    ba = b_attn.reshape(1, HLK)

    idx8, w8, sumw = _run_stage_a(q2d, geom, W_attn, ba, wo, bo,
                                  jnp.asarray(_SEG))

    table = jnp.transpose(value, (0, 2, 3, 1)).reshape(B * Hs * Ws, Cv)
    tq = (jnp.clip(jnp.round(table * (1.0 / QS)), -QBIAS, QBIAS - 1)
          .astype(jnp.int32) + QBIAS).reshape(B * Hs * Ws, Cv // 2, 2)
    t_i32 = tq[:, :, 0] + (tq[:, :, 1] << 16)
    heads = _run_stage_b(t_i32, idx8.reshape(R * 128), w8.reshape(R * 128))

    wc, bb = _run_precompute(W_val[_PERM, :], W_final, b_val.reshape(1, Cv))
    out2d = _run_stage_c(heads.reshape(H, BQ, Cv), sumw, wc, bb, b_final)
    return out2d.reshape(B, Q, Cv)

# --- scband reference (transcript-rebuilt; emitter-appended) ---
"""Pipeline reference for scband-multiscale-deformable-attention-16372415333055 (READ-ONLY COPY).

The authoritative reference and input builder live on the scoring server;
editing this copy changes nothing except your own understanding.
"""

import jax, jax.numpy as jnp
import numpy as np

B, Q, D = 2, 1000, 256
H = 8
L = 4
K = 4
LK = L * K
Cv = 256
Hs, Ws = 100, 100
SCALE = 0.5


def setup_inputs(seed: int = 0) -> dict:
    key = jax.random.key(seed)
    ks = jax.random.split(key, 12)
    inp = {
        "queries": jax.random.normal(ks[0], (B, Q, D), dtype=jnp.float32),
        "query_geometry_logits": jax.random.normal(ks[1], (B, Q, 4), dtype=jnp.float32),
        "value": jax.random.normal(ks[2], (B, D, Hs, Ws), dtype=jnp.float32),
        "W_off": jax.random.normal(ks[3], (D, H * LK * 2), dtype=jnp.float32) * 0.02,
        "b_off": jnp.zeros((H * LK * 2,), dtype=jnp.float32),
        "W_attn": jax.random.normal(ks[4], (D, H * LK), dtype=jnp.float32) * 0.02,
        "b_attn": jnp.zeros((H * LK,), dtype=jnp.float32),
        "W_val": jax.random.normal(ks[5], (D, Cv), dtype=jnp.float32) * 0.02,
        "b_val": jnp.zeros((Cv,), dtype=jnp.float32),
        "W_final": jax.random.normal(ks[6], (H, Cv, Cv), dtype=jnp.float32) * 0.02,
        "b_final": jnp.zeros((H, Cv), dtype=jnp.float32),
    }
    return inp


def _bilinear(img, gx, gy):
    # img: [B, Hs, Ws, C]; gx, gy: [B, N] in pixel coordinates.
    # grid_sample semantics: bilinear, zero padding, align_corners=False.
    x0f = jnp.floor(gx)
    y0f = jnp.floor(gy)
    x1f = x0f + 1.0
    y1f = y0f + 1.0
    wx1 = gx - x0f
    wx0 = 1.0 - wx1
    wy1 = gy - y0f
    wy0 = 1.0 - wy1

    def gather(xf, yf):
        valid = (xf >= 0) & (xf <= Ws - 1) & (yf >= 0) & (yf <= Hs - 1)
        xc = jnp.clip(xf, 0, Ws - 1).astype(jnp.int32)
        yc = jnp.clip(yf, 0, Hs - 1).astype(jnp.int32)
        bidx = jnp.arange(img.shape[0])[:, None]
        v = img[bidx, yc, xc]  # [B, N, C]
        return v * valid[..., None].astype(img.dtype)

    v = (gather(x0f, y0f) * (wx0 * wy0)[..., None]
         + gather(x1f, y0f) * (wx1 * wy0)[..., None]
         + gather(x0f, y1f) * (wx0 * wy1)[..., None]
         + gather(x1f, y1f) * (wx1 * wy1)[..., None])
    return v


def reference(queries, query_geometry_logits, value, W_off, b_off, W_attn, b_attn,
              W_val, b_val, W_final, b_final):
    # attention weights over sampling points, per head
    attn = (queries @ W_attn + b_attn).reshape(B, Q, H, LK)
    attn = jax.nn.softmax(attn, axis=-1)

    # sampling offsets, per head and point
    off = (queries @ W_off + b_off).reshape(B, Q, H, LK, 2)

    # query geometry (as in the original code, wh and cxcy both read box[:, :, :2])
    box = jax.nn.sigmoid(query_geometry_logits)
    wh = box[:, :, :2]
    cxcy = box[:, :, :2]

    num_points_scale = 1.0 / LK
    scale = wh * num_points_scale * SCALE  # [B, Q, 2]
    locs = cxcy[:, :, None, None, :] + off * scale[:, :, None, None, :]  # [B,Q,H,LK,2]

    # normalized grid in [-1, 1], clamped (as in sample_values)
    g = jnp.clip(2.0 * locs - 1.0, -1.0, 1.0)
    gx = ((g[..., 0] + 1.0) * Ws - 1.0) / 2.0
    gy = ((g[..., 1] + 1.0) * Hs - 1.0) / 2.0

    # project value channels embed_dim -> value_dim
    v = jnp.transpose(value, (0, 2, 3, 1)) @ W_val + b_val  # [B, Hs, Ws, Cv]

    N = Q * H * LK
    sampled = _bilinear(v, gx.reshape(B, N), gy.reshape(B, N))  # [B, N, Cv]
    sampled = sampled.reshape(B, Q, H, LK, Cv)

    heads = jnp.sum(attn[..., None] * sampled, axis=3)  # [B, Q, H, Cv]
    out = jnp.einsum('bqhc,hcd->bqhd', heads, W_final) + b_final  # per-head final projection
    return jnp.sum(out, axis=2)  # sum over heads -> [B, Q, Cv]

if __name__ == "__main__":
    import jax
    _d = setup_inputs()
    print(jax.jit(kernel)(*tuple(_d.values())))

</pallas_src>

<mosaic_0001>
#map = affine_map<(d0, d1) -> (0, 0)>
#map1 = affine_map<(d0, d1) -> (0)>
module attributes {stable_mosaic.version = 14 : i64} {
  func.func @_sc_body(%arg0: i32, %arg1: i32, %arg2: memref<20000x128xi32, #tpu.memory_space<hbm>>, %arg3: memref<2048000xi32, #tpu.memory_space<hbm>>, %arg4: memref<2048000xf32, #tpu.memory_space<hbm>>, %arg5: memref<4096000xf32, #tpu.memory_space<hbm>>, %arg6: memref<25600xi32, #tpu.memory_space<vmem>>, %arg7: memref<25600xf32, #tpu.memory_space<vmem>>, %arg8: memref<5x64x128xi32, #tpu.memory_space<vmem>>, %arg9: memref<10240xf32, #tpu.memory_space<vmem>>, %arg10: memref<5x!tpu.dma_semaphore, #tpu.memory_space<semaphore_mem>>, %arg11: memref<2x!tpu.dma_semaphore, #tpu.memory_space<semaphore_mem>>, %arg12: memref<2x!tpu.dma_semaphore, #tpu.memory_space<semaphore_mem>>) attributes {dimension_semantics = [#tpu.dimension_semantics<core_parallel>, #tpu.dimension_semantics<subcore_parallel>], iteration_bounds = array<i64: 2, 16>, scalar_prefetch = 0 : i64, scratch_operands = 7 : i64, tpu.core_type = #tpu.core_type<sc_vector_subcore>, window_params = [{transform_indices = #map}, {transform_indices = #map1}, {transform_indices = #map1}, {transform_indices = #map1}]} {
    %mul3A = arith.constant 2 : i32
    %mul3A_0 = arith.muli %arg1, %mul3A : i32
    %add3A = arith.addi %mul3A_0, %arg0 : i32
    %mul3A_1 = arith.constant 500 : i32
    %mul3A_2 = arith.muli %add3A, %mul3A_1 : i32
    %mul3A_3 = arith.constant 128 : i32
    %mul3A_4 = arith.muli %mul3A_2, %mul3A_3 : i32
    "tpu.region"() ({
      %run_scoped3A = tpu.sem_alloc : memref<!tpu.dma_semaphore, #tpu.memory_space<semaphore_mem>>
      %dma_start3A_88 = arith.constant 0 : i32
      %dma_start3A_89 = tpu.memref_slice %arg6[%dma_start3A_88] : memref<25600xi32, #tpu.memory_space<vmem>> -> memref<12800xi32, #tpu.memory_space<vmem>>
      %dma_start3A_90 = tpu.memref_slice %arg3[%mul3A_4] : memref<2048000xi32, #tpu.memory_space<hbm>> -> memref<12800xi32, #tpu.memory_space<hbm>>
      %dma_start3A_91 = arith.constant 0 : i32
      %dma_start3A_92 = tpu.memref_slice %arg6[%dma_start3A_91] : memref<25600xi32, #tpu.memory_space<vmem>> -> memref<12800xi32, #tpu.memory_space<vmem>>
      %dma_start3A_93 = tpu.memref_slice %arg3[%mul3A_4] : memref<2048000xi32, #tpu.memory_space<hbm>> -> memref<12800xi32, #tpu.memory_space<hbm>>
      tpu.enqueue_dma source(%dma_start3A_93 : memref<12800xi32, #tpu.memory_space<hbm>>) target(%dma_start3A_92 : memref<12800xi32, #tpu.memory_space<vmem>>) target_semaphore(%run_scoped3A : memref<!tpu.dma_semaphore, #tpu.memory_space<semaphore_mem>>)
      %dma_wait3A_94 = arith.constant 0 : i32
      %dma_wait3A_95 = tpu.memref_slice %arg6[%dma_wait3A_94] : memref<25600xi32, #tpu.memory_space<vmem>> -> memref<12800xi32, #tpu.memory_space<vmem>>
      %dma_wait3A_96 = tpu.memref_slice %arg3[%mul3A_4] : memref<2048000xi32, #tpu.memory_space<hbm>> -> memref<12800xi32, #tpu.memory_space<hbm>>
      %dma_wait3A_97 = arith.constant 0 : i32
      %dma_wait3A_98 = tpu.memref_slice %arg6[%dma_wait3A_97] : memref<25600xi32, #tpu.memory_space<vmem>> -> memref<12800xi32, #tpu.memory_space<vmem>>
      %dma_wait3A_99 = tpu.memref_slice %arg3[%mul3A_4] : memref<2048000xi32, #tpu.memory_space<hbm>> -> memref<12800xi32, #tpu.memory_space<hbm>>
      tpu.wait_dma2 semaphore(%run_scoped3A : memref<!tpu.dma_semaphore, #tpu.memory_space<semaphore_mem>>) src(%dma_wait3A_99 : memref<12800xi32, #tpu.memory_space<hbm>>) dst(%dma_wait3A_98 : memref<12800xi32, #tpu.memory_space<vmem>>)
      tpu.yield
    }) : () -> ()
    %mul3A_5 = arith.constant 128 : i32
    %mul3A_6 = arith.muli %mul3A_2, %mul3A_5 : i32
    "tpu.region"() ({
      %run_scoped3A = tpu.sem_alloc : memref<!tpu.dma_semaphore, #tpu.memory_space<semaphore_mem>>
      %dma_start3A_88 = arith.constant 0 : i32
      %dma_start3A_89 = tpu.memref_slice %arg7[%dma_start3A_88] : memref<25600xf32, #tpu.memory_space<vmem>> -> memref<12800xf32, #tpu.memory_space<vmem>>
      %dma_start3A_90 = tpu.memref_slice %arg4[%mul3A_6] : memref<2048000xf32, #tpu.memory_space<hbm>> -> memref<12800xf32, #tpu.memory_space<hbm>>
      %dma_start3A_91 = arith.constant 0 : i32
      %dma_start3A_92 = tpu.memref_slice %arg7[%dma_start3A_91] : memref<25600xf32, #tpu.memory_space<vmem>> -> memref<12800xf32, #tpu.memory_space<vmem>>
      %dma_start3A_93 = tpu.memref_slice %arg4[%mul3A_6] : memref<2048000xf32, #tpu.memory_space<hbm>> -> memref<12800xf32, #tpu.memory_space<hbm>>
      tpu.enqueue_dma source(%dma_start3A_93 : memref<12800xf32, #tpu.memory_space<hbm>>) target(%dma_start3A_92 : memref<12800xf32, #tpu.memory_space<vmem>>) target_semaphore(%run_scoped3A : memref<!tpu.dma_semaphore, #tpu.memory_space<semaphore_mem>>)
      %dma_wait3A_94 = arith.constant 0 : i32
      %dma_wait3A_95 = tpu.memref_slice %arg7[%dma_wait3A_94] : memref<25600xf32, #tpu.memory_space<vmem>> -> memref<12800xf32, #tpu.memory_space<vmem>>
      %dma_wait3A_96 = tpu.memref_slice %arg4[%mul3A_6] : memref<2048000xf32, #tpu.memory_space<hbm>> -> memref<12800xf32, #tpu.memory_space<hbm>>
      %dma_wait3A_97 = arith.constant 0 : i32
      %dma_wait3A_98 = tpu.memref_slice %arg7[%dma_wait3A_97] : memref<25600xf32, #tpu.memory_space<vmem>> -> memref<12800xf32, #tpu.memory_space<vmem>>
      %dma_wait3A_99 = tpu.memref_slice %arg4[%mul3A_6] : memref<2048000xf32, #tpu.memory_space<hbm>> -> memref<12800xf32, #tpu.memory_space<hbm>>
      tpu.wait_dma2 semaphore(%run_scoped3A : memref<!tpu.dma_semaphore, #tpu.memory_space<semaphore_mem>>) src(%dma_wait3A_99 : memref<12800xf32, #tpu.memory_space<hbm>>) dst(%dma_wait3A_98 : memref<12800xf32, #tpu.memory_space<vmem>>)
      tpu.yield
    }) : () -> ()
    %dma_start3A = arith.constant 0 : i32
    %dma_start3A_7 = arith.constant 0 : i32
    %dma_start3A_8 = arith.constant 0 : i32
    %dma_start3A_9 = arith.constant 0 : i32
    %dma_start3A_10 = tpu.memref_slice %arg8[%dma_start3A, %dma_start3A_8, %dma_start3A_9] : memref<5x64x128xi32, #tpu.memory_space<vmem>> -> memref<1x64x128xi32, #tpu.memory_space<vmem>>
    %dma_start3A_11 = tpu.memref_squeeze %dma_start3A_10 : memref<1x64x128xi32, #tpu.memory_space<vmem>> -> memref<64x128xi32, #tpu.memory_space<vmem>>
    %dma_start3A_12 = arith.constant 0 : i32
    %dma_start3A_13 = tpu.memref_slice %arg6[%dma_start3A_12] : memref<25600xi32, #tpu.memory_space<vmem>> -> memref<64xi32, #tpu.memory_space<vmem>>
    %dma_start3A_14 = arith.constant 0 : i32
    %dma_start3A_15 = arith.constant 0 : i32
    %dma_start3A_16 = tpu.memref_slice %arg2[%dma_start3A_14, %dma_start3A_15] : memref<20000x128xi32, #tpu.memory_space<hbm>> -> memref<20000x128xi32, #tpu.memory_space<hbm>>
    %dma_start3A_17 = tpu.memref_slice %arg10[%dma_start3A_7] : memref<5x!tpu.dma_semaphore, #tpu.memory_space<semaphore_mem>> -> memref<1x!tpu.dma_semaphore, #tpu.memory_space<semaphore_mem>>
    %dma_start3A_18 = tpu.memref_squeeze %dma_start3A_17 : memref<1x!tpu.dma_semaphore, #tpu.memory_space<semaphore_mem>> -> memref<!tpu.dma_semaphore, #tpu.memory_space<semaphore_mem>>
    tpu.enqueue_indirect_dma source(%dma_start3A_16 : memref<20000x128xi32, #tpu.memory_space<hbm>>) target(%dma_start3A_11 : memref<64x128xi32, #tpu.memory_space<vmem>>) offsets(%dma_start3A_13 : memref<64xi32, #tpu.memory_space<vmem>>) semaphore(%dma_start3A_18 : memref<!tpu.dma_semaphore, #tpu.memory_space<semaphore_mem>>)
    %dma_start3A_19 = arith.constant 1 : i32
    %dma_start3A_20 = arith.constant 1 : i32
    %dma_start3A_21 = arith.constant 0 : i32
    %dma_start3A_22 = arith.constant 0 : i32
    %dma_start3A_23 = tpu.memref_slice %arg8[%dma_start3A_19, %dma_start3A_21, %dma_start3A_22] : memref<5x64x128xi32, #tpu.memory_space<vmem>> -> memref<1x64x128xi32, #tpu.memory_space<vmem>>
    %dma_start3A_24 = tpu.memref_squeeze %dma_start3A_23 : memref<1x64x128xi32, #tpu.memory_space<vmem>> -> memref<64x128xi32, #tpu.memory_space<vmem>>
    %dma_start3A_25 = arith.constant 128 : i32
    %dma_start3A_26 = tpu.memref_slice %arg6[%dma_start3A_25] : memref<25600xi32, #tpu.memory_space<vmem>> -> memref<64xi32, #tpu.memory_space<vmem>>
    %dma_start3A_27 = arith.constant 0 : i32
    %dma_start3A_28 = arith.constant 0 : i32
    %dma_start3A_29 = tpu.memref_slice %arg2[%dma_start3A_27, %dma_start3A_28] : memref<20000x128xi32, #tpu.memory_space<hbm>> -> memref<20000x128xi32, #tpu.memory_space<hbm>>
    %dma_start3A_30 = tpu.memref_slice %arg10[%dma_start3A_20] : memref<5x!tpu.dma_semaphore, #tpu.memory_space<semaphore_mem>> -> memref<1x!tpu.dma_semaphore, #tpu.memory_space<semaphore_mem>>
    %dma_start3A_31 = tpu.memref_squeeze %dma_start3A_30 : memref<1x!tpu.dma_semaphore, #tpu.memory_space<semaphore_mem>> -> memref<!tpu.dma_semaphore, #tpu.memory_space<semaphore_mem>>
    tpu.enqueue_indirect_dma source(%dma_start3A_29 : memref<20000x128xi32, #tpu.memory_space<hbm>>) target(%dma_start3A_24 : memref<64x128xi32, #tpu.memory_space<vmem>>) offsets(%dma_start3A_26 : memref<64xi32, #tpu.memory_space<vmem>>) semaphore(%dma_start3A_31 : memref<!tpu.dma_semaphore, #tpu.memory_space<semaphore_mem>>)
    %dma_start3A_32 = arith.constant 2 : i32
    %dma_start3A_33 = arith.constant 2 : i32
    %dma_start3A_34 = arith.constant 0 : i32
    %dma_start3A_35 = arith.constant 0 : i32
    %dma_start3A_36 = tpu.memref_slice %arg8[%dma_start3A_32, %dma_start3A_34, %dma_start3A_35] : memref<5x64x128xi32, #tpu.memory_space<vmem>> -> memref<1x64x128xi32, #tpu.memory_space<vmem>>
    %dma_start3A_37 = tpu.memref_squeeze %dma_start3A_36 : memref<1x64x128xi32, #tpu.memory_space<vmem>> -> memref<64x128xi32, #tpu.memory_space<vmem>>
    %dma_start3A_38 = arith.constant 256 : i32
    %dma_start3A_39 = tpu.memref_slice %arg6[%dma_start3A_38] : memref<25600xi32, #tpu.memory_space<vmem>> -> memref<64xi32, #tpu.memory_space<vmem>>
    %dma_start3A_40 = arith.constant 0 : i32
    %dma_start3A_41 = arith.constant 0 : i32
    %dma_start3A_42 = tpu.memref_slice %arg2[%dma_start3A_40, %dma_start3A_41] : memref<20000x128xi32, #tpu.memory_space<hbm>> -> memref<20000x128xi32, #tpu.memory_space<hbm>>
    %dma_start3A_43 = tpu.memref_slice %arg10[%dma_start3A_33] : memref<5x!tpu.dma_semaphore, #tpu.memory_space<semaphore_mem>> -> memref<1x!tpu.dma_semaphore, #tpu.memory_space<semaphore_mem>>
    %dma_start3A_44 = tpu.memref_squeeze %dma_start3A_43 : memref<1x!tpu.dma_semaphore, #tpu.memory_space<semaphore_mem>> -> memref<!tpu.dma_semaphore, #tpu.memory_space<semaphore_mem>>
    tpu.enqueue_indirect_dma source(%dma_start3A_42 : memref<20000x128xi32, #tpu.memory_space<hbm>>) target(%dma_start3A_37 : memref<64x128xi32, #tpu.memory_space<vmem>>) offsets(%dma_start3A_39 : memref<64xi32, #tpu.memory_space<vmem>>) semaphore(%dma_start3A_44 : memref<!tpu.dma_semaphore, #tpu.memory_space<semaphore_mem>>)
    %dma_start3A_45 = arith.constant 3 : i32
    %dma_start3A_46 = arith.constant 3 : i32
    %dma_start3A_47 = arith.constant 0 : i32
    %dma_start3A_48 = arith.constant 0 : i32
    %dma_start3A_49 = tpu.memref_slice %arg8[%dma_start3A_45, %dma_start3A_47, %dma_start3A_48] : memref<5x64x128xi32, #tpu.memory_space<vmem>> -> memref<1x64x128xi32, #tpu.memory_space<vmem>>
    %dma_start3A_50 = tpu.memref_squeeze %dma_start3A_49 : memref<1x64x128xi32, #tpu.memory_space<vmem>> -> memref<64x128xi32, #tpu.memory_space<vmem>>
    %dma_start3A_51 = arith.constant 384 : i32
    %dma_start3A_52 = tpu.memref_slice %arg6[%dma_start3A_51] : memref<25600xi32, #tpu.memory_space<vmem>> -> memref<64xi32, #tpu.memory_space<vmem>>
    %dma_start3A_53 = arith.constant 0 : i32
    %dma_start3A_54 = arith.constant 0 : i32
    %dma_start3A_55 = tpu.memref_slice %arg2[%dma_start3A_53, %dma_start3A_54] : memref<20000x128xi32, #tpu.memory_space<hbm>> -> memref<20000x128xi32, #tpu.memory_space<hbm>>
    %dma_start3A_56 = tpu.memref_slice %arg10[%dma_start3A_46] : memref<5x!tpu.dma_semaphore, #tpu.memory_space<semaphore_mem>> -> memref<1x!tpu.dma_semaphore, #tpu.memory_space<semaphore_mem>>
    %dma_start3A_57 = tpu.memref_squeeze %dma_start3A_56 : memref<1x!tpu.dma_semaphore, #tpu.memory_space<semaphore_mem>> -> memref<!tpu.dma_semaphore, #tpu.memory_space<semaphore_mem>>
    tpu.enqueue_indirect_dma source(%dma_start3A_55 : memref<20000x128xi32, #tpu.memory_space<hbm>>) target(%dma_start3A_50 : memref<64x128xi32, #tpu.memory_space<vmem>>) offsets(%dma_start3A_52 : memref<64xi32, #tpu.memory_space<vmem>>) semaphore(%dma_start3A_57 : memref<!tpu.dma_semaphore, #tpu.memory_space<semaphore_mem>>)
    %scan3A = arith.constant 0 : i32
    %scan3A_58 = arith.constant 0 : i32
    %scan3A_59 = arith.constant 500 : i32
    %scan3A_60 = arith.addi %scan3A_58, %scan3A_59 : i32
    %scan3A_61 = arith.constant 1 : i32
    scf.for %scan3A_88 = %scan3A_58 to %scan3A_60 step %scan3A_61  : i32 {
      %rem3A = arith.constant 5 : i32
      %rem3A_89 = arith.remsi %scan3A_88, %rem3A : i32
      %jit3A = arith.constant 100 : i32
      %div3A = arith.divsi %scan3A_88, %jit3A : i32
      %sign3A = arith.constant 0 : i32
      %sign3A_90 = arith.cmpi sgt, %scan3A_88, %sign3A : i32
      %sign3A_91 = arith.extui %sign3A_90 : i1 to i32
      %sign3A_92 = arith.constant 0 : i32
      %sign3A_93 = arith.cmpi slt, %scan3A_88, %sign3A_92 : i32
      %sign3A_94 = arith.extui %sign3A_93 : i1 to i32
      %sign3A_95 = arith.subi %sign3A_91, %sign3A_94 : i32
      %sign3A_96 = arith.constant 0 : i32
      %sign3A_97 = arith.cmpi sgt, %jit3A, %sign3A_96 : i32
      %sign3A_98 = arith.extui %sign3A_97 : i1 to i32
      %sign3A_99 = arith.constant 0 : i32
      %sign3A_100 = arith.cmpi slt, %jit3A, %sign3A_99 : i32
      %sign3A_101 = arith.extui %sign3A_100 : i1 to i32
      %sign3A_102 = arith.subi %sign3A_98, %sign3A_101 : i32
      %ne3A = arith.cmpi ne, %sign3A_95, %sign3A_102 : i32
      %rem3A_103 = arith.remsi %scan3A_88, %jit3A : i32
      %ne3A_104 = arith.constant 0 : i32
      %ne3A_105 = arith.cmpi ne, %rem3A_103, %ne3A_104 : i32
      %and3A = arith.andi %ne3A, %ne3A_105 : i1
      %sub3A = arith.constant 1 : i32
      %sub3A_106 = arith.subi %div3A, %sub3A : i32
      %select_n3A = arith.select %and3A, %sub3A_106, %div3A : i32
      %rem3A_107 = arith.constant 2 : i32
      %rem3A_108 = arith.remsi %select_n3A, %rem3A_107 : i32
      %add3A_109 = arith.constant 5 : i32
      %add3A_110 = arith.addi %scan3A_88, %add3A_109 : i32
      %sub3A_111 = arith.constant 1 : i32
      %sub3A_112 = arith.subi %add3A_110, %sub3A_111 : i32
      %jit3A_113 = arith.constant 100 : i32
      %div3A_114 = arith.divsi %sub3A_112, %jit3A_113 : i32
      %sign3A_115 = arith.constant 0 : i32
      %sign3A_116 = arith.cmpi sgt, %sub3A_112, %sign3A_115 : i32
      %sign3A_117 = arith.extui %sign3A_116 : i1 to i32
      %sign3A_118 = arith.constant 0 : i32
      %sign3A_119 = arith.cmpi slt, %sub3A_112, %sign3A_118 : i32
      %sign3A_120 = arith.extui %sign3A_119 : i1 to i32
      %sign3A_121 = arith.subi %sign3A_117, %sign3A_120 : i32
      %sign3A_122 = arith.constant 0 : i32
      %sign3A_123 = arith.cmpi sgt, %jit3A_113, %sign3A_122 : i32
      %sign3A_124 = arith.extui %sign3A_123 : i1 to i32
      %sign3A_125 = arith.constant 0 : i32
      %sign3A_126 = arith.cmpi slt, %jit3A_113, %sign3A_125 : i32
      %sign3A_127 = arith.extui %sign3A_126 : i1 to i32
      %sign3A_128 = arith.subi %sign3A_124, %sign3A_127 : i32
      %ne3A_129 = arith.cmpi ne, %sign3A_121, %sign3A_128 : i32
      %rem3A_130 = arith.remsi %sub3A_112, %jit3A_113 : i32
      %ne3A_131 = arith.constant 0 : i32
      %ne3A_132 = arith.cmpi ne, %rem3A_130, %ne3A_131 : i32
      %and3A_133 = arith.andi %ne3A_129, %ne3A_132 : i1
      %sub3A_134 = arith.constant 1 : i32
      %sub3A_135 = arith.subi %div3A_114, %sub3A_134 : i32
      %select_n3A_136 = arith.select %and3A_133, %sub3A_135, %div3A_114 : i32
      %add3A_137 = arith.constant 1 : i32
      %add3A_138 = arith.addi %select_n3A_136, %add3A_137 : i32
      %mul3A_139 = arith.constant 100 : i32
      %mul3A_140 = arith.muli %add3A_138, %mul3A_139 : i32
      %lt3A = arith.constant 500 : i32
      %lt3A_141 = arith.cmpi slt, %mul3A_140, %lt3A : i32
      %rem3A_142 = arith.constant 100 : i32
      %rem3A_143 = arith.remsi %sub3A_112, %rem3A_142 : i32
      %eq3A = arith.constant 50 : i32
      %eq3A_144 = arith.cmpi eq, %rem3A_143, %eq3A : i32
      %and3A_145 = arith.andi %lt3A_141, %eq3A_144 : i1
      %convert_element_type3A = arith.extui %and3A_145 : i1 to i32
      %cond3A = arith.constant 0 : i32
      %cond3A_146 = arith.cmpi ne, %convert_element_type3A, %cond3A : i32
      scf.if %cond3A_146 {
        %rem3A_429 = arith.constant 2 : i32
        %rem3A_430 = arith.remsi %add3A_138, %rem3A_429 : i32
        %mul3A_431 = arith.constant 12800 : i32
        %mul3A_432 = arith.muli %rem3A_430, %mul3A_431 : i32
        %mul3A_433 = arith.constant 100 : i32
        %mul3A_434 = arith.muli %add3A_138, %mul3A_433 : i32
        %add3A_435 = arith.addi %mul3A_2, %mul3A_434 : i32
        %mul3A_436 = arith.constant 128 : i32
        %mul3A_437 = arith.muli %add3A_435, %mul3A_436 : i32
        %dma_start3A_438 = arith.constant 0 : i32
        %dma_start3A_439 = tpu.memref_slice %arg6[%mul3A_432] : memref<25600xi32, #tpu.memory_space<vmem>> -> memref<12800xi32, #tpu.memory_space<vmem>>
        %dma_start3A_440 = tpu.memref_slice %arg3[%mul3A_437] : memref<2048000xi32, #tpu.memory_space<hbm>> -> memref<12800xi32, #tpu.memory_space<hbm>>
        %dma_start3A_441 = tpu.memref_slice %arg11[%dma_start3A_438] : memref<2x!tpu.dma_semaphore, #tpu.memory_space<semaphore_mem>> -> memref<1x!tpu.dma_semaphore, #tpu.memory_space<semaphore_mem>>
        %dma_start3A_442 = tpu.memref_squeeze %dma_start3A_441 : memref<1x!tpu.dma_semaphore, #tpu.memory_space<semaphore_mem>> -> memref<!tpu.dma_semaphore, #tpu.memory_space<semaphore_mem>>
        %dma_start3A_443 = tpu.memref_slice %arg6[%mul3A_432] : memref<25600xi32, #tpu.memory_space<vmem>> -> memref<12800xi32, #tpu.memory_space<vmem>>
        %dma_start3A_444 = tpu.memref_slice %arg3[%mul3A_437] : memref<2048000xi32, #tpu.memory_space<hbm>> -> memref<12800xi32, #tpu.memory_space<hbm>>
        tpu.enqueue_dma source(%dma_start3A_444 : memref<12800xi32, #tpu.memory_space<hbm>>) target(%dma_start3A_443 : memref<12800xi32, #tpu.memory_space<vmem>>) target_semaphore(%dma_start3A_442 : memref<!tpu.dma_semaphore, #tpu.memory_space<semaphore_mem>>)
        %dma_start3A_445 = arith.constant 1 : i32
        %dma_start3A_446 = tpu.memref_slice %arg7[%mul3A_432] : memref<25600xf32, #tpu.memory_space<vmem>> -> memref<12800xf32, #tpu.memory_space<vmem>>
        %dma_start3A_447 = tpu.memref_slice %arg4[%mul3A_437] : memref<2048000xf32, #tpu.memory_space<hbm>> -> memref<12800xf32, #tpu.memory_space<hbm>>
        %dma_start3A_448 = tpu.memref_slice %arg11[%dma_start3A_445] : memref<2x!tpu.dma_semaphore, #tpu.memory_space<semaphore_mem>> -> memref<1x!tpu.dma_semaphore, #tpu.memory_space<semaphore_mem>>
        %dma_start3A_449 = tpu.memref_squeeze %dma_start3A_448 : memref<1x!tpu.dma_semaphore, #tpu.memory_space<semaphore_mem>> -> memref<!tpu.dma_semaphore, #tpu.memory_space<semaphore_mem>>
        %dma_start3A_450 = tpu.memref_slice %arg7[%mul3A_432] : memref<25600xf32, #tpu.memory_space<vmem>> -> memref<12800xf32, #tpu.memory_space<vmem>>
        %dma_start3A_451 = tpu.memref_slice %arg4[%mul3A_437] : memref<2048000xf32, #tpu.memory_space<hbm>> -> memref<12800xf32, #tpu.memory_space<hbm>>
        tpu.enqueue_dma source(%dma_start3A_451 : memref<12800xf32, #tpu.memory_space<hbm>>) target(%dma_start3A_450 : memref<12800xf32, #tpu.memory_space<vmem>>) target_semaphore(%dma_start3A_449 : memref<!tpu.dma_semaphore, #tpu.memory_space<semaphore_mem>>)
      } else {
      }
      %lt3A_147 = arith.constant 500 : i32
      %lt3A_148 = arith.cmpi slt, %sub3A_112, %lt3A_147 : i32
      %rem3A_149 = arith.constant 100 : i32
      %rem3A_150 = arith.remsi %sub3A_112, %rem3A_149 : i32
      %eq3A_151 = arith.constant 0 : i32
      %eq3A_152 = arith.cmpi eq, %rem3A_150, %eq3A_151 : i32
      %and3A_153 = arith.andi %lt3A_148, %eq3A_152 : i1
      %convert_element_type3A_154 = arith.extui %and3A_153 : i1 to i32
      %cond3A_155 = arith.constant 0 : i32
      %cond3A_156 = arith.cmpi ne, %convert_element_type3A_154, %cond3A_155 : i32
      scf.if %cond3A_156 {
        %jit3A_429 = arith.constant 100 : i32
        %div3A_430 = arith.divsi %sub3A_112, %jit3A_429 : i32
        %sign3A_431 = arith.constant 0 : i32
        %sign3A_432 = arith.cmpi sgt, %sub3A_112, %sign3A_431 : i32
        %sign3A_433 = arith.extui %sign3A_432 : i1 to i32
        %sign3A_434 = arith.constant 0 : i32
        %sign3A_435 = arith.cmpi slt, %sub3A_112, %sign3A_434 : i32
        %sign3A_436 = arith.extui %sign3A_435 : i1 to i32
        %sign3A_437 = arith.subi %sign3A_433, %sign3A_436 : i32
        %sign3A_438 = arith.constant 0 : i32
        %sign3A_439 = arith.cmpi sgt, %jit3A_429, %sign3A_438 : i32
        %sign3A_440 = arith.extui %sign3A_439 : i1 to i32
        %sign3A_441 = arith.constant 0 : i32
        %sign3A_442 = arith.cmpi slt, %jit3A_429, %sign3A_441 : i32
        %sign3A_443 = arith.extui %sign3A_442 : i1 to i32
        %sign3A_444 = arith.subi %sign3A_440, %sign3A_443 : i32
        %ne3A_445 = arith.cmpi ne, %sign3A_437, %sign3A_444 : i32
        %rem3A_446 = arith.remsi %sub3A_112, %jit3A_429 : i32
        %ne3A_447 = arith.constant 0 : i32
        %ne3A_448 = arith.cmpi ne, %rem3A_446, %ne3A_447 : i32
        %and3A_449 = arith.andi %ne3A_445, %ne3A_448 : i1
        %sub3A_450 = arith.constant 1 : i32
        %sub3A_451 = arith.subi %div3A_430, %sub3A_450 : i32
        %select_n3A_452 = arith.select %and3A_449, %sub3A_451, %div3A_430 : i32
        %rem3A_453 = arith.constant 2 : i32
        %rem3A_454 = arith.remsi %select_n3A_452, %rem3A_453 : i32
        %mul3A_455 = arith.constant 12800 : i32
        %mul3A_456 = arith.muli %rem3A_454, %mul3A_455 : i32
        %add3A_457 = arith.addi %mul3A_2, %sub3A_112 : i32
        %mul3A_458 = arith.constant 128 : i32
        %mul3A_459 = arith.muli %add3A_457, %mul3A_458 : i32
        %dma_wait3A_460 = arith.constant 0 : i32
        %dma_wait3A_461 = tpu.memref_slice %arg6[%mul3A_456] : memref<25600xi32, #tpu.memory_space<vmem>> -> memref<12800xi32, #tpu.memory_space<vmem>>
        %dma_wait3A_462 = tpu.memref_slice %arg3[%mul3A_459] : memref<2048000xi32, #tpu.memory_space<hbm>> -> memref<12800xi32, #tpu.memory_space<hbm>>
        %dma_wait3A_463 = tpu.memref_slice %arg11[%dma_wait3A_460] : memref<2x!tpu.dma_semaphore, #tpu.memory_space<semaphore_mem>> -> memref<1x!tpu.dma_semaphore, #tpu.memory_space<semaphore_mem>>
        %dma_wait3A_464 = tpu.memref_squeeze %dma_wait3A_463 : memref<1x!tpu.dma_semaphore, #tpu.memory_space<semaphore_mem>> -> memref<!tpu.dma_semaphore, #tpu.memory_space<semaphore_mem>>
        %dma_wait3A_465 = tpu.memref_slice %arg6[%mul3A_456] : memref<25600xi32, #tpu.memory_space<vmem>> -> memref<12800xi32, #tpu.memory_space<vmem>>
        %dma_wait3A_466 = tpu.memref_slice %arg3[%mul3A_459] : memref<2048000xi32, #tpu.memory_space<hbm>> -> memref<12800xi32, #tpu.memory_space<hbm>>
        tpu.wait_dma2 semaphore(%dma_wait3A_464 : memref<!tpu.dma_semaphore, #tpu.memory_space<semaphore_mem>>) src(%dma_wait3A_466 : memref<12800xi32, #tpu.memory_space<hbm>>) dst(%dma_wait3A_465 : memref<12800xi32, #tpu.memory_space<vmem>>)
        %dma_wait3A_467 = arith.constant 1 : i32
        %dma_wait3A_468 = tpu.memref_slice %arg7[%mul3A_456] : memref<25600xf32, #tpu.memory_space<vmem>> -> memref<12800xf32, #tpu.memory_space<vmem>>
        %dma_wait3A_469 = tpu.memref_slice %arg4[%mul3A_459] : memref<2048000xf32, #tpu.memory_space<hbm>> -> memref<12800xf32, #tpu.memory_space<hbm>>
        %dma_wait3A_470 = tpu.memref_slice %arg11[%dma_wait3A_467] : memref<2x!tpu.dma_semaphore, #tpu.memory_space<semaphore_mem>> -> memref<1x!tpu.dma_semaphore, #tpu.memory_space<semaphore_mem>>
        %dma_wait3A_471 = tpu.memref_squeeze %dma_wait3A_470 : memref<1x!tpu.dma_semaphore, #tpu.memory_space<semaphore_mem>> -> memref<!tpu.dma_semaphore, #tpu.memory_space<semaphore_mem>>
        %dma_wait3A_472 = tpu.memref_slice %arg7[%mul3A_456] : memref<25600xf32, #tpu.memory_space<vmem>> -> memref<12800xf32, #tpu.memory_space<vmem>>
        %dma_wait3A_473 = tpu.memref_slice %arg4[%mul3A_459] : memref<2048000xf32, #tpu.memory_space<hbm>> -> memref<12800xf32, #tpu.memory_space<hbm>>
        tpu.wait_dma2 semaphore(%dma_wait3A_471 : memref<!tpu.dma_semaphore, #tpu.memory_space<semaphore_mem>>) src(%dma_wait3A_473 : memref<12800xf32, #tpu.memory_space<hbm>>) dst(%dma_wait3A_472 : memref<12800xf32, #tpu.memory_space<vmem>>)
      } else {
      }
      %lt3A_157 = arith.constant 500 : i32
      %lt3A_158 = arith.cmpi slt, %sub3A_112, %lt3A_157 : i32
      %convert_element_type3A_159 = arith.extui %lt3A_158 : i1 to i32
      %cond3A_160 = arith.constant 0 : i32
      %cond3A_161 = arith.cmpi ne, %convert_element_type3A_159, %cond3A_160 : i32
      scf.if %cond3A_161 {
        %jit3A_429 = arith.constant 100 : i32
        %div3A_430 = arith.divsi %sub3A_112, %jit3A_429 : i32
        %sign3A_431 = arith.constant 0 : i32
        %sign3A_432 = arith.cmpi sgt, %sub3A_112, %sign3A_431 : i32
        %sign3A_433 = arith.extui %sign3A_432 : i1 to i32
        %sign3A_434 = arith.constant 0 : i32
        %sign3A_435 = arith.cmpi slt, %sub3A_112, %sign3A_434 : i32
        %sign3A_436 = arith.extui %sign3A_435 : i1 to i32
        %sign3A_437 = arith.subi %sign3A_433, %sign3A_436 : i32
        %sign3A_438 = arith.constant 0 : i32
        %sign3A_439 = arith.cmpi sgt, %jit3A_429, %sign3A_438 : i32
        %sign3A_440 = arith.extui %sign3A_439 : i1 to i32
        %sign3A_441 = arith.constant 0 : i32
        %sign3A_442 = arith.cmpi slt, %jit3A_429, %sign3A_441 : i32
        %sign3A_443 = arith.extui %sign3A_442 : i1 to i32
        %sign3A_444 = arith.subi %sign3A_440, %sign3A_443 : i32
        %ne3A_445 = arith.cmpi ne, %sign3A_437, %sign3A_444 : i32
        %rem3A_446 = arith.remsi %sub3A_112, %jit3A_429 : i32
        %ne3A_447 = arith.constant 0 : i32
        %ne3A_448 = arith.cmpi ne, %rem3A_446, %ne3A_447 : i32
        %and3A_449 = arith.andi %ne3A_445, %ne3A_448 : i1
        %sub3A_450 = arith.constant 1 : i32
        %sub3A_451 = arith.subi %div3A_430, %sub3A_450 : i32
        %select_n3A_452 = arith.select %and3A_449, %sub3A_451, %div3A_430 : i32
        %rem3A_453 = arith.constant 2 : i32
        %rem3A_454 = arith.remsi %select_n3A_452, %rem3A_453 : i32
        %mul3A_455 = arith.constant 12800 : i32
        %mul3A_456 = arith.muli %rem3A_454, %mul3A_455 : i32
        %rem3A_457 = arith.constant 100 : i32
        %rem3A_458 = arith.remsi %sub3A_112, %rem3A_457 : i32
        %mul3A_459 = arith.constant 128 : i32
        %mul3A_460 = arith.muli %rem3A_458, %mul3A_459 : i32
        %add3A_461 = arith.addi %mul3A_456, %mul3A_460 : i32
        %rem3A_462 = arith.constant 5 : i32
        %rem3A_463 = arith.remsi %sub3A_112, %rem3A_462 : i32
        %rem3A_464 = arith.constant 5 : i32
        %rem3A_465 = arith.remsi %sub3A_112, %rem3A_464 : i32
        %dma_start3A_466 = arith.constant 0 : i32
        %dma_start3A_467 = arith.constant 0 : i32
        %dma_start3A_468 = tpu.memref_slice %arg8[%rem3A_463, %dma_start3A_466, %dma_start3A_467] : memref<5x64x128xi32, #tpu.memory_space<vmem>> -> memref<1x64x128xi32, #tpu.memory_space<vmem>>
        %dma_start3A_469 = tpu.memref_squeeze %dma_start3A_468 : memref<1x64x128xi32, #tpu.memory_space<vmem>> -> memref<64x128xi32, #tpu.memory_space<vmem>>
        %dma_start3A_470 = tpu.memref_slice %arg6[%add3A_461] : memref<25600xi32, #tpu.memory_space<vmem>> -> memref<64xi32, #tpu.memory_space<vmem>>
        %dma_start3A_471 = arith.constant 0 : i32
        %dma_start3A_472 = arith.constant 0 : i32
        %dma_start3A_473 = tpu.memref_slice %arg2[%dma_start3A_471, %dma_start3A_472] : memref<20000x128xi32, #tpu.memory_space<hbm>> -> memref<20000x128xi32, #tpu.memory_space<hbm>>
        %dma_start3A_474 = tpu.memref_slice %arg10[%rem3A_465] : memref<5x!tpu.dma_semaphore, #tpu.memory_space<semaphore_mem>> -> memref<1x!tpu.dma_semaphore, #tpu.memory_space<semaphore_mem>>
        %dma_start3A_475 = tpu.memref_squeeze %dma_start3A_474 : memref<1x!tpu.dma_semaphore, #tpu.memory_space<semaphore_mem>> -> memref<!tpu.dma_semaphore, #tpu.memory_space<semaphore_mem>>
        tpu.enqueue_indirect_dma source(%dma_start3A_473 : memref<20000x128xi32, #tpu.memory_space<hbm>>) target(%dma_start3A_469 : memref<64x128xi32, #tpu.memory_space<vmem>>) offsets(%dma_start3A_470 : memref<64xi32, #tpu.memory_space<vmem>>) semaphore(%dma_start3A_475 : memref<!tpu.dma_semaphore, #tpu.memory_space<semaphore_mem>>)
      } else {
      }
      %mul3A_162 = arith.constant 12800 : i32
      %mul3A_163 = arith.muli %rem3A_108, %mul3A_162 : i32
      %rem3A_164 = arith.constant 100 : i32
      %rem3A_165 = arith.remsi %scan3A_88, %rem3A_164 : i32
      %mul3A_166 = arith.constant 128 : i32
      %mul3A_167 = arith.muli %rem3A_165, %mul3A_166 : i32
      %add3A_168 = arith.addi %mul3A_163, %mul3A_167 : i32
      %dma_wait3A_169 = arith.constant 0 : i32
      %dma_wait3A_170 = arith.constant 0 : i32
      %dma_wait3A_171 = tpu.memref_slice %arg8[%rem3A_89, %dma_wait3A_169, %dma_wait3A_170] : memref<5x64x128xi32, #tpu.memory_space<vmem>> -> memref<1x64x128xi32, #tpu.memory_space<vmem>>
      %dma_wait3A_172 = tpu.memref_squeeze %dma_wait3A_171 : memref<1x64x128xi32, #tpu.memory_space<vmem>> -> memref<64x128xi32, #tpu.memory_space<vmem>>
      %dma_wait3A_173 = tpu.memref_slice %arg6[%add3A_168] : memref<25600xi32, #tpu.memory_space<vmem>> -> memref<64xi32, #tpu.memory_space<vmem>>
      %dma_wait3A_174 = arith.constant 0 : i32
      %dma_wait3A_175 = arith.constant 0 : i32
      %dma_wait3A_176 = tpu.memref_slice %arg2[%dma_wait3A_174, %dma_wait3A_175] : memref<20000x128xi32, #tpu.memory_space<hbm>> -> memref<20000x128xi32, #tpu.memory_space<hbm>>
      %dma_wait3A_177 = tpu.memref_slice %arg10[%rem3A_89] : memref<5x!tpu.dma_semaphore, #tpu.memory_space<semaphore_mem>> -> memref<1x!tpu.dma_semaphore, #tpu.memory_space<semaphore_mem>>
      %dma_wait3A_178 = tpu.memref_squeeze %dma_wait3A_177 : memref<1x!tpu.dma_semaphore, #tpu.memory_space<semaphore_mem>> -> memref<!tpu.dma_semaphore, #tpu.memory_space<semaphore_mem>>
      tpu.wait_indirect_dma semaphore(%dma_wait3A_178 : memref<!tpu.dma_semaphore, #tpu.memory_space<semaphore_mem>>) src(%dma_wait3A_176 : memref<20000x128xi32, #tpu.memory_space<hbm>>) dst(%dma_wait3A_172 : memref<64x128xi32, #tpu.memory_space<vmem>>)
      %mul3A_179 = arith.constant 12800 : i32
      %mul3A_180 = arith.muli %rem3A_108, %mul3A_179 : i32
      %rem3A_181 = arith.constant 100 : i32
      %rem3A_182 = arith.remsi %scan3A_88, %rem3A_181 : i32
      %mul3A_183 = arith.constant 128 : i32
      %mul3A_184 = arith.muli %rem3A_182, %mul3A_183 : i32
      %add3A_185 = arith.addi %mul3A_180, %mul3A_184 : i32
      %broadcast_in_dim3A = arith.constant 0.000000e+00 : f32
      %broadcast_in_dim3A_186 = vector.broadcast %broadcast_in_dim3A : f32 to vector<16xf32>
      %broadcast_in_dim3A_187 = arith.constant 0.000000e+00 : f32
      %broadcast_in_dim3A_188 = vector.broadcast %broadcast_in_dim3A_187 : f32 to vector<16xf32>
      %broadcast_in_dim3A_189 = arith.constant 0.000000e+00 : f32
      %broadcast_in_dim3A_190 = vector.broadcast %broadcast_in_dim3A_189 : f32 to vector<16xf32>
      %broadcast_in_dim3A_191 = arith.constant 0.000000e+00 : f32
      %broadcast_in_dim3A_192 = vector.broadcast %broadcast_in_dim3A_191 : f32 to vector<16xf32>
      %broadcast_in_dim3A_193 = arith.constant 0.000000e+00 : f32
      %broadcast_in_dim3A_194 = vector.broadcast %broadcast_in_dim3A_193 : f32 to vector<16xf32>
      %broadcast_in_dim3A_195 = arith.constant 0.000000e+00 : f32
      %broadcast_in_dim3A_196 = vector.broadcast %broadcast_in_dim3A_195 : f32 to vector<16xf32>
      %broadcast_in_dim3A_197 = arith.constant 0.000000e+00 : f32
      %broadcast_in_dim3A_198 = vector.broadcast %broadcast_in_dim3A_197 : f32 to vector<16xf32>
      %broadcast_in_dim3A_199 = arith.constant 0.000000e+00 : f32
      %broadcast_in_dim3A_200 = vector.broadcast %broadcast_in_dim3A_199 : f32 to vector<16xf32>
      %broadcast_in_dim3A_201 = arith.constant 0.000000e+00 : f32
      %broadcast_in_dim3A_202 = vector.broadcast %broadcast_in_dim3A_201 : f32 to vector<16xf32>
      %broadcast_in_dim3A_203 = arith.constant 0.000000e+00 : f32
      %broadcast_in_dim3A_204 = vector.broadcast %broadcast_in_dim3A_203 : f32 to vector<16xf32>
      %broadcast_in_dim3A_205 = arith.constant 0.000000e+00 : f32
      %broadcast_in_dim3A_206 = vector.broadcast %broadcast_in_dim3A_205 : f32 to vector<16xf32>
      %broadcast_in_dim3A_207 = arith.constant 0.000000e+00 : f32
      %broadcast_in_dim3A_208 = vector.broadcast %broadcast_in_dim3A_207 : f32 to vector<16xf32>
      %broadcast_in_dim3A_209 = arith.constant 0.000000e+00 : f32
      %broadcast_in_dim3A_210 = vector.broadcast %broadcast_in_dim3A_209 : f32 to vector<16xf32>
      %broadcast_in_dim3A_211 = arith.constant 0.000000e+00 : f32
      %broadcast_in_dim3A_212 = vector.broadcast %broadcast_in_dim3A_211 : f32 to vector<16xf32>
      %broadcast_in_dim3A_213 = arith.constant 0.000000e+00 : f32
      %broadcast_in_dim3A_214 = vector.broadcast %broadcast_in_dim3A_213 : f32 to vector<16xf32>
      %broadcast_in_dim3A_215 = arith.constant 0.000000e+00 : f32
      %broadcast_in_dim3A_216 = vector.broadcast %broadcast_in_dim3A_215 : f32 to vector<16xf32>
      %broadcast_in_dim3A_217 = arith.constant 0.000000e+00 : f32
      %broadcast_in_dim3A_218 = vector.broadcast %broadcast_in_dim3A_217 : f32 to vector<16xf32>
      %scan3A_219 = arith.constant 0 : i32
      %scan3A_220 = arith.constant 4 : i32
      %scan3A_221 = arith.addi %scan3A_219, %scan3A_220 : i32
      %scan3A_222 = arith.constant 1 : i32
      %scan3A_223:17 = scf.for %scan3A_429 = %scan3A_219 to %scan3A_221 step %scan3A_222 iter_args(%scan3A_430 = %broadcast_in_dim3A_186, %scan3A_431 = %broadcast_in_dim3A_188, %scan3A_432 = %broadcast_in_dim3A_190, %scan3A_433 = %broadcast_in_dim3A_192, %scan3A_434 = %broadcast_in_dim3A_194, %scan3A_435 = %broadcast_in_dim3A_196, %scan3A_436 = %broadcast_in_dim3A_198, %scan3A_437 = %broadcast_in_dim3A_200, %scan3A_438 = %broadcast_in_dim3A_202, %scan3A_439 = %broadcast_in_dim3A_204, %scan3A_440 = %broadcast_in_dim3A_206, %scan3A_441 = %broadcast_in_dim3A_208, %scan3A_442 = %broadcast_in_dim3A_210, %scan3A_443 = %broadcast_in_dim3A_212, %scan3A_444 = %broadcast_in_dim3A_214, %scan3A_445 = %broadcast_in_dim3A_216, %scan3A_446 = %broadcast_in_dim3A_218) -> (vector<16xf32>, vector<16xf32>, vector<16xf32>, vector<16xf32>, vector<16xf32>, vector<16xf32>, vector<16xf32>, vector<16xf32>, vector<16xf32>, vector<16xf32>, vector<16xf32>, vector<16xf32>, vector<16xf32>, vector<16xf32>, vector<16xf32>, vector<16xf32>, vector<16xf32>)  : i32 {
        %mul3A_447 = arith.constant 16 : i32
        %mul3A_448 = arith.muli %scan3A_429, %mul3A_447 : i32
        %add3A_449 = arith.addi %add3A_185, %mul3A_448 : i32
        %get3A = arith.index_cast %add3A_449 : i32 to index
        %get3A_450 = tpu.vector_load %arg7[%get3A] {strides = array<i32>} : memref<25600xf32, #tpu.memory_space<vmem>>, vector<16xf32>,
        %get3A_451 = vector.shape_cast %get3A_450 : vector<16xf32> to vector<16xf32>
        %mul3A_452 = arith.constant 16 : i32
        %mul3A_453 = arith.muli %scan3A_429, %mul3A_452 : i32
        %add3A_454 = arith.constant 0 : i32
        %add3A_455 = arith.addi %mul3A_453, %add3A_454 : i32
        %slice3A = vector.extract_strided_slice %get3A_451 {offsets = [0], sizes = [1], strides = [1]} : vector<16xf32> to vector<1xf32>
        %squeeze3A = vector.extract %slice3A[0] : f32 from vector<1xf32>
        %add3A_456 = vector.broadcast %squeeze3A : f32 to vector<16xf32>
        %add3A_457 = arith.addf %scan3A_446, %add3A_456 : vector<16xf32>
        %get3A_458 = arith.index_cast %rem3A_89 : i32 to index
        %get3A_459 = arith.index_cast %add3A_455 : i32 to index
        %get3A_460 = arith.constant 0 : index
        %get3A_461 = tpu.vector_load %arg8[%get3A_458, %get3A_459, %get3A_460] {strides = array<i32>} : memref<5x64x128xi32, #tpu.memory_space<vmem>>, vector<1x1x16xi32>,
        %get3A_462 = vector.shape_cast %get3A_461 : vector<1x1x16xi32> to vector<16xi32>
        %and3A_463 = arith.constant 65535 : i32
        %and3A_464 = vector.broadcast %and3A_463 : i32 to vector<16xi32>
        %and3A_465 = arith.andi %get3A_462, %and3A_464 : vector<16xi32>
        %convert_element_type3A_466 = arith.sitofp %and3A_465 : vector<16xi32> to vector<16xf32>
        %shift_right_logical3A = arith.constant 16 : i32
        %shift_right_logical3A_467 = vector.broadcast %shift_right_logical3A : i32 to vector<16xi32>
        %shift_right_logical3A_468 = arith.shrui %get3A_462, %shift_right_logical3A_467 : vector<16xi32>
        %convert_element_type3A_469 = arith.sitofp %shift_right_logical3A_468 : vector<16xi32> to vector<16xf32>
        %mul3A_470 = vector.broadcast %squeeze3A : f32 to vector<16xf32>
        %mul3A_471 = arith.mulf %convert_element_type3A_466, %mul3A_470 : vector<16xf32>
        %add3A_472 = arith.addf %scan3A_430, %mul3A_471 : vector<16xf32>
        %mul3A_473 = vector.broadcast %squeeze3A : f32 to vector<16xf32>
        %mul3A_474 = arith.mulf %convert_element_type3A_469, %mul3A_473 : vector<16xf32>
        %add3A_475 = arith.addf %scan3A_431, %mul3A_474 : vector<16xf32>
        %get3A_476 = arith.index_cast %rem3A_89 : i32 to index
        %get3A_477 = arith.index_cast %add3A_455 : i32 to index
        %get3A_478 = arith.constant 16 : index
        %get3A_479 = tpu.vector_load %arg8[%get3A_476, %get3A_477, %get3A_478] {strides = array<i32>} : memref<5x64x128xi32, #tpu.memory_space<vmem>>, vector<1x1x16xi32>,
        %get3A_480 = vector.shape_cast %get3A_479 : vector<1x1x16xi32> to vector<16xi32>
        %and3A_481 = arith.constant 65535 : i32
        %and3A_482 = vector.broadcast %and3A_481 : i32 to vector<16xi32>
        %and3A_483 = arith.andi %get3A_480, %and3A_482 : vector<16xi32>
        %convert_element_type3A_484 = arith.sitofp %and3A_483 : vector<16xi32> to vector<16xf32>
        %shift_right_logical3A_485 = arith.constant 16 : i32
        %shift_right_logical3A_486 = vector.broadcast %shift_right_logical3A_485 : i32 to vector<16xi32>
        %shift_right_logical3A_487 = arith.shrui %get3A_480, %shift_right_logical3A_486 : vector<16xi32>
        %convert_element_type3A_488 = arith.sitofp %shift_right_logical3A_487 : vector<16xi32> to vector<16xf32>
        %mul3A_489 = vector.broadcast %squeeze3A : f32 to vector<16xf32>
        %mul3A_490 = arith.mulf %convert_element_type3A_484, %mul3A_489 : vector<16xf32>
        %add3A_491 = arith.addf %scan3A_432, %mul3A_490 : vector<16xf32>
        %mul3A_492 = vector.broadcast %squeeze3A : f32 to vector<16xf32>
        %mul3A_493 = arith.mulf %convert_element_type3A_488, %mul3A_492 : vector<16xf32>
        %add3A_494 = arith.addf %scan3A_433, %mul3A_493 : vector<16xf32>
        %get3A_495 = arith.index_cast %rem3A_89 : i32 to index
        %get3A_496 = arith.index_cast %add3A_455 : i32 to index
        %get3A_497 = arith.constant 32 : index
        %get3A_498 = tpu.vector_load %arg8[%get3A_495, %get3A_496, %get3A_497] {strides = array<i32>} : memref<5x64x128xi32, #tpu.memory_space<vmem>>, vector<1x1x16xi32>,
        %get3A_499 = vector.shape_cast %get3A_498 : vector<1x1x16xi32> to vector<16xi32>
        %and3A_500 = arith.constant 65535 : i32
        %and3A_501 = vector.broadcast %and3A_500 : i32 to vector<16xi32>
        %and3A_502 = arith.andi %get3A_499, %and3A_501 : vector<16xi32>
        %convert_element_type3A_503 = arith.sitofp %and3A_502 : vector<16xi32> to vector<16xf32>
        %shift_right_logical3A_504 = arith.constant 16 : i32
        %shift_right_logical3A_505 = vector.broadcast %shift_right_logical3A_504 : i32 to vector<16xi32>
        %shift_right_logical3A_506 = arith.shrui %get3A_499, %shift_right_logical3A_505 : vector<16xi32>
        %convert_element_type3A_507 = arith.sitofp %shift_right_logical3A_506 : vector<16xi32> to vector<16xf32>
        %mul3A_508 = vector.broadcast %squeeze3A : f32 to vector<16xf32>
        %mul3A_509 = arith.mulf %convert_element_type3A_503, %mul3A_508 : vector<16xf32>
        %add3A_510 = arith.addf %scan3A_434, %mul3A_509 : vector<16xf32>
        %mul3A_511 = vector.broadcast %squeeze3A : f32 to vector<16xf32>
        %mul3A_512 = arith.mulf %convert_element_type3A_507, %mul3A_511 : vector<16xf32>
        %add3A_513 = arith.addf %scan3A_435, %mul3A_512 : vector<16xf32>
        %get3A_514 = arith.index_cast %rem3A_89 : i32 to index
        %get3A_515 = arith.index_cast %add3A_455 : i32 to index
        %get3A_516 = arith.constant 48 : index
        %get3A_517 = tpu.vector_load %arg8[%get3A_514, %get3A_515, %get3A_516] {strides = array<i32>} : memref<5x64x128xi32, #tpu.memory_space<vmem>>, vector<1x1x16xi32>,
        %get3A_518 = vector.shape_cast %get3A_517 : vector<1x1x16xi32> to vector<16xi32>
        %and3A_519 = arith.constant 65535 : i32
        %and3A_520 = vector.broadcast %and3A_519 : i32 to vector<16xi32>
        %and3A_521 = arith.andi %get3A_518, %and3A_520 : vector<16xi32>
        %convert_element_type3A_522 = arith.sitofp %and3A_521 : vector<16xi32> to vector<16xf32>
        %shift_right_logical3A_523 = arith.constant 16 : i32
        %shift_right_logical3A_524 = vector.broadcast %shift_right_logical3A_523 : i32 to vector<16xi32>
        %shift_right_logical3A_525 = arith.shrui %get3A_518, %shift_right_logical3A_524 : vector<16xi32>
        %convert_element_type3A_526 = arith.sitofp %shift_right_logical3A_525 : vector<16xi32> to vector<16xf32>
        %mul3A_527 = vector.broadcast %squeeze3A : f32 to vector<16xf32>
        %mul3A_528 = arith.mulf %convert_element_type3A_522, %mul3A_527 : vector<16xf32>
        %add3A_529 = arith.addf %scan3A_436, %mul3A_528 : vector<16xf32>
        %mul3A_530 = vector.broadcast %squeeze3A : f32 to vector<16xf32>
        %mul3A_531 = arith.mulf %convert_element_type3A_526, %mul3A_530 : vector<16xf32>
        %add3A_532 = arith.addf %scan3A_437, %mul3A_531 : vector<16xf32>
        %get3A_533 = arith.index_cast %rem3A_89 : i32 to index
        %get3A_534 = arith.index_cast %add3A_455 : i32 to index
        %get3A_535 = arith.constant 64 : index
        %get3A_536 = tpu.vector_load %arg8[%get3A_533, %get3A_534, %get3A_535] {strides = array<i32>} : memref<5x64x128xi32, #tpu.memory_space<vmem>>, vector<1x1x16xi32>,
        %get3A_537 = vector.shape_cast %get3A_536 : vector<1x1x16xi32> to vector<16xi32>
        %and3A_538 = arith.constant 65535 : i32
        %and3A_539 = vector.broadcast %and3A_538 : i32 to vector<16xi32>
        %and3A_540 = arith.andi %get3A_537, %and3A_539 : vector<16xi32>
        %convert_element_type3A_541 = arith.sitofp %and3A_540 : vector<16xi32> to vector<16xf32>
        %shift_right_logical3A_542 = arith.constant 16 : i32
        %shift_right_logical3A_543 = vector.broadcast %shift_right_logical3A_542 : i32 to vector<16xi32>
        %shift_right_logical3A_544 = arith.shrui %get3A_537, %shift_right_logical3A_543 : vector<16xi32>
        %convert_element_type3A_545 = arith.sitofp %shift_right_logical3A_544 : vector<16xi32> to vector<16xf32>
        %mul3A_546 = vector.broadcast %squeeze3A : f32 to vector<16xf32>
        %mul3A_547 = arith.mulf %convert_element_type3A_541, %mul3A_546 : vector<16xf32>
        %add3A_548 = arith.addf %scan3A_438, %mul3A_547 : vector<16xf32>
        %mul3A_549 = vector.broadcast %squeeze3A : f32 to vector<16xf32>
        %mul3A_550 = arith.mulf %convert_element_type3A_545, %mul3A_549 : vector<16xf32>
        %add3A_551 = arith.addf %scan3A_439, %mul3A_550 : vector<16xf32>
        %get3A_552 = arith.index_cast %rem3A_89 : i32 to index
        %get3A_553 = arith.index_cast %add3A_455 : i32 to index
        %get3A_554 = arith.constant 80 : index
        %get3A_555 = tpu.vector_load %arg8[%get3A_552, %get3A_553, %get3A_554] {strides = array<i32>} : memref<5x64x128xi32, #tpu.memory_space<vmem>>, vector<1x1x16xi32>,
        %get3A_556 = vector.shape_cast %get3A_555 : vector<1x1x16xi32> to vector<16xi32>
        %and3A_557 = arith.constant 65535 : i32
        %and3A_558 = vector.broadcast %and3A_557 : i32 to vector<16xi32>
        %and3A_559 = arith.andi %get3A_556, %and3A_558 : vector<16xi32>
        %convert_element_type3A_560 = arith.sitofp %and3A_559 : vector<16xi32> to vector<16xf32>
        %shift_right_logical3A_561 = arith.constant 16 : i32
        %shift_right_logical3A_562 = vector.broadcast %shift_right_logical3A_561 : i32 to vector<16xi32>
        %shift_right_logical3A_563 = arith.shrui %get3A_556, %shift_right_logical3A_562 : vector<16xi32>
        %convert_element_type3A_564 = arith.sitofp %shift_right_logical3A_563 : vector<16xi32> to vector<16xf32>
        %mul3A_565 = vector.broadcast %squeeze3A : f32 to vector<16xf32>
        %mul3A_566 = arith.mulf %convert_element_type3A_560, %mul3A_565 : vector<16xf32>
        %add3A_567 = arith.addf %scan3A_440, %mul3A_566 : vector<16xf32>
        %mul3A_568 = vector.broadcast %squeeze3A : f32 to vector<16xf32>
        %mul3A_569 = arith.mulf %convert_element_type3A_564, %mul3A_568 : vector<16xf32>
        %add3A_570 = arith.addf %scan3A_441, %mul3A_569 : vector<16xf32>
        %get3A_571 = arith.index_cast %rem3A_89 : i32 to index
        %get3A_572 = arith.index_cast %add3A_455 : i32 to index
        %get3A_573 = arith.constant 96 : index
        %get3A_574 = tpu.vector_load %arg8[%get3A_571, %get3A_572, %get3A_573] {strides = array<i32>} : memref<5x64x128xi32, #tpu.memory_space<vmem>>, vector<1x1x16xi32>,
        %get3A_575 = vector.shape_cast %get3A_574 : vector<1x1x16xi32> to vector<16xi32>
        %and3A_576 = arith.constant 65535 : i32
        %and3A_577 = vector.broadcast %and3A_576 : i32 to vector<16xi32>
        %and3A_578 = arith.andi %get3A_575, %and3A_577 : vector<16xi32>
        %convert_element_type3A_579 = arith.sitofp %and3A_578 : vector<16xi32> to vector<16xf32>
        %shift_right_logical3A_580 = arith.constant 16 : i32
        %shift_right_logical3A_581 = vector.broadcast %shift_right_logical3A_580 : i32 to vector<16xi32>
        %shift_right_logical3A_582 = arith.shrui %get3A_575, %shift_right_logical3A_581 : vector<16xi32>
        %convert_element_type3A_583 = arith.sitofp %shift_right_logical3A_582 : vector<16xi32> to vector<16xf32>
        %mul3A_584 = vector.broadcast %squeeze3A : f32 to vector<16xf32>
        %mul3A_585 = arith.mulf %convert_element_type3A_579, %mul3A_584 : vector<16xf32>
        %add3A_586 = arith.addf %scan3A_442, %mul3A_585 : vector<16xf32>
        %mul3A_587 = vector.broadcast %squeeze3A : f32 to vector<16xf32>
        %mul3A_588 = arith.mulf %convert_element_type3A_583, %mul3A_587 : vector<16xf32>
        %add3A_589 = arith.addf %scan3A_443, %mul3A_588 : vector<16xf32>
        %get3A_590 = arith.index_cast %rem3A_89 : i32 to index
        %get3A_591 = arith.index_cast %add3A_455 : i32 to index
        %get3A_592 = arith.constant 112 : index
        %get3A_593 = tpu.vector_load %arg8[%get3A_590, %get3A_591, %get3A_592] {strides = array<i32>} : memref<5x64x128xi32, #tpu.memory_space<vmem>>, vector<1x1x16xi32>,
        %get3A_594 = vector.shape_cast %get3A_593 : vector<1x1x16xi32> to vector<16xi32>
        %and3A_595 = arith.constant 65535 : i32
        %and3A_596 = vector.broadcast %and3A_595 : i32 to vector<16xi32>
        %and3A_597 = arith.andi %get3A_594, %and3A_596 : vector<16xi32>
        %convert_element_type3A_598 = arith.sitofp %and3A_597 : vector<16xi32> to vector<16xf32>
        %shift_right_logical3A_599 = arith.constant 16 : i32
        %shift_right_logical3A_600 = vector.broadcast %shift_right_logical3A_599 : i32 to vector<16xi32>
        %shift_right_logical3A_601 = arith.shrui %get3A_594, %shift_right_logical3A_600 : vector<16xi32>
        %convert_element_type3A_602 = arith.sitofp %shift_right_logical3A_601 : vector<16xi32> to vector<16xf32>
        %mul3A_603 = vector.broadcast %squeeze3A : f32 to vector<16xf32>
        %mul3A_604 = arith.mulf %convert_element_type3A_598, %mul3A_603 : vector<16xf32>
        %add3A_605 = arith.addf %scan3A_444, %mul3A_604 : vector<16xf32>
        %mul3A_606 = vector.broadcast %squeeze3A : f32 to vector<16xf32>
        %mul3A_607 = arith.mulf %convert_element_type3A_602, %mul3A_606 : vector<16xf32>
        %add3A_608 = arith.addf %scan3A_445, %mul3A_607 : vector<16xf32>
        %mul3A_609 = arith.constant 16 : i32
        %mul3A_610 = arith.muli %scan3A_429, %mul3A_609 : i32
        %add3A_611 = arith.constant 1 : i32
        %add3A_612 = arith.addi %mul3A_610, %add3A_611 : i32
        %slice3A_613 = vector.extract_strided_slice %get3A_451 {offsets = [1], sizes = [1], strides = [1]} : vector<16xf32> to vector<1xf32>
        %squeeze3A_614 = vector.extract %slice3A_613[0] : f32 from vector<1xf32>
        %add3A_615 = vector.broadcast %squeeze3A_614 : f32 to vector<16xf32>
        %add3A_616 = arith.addf %add3A_457, %add3A_615 : vector<16xf32>
        %get3A_617 = arith.index_cast %rem3A_89 : i32 to index
        %get3A_618 = arith.index_cast %add3A_612 : i32 to index
        %get3A_619 = arith.constant 0 : index
        %get3A_620 = tpu.vector_load %arg8[%get3A_617, %get3A_618, %get3A_619] {strides = array<i32>} : memref<5x64x128xi32, #tpu.memory_space<vmem>>, vector<1x1x16xi32>,
        %get3A_621 = vector.shape_cast %get3A_620 : vector<1x1x16xi32> to vector<16xi32>
        %and3A_622 = arith.constant 65535 : i32
        %and3A_623 = vector.broadcast %and3A_622 : i32 to vector<16xi32>
        %and3A_624 = arith.andi %get3A_621, %and3A_623 : vector<16xi32>
        %convert_element_type3A_625 = arith.sitofp %and3A_624 : vector<16xi32> to vector<16xf32>
        %shift_right_logical3A_626 = arith.constant 16 : i32
        %shift_right_logical3A_627 = vector.broadcast %shift_right_logical3A_626 : i32 to vector<16xi32>
        %shift_right_logical3A_628 = arith.shrui %get3A_621, %shift_right_logical3A_627 : vector<16xi32>
        %convert_element_type3A_629 = arith.sitofp %shift_right_logical3A_628 : vector<16xi32> to vector<16xf32>
        %mul3A_630 = vector.broadcast %squeeze3A_614 : f32 to vector<16xf32>
        %mul3A_631 = arith.mulf %convert_element_type3A_625, %mul3A_630 : vector<16xf32>
        %add3A_632 = arith.addf %add3A_472, %mul3A_631 : vector<16xf32>
        %mul3A_633 = vector.broadcast %squeeze3A_614 : f32 to vector<16xf32>
        %mul3A_634 = arith.mulf %convert_element_type3A_629, %mul3A_633 : vector<16xf32>
        %add3A_635 = arith.addf %add3A_475, %mul3A_634 : vector<16xf32>
        %get3A_636 = arith.index_cast %rem3A_89 : i32 to index
        %get3A_637 = arith.index_cast %add3A_612 : i32 to index
        %get3A_638 = arith.constant 16 : index
        %get3A_639 = tpu.vector_load %arg8[%get3A_636, %get3A_637, %get3A_638] {strides = array<i32>} : memref<5x64x128xi32, #tpu.memory_space<vmem>>, vector<1x1x16xi32>,
        %get3A_640 = vector.shape_cast %get3A_639 : vector<1x1x16xi32> to vector<16xi32>
        %and3A_641 = arith.constant 65535 : i32
        %and3A_642 = vector.broadcast %and3A_641 : i32 to vector<16xi32>
        %and3A_643 = arith.andi %get3A_640, %and3A_642 : vector<16xi32>
        %convert_element_type3A_644 = arith.sitofp %and3A_643 : vector<16xi32> to vector<16xf32>
        %shift_right_logical3A_645 = arith.constant 16 : i32
        %shift_right_logical3A_646 = vector.broadcast %shift_right_logical3A_645 : i32 to vector<16xi32>
        %shift_right_logical3A_647 = arith.shrui %get3A_640, %shift_right_logical3A_646 : vector<16xi32>
        %convert_element_type3A_648 = arith.sitofp %shift_right_logical3A_647 : vector<16xi32> to vector<16xf32>
        %mul3A_649 = vector.broadcast %squeeze3A_614 : f32 to vector<16xf32>
        %mul3A_650 = arith.mulf %convert_element_type3A_644, %mul3A_649 : vector<16xf32>
        %add3A_651 = arith.addf %add3A_491, %mul3A_650 : vector<16xf32>
        %mul3A_652 = vector.broadcast %squeeze3A_614 : f32 to vector<16xf32>
        %mul3A_653 = arith.mulf %convert_element_type3A_648, %mul3A_652 : vector<16xf32>
        %add3A_654 = arith.addf %add3A_494, %mul3A_653 : vector<16xf32>
        %get3A_655 = arith.index_cast %rem3A_89 : i32 to index
        %get3A_656 = arith.index_cast %add3A_612 : i32 to index
        %get3A_657 = arith.constant 32 : index
        %get3A_658 = tpu.vector_load %arg8[%get3A_655, %get3A_656, %get3A_657] {strides = array<i32>} : memref<5x64x128xi32, #tpu.memory_space<vmem>>, vector<1x1x16xi32>,
        %get3A_659 = vector.shape_cast %get3A_658 : vector<1x1x16xi32> to vector<16xi32>
        %and3A_660 = arith.constant 65535 : i32
        %and3A_661 = vector.broadcast %and3A_660 : i32 to vector<16xi32>
        %and3A_662 = arith.andi %get3A_659, %and3A_661 : vector<16xi32>
        %convert_element_type3A_663 = arith.sitofp %and3A_662 : vector<16xi32> to vector<16xf32>
        %shift_right_logical3A_664 = arith.constant 16 : i32
        %shift_right_logical3A_665 = vector.broadcast %shift_right_logical3A_664 : i32 to vector<16xi32>
        %shift_right_logical3A_666 = arith.shrui %get3A_659, %shift_right_logical3A_665 : vector<16xi32>
        %convert_element_type3A_667 = arith.sitofp %shift_right_logical3A_666 : vector<16xi32> to vector<16xf32>
        %mul3A_668 = vector.broadcast %squeeze3A_614 : f32 to vector<16xf32>
        %mul3A_669 = arith.mulf %convert_element_type3A_663, %mul3A_668 : vector<16xf32>
        %add3A_670 = arith.addf %add3A_510, %mul3A_669 : vector<16xf32>
        %mul3A_671 = vector.broadcast %squeeze3A_614 : f32 to vector<16xf32>
        %mul3A_672 = arith.mulf %convert_element_type3A_667, %mul3A_671 : vector<16xf32>
        %add3A_673 = arith.addf %add3A_513, %mul3A_672 : vector<16xf32>
        %get3A_674 = arith.index_cast %rem3A_89 : i32 to index
        %get3A_675 = arith.index_cast %add3A_612 : i32 to index
        %get3A_676 = arith.constant 48 : index
        %get3A_677 = tpu.vector_load %arg8[%get3A_674, %get3A_675, %get3A_676] {strides = array<i32>} : memref<5x64x128xi32, #tpu.memory_space<vmem>>, vector<1x1x16xi32>,
        %get3A_678 = vector.shape_cast %get3A_677 : vector<1x1x16xi32> to vector<16xi32>
        %and3A_679 = arith.constant 65535 : i32
        %and3A_680 = vector.broadcast %and3A_679 : i32 to vector<16xi32>
        %and3A_681 = arith.andi %get3A_678, %and3A_680 : vector<16xi32>
        %convert_element_type3A_682 = arith.sitofp %and3A_681 : vector<16xi32> to vector<16xf32>
        %shift_right_logical3A_683 = arith.constant 16 : i32
        %shift_right_logical3A_684 = vector.broadcast %shift_right_logical3A_683 : i32 to vector<16xi32>
        %shift_right_logical3A_685 = arith.shrui %get3A_678, %shift_right_logical3A_684 : vector<16xi32>
        %convert_element_type3A_686 = arith.sitofp %shift_right_logical3A_685 : vector<16xi32> to vector<16xf32>
        %mul3A_687 = vector.broadcast %squeeze3A_614 : f32 to vector<16xf32>
        %mul3A_688 = arith.mulf %convert_element_type3A_682, %mul3A_687 : vector<16xf32>
        %add3A_689 = arith.addf %add3A_529, %mul3A_688 : vector<16xf32>
        %mul3A_690 = vector.broadcast %squeeze3A_614 : f32 to vector<16xf32>
        %mul3A_691 = arith.mulf %convert_element_type3A_686, %mul3A_690 : vector<16xf32>
        %add3A_692 = arith.addf %add3A_532, %mul3A_691 : vector<16xf32>
        %get3A_693 = arith.index_cast %rem3A_89 : i32 to index
        %get3A_694 = arith.index_cast %add3A_612 : i32 to index
        %get3A_695 = arith.constant 64 : index
        %get3A_696 = tpu.vector_load %arg8[%get3A_693, %get3A_694, %get3A_695] {strides = array<i32>} : memref<5x64x128xi32, #tpu.memory_space<vmem>>, vector<1x1x16xi32>,
        %get3A_697 = vector.shape_cast %get3A_696 : vector<1x1x16xi32> to vector<16xi32>
        %and3A_698 = arith.constant 65535 : i32
        %and3A_699 = vector.broadcast %and3A_698 : i32 to vector<16xi32>
        %and3A_700 = arith.andi %get3A_697, %and3A_699 : vector<16xi32>
        %convert_element_type3A_701 = arith.sitofp %and3A_700 : vector<16xi32> to vector<16xf32>
        %shift_right_logical3A_702 = arith.constant 16 : i32
        %shift_right_logical3A_703 = vector.broadcast %shift_right_logical3A_702 : i32 to vector<16xi32>
        %shift_right_logical3A_704 = arith.shrui %get3A_697, %shift_right_logical3A_703 : vector<16xi32>
        %convert_element_type3A_705 = arith.sitofp %shift_right_logical3A_704 : vector<16xi32> to vector<16xf32>
        %mul3A_706 = vector.broadcast %squeeze3A_614 : f32 to vector<16xf32>
        %mul3A_707 = arith.mulf %convert_element_type3A_701, %mul3A_706 : vector<16xf32>
        %add3A_708 = arith.addf %add3A_548, %mul3A_707 : vector<16xf32>
        %mul3A_709 = vector.broadcast %squeeze3A_614 : f32 to vector<16xf32>
        %mul3A_710 = arith.mulf %convert_element_type3A_705, %mul3A_709 : vector<16xf32>
        %add3A_711 = arith.addf %add3A_551, %mul3A_710 : vector<16xf32>
        %get3A_712 = arith.index_cast %rem3A_89 : i32 to index
        %get3A_713 = arith.index_cast %add3A_612 : i32 to index
        %get3A_714 = arith.constant 80 : index
        %get3A_715 = tpu.vector_load %arg8[%get3A_712, %get3A_713, %get3A_714] {strides = array<i32>} : memref<5x64x128xi32, #tpu.memory_space<vmem>>, vector<1x1x16xi32>,
        %get3A_716 = vector.shape_cast %get3A_715 : vector<1x1x16xi32> to vector<16xi32>
        %and3A_717 = arith.constant 65535 : i32
        %and3A_718 = vector.broadcast %and3A_717 : i32 to vector<16xi32>
        %and3A_719 = arith.andi %get3A_716, %and3A_718 : vector<16xi32>
        %convert_element_type3A_720 = arith.sitofp %and3A_719 : vector<16xi32> to vector<16xf32>
        %shift_right_logical3A_721 = arith.constant 16 : i32
        %shift_right_logical3A_722 = vector.broadcast %shift_right_logical3A_721 : i32 to vector<16xi32>
        %shift_right_logical3A_723 = arith.shrui %get3A_716, %shift_right_logical3A_722 : vector<16xi32>
        %convert_element_type3A_724 = arith.sitofp %shift_right_logical3A_723 : vector<16xi32> to vector<16xf32>
        %mul3A_725 = vector.broadcast %squeeze3A_614 : f32 to vector<16xf32>
        %mul3A_726 = arith.mulf %convert_element_type3A_720, %mul3A_725 : vector<16xf32>
        %add3A_727 = arith.addf %add3A_567, %mul3A_726 : vector<16xf32>
        %mul3A_728 = vector.broadcast %squeeze3A_614 : f32 to vector<16xf32>
        %mul3A_729 = arith.mulf %convert_element_type3A_724, %mul3A_728 : vector<16xf32>
        %add3A_730 = arith.addf %add3A_570, %mul3A_729 : vector<16xf32>
        %get3A_731 = arith.index_cast %rem3A_89 : i32 to index
        %get3A_732 = arith.index_cast %add3A_612 : i32 to index
        %get3A_733 = arith.constant 96 : index
        %get3A_734 = tpu.vector_load %arg8[%get3A_731, %get3A_732, %get3A_733] {strides = array<i32>} : memref<5x64x128xi32, #tpu.memory_space<vmem>>, vector<1x1x16xi32>,
        %get3A_735 = vector.shape_cast %get3A_734 : vector<1x1x16xi32> to vector<16xi32>
        %and3A_736 = arith.constant 65535 : i32
        %and3A_737 = vector.broadcast %and3A_736 : i32 to vector<16xi32>
        %and3A_738 = arith.andi %get3A_735, %and3A_737 : vector<16xi32>
        %convert_element_type3A_739 = arith.sitofp %and3A_738 : vector<16xi32> to vector<16xf32>
        %shift_right_logical3A_740 = arith.constant 16 : i32
        %shift_right_logical3A_741 = vector.broadcast %shift_right_logical3A_740 : i32 to vector<16xi32>
        %shift_right_logical3A_742 = arith.shrui %get3A_735, %shift_right_logical3A_741 : vector<16xi32>
        %convert_element_type3A_743 = arith.sitofp %shift_right_logical3A_742 : vector<16xi32> to vector<16xf32>
        %mul3A_744 = vector.broadcast %squeeze3A_614 : f32 to vector<16xf32>
        %mul3A_745 = arith.mulf %convert_element_type3A_739, %mul3A_744 : vector<16xf32>
        %add3A_746 = arith.addf %add3A_586, %mul3A_745 : vector<16xf32>
        %mul3A_747 = vector.broadcast %squeeze3A_614 : f32 to vector<16xf32>
        %mul3A_748 = arith.mulf %convert_element_type3A_743, %mul3A_747 : vector<16xf32>
        %add3A_749 = arith.addf %add3A_589, %mul3A_748 : vector<16xf32>
        %get3A_750 = arith.index_cast %rem3A_89 : i32 to index
        %get3A_751 = arith.index_cast %add3A_612 : i32 to index
        %get3A_752 = arith.constant 112 : index
        %get3A_753 = tpu.vector_load %arg8[%get3A_750, %get3A_751, %get3A_752] {strides = array<i32>} : memref<5x64x128xi32, #tpu.memory_space<vmem>>, vector<1x1x16xi32>,
        %get3A_754 = vector.shape_cast %get3A_753 : vector<1x1x16xi32> to vector<16xi32>
        %and3A_755 = arith.constant 65535 : i32
        %and3A_756 = vector.broadcast %and3A_755 : i32 to vector<16xi32>
        %and3A_757 = arith.andi %get3A_754, %and3A_756 : vector<16xi32>
        %convert_element_type3A_758 = arith.sitofp %and3A_757 : vector<16xi32> to vector<16xf32>
        %shift_right_logical3A_759 = arith.constant 16 : i32
        %shift_right_logical3A_760 = vector.broadcast %shift_right_logical3A_759 : i32 to vector<16xi32>
        %shift_right_logical3A_761 = arith.shrui %get3A_754, %shift_right_logical3A_760 : vector<16xi32>
        %convert_element_type3A_762 = arith.sitofp %shift_right_logical3A_761 : vector<16xi32> to vector<16xf32>
        %mul3A_763 = vector.broadcast %squeeze3A_614 : f32 to vector<16xf32>
        %mul3A_764 = arith.mulf %convert_element_type3A_758, %mul3A_763 : vector<16xf32>
        %add3A_765 = arith.addf %add3A_605, %mul3A_764 : vector<16xf32>
        %mul3A_766 = vector.broadcast %squeeze3A_614 : f32 to vector<16xf32>
        %mul3A_767 = arith.mulf %convert_element_type3A_762, %mul3A_766 : vector<16xf32>
        %add3A_768 = arith.addf %add3A_608, %mul3A_767 : vector<16xf32>
        %mul3A_769 = arith.constant 16 : i32
        %mul3A_770 = arith.muli %scan3A_429, %mul3A_769 : i32
        %add3A_771 = arith.constant 2 : i32
        %add3A_772 = arith.addi %mul3A_770, %add3A_771 : i32
        %slice3A_773 = vector.extract_strided_slice %get3A_451 {offsets = [2], sizes = [1], strides = [1]} : vector<16xf32> to vector<1xf32>
        %squeeze3A_774 = vector.extract %slice3A_773[0] : f32 from vector<1xf32>
        %add3A_775 = vector.broadcast %squeeze3A_774 : f32 to vector<16xf32>
        %add3A_776 = arith.addf %add3A_616, %add3A_775 : vector<16xf32>
        %get3A_777 = arith.index_cast %rem3A_89 : i32 to index
        %get3A_778 = arith.index_cast %add3A_772 : i32 to index
        %get3A_779 = arith.constant 0 : index
        %get3A_780 = tpu.vector_load %arg8[%get3A_777, %get3A_778, %get3A_779] {strides = array<i32>} : memref<5x64x128xi32, #tpu.memory_space<vmem>>, vector<1x1x16xi32>,
        %get3A_781 = vector.shape_cast %get3A_780 : vector<1x1x16xi32> to vector<16xi32>
        %and3A_782 = arith.constant 65535 : i32
        %and3A_783 = vector.broadcast %and3A_782 : i32 to vector<16xi32>
        %and3A_784 = arith.andi %get3A_781, %and3A_783 : vector<16xi32>
        %convert_element_type3A_785 = arith.sitofp %and3A_784 : vector<16xi32> to vector<16xf32>
        %shift_right_logical3A_786 = arith.constant 16 : i32
        %shift_right_logical3A_787 = vector.broadcast %shift_right_logical3A_786 : i32 to vector<16xi32>
        %shift_right_logical3A_788 = arith.shrui %get3A_781, %shift_right_logical3A_787 : vector<16xi32>
        %convert_element_type3A_789 = arith.sitofp %shift_right_logical3A_788 : vector<16xi32> to vector<16xf32>
        %mul3A_790 = vector.broadcast %squeeze3A_774 : f32 to vector<16xf32>
        %mul3A_791 = arith.mulf %convert_element_type3A_785, %mul3A_790 : vector<16xf32>
        %add3A_792 = arith.addf %add3A_632, %mul3A_791 : vector<16xf32>
        %mul3A_793 = vector.broadcast %squeeze3A_774 : f32 to vector<16xf32>
        %mul3A_794 = arith.mulf %convert_element_type3A_789, %mul3A_793 : vector<16xf32>
        %add3A_795 = arith.addf %add3A_635, %mul3A_794 : vector<16xf32>
        %get3A_796 = arith.index_cast %rem3A_89 : i32 to index
        %get3A_797 = arith.index_cast %add3A_772 : i32 to index
        %get3A_798 = arith.constant 16 : index
        %get3A_799 = tpu.vector_load %arg8[%get3A_796, %get3A_797, %get3A_798] {strides = array<i32>} : memref<5x64x128xi32, #tpu.memory_space<vmem>>, vector<1x1x16xi32>,
        %get3A_800 = vector.shape_cast %get3A_799 : vector<1x1x16xi32> to vector<16xi32>
        %and3A_801 = arith.constant 65535 : i32
        %and3A_802 = vector.broadcast %and3A_801 : i32 to vector<16xi32>
        %and3A_803 = arith.andi %get3A_800, %and3A_802 : vector<16xi32>
        %convert_element_type3A_804 = arith.sitofp %and3A_803 : vector<16xi32> to vector<16xf32>
        %shift_right_logical3A_805 = arith.constant 16 : i32
        %shift_right_logical3A_806 = vector.broadcast %shift_right_logical3A_805 : i32 to vector<16xi32>
        %shift_right_logical3A_807 = arith.shrui %get3A_800, %shift_right_logical3A_806 : vector<16xi32>
        %convert_element_type3A_808 = arith.sitofp %shift_right_logical3A_807 : vector<16xi32> to vector<16xf32>
        %mul3A_809 = vector.broadcast %squeeze3A_774 : f32 to vector<16xf32>
        %mul3A_810 = arith.mulf %convert_element_type3A_804, %mul3A_809 : vector<16xf32>
        %add3A_811 = arith.addf %add3A_651, %mul3A_810 : vector<16xf32>
        %mul3A_812 = vector.broadcast %squeeze3A_774 : f32 to vector<16xf32>
        %mul3A_813 = arith.mulf %convert_element_type3A_808, %mul3A_812 : vector<16xf32>
        %add3A_814 = arith.addf %add3A_654, %mul3A_813 : vector<16xf32>
        %get3A_815 = arith.index_cast %rem3A_89 : i32 to index
        %get3A_816 = arith.index_cast %add3A_772 : i32 to index
        %get3A_817 = arith.constant 32 : index
        %get3A_818 = tpu.vector_load %arg8[%get3A_815, %get3A_816, %get3A_817] {strides = array<i32>} : memref<5x64x128xi32, #tpu.memory_space<vmem>>, vector<1x1x16xi32>,
        %get3A_819 = vector.shape_cast %get3A_818 : vector<1x1x16xi32> to vector<16xi32>
        %and3A_820 = arith.constant 65535 : i32
        %and3A_821 = vector.broadcast %and3A_820 : i32 to vector<16xi32>
        %and3A_822 = arith.andi %get3A_819, %and3A_821 : vector<16xi32>
        %convert_element_type3A_823 = arith.sitofp %and3A_822 : vector<16xi32> to vector<16xf32>
        %shift_right_logical3A_824 = arith.constant 16 : i32
        %shift_right_logical3A_825 = vector.broadcast %shift_right_logical3A_824 : i32 to vector<16xi32>
        %shift_right_logical3A_826 = arith.shrui %get3A_819, %shift_right_logical3A_825 : vector<16xi32>
        %convert_element_type3A_827 = arith.sitofp %shift_right_logical3A_826 : vector<16xi32> to vector<16xf32>
        %mul3A_828 = vector.broadcast %squeeze3A_774 : f32 to vector<16xf32>
        %mul3A_829 = arith.mulf %convert_element_type3A_823, %mul3A_828 : vector<16xf32>
        %add3A_830 = arith.addf %add3A_670, %mul3A_829 : vector<16xf32>
        %mul3A_831 = vector.broadcast %squeeze3A_774 : f32 to vector<16xf32>
        %mul3A_832 = arith.mulf %convert_element_type3A_827, %mul3A_831 : vector<16xf32>
        %add3A_833 = arith.addf %add3A_673, %mul3A_832 : vector<16xf32>
        %get3A_834 = arith.index_cast %rem3A_89 : i32 to index
        %get3A_835 = arith.index_cast %add3A_772 : i32 to index
        %get3A_836 = arith.constant 48 : index
        %get3A_837 = tpu.vector_load %arg8[%get3A_834, %get3A_835, %get3A_836] {strides = array<i32>} : memref<5x64x128xi32, #tpu.memory_space<vmem>>, vector<1x1x16xi32>,
        %get3A_838 = vector.shape_cast %get3A_837 : vector<1x1x16xi32> to vector<16xi32>
        %and3A_839 = arith.constant 65535 : i32
        %and3A_840 = vector.broadcast %and3A_839 : i32 to vector<16xi32>
        %and3A_841 = arith.andi %get3A_838, %and3A_840 : vector<16xi32>
        %convert_element_type3A_842 = arith.sitofp %and3A_841 : vector<16xi32> to vector<16xf32>
        %shift_right_logical3A_843 = arith.constant 16 : i32
        %shift_right_logical3A_844 = vector.broadcast %shift_right_logical3A_843 : i32 to vector<16xi32>
        %shift_right_logical3A_845 = arith.shrui %get3A_838, %shift_right_logical3A_844 : vector<16xi32>
        %convert_element_type3A_846 = arith.sitofp %shift_right_logical3A_845 : vector<16xi32> to vector<16xf32>
        %mul3A_847 = vector.broadcast %squeeze3A_774 : f32 to vector<16xf32>
        %mul3A_848 = arith.mulf %convert_element_type3A_842, %mul3A_847 : vector<16xf32>
        %add3A_849 = arith.addf %add3A_689, %mul3A_848 : vector<16xf32>
        %mul3A_850 = vector.broadcast %squeeze3A_774 : f32 to vector<16xf32>
        %mul3A_851 = arith.mulf %convert_element_type3A_846, %mul3A_850 : vector<16xf32>
        %add3A_852 = arith.addf %add3A_692, %mul3A_851 : vector<16xf32>
        %get3A_853 = arith.index_cast %rem3A_89 : i32 to index
        %get3A_854 = arith.index_cast %add3A_772 : i32 to index
        %get3A_855 = arith.constant 64 : index
        %get3A_856 = tpu.vector_load %arg8[%get3A_853, %get3A_854, %get3A_855] {strides = array<i32>} : memref<5x64x128xi32, #tpu.memory_space<vmem>>, vector<1x1x16xi32>,
        %get3A_857 = vector.shape_cast %get3A_856 : vector<1x1x16xi32> to vector<16xi32>
        %and3A_858 = arith.constant 65535 : i32
        %and3A_859 = vector.broadcast %and3A_858 : i32 to vector<16xi32>
        %and3A_860 = arith.andi %get3A_857, %and3A_859 : vector<16xi32>
        %convert_element_type3A_861 = arith.sitofp %and3A_860 : vector<16xi32> to vector<16xf32>
        %shift_right_logical3A_862 = arith.constant 16 : i32
        %shift_right_logical3A_863 = vector.broadcast %shift_right_logical3A_862 : i32 to vector<16xi32>
        %shift_right_logical3A_864 = arith.shrui %get3A_857, %shift_right_logical3A_863 : vector<16xi32>
        %convert_element_type3A_865 = arith.sitofp %shift_right_logical3A_864 : vector<16xi32> to vector<16xf32>
        %mul3A_866 = vector.broadcast %squeeze3A_774 : f32 to vector<16xf32>
        %mul3A_867 = arith.mulf %convert_element_type3A_861, %mul3A_866 : vector<16xf32>
        %add3A_868 = arith.addf %add3A_708, %mul3A_867 : vector<16xf32>
        %mul3A_869 = vector.broadcast %squeeze3A_774 : f32 to vector<16xf32>
        %mul3A_870 = arith.mulf %convert_element_type3A_865, %mul3A_869 : vector<16xf32>
        %add3A_871 = arith.addf %add3A_711, %mul3A_870 : vector<16xf32>
        %get3A_872 = arith.index_cast %rem3A_89 : i32 to index
        %get3A_873 = arith.index_cast %add3A_772 : i32 to index
        %get3A_874 = arith.constant 80 : index
        %get3A_875 = tpu.vector_load %arg8[%get3A_872, %get3A_873, %get3A_874] {strides = array<i32>} : memref<5x64x128xi32, #tpu.memory_space<vmem>>, vector<1x1x16xi32>,
        %get3A_876 = vector.shape_cast %get3A_875 : vector<1x1x16xi32> to vector<16xi32>
        %and3A_877 = arith.constant 65535 : i32
        %and3A_878 = vector.broadcast %and3A_877 : i32 to vector<16xi32>
        %and3A_879 = arith.andi %get3A_876, %and3A_878 : vector<16xi32>
        %convert_element_type3A_880 = arith.sitofp %and3A_879 : vector<16xi32> to vector<16xf32>
        %shift_right_logical3A_881 = arith.constant 16 : i32
        %shift_right_logical3A_882 = vector.broadcast %shift_right_logical3A_881 : i32 to vector<16xi32>
        %shift_right_logical3A_883 = arith.shrui %get3A_876, %shift_right_logical3A_882 : vector<16xi32>
        %convert_element_type3A_884 = arith.sitofp %shift_right_logical3A_883 : vector<16xi32> to vector<16xf32>
        %mul3A_885 = vector.broadcast %squeeze3A_774 : f32 to vector<16xf32>
        %mul3A_886 = arith.mulf %convert_element_type3A_880, %mul3A_885 : vector<16xf32>
        %add3A_887 = arith.addf %add3A_727, %mul3A_886 : vector<16xf32>
        %mul3A_888 = vector.broadcast %squeeze3A_774 : f32 to vector<16xf32>
        %mul3A_889 = arith.mulf %convert_element_type3A_884, %mul3A_888 : vector<16xf32>
        %add3A_890 = arith.addf %add3A_730, %mul3A_889 : vector<16xf32>
        %get3A_891 = arith.index_cast %rem3A_89 : i32 to index
        %get3A_892 = arith.index_cast %add3A_772 : i32 to index
        %get3A_893 = arith.constant 96 : index
        %get3A_894 = tpu.vector_load %arg8[%get3A_891, %get3A_892, %get3A_893] {strides = array<i32>} : memref<5x64x128xi32, #tpu.memory_space<vmem>>, vector<1x1x16xi32>,
        %get3A_895 = vector.shape_cast %get3A_894 : vector<1x1x16xi32> to vector<16xi32>
        %and3A_896 = arith.constant 65535 : i32
        %and3A_897 = vector.broadcast %and3A_896 : i32 to vector<16xi32>
        %and3A_898 = arith.andi %get3A_895, %and3A_897 : vector<16xi32>
        %convert_element_type3A_899 = arith.sitofp %and3A_898 : vector<16xi32> to vector<16xf32>
        %shift_right_logical3A_900 = arith.constant 16 : i32
        %shift_right_logical3A_901 = vector.broadcast %shift_right_logical3A_900 : i32 to vector<16xi32>
        %shift_right_logical3A_902 = arith.shrui %get3A_895, %shift_right_logical3A_901 : vector<16xi32>
        %convert_element_type3A_903 = arith.sitofp %shift_right_logical3A_902 : vector<16xi32> to vector<16xf32>
        %mul3A_904 = vector.broadcast %squeeze3A_774 : f32 to vector<16xf32>
        %mul3A_905 = arith.mulf %convert_element_type3A_899, %mul3A_904 : vector<16xf32>
        %add3A_906 = arith.addf %add3A_746, %mul3A_905 : vector<16xf32>
        %mul3A_907 = vector.broadcast %squeeze3A_774 : f32 to vector<16xf32>
        %mul3A_908 = arith.mulf %convert_element_type3A_903, %mul3A_907 : vector<16xf32>
        %add3A_909 = arith.addf %add3A_749, %mul3A_908 : vector<16xf32>
        %get3A_910 = arith.index_cast %rem3A_89 : i32 to index
        %get3A_911 = arith.index_cast %add3A_772 : i32 to index
        %get3A_912 = arith.constant 112 : index
        %get3A_913 = tpu.vector_load %arg8[%get3A_910, %get3A_911, %get3A_912] {strides = array<i32>} : memref<5x64x128xi32, #tpu.memory_space<vmem>>, vector<1x1x16xi32>,
        %get3A_914 = vector.shape_cast %get3A_913 : vector<1x1x16xi32> to vector<16xi32>
        %and3A_915 = arith.constant 65535 : i32
        %and3A_916 = vector.broadcast %and3A_915 : i32 to vector<16xi32>
        %and3A_917 = arith.andi %get3A_914, %and3A_916 : vector<16xi32>
        %convert_element_type3A_918 = arith.sitofp %and3A_917 : vector<16xi32> to vector<16xf32>
        %shift_right_logical3A_919 = arith.constant 16 : i32
        %shift_right_logical3A_920 = vector.broadcast %shift_right_logical3A_919 : i32 to vector<16xi32>
        %shift_right_logical3A_921 = arith.shrui %get3A_914, %shift_right_logical3A_920 : vector<16xi32>
        %convert_element_type3A_922 = arith.sitofp %shift_right_logical3A_921 : vector<16xi32> to vector<16xf32>
        %mul3A_923 = vector.broadcast %squeeze3A_774 : f32 to vector<16xf32>
        %mul3A_924 = arith.mulf %convert_element_type3A_918, %mul3A_923 : vector<16xf32>
        %add3A_925 = arith.addf %add3A_765, %mul3A_924 : vector<16xf32>
        %mul3A_926 = vector.broadcast %squeeze3A_774 : f32 to vector<16xf32>
        %mul3A_927 = arith.mulf %convert_element_type3A_922, %mul3A_926 : vector<16xf32>
        %add3A_928 = arith.addf %add3A_768, %mul3A_927 : vector<16xf32>
        %mul3A_929 = arith.constant 16 : i32
        %mul3A_930 = arith.muli %scan3A_429, %mul3A_929 : i32
        %add3A_931 = arith.constant 3 : i32
        %add3A_932 = arith.addi %mul3A_930, %add3A_931 : i32
        %slice3A_933 = vector.extract_strided_slice %get3A_451 {offsets = [3], sizes = [1], strides = [1]} : vector<16xf32> to vector<1xf32>
        %squeeze3A_934 = vector.extract %slice3A_933[0] : f32 from vector<1xf32>
        %add3A_935 = vector.broadcast %squeeze3A_934 : f32 to vector<16xf32>
        %add3A_936 = arith.addf %add3A_776, %add3A_935 : vector<16xf32>
        %get3A_937 = arith.index_cast %rem3A_89 : i32 to index
        %get3A_938 = arith.index_cast %add3A_932 : i32 to index
        %get3A_939 = arith.constant 0 : index
        %get3A_940 = tpu.vector_load %arg8[%get3A_937, %get3A_938, %get3A_939] {strides = array<i32>} : memref<5x64x128xi32, #tpu.memory_space<vmem>>, vector<1x1x16xi32>,
        %get3A_941 = vector.shape_cast %get3A_940 : vector<1x1x16xi32> to vector<16xi32>
        %and3A_942 = arith.constant 65535 : i32
        %and3A_943 = vector.broadcast %and3A_942 : i32 to vector<16xi32>
        %and3A_944 = arith.andi %get3A_941, %and3A_943 : vector<16xi32>
        %convert_element_type3A_945 = arith.sitofp %and3A_944 : vector<16xi32> to vector<16xf32>
        %shift_right_logical3A_946 = arith.constant 16 : i32
        %shift_right_logical3A_947 = vector.broadcast %shift_right_logical3A_946 : i32 to vector<16xi32>
        %shift_right_logical3A_948 = arith.shrui %get3A_941, %shift_right_logical3A_947 : vector<16xi32>
        %convert_element_type3A_949 = arith.sitofp %shift_right_logical3A_948 : vector<16xi32> to vector<16xf32>
        %mul3A_950 = vector.broadcast %squeeze3A_934 : f32 to vector<16xf32>
        %mul3A_951 = arith.mulf %convert_element_type3A_945, %mul3A_950 : vector<16xf32>
        %add3A_952 = arith.addf %add3A_792, %mul3A_951 : vector<16xf32>
        %mul3A_953 = vector.broadcast %squeeze3A_934 : f32 to vector<16xf32>
        %mul3A_954 = arith.mulf %convert_element_type3A_949, %mul3A_953 : vector<16xf32>
        %add3A_955 = arith.addf %add3A_795, %mul3A_954 : vector<16xf32>
        %get3A_956 = arith.index_cast %rem3A_89 : i32 to index
        %get3A_957 = arith.index_cast %add3A_932 : i32 to index
        %get3A_958 = arith.constant 16 : index
        %get3A_959 = tpu.vector_load %arg8[%get3A_956, %get3A_957, %get3A_958] {strides = array<i32>} : memref<5x64x128xi32, #tpu.memory_space<vmem>>, vector<1x1x16xi32>,
        %get3A_960 = vector.shape_cast %get3A_959 : vector<1x1x16xi32> to vector<16xi32>
        %and3A_961 = arith.constant 65535 : i32
        %and3A_962 = vector.broadcast %and3A_961 : i32 to vector<16xi32>
        %and3A_963 = arith.andi %get3A_960, %and3A_962 : vector<16xi32>
        %convert_element_type3A_964 = arith.sitofp %and3A_963 : vector<16xi32> to vector<16xf32>
        %shift_right_logical3A_965 = arith.constant 16 : i32
        %shift_right_logical3A_966 = vector.broadcast %shift_right_logical3A_965 : i32 to vector<16xi32>
        %shift_right_logical3A_967 = arith.shrui %get3A_960, %shift_right_logical3A_966 : vector<16xi32>
        %convert_element_type3A_968 = arith.sitofp %shift_right_logical3A_967 : vector<16xi32> to vector<16xf32>
        %mul3A_969 = vector.broadcast %squeeze3A_934 : f32 to vector<16xf32>
        %mul3A_970 = arith.mulf %convert_element_type3A_964, %mul3A_969 : vector<16xf32>
        %add3A_971 = arith.addf %add3A_811, %mul3A_970 : vector<16xf32>
        %mul3A_972 = vector.broadcast %squeeze3A_934 : f32 to vector<16xf32>
        %mul3A_973 = arith.mulf %convert_element_type3A_968, %mul3A_972 : vector<16xf32>
        %add3A_974 = arith.addf %add3A_814, %mul3A_973 : vector<16xf32>
        %get3A_975 = arith.index_cast %rem3A_89 : i32 to index
        %get3A_976 = arith.index_cast %add3A_932 : i32 to index
        %get3A_977 = arith.constant 32 : index
        %get3A_978 = tpu.vector_load %arg8[%get3A_975, %get3A_976, %get3A_977] {strides = array<i32>} : memref<5x64x128xi32, #tpu.memory_space<vmem>>, vector<1x1x16xi32>,
        %get3A_979 = vector.shape_cast %get3A_978 : vector<1x1x16xi32> to vector<16xi32>
        %and3A_980 = arith.constant 65535 : i32
        %and3A_981 = vector.broadcast %and3A_980 : i32 to vector<16xi32>
        %and3A_982 = arith.andi %get3A_979, %and3A_981 : vector<16xi32>
        %convert_element_type3A_983 = arith.sitofp %and3A_982 : vector<16xi32> to vector<16xf32>
        %shift_right_logical3A_984 = arith.constant 16 : i32
        %shift_right_logical3A_985 = vector.broadcast %shift_right_logical3A_984 : i32 to vector<16xi32>
        %shift_right_logical3A_986 = arith.shrui %get3A_979, %shift_right_logical3A_985 : vector<16xi32>
        %convert_element_type3A_987 = arith.sitofp %shift_right_logical3A_986 : vector<16xi32> to vector<16xf32>
        %mul3A_988 = vector.broadcast %squeeze3A_934 : f32 to vector<16xf32>
        %mul3A_989 = arith.mulf %convert_element_type3A_983, %mul3A_988 : vector<16xf32>
        %add3A_990 = arith.addf %add3A_830, %mul3A_989 : vector<16xf32>
        %mul3A_991 = vector.broadcast %squeeze3A_934 : f32 to vector<16xf32>
        %mul3A_992 = arith.mulf %convert_element_type3A_987, %mul3A_991 : vector<16xf32>
        %add3A_993 = arith.addf %add3A_833, %mul3A_992 : vector<16xf32>
        %get3A_994 = arith.index_cast %rem3A_89 : i32 to index
        %get3A_995 = arith.index_cast %add3A_932 : i32 to index
        %get3A_996 = arith.constant 48 : index
        %get3A_997 = tpu.vector_load %arg8[%get3A_994, %get3A_995, %get3A_996] {strides = array<i32>} : memref<5x64x128xi32, #tpu.memory_space<vmem>>, vector<1x1x16xi32>,
        %get3A_998 = vector.shape_cast %get3A_997 : vector<1x1x16xi32> to vector<16xi32>
        %and3A_999 = arith.constant 65535 : i32
        %and3A_1000 = vector.broadcast %and3A_999 : i32 to vector<16xi32>
        %and3A_1001 = arith.andi %get3A_998, %and3A_1000 : vector<16xi32>
        %convert_element_type3A_1002 = arith.sitofp %and3A_1001 : vector<16xi32> to vector<16xf32>
        %shift_right_logical3A_1003 = arith.constant 16 : i32
        %shift_right_logical3A_1004 = vector.broadcast %shift_right_logical3A_1003 : i32 to vector<16xi32>
        %shift_right_logical3A_1005 = arith.shrui %get3A_998, %shift_right_logical3A_1004 : vector<16xi32>
        %convert_element_type3A_1006 = arith.sitofp %shift_right_logical3A_1005 : vector<16xi32> to vector<16xf32>
        %mul3A_1007 = vector.broadcast %squeeze3A_934 : f32 to vector<16xf32>
        %mul3A_1008 = arith.mulf %convert_element_type3A_1002, %mul3A_1007 : vector<16xf32>
        %add3A_1009 = arith.addf %add3A_849, %mul3A_1008 : vector<16xf32>
        %mul3A_1010 = vector.broadcast %squeeze3A_934 : f32 to vector<16xf32>
        %mul3A_1011 = arith.mulf %convert_element_type3A_1006, %mul3A_1010 : vector<16xf32>
        %add3A_1012 = arith.addf %add3A_852, %mul3A_1011 : vector<16xf32>
        %get3A_1013 = arith.index_cast %rem3A_89 : i32 to index
        %get3A_1014 = arith.index_cast %add3A_932 : i32 to index
        %get3A_1015 = arith.constant 64 : index
        %get3A_1016 = tpu.vector_load %arg8[%get3A_1013, %get3A_1014, %get3A_1015] {strides = array<i32>} : memref<5x64x128xi32, #tpu.memory_space<vmem>>, vector<1x1x16xi32>,
        %get3A_1017 = vector.shape_cast %get3A_1016 : vector<1x1x16xi32> to vector<16xi32>
        %and3A_1018 = arith.constant 65535 : i32
        %and3A_1019 = vector.broadcast %and3A_1018 : i32 to vector<16xi32>
        %and3A_1020 = arith.andi %get3A_1017, %and3A_1019 : vector<16xi32>
        %convert_element_type3A_1021 = arith.sitofp %and3A_1020 : vector<16xi32> to vector<16xf32>
        %shift_right_logical3A_1022 = arith.constant 16 : i32
        %shift_right_logical3A_1023 = vector.broadcast %shift_right_logical3A_1022 : i32 to vector<16xi32>
        %shift_right_logical3A_1024 = arith.shrui %get3A_1017, %shift_right_logical3A_1023 : vector<16xi32>
        %convert_element_type3A_1025 = arith.sitofp %shift_right_logical3A_1024 : vector<16xi32> to vector<16xf32>
        %mul3A_1026 = vector.broadcast %squeeze3A_934 : f32 to vector<16xf32>
        %mul3A_1027 = arith.mulf %convert_element_type3A_1021, %mul3A_1026 : vector<16xf32>
        %add3A_1028 = arith.addf %add3A_868, %mul3A_1027 : vector<16xf32>
        %mul3A_1029 = vector.broadcast %squeeze3A_934 : f32 to vector<16xf32>
        %mul3A_1030 = arith.mulf %convert_element_type3A_1025, %mul3A_1029 : vector<16xf32>
        %add3A_1031 = arith.addf %add3A_871, %mul3A_1030 : vector<16xf32>
        %get3A_1032 = arith.index_cast %rem3A_89 : i32 to index
        %get3A_1033 = arith.index_cast %add3A_932 : i32 to index
        %get3A_1034 = arith.constant 80 : index
        %get3A_1035 = tpu.vector_load %arg8[%get3A_1032, %get3A_1033, %get3A_1034] {strides = array<i32>} : memref<5x64x128xi32, #tpu.memory_space<vmem>>, vector<1x1x16xi32>,
        %get3A_1036 = vector.shape_cast %get3A_1035 : vector<1x1x16xi32> to vector<16xi32>
        %and3A_1037 = arith.constant 65535 : i32
        %and3A_1038 = vector.broadcast %and3A_1037 : i32 to vector<16xi32>
        %and3A_1039 = arith.andi %get3A_1036, %and3A_1038 : vector<16xi32>
        %convert_element_type3A_1040 = arith.sitofp %and3A_1039 : vector<16xi32> to vector<16xf32>
        %shift_right_logical3A_1041 = arith.constant 16 : i32
        %shift_right_logical3A_1042 = vector.broadcast %shift_right_logical3A_1041 : i32 to vector<16xi32>
        %shift_right_logical3A_1043 = arith.shrui %get3A_1036, %shift_right_logical3A_1042 : vector<16xi32>
        %convert_element_type3A_1044 = arith.sitofp %shift_right_logical3A_1043 : vector<16xi32> to vector<16xf32>
        %mul3A_1045 = vector.broadcast %squeeze3A_934 : f32 to vector<16xf32>
        %mul3A_1046 = arith.mulf %convert_element_type3A_1040, %mul3A_1045 : vector<16xf32>
        %add3A_1047 = arith.addf %add3A_887, %mul3A_1046 : vector<16xf32>
        %mul3A_1048 = vector.broadcast %squeeze3A_934 : f32 to vector<16xf32>
        %mul3A_1049 = arith.mulf %convert_element_type3A_1044, %mul3A_1048 : vector<16xf32>
        %add3A_1050 = arith.addf %add3A_890, %mul3A_1049 : vector<16xf32>
        %get3A_1051 = arith.index_cast %rem3A_89 : i32 to index
        %get3A_1052 = arith.index_cast %add3A_932 : i32 to index
        %get3A_1053 = arith.constant 96 : index
        %get3A_1054 = tpu.vector_load %arg8[%get3A_1051, %get3A_1052, %get3A_1053] {strides = array<i32>} : memref<5x64x128xi32, #tpu.memory_space<vmem>>, vector<1x1x16xi32>,
        %get3A_1055 = vector.shape_cast %get3A_1054 : vector<1x1x16xi32> to vector<16xi32>
        %and3A_1056 = arith.constant 65535 : i32
        %and3A_1057 = vector.broadcast %and3A_1056 : i32 to vector<16xi32>
        %and3A_1058 = arith.andi %get3A_1055, %and3A_1057 : vector<16xi32>
        %convert_element_type3A_1059 = arith.sitofp %and3A_1058 : vector<16xi32> to vector<16xf32>
        %shift_right_logical3A_1060 = arith.constant 16 : i32
        %shift_right_logical3A_1061 = vector.broadcast %shift_right_logical3A_1060 : i32 to vector<16xi32>
        %shift_right_logical3A_1062 = arith.shrui %get3A_1055, %shift_right_logical3A_1061 : vector<16xi32>
        %convert_element_type3A_1063 = arith.sitofp %shift_right_logical3A_1062 : vector<16xi32> to vector<16xf32>
        %mul3A_1064 = vector.broadcast %squeeze3A_934 : f32 to vector<16xf32>
        %mul3A_1065 = arith.mulf %convert_element_type3A_1059, %mul3A_1064 : vector<16xf32>
        %add3A_1066 = arith.addf %add3A_906, %mul3A_1065 : vector<16xf32>
        %mul3A_1067 = vector.broadcast %squeeze3A_934 : f32 to vector<16xf32>
        %mul3A_1068 = arith.mulf %convert_element_type3A_1063, %mul3A_1067 : vector<16xf32>
        %add3A_1069 = arith.addf %add3A_909, %mul3A_1068 : vector<16xf32>
        %get3A_1070 = arith.index_cast %rem3A_89 : i32 to index
        %get3A_1071 = arith.index_cast %add3A_932 : i32 to index
        %get3A_1072 = arith.constant 112 : index
        %get3A_1073 = tpu.vector_load %arg8[%get3A_1070, %get3A_1071, %get3A_1072] {strides = array<i32>} : memref<5x64x128xi32, #tpu.memory_space<vmem>>, vector<1x1x16xi32>,
        %get3A_1074 = vector.shape_cast %get3A_1073 : vector<1x1x16xi32> to vector<16xi32>
        %and3A_1075 = arith.constant 65535 : i32
        %and3A_1076 = vector.broadcast %and3A_1075 : i32 to vector<16xi32>
        %and3A_1077 = arith.andi %get3A_1074, %and3A_1076 : vector<16xi32>
        %convert_element_type3A_1078 = arith.sitofp %and3A_1077 : vector<16xi32> to vector<16xf32>
        %shift_right_logical3A_1079 = arith.constant 16 : i32
        %shift_right_logical3A_1080 = vector.broadcast %shift_right_logical3A_1079 : i32 to vector<16xi32>
        %shift_right_logical3A_1081 = arith.shrui %get3A_1074, %shift_right_logical3A_1080 : vector<16xi32>
        %convert_element_type3A_1082 = arith.sitofp %shift_right_logical3A_1081 : vector<16xi32> to vector<16xf32>
        %mul3A_1083 = vector.broadcast %squeeze3A_934 : f32 to vector<16xf32>
        %mul3A_1084 = arith.mulf %convert_element_type3A_1078, %mul3A_1083 : vector<16xf32>
        %add3A_1085 = arith.addf %add3A_925, %mul3A_1084 : vector<16xf32>
        %mul3A_1086 = vector.broadcast %squeeze3A_934 : f32 to vector<16xf32>
        %mul3A_1087 = arith.mulf %convert_element_type3A_1082, %mul3A_1086 : vector<16xf32>
        %add3A_1088 = arith.addf %add3A_928, %mul3A_1087 : vector<16xf32>
        %mul3A_1089 = arith.constant 16 : i32
        %mul3A_1090 = arith.muli %scan3A_429, %mul3A_1089 : i32
        %add3A_1091 = arith.constant 4 : i32
        %add3A_1092 = arith.addi %mul3A_1090, %add3A_1091 : i32
        %slice3A_1093 = vector.extract_strided_slice %get3A_451 {offsets = [4], sizes = [1], strides = [1]} : vector<16xf32> to vector<1xf32>
        %squeeze3A_1094 = vector.extract %slice3A_1093[0] : f32 from vector<1xf32>
        %add3A_1095 = vector.broadcast %squeeze3A_1094 : f32 to vector<16xf32>
        %add3A_1096 = arith.addf %add3A_936, %add3A_1095 : vector<16xf32>
        %get3A_1097 = arith.index_cast %rem3A_89 : i32 to index
        %get3A_1098 = arith.index_cast %add3A_1092 : i32 to index
        %get3A_1099 = arith.constant 0 : index
        %get3A_1100 = tpu.vector_load %arg8[%get3A_1097, %get3A_1098, %get3A_1099] {strides = array<i32>} : memref<5x64x128xi32, #tpu.memory_space<vmem>>, vector<1x1x16xi32>,
        %get3A_1101 = vector.shape_cast %get3A_1100 : vector<1x1x16xi32> to vector<16xi32>
        %and3A_1102 = arith.constant 65535 : i32
        %and3A_1103 = vector.broadcast %and3A_1102 : i32 to vector<16xi32>
        %and3A_1104 = arith.andi %get3A_1101, %and3A_1103 : vector<16xi32>
        %convert_element_type3A_1105 = arith.sitofp %and3A_1104 : vector<16xi32> to vector<16xf32>
        %shift_right_logical3A_1106 = arith.constant 16 : i32
        %shift_right_logical3A_1107 = vector.broadcast %shift_right_logical3A_1106 : i32 to vector<16xi32>
        %shift_right_logical3A_1108 = arith.shrui %get3A_1101, %shift_right_logical3A_1107 : vector<16xi32>
        %convert_element_type3A_1109 = arith.sitofp %shift_right_logical3A_1108 : vector<16xi32> to vector<16xf32>
        %mul3A_1110 = vector.broadcast %squeeze3A_1094 : f32 to vector<16xf32>
        %mul3A_1111 = arith.mulf %convert_element_type3A_1105, %mul3A_1110 : vector<16xf32>
        %add3A_1112 = arith.addf %add3A_952, %mul3A_1111 : vector<16xf32>
        %mul3A_1113 = vector.broadcast %squeeze3A_1094 : f32 to vector<16xf32>
        %mul3A_1114 = arith.mulf %convert_element_type3A_1109, %mul3A_1113 : vector<16xf32>
        %add3A_1115 = arith.addf %add3A_955, %mul3A_1114 : vector<16xf32>
        %get3A_1116 = arith.index_cast %rem3A_89 : i32 to index
        %get3A_1117 = arith.index_cast %add3A_1092 : i32 to index
        %get3A_1118 = arith.constant 16 : index
        %get3A_1119 = tpu.vector_load %arg8[%get3A_1116, %get3A_1117, %get3A_1118] {strides = array<i32>} : memref<5x64x128xi32, #tpu.memory_space<vmem>>, vector<1x1x16xi32>,
        %get3A_1120 = vector.shape_cast %get3A_1119 : vector<1x1x16xi32> to vector<16xi32>
        %and3A_1121 = arith.constant 65535 : i32
        %and3A_1122 = vector.broadcast %and3A_1121 : i32 to vector<16xi32>
        %and3A_1123 = arith.andi %get3A_1120, %and3A_1122 : vector<16xi32>
        %convert_element_type3A_1124 = arith.sitofp %and3A_1123 : vector<16xi32> to vector<16xf32>
        %shift_right_logical3A_1125 = arith.constant 16 : i32
        %shift_right_logical3A_1126 = vector.broadcast %shift_right_logical3A_1125 : i32 to vector<16xi32>
        %shift_right_logical3A_1127 = arith.shrui %get3A_1120, %shift_right_logical3A_1126 : vector<16xi32>
        %convert_element_type3A_1128 = arith.sitofp %shift_right_logical3A_1127 : vector<16xi32> to vector<16xf32>
        %mul3A_1129 = vector.broadcast %squeeze3A_1094 : f32 to vector<16xf32>
        %mul3A_1130 = arith.mulf %convert_element_type3A_1124, %mul3A_1129 : vector<16xf32>
        %add3A_1131 = arith.addf %add3A_971, %mul3A_1130 : vector<16xf32>
        %mul3A_1132 = vector.broadcast %squeeze3A_1094 : f32 to vector<16xf32>
        %mul3A_1133 = arith.mulf %convert_element_type3A_1128, %mul3A_1132 : vector<16xf32>
        %add3A_1134 = arith.addf %add3A_974, %mul3A_1133 : vector<16xf32>
        %get3A_1135 = arith.index_cast %rem3A_89 : i32 to index
        %get3A_1136 = arith.index_cast %add3A_1092 : i32 to index
        %get3A_1137 = arith.constant 32 : index
        %get3A_1138 = tpu.vector_load %arg8[%get3A_1135, %get3A_1136, %get3A_1137] {strides = array<i32>} : memref<5x64x128xi32, #tpu.memory_space<vmem>>, vector<1x1x16xi32>,
        %get3A_1139 = vector.shape_cast %get3A_1138 : vector<1x1x16xi32> to vector<16xi32>
        %and3A_1140 = arith.constant 65535 : i32
        %and3A_1141 = vector.broadcast %and3A_1140 : i32 to vector<16xi32>
        %and3A_1142 = arith.andi %get3A_1139, %and3A_1141 : vector<16xi32>
        %convert_element_type3A_1143 = arith.sitofp %and3A_1142 : vector<16xi32> to vector<16xf32>
        %shift_right_logical3A_1144 = arith.constant 16 : i32
        %shift_right_logical3A_1145 = vector.broadcast %shift_right_logical3A_1144 : i32 to vector<16xi32>
        %shift_right_logical3A_1146 = arith.shrui %get3A_1139, %shift_right_logical3A_1145 : vector<16xi32>
        %convert_element_type3A_1147 = arith.sitofp %shift_right_logical3A_1146 : vector<16xi32> to vector<16xf32>
        %mul3A_1148 = vector.broadcast %squeeze3A_1094 : f32 to vector<16xf32>
        %mul3A_1149 = arith.mulf %convert_element_type3A_1143, %mul3A_1148 : vector<16xf32>
        %add3A_1150 = arith.addf %add3A_990, %mul3A_1149 : vector<16xf32>
        %mul3A_1151 = vector.broadcast %squeeze3A_1094 : f32 to vector<16xf32>
        %mul3A_1152 = arith.mulf %convert_element_type3A_1147, %mul3A_1151 : vector<16xf32>
        %add3A_1153 = arith.addf %add3A_993, %mul3A_1152 : vector<16xf32>
        %get3A_1154 = arith.index_cast %rem3A_89 : i32 to index
        %get3A_1155 = arith.index_cast %add3A_1092 : i32 to index
        %get3A_1156 = arith.constant 48 : index
        %get3A_1157 = tpu.vector_load %arg8[%get3A_1154, %get3A_1155, %get3A_1156] {strides = array<i32>} : memref<5x64x128xi32, #tpu.memory_space<vmem>>, vector<1x1x16xi32>,
        %get3A_1158 = vector.shape_cast %get3A_1157 : vector<1x1x16xi32> to vector<16xi32>
        %and3A_1159 = arith.constant 65535 : i32
        %and3A_1160 = vector.broadcast %and3A_1159 : i32 to vector<16xi32>
        %and3A_1161 = arith.andi %get3A_1158, %and3A_1160 : vector<16xi32>
        %convert_element_type3A_1162 = arith.sitofp %and3A_1161 : vector<16xi32> to vector<16xf32>
        %shift_right_logical3A_1163 = arith.constant 16 : i32
        %shift_right_logical3A_1164 = vector.broadcast %shift_right_logical3A_1163 : i32 to vector<16xi32>
        %shift_right_logical3A_1165 = arith.shrui %get3A_1158, %shift_right_logical3A_1164 : vector<16xi32>
        %convert_element_type3A_1166 = arith.sitofp %shift_right_logical3A_1165 : vector<16xi32> to vector<16xf32>
        %mul3A_1167 = vector.broadcast %squeeze3A_1094 : f32 to vector<16xf32>
        %mul3A_1168 = arith.mulf %convert_element_type3A_1162, %mul3A_1167 : vector<16xf32>
        %add3A_1169 = arith.addf %add3A_1009, %mul3A_1168 : vector<16xf32>
        %mul3A_1170 = vector.broadcast %squeeze3A_1094 : f32 to vector<16xf32>
        %mul3A_1171 = arith.mulf %convert_element_type3A_1166, %mul3A_1170 : vector<16xf32>
        %add3A_1172 = arith.addf %add3A_1012, %mul3A_1171 : vector<16xf32>
        %get3A_1173 = arith.index_cast %rem3A_89 : i32 to index
        %get3A_1174 = arith.index_cast %add3A_1092 : i32 to index
        %get3A_1175 = arith.constant 64 : index
        %get3A_1176 = tpu.vector_load %arg8[%get3A_1173, %get3A_1174, %get3A_1175] {strides = array<i32>} : memref<5x64x128xi32, #tpu.memory_space<vmem>>, vector<1x1x16xi32>,
        %get3A_1177 = vector.shape_cast %get3A_1176 : vector<1x1x16xi32> to vector<16xi32>
        %and3A_1178 = arith.constant 65535 : i32
        %and3A_1179 = vector.broadcast %and3A_1178 : i32 to vector<16xi32>
        %and3A_1180 = arith.andi %get3A_1177, %and3A_1179 : vector<16xi32>
        %convert_element_type3A_1181 = arith.sitofp %and3A_1180 : vector<16xi32> to vector<16xf32>
        %shift_right_logical3A_1182 = arith.constant 16 : i32
        %shift_right_logical3A_1183 = vector.broadcast %shift_right_logical3A_1182 : i32 to vector<16xi32>
        %shift_right_logical3A_1184 = arith.shrui %get3A_1177, %shift_right_logical3A_1183 : vector<16xi32>
        %convert_element_type3A_1185 = arith.sitofp %shift_right_logical3A_1184 : vector<16xi32> to vector<16xf32>
        %mul3A_1186 = vector.broadcast %squeeze3A_1094 : f32 to vector<16xf32>
        %mul3A_1187 = arith.mulf %convert_element_type3A_1181, %mul3A_1186 : vector<16xf32>
        %add3A_1188 = arith.addf %add3A_1028, %mul3A_1187 : vector<16xf32>
        %mul3A_1189 = vector.broadcast %squeeze3A_1094 : f32 to vector<16xf32>
        %mul3A_1190 = arith.mulf %convert_element_type3A_1185, %mul3A_1189 : vector<16xf32>
        %add3A_1191 = arith.addf %add3A_1031, %mul3A_1190 : vector<16xf32>
        %get3A_1192 = arith.index_cast %rem3A_89 : i32 to index
        %get3A_1193 = arith.index_cast %add3A_1092 : i32 to index
        %get3A_1194 = arith.constant 80 : index
        %get3A_1195 = tpu.vector_load %arg8[%get3A_1192, %get3A_1193, %get3A_1194] {strides = array<i32>} : memref<5x64x128xi32, #tpu.memory_space<vmem>>, vector<1x1x16xi32>,
        %get3A_1196 = vector.shape_cast %get3A_1195 : vector<1x1x16xi32> to vector<16xi32>
        %and3A_1197 = arith.constant 65535 : i32
        %and3A_1198 = vector.broadcast %and3A_1197 : i32 to vector<16xi32>
        %and3A_1199 = arith.andi %get3A_1196, %and3A_1198 : vector<16xi32>
        %convert_element_type3A_1200 = arith.sitofp %and3A_1199 : vector<16xi32> to vector<16xf32>
        %shift_right_logical3A_1201 = arith.constant 16 : i32
        %shift_right_logical3A_1202 = vector.broadcast %shift_right_logical3A_1201 : i32 to vector<16xi32>
        %shift_right_logical3A_1203 = arith.shrui %get3A_1196, %shift_right_logical3A_1202 : vector<16xi32>
        %convert_element_type3A_1204 = arith.sitofp %shift_right_logical3A_1203 : vector<16xi32> to vector<16xf32>
        %mul3A_1205 = vector.broadcast %squeeze3A_1094 : f32 to vector<16xf32>
        %mul3A_1206 = arith.mulf %convert_element_type3A_1200, %mul3A_1205 : vector<16xf32>
        %add3A_1207 = arith.addf %add3A_1047, %mul3A_1206 : vector<16xf32>
        %mul3A_1208 = vector.broadcast %squeeze3A_1094 : f32 to vector<16xf32>
        %mul3A_1209 = arith.mulf %convert_element_type3A_1204, %mul3A_1208 : vector<16xf32>
        %add3A_1210 = arith.addf %add3A_1050, %mul3A_1209 : vector<16xf32>
        %get3A_1211 = arith.index_cast %rem3A_89 : i32 to index
        %get3A_1212 = arith.index_cast %add3A_1092 : i32 to index
        %get3A_1213 = arith.constant 96 : index
        %get3A_1214 = tpu.vector_load %arg8[%get3A_1211, %get3A_1212, %get3A_1213] {strides = array<i32>} : memref<5x64x128xi32, #tpu.memory_space<vmem>>, vector<1x1x16xi32>,
        %get3A_1215 = vector.shape_cast %get3A_1214 : vector<1x1x16xi32> to vector<16xi32>
        %and3A_1216 = arith.constant 65535 : i32
        %and3A_1217 = vector.broadcast %and3A_1216 : i32 to vector<16xi32>
        %and3A_1218 = arith.andi %get3A_1215, %and3A_1217 : vector<16xi32>
        %convert_element_type3A_1219 = arith.sitofp %and3A_1218 : vector<16xi32> to vector<16xf32>
        %shift_right_logical3A_1220 = arith.constant 16 : i32
        %shift_right_logical3A_1221 = vector.broadcast %shift_right_logical3A_1220 : i32 to vector<16xi32>
        %shift_right_logical3A_1222 = arith.shrui %get3A_1215, %shift_right_logical3A_1221 : vector<16xi32>
        %convert_element_type3A_1223 = arith.sitofp %shift_right_logical3A_1222 : vector<16xi32> to vector<16xf32>
        %mul3A_1224 = vector.broadcast %squeeze3A_1094 : f32 to vector<16xf32>
        %mul3A_1225 = arith.mulf %convert_element_type3A_1219, %mul3A_1224 : vector<16xf32>
        %add3A_1226 = arith.addf %add3A_1066, %mul3A_1225 : vector<16xf32>
        %mul3A_1227 = vector.broadcast %squeeze3A_1094 : f32 to vector<16xf32>
        %mul3A_1228 = arith.mulf %convert_element_type3A_1223, %mul3A_1227 : vector<16xf32>
        %add3A_1229 = arith.addf %add3A_1069, %mul3A_1228 : vector<16xf32>
        %get3A_1230 = arith.index_cast %rem3A_89 : i32 to index
        %get3A_1231 = arith.index_cast %add3A_1092 : i32 to index
        %get3A_1232 = arith.constant 112 : index
        %get3A_1233 = tpu.vector_load %arg8[%get3A_1230, %get3A_1231, %get3A_1232] {strides = array<i32>} : memref<5x64x128xi32, #tpu.memory_space<vmem>>, vector<1x1x16xi32>,
        %get3A_1234 = vector.shape_cast %get3A_1233 : vector<1x1x16xi32> to vector<16xi32>
        %and3A_1235 = arith.constant 65535 : i32
        %and3A_1236 = vector.broadcast %and3A_1235 : i32 to vector<16xi32>
        %and3A_1237 = arith.andi %get3A_1234, %and3A_1236 : vector<16xi32>
        %convert_element_type3A_1238 = arith.sitofp %and3A_1237 : vector<16xi32> to vector<16xf32>
        %shift_right_logical3A_1239 = arith.constant 16 : i32
        %shift_right_logical3A_1240 = vector.broadcast %shift_right_logical3A_1239 : i32 to vector<16xi32>
        %shift_right_logical3A_1241 = arith.shrui %get3A_1234, %shift_right_logical3A_1240 : vector<16xi32>
        %convert_element_type3A_1242 = arith.sitofp %shift_right_logical3A_1241 : vector<16xi32> to vector<16xf32>
        %mul3A_1243 = vector.broadcast %squeeze3A_1094 : f32 to vector<16xf32>
        %mul3A_1244 = arith.mulf %convert_element_type3A_1238, %mul3A_1243 : vector<16xf32>
        %add3A_1245 = arith.addf %add3A_1085, %mul3A_1244 : vector<16xf32>
        %mul3A_1246 = vector.broadcast %squeeze3A_1094 : f32 to vector<16xf32>
        %mul3A_1247 = arith.mulf %convert_element_type3A_1242, %mul3A_1246 : vector<16xf32>
        %add3A_1248 = arith.addf %add3A_1088, %mul3A_1247 : vector<16xf32>
        %mul3A_1249 = arith.constant 16 : i32
        %mul3A_1250 = arith.muli %scan3A_429, %mul3A_1249 : i32
        %add3A_1251 = arith.constant 5 : i32
        %add3A_1252 = arith.addi %mul3A_1250, %add3A_1251 : i32
        %slice3A_1253 = vector.extract_strided_slice %get3A_451 {offsets = [5], sizes = [1], strides = [1]} : vector<16xf32> to vector<1xf32>
        %squeeze3A_1254 = vector.extract %slice3A_1253[0] : f32 from vector<1xf32>
        %add3A_1255 = vector.broadcast %squeeze3A_1254 : f32 to vector<16xf32>
        %add3A_1256 = arith.addf %add3A_1096, %add3A_1255 : vector<16xf32>
        %get3A_1257 = arith.index_cast %rem3A_89 : i32 to index
        %get3A_1258 = arith.index_cast %add3A_1252 : i32 to index
        %get3A_1259 = arith.constant 0 : index
        %get3A_1260 = tpu.vector_load %arg8[%get3A_1257, %get3A_1258, %get3A_1259] {strides = array<i32>} : memref<5x64x128xi32, #tpu.memory_space<vmem>>, vector<1x1x16xi32>,
        %get3A_1261 = vector.shape_cast %get3A_1260 : vector<1x1x16xi32> to vector<16xi32>
        %and3A_1262 = arith.constant 65535 : i32
        %and3A_1263 = vector.broadcast %and3A_1262 : i32 to vector<16xi32>
        %and3A_1264 = arith.andi %get3A_1261, %and3A_1263 : vector<16xi32>
        %convert_element_type3A_1265 = arith.sitofp %and3A_1264 : vector<16xi32> to vector<16xf32>
        %shift_right_logical3A_1266 = arith.constant 16 : i32
        %shift_right_logical3A_1267 = vector.broadcast %shift_right_logical3A_1266 : i32 to vector<16xi32>
        %shift_right_logical3A_1268 = arith.shrui %get3A_1261, %shift_right_logical3A_1267 : vector<16xi32>
        %convert_element_type3A_1269 = arith.sitofp %shift_right_logical3A_1268 : vector<16xi32> to vector<16xf32>
        %mul3A_1270 = vector.broadcast %squeeze3A_1254 : f32 to vector<16xf32>
        %mul3A_1271 = arith.mulf %convert_element_type3A_1265, %mul3A_1270 : vector<16xf32>
        %add3A_1272 = arith.addf %add3A_1112, %mul3A_1271 : vector<16xf32>
        %mul3A_1273 = vector.broadcast %squeeze3A_1254 : f32 to vector<16xf32>
        %mul3A_1274 = arith.mulf %convert_element_type3A_1269, %mul3A_1273 : vector<16xf32>
        %add3A_1275 = arith.addf %add3A_1115, %mul3A_1274 : vector<16xf32>
        %get3A_1276 = arith.index_cast %rem3A_89 : i32 to index
        %get3A_1277 = arith.index_cast %add3A_1252 : i32 to index
        %get3A_1278 = arith.constant 16 : index
        %get3A_1279 = tpu.vector_load %arg8[%get3A_1276, %get3A_1277, %get3A_1278] {strides = array<i32>} : memref<5x64x128xi32, #tpu.memory_space<vmem>>, vector<1x1x16xi32>,
        %get3A_1280 = vector.shape_cast %get3A_1279 : vector<1x1x16xi32> to vector<16xi32>
        %and3A_1281 = arith.constant 65535 : i32
        %and3A_1282 = vector.broadcast %and3A_1281 : i32 to vector<16xi32>
        %and3A_1283 = arith.andi %get3A_1280, %and3A_1282 : vector<16xi32>
        %convert_element_type3A_1284 = arith.sitofp %and3A_1283 : vector<16xi32> to vector<16xf32>
        %shift_right_logical3A_1285 = arith.constant 16 : i32
        %shift_right_logical3A_1286 = vector.broadcast %shift_right_logical3A_1285 : i32 to vector<16xi32>
        %shift_right_logical3A_1287 = arith.shrui %get3A_1280, %shift_right_logical3A_1286 : vector<16xi32>
        %convert_element_type3A_1288 = arith.sitofp %shift_right_logical3A_1287 : vector<16xi32> to vector<16xf32>
        %mul3A_1289 = vector.broadcast %squeeze3A_1254 : f32 to vector<16xf32>
        %mul3A_1290 = arith.mulf %convert_element_type3A_1284, %mul3A_1289 : vector<16xf32>
        %add3A_1291 = arith.addf %add3A_1131, %mul3A_1290 : vector<16xf32>
        %mul3A_1292 = vector.broadcast %squeeze3A_1254 : f32 to vector<16xf32>
        %mul3A_1293 = arith.mulf %convert_element_type3A_1288, %mul3A_1292 : vector<16xf32>
        %add3A_1294 = arith.addf %add3A_1134, %mul3A_1293 : vector<16xf32>
        %get3A_1295 = arith.index_cast %rem3A_89 : i32 to index
        %get3A_1296 = arith.index_cast %add3A_1252 : i32 to index
        %get3A_1297 = arith.constant 32 : index
        %get3A_1298 = tpu.vector_load %arg8[%get3A_1295, %get3A_1296, %get3A_1297] {strides = array<i32>} : memref<5x64x128xi32, #tpu.memory_space<vmem>>, vector<1x1x16xi32>,
        %get3A_1299 = vector.shape_cast %get3A_1298 : vector<1x1x16xi32> to vector<16xi32>
        %and3A_1300 = arith.constant 65535 : i32
        %and3A_1301 = vector.broadcast %and3A_1300 : i32 to vector<16xi32>
        %and3A_1302 = arith.andi %get3A_1299, %and3A_1301 : vector<16xi32>
        %convert_element_type3A_1303 = arith.sitofp %and3A_1302 : vector<16xi32> to vector<16xf32>
        %shift_right_logical3A_1304 = arith.constant 16 : i32
        %shift_right_logical3A_1305 = vector.broadcast %shift_right_logical3A_1304 : i32 to vector<16xi32>
        %shift_right_logical3A_1306 = arith.shrui %get3A_1299, %shift_right_logical3A_1305 : vector<16xi32>
        %convert_element_type3A_1307 = arith.sitofp %shift_right_logical3A_1306 : vector<16xi32> to vector<16xf32>
        %mul3A_1308 = vector.broadcast %squeeze3A_1254 : f32 to vector<16xf32>
        %mul3A_1309 = arith.mulf %convert_element_type3A_1303, %mul3A_1308 : vector<16xf32>
        %add3A_1310 = arith.addf %add3A_1150, %mul3A_1309 : vector<16xf32>
        %mul3A_1311 = vector.broadcast %squeeze3A_1254 : f32 to vector<16xf32>
        %mul3A_1312 = arith.mulf %convert_element_type3A_1307, %mul3A_1311 : vector<16xf32>
        %add3A_1313 = arith.addf %add3A_1153, %mul3A_1312 : vector<16xf32>
        %get3A_1314 = arith.index_cast %rem3A_89 : i32 to index
        %get3A_1315 = arith.index_cast %add3A_1252 : i32 to index
        %get3A_1316 = arith.constant 48 : index
        %get3A_1317 = tpu.vector_load %arg8[%get3A_1314, %get3A_1315, %get3A_1316] {strides = array<i32>} : memref<5x64x128xi32, #tpu.memory_space<vmem>>, vector<1x1x16xi32>,
        %get3A_1318 = vector.shape_cast %get3A_1317 : vector<1x1x16xi32> to vector<16xi32>
        %and3A_1319 = arith.constant 65535 : i32
        %and3A_1320 = vector.broadcast %and3A_1319 : i32 to vector<16xi32>
        %and3A_1321 = arith.andi %get3A_1318, %and3A_1320 : vector<16xi32>
        %convert_element_type3A_1322 = arith.sitofp %and3A_1321 : vector<16xi32> to vector<16xf32>
        %shift_right_logical3A_1323 = arith.constant 16 : i32
        %shift_right_logical3A_1324 = vector.broadcast %shift_right_logical3A_1323 : i32 to vector<16xi32>
        %shift_right_logical3A_1325 = arith.shrui %get3A_1318, %shift_right_logical3A_1324 : vector<16xi32>
        %convert_element_type3A_1326 = arith.sitofp %shift_right_logical3A_1325 : vector<16xi32> to vector<16xf32>
        %mul3A_1327 = vector.broadcast %squeeze3A_1254 : f32 to vector<16xf32>
        %mul3A_1328 = arith.mulf %convert_element_type3A_1322, %mul3A_1327 : vector<16xf32>
        %add3A_1329 = arith.addf %add3A_1169, %mul3A_1328 : vector<16xf32>
        %mul3A_1330 = vector.broadcast %squeeze3A_1254 : f32 to vector<16xf32>
        %mul3A_1331 = arith.mulf %convert_element_type3A_1326, %mul3A_1330 : vector<16xf32>
        %add3A_1332 = arith.addf %add3A_1172, %mul3A_1331 : vector<16xf32>
        %get3A_1333 = arith.index_cast %rem3A_89 : i32 to index
        %get3A_1334 = arith.index_cast %add3A_1252 : i32 to index
        %get3A_1335 = arith.constant 64 : index
        %get3A_1336 = tpu.vector_load %arg8[%get3A_1333, %get3A_1334, %get3A_1335] {strides = array<i32>} : memref<5x64x128xi32, #tpu.memory_space<vmem>>, vector<1x1x16xi32>,
        %get3A_1337 = vector.shape_cast %get3A_1336 : vector<1x1x16xi32> to vector<16xi32>
        %and3A_1338 = arith.constant 65535 : i32
        %and3A_1339 = vector.broadcast %and3A_1338 : i32 to vector<16xi32>
        %and3A_1340 = arith.andi %get3A_1337, %and3A_1339 : vector<16xi32>
        %convert_element_type3A_1341 = arith.sitofp %and3A_1340 : vector<16xi32> to vector<16xf32>
        %shift_right_logical3A_1342 = arith.constant 16 : i32
        %shift_right_logical3A_1343 = vector.broadcast %shift_right_logical3A_1342 : i32 to vector<16xi32>
        %shift_right_logical3A_1344 = arith.shrui %get3A_1337, %shift_right_logical3A_1343 : vector<16xi32>
        %convert_element_type3A_1345 = arith.sitofp %shift_right_logical3A_1344 : vector<16xi32> to vector<16xf32>
        %mul3A_1346 = vector.broadcast %squeeze3A_1254 : f32 to vector<16xf32>
        %mul3A_1347 = arith.mulf %convert_element_type3A_1341, %mul3A_1346 : vector<16xf32>
        %add3A_1348 = arith.addf %add3A_1188, %mul3A_1347 : vector<16xf32>
        %mul3A_1349 = vector.broadcast %squeeze3A_1254 : f32 to vector<16xf32>
        %mul3A_1350 = arith.mulf %convert_element_type3A_1345, %mul3A_1349 : vector<16xf32>
        %add3A_1351 = arith.addf %add3A_1191, %mul3A_1350 : vector<16xf32>
        %get3A_1352 = arith.index_cast %rem3A_89 : i32 to index
        %get3A_1353 = arith.index_cast %add3A_1252 : i32 to index
        %get3A_1354 = arith.constant 80 : index
        %get3A_1355 = tpu.vector_load %arg8[%get3A_1352, %get3A_1353, %get3A_1354] {strides = array<i32>} : memref<5x64x128xi32, #tpu.memory_space<vmem>>, vector<1x1x16xi32>,
        %get3A_1356 = vector.shape_cast %get3A_1355 : vector<1x1x16xi32> to vector<16xi32>
        %and3A_1357 = arith.constant 65535 : i32
        %and3A_1358 = vector.broadcast %and3A_1357 : i32 to vector<16xi32>
        %and3A_1359 = arith.andi %get3A_1356, %and3A_1358 : vector<16xi32>
        %convert_element_type3A_1360 = arith.sitofp %and3A_1359 : vector<16xi32> to vector<16xf32>
        %shift_right_logical3A_1361 = arith.constant 16 : i32
        %shift_right_logical3A_1362 = vector.broadcast %shift_right_logical3A_1361 : i32 to vector<16xi32>
        %shift_right_logical3A_1363 = arith.shrui %get3A_1356, %shift_right_logical3A_1362 : vector<16xi32>
        %convert_element_type3A_1364 = arith.sitofp %shift_right_logical3A_1363 : vector<16xi32> to vector<16xf32>
        %mul3A_1365 = vector.broadcast %squeeze3A_1254 : f32 to vector<16xf32>
        %mul3A_1366 = arith.mulf %convert_element_type3A_1360, %mul3A_1365 : vector<16xf32>
        %add3A_1367 = arith.addf %add3A_1207, %mul3A_1366 : vector<16xf32>
        %mul3A_1368 = vector.broadcast %squeeze3A_1254 : f32 to vector<16xf32>
        %mul3A_1369 = arith.mulf %convert_element_type3A_1364, %mul3A_1368 : vector<16xf32>
        %add3A_1370 = arith.addf %add3A_1210, %mul3A_1369 : vector<16xf32>
        %get3A_1371 = arith.index_cast %rem3A_89 : i32 to index
        %get3A_1372 = arith.index_cast %add3A_1252 : i32 to index
        %get3A_1373 = arith.constant 96 : index
        %get3A_1374 = tpu.vector_load %arg8[%get3A_1371, %get3A_1372, %get3A_1373] {strides = array<i32>} : memref<5x64x128xi32, #tpu.memory_space<vmem>>, vector<1x1x16xi32>,
        %get3A_1375 = vector.shape_cast %get3A_1374 : vector<1x1x16xi32> to vector<16xi32>
        %and3A_1376 = arith.constant 65535 : i32
        %and3A_1377 = vector.broadcast %and3A_1376 : i32 to vector<16xi32>
        %and3A_1378 = arith.andi %get3A_1375, %and3A_1377 : vector<16xi32>
        %convert_element_type3A_1379 = arith.sitofp %and3A_1378 : vector<16xi32> to vector<16xf32>
        %shift_right_logical3A_1380 = arith.constant 16 : i32
        %shift_right_logical3A_1381 = vector.broadcast %shift_right_logical3A_1380 : i32 to vector<16xi32>
        %shift_right_logical3A_1382 = arith.shrui %get3A_1375, %shift_right_logical3A_1381 : vector<16xi32>
        %convert_element_type3A_1383 = arith.sitofp %shift_right_logical3A_1382 : vector<16xi32> to vector<16xf32>
        %mul3A_1384 = vector.broadcast %squeeze3A_1254 : f32 to vector<16xf32>
        %mul3A_1385 = arith.mulf %convert_element_type3A_1379, %mul3A_1384 : vector<16xf32>
        %add3A_1386 = arith.addf %add3A_1226, %mul3A_1385 : vector<16xf32>
        %mul3A_1387 = vector.broadcast %squeeze3A_1254 : f32 to vector<16xf32>
        %mul3A_1388 = arith.mulf %convert_element_type3A_1383, %mul3A_1387 : vector<16xf32>
        %add3A_1389 = arith.addf %add3A_1229, %mul3A_1388 : vector<16xf32>
        %get3A_1390 = arith.index_cast %rem3A_89 : i32 to index
        %get3A_1391 = arith.index_cast %add3A_1252 : i32 to index
        %get3A_1392 = arith.constant 112 : index
        %get3A_1393 = tpu.vector_load %arg8[%get3A_1390, %get3A_1391, %get3A_1392] {strides = array<i32>} : memref<5x64x128xi32, #tpu.memory_space<vmem>>, vector<1x1x16xi32>,
        %get3A_1394 = vector.shape_cast %get3A_1393 : vector<1x1x16xi32> to vector<16xi32>
        %and3A_1395 = arith.constant 65535 : i32
        %and3A_1396 = vector.broadcast %and3A_1395 : i32 to vector<16xi32>
        %and3A_1397 = arith.andi %get3A_1394, %and3A_1396 : vector<16xi32>
        %convert_element_type3A_1398 = arith.sitofp %and3A_1397 : vector<16xi32> to vector<16xf32>
        %shift_right_logical3A_1399 = arith.constant 16 : i32
        %shift_right_logical3A_1400 = vector.broadcast %shift_right_logical3A_1399 : i32 to vector<16xi32>
        %shift_right_logical3A_1401 = arith.shrui %get3A_1394, %shift_right_logical3A_1400 : vector<16xi32>
        %convert_element_type3A_1402 = arith.sitofp %shift_right_logical3A_1401 : vector<16xi32> to vector<16xf32>
        %mul3A_1403 = vector.broadcast %squeeze3A_1254 : f32 to vector<16xf32>
        %mul3A_1404 = arith.mulf %convert_element_type3A_1398, %mul3A_1403 : vector<16xf32>
        %add3A_1405 = arith.addf %add3A_1245, %mul3A_1404 : vector<16xf32>
        %mul3A_1406 = vector.broadcast %squeeze3A_1254 : f32 to vector<16xf32>
        %mul3A_1407 = arith.mulf %convert_element_type3A_1402, %mul3A_1406 : vector<16xf32>
        %add3A_1408 = arith.addf %add3A_1248, %mul3A_1407 : vector<16xf32>
        %mul3A_1409 = arith.constant 16 : i32
        %mul3A_1410 = arith.muli %scan3A_429, %mul3A_1409 : i32
        %add3A_1411 = arith.constant 6 : i32
        %add3A_1412 = arith.addi %mul3A_1410, %add3A_1411 : i32
        %slice3A_1413 = vector.extract_strided_slice %get3A_451 {offsets = [6], sizes = [1], strides = [1]} : vector<16xf32> to vector<1xf32>
        %squeeze3A_1414 = vector.extract %slice3A_1413[0] : f32 from vector<1xf32>
        %add3A_1415 = vector.broadcast %squeeze3A_1414 : f32 to vector<16xf32>
        %add3A_1416 = arith.addf %add3A_1256, %add3A_1415 : vector<16xf32>
        %get3A_1417 = arith.index_cast %rem3A_89 : i32 to index
        %get3A_1418 = arith.index_cast %add3A_1412 : i32 to index
        %get3A_1419 = arith.constant 0 : index
        %get3A_1420 = tpu.vector_load %arg8[%get3A_1417, %get3A_1418, %get3A_1419] {strides = array<i32>} : memref<5x64x128xi32, #tpu.memory_space<vmem>>, vector<1x1x16xi32>,
        %get3A_1421 = vector.shape_cast %get3A_1420 : vector<1x1x16xi32> to vector<16xi32>
        %and3A_1422 = arith.constant 65535 : i32
        %and3A_1423 = vector.broadcast %and3A_1422 : i32 to vector<16xi32>
        %and3A_1424 = arith.andi %get3A_1421, %and3A_1423 : vector<16xi32>
        %convert_element_type3A_1425 = arith.sitofp %and3A_1424 : vector<16xi32> to vector<16xf32>
        %shift_right_logical3A_1426 = arith.constant 16 : i32
        %shift_right_logical3A_1427 = vector.broadcast %shift_right_logical3A_1426 : i32 to vector<16xi32>
        %shift_right_logical3A_1428 = arith.shrui %get3A_1421, %shift_right_logical3A_1427 : vector<16xi32>
        %convert_element_type3A_1429 = arith.sitofp %shift_right_logical3A_1428 : vector<16xi32> to vector<16xf32>
        %mul3A_1430 = vector.broadcast %squeeze3A_1414 : f32 to vector<16xf32>
        %mul3A_1431 = arith.mulf %convert_element_type3A_1425, %mul3A_1430 : vector<16xf32>
        %add3A_1432 = arith.addf %add3A_1272, %mul3A_1431 : vector<16xf32>
        %mul3A_1433 = vector.broadcast %squeeze3A_1414 : f32 to vector<16xf32>
        %mul3A_1434 = arith.mulf %convert_element_type3A_1429, %mul3A_1433 : vector<16xf32>
        %add3A_1435 = arith.addf %add3A_1275, %mul3A_1434 : vector<16xf32>
        %get3A_1436 = arith.index_cast %rem3A_89 : i32 to index
        %get3A_1437 = arith.index_cast %add3A_1412 : i32 to index
        %get3A_1438 = arith.constant 16 : index
        %get3A_1439 = tpu.vector_load %arg8[%get3A_1436, %get3A_1437, %get3A_1438] {strides = array<i32>} : memref<5x64x128xi32, #tpu.memory_space<vmem>>, vector<1x1x16xi32>,
        %get3A_1440 = vector.shape_cast %get3A_1439 : vector<1x1x16xi32> to vector<16xi32>
        %and3A_1441 = arith.constant 65535 : i32
        %and3A_1442 = vector.broadcast %and3A_1441 : i32 to vector<16xi32>
        %and3A_1443 = arith.andi %get3A_1440, %and3A_1442 : vector<16xi32>
        %convert_element_type3A_1444 = arith.sitofp %and3A_1443 : vector<16xi32> to vector<16xf32>
        %shift_right_logical3A_1445 = arith.constant 16 : i32
        %shift_right_logical3A_1446 = vector.broadcast %shift_right_logical3A_1445 : i32 to vector<16xi32>
        %shift_right_logical3A_1447 = arith.shrui %get3A_1440, %shift_right_logical3A_1446 : vector<16xi32>
        %convert_element_type3A_1448 = arith.sitofp %shift_right_logical3A_1447 : vector<16xi32> to vector<16xf32>
        %mul3A_1449 = vector.broadcast %squeeze3A_1414 : f32 to vector<16xf32>
        %mul3A_1450 = arith.mulf %convert_element_type3A_1444, %mul3A_1449 : vector<16xf32>
        %add3A_1451 = arith.addf %add3A_1291, %mul3A_1450 : vector<16xf32>
        %mul3A_1452 = vector.broadcast %squeeze3A_1414 : f32 to vector<16xf32>
        %mul3A_1453 = arith.mulf %convert_element_type3A_1448, %mul3A_1452 : vector<16xf32>
        %add3A_1454 = arith.addf %add3A_1294, %mul3A_1453 : vector<16xf32>
        %get3A_1455 = arith.index_cast %rem3A_89 : i32 to index
        %get3A_1456 = arith.index_cast %add3A_1412 : i32 to index
        %get3A_1457 = arith.constant 32 : index
        %get3A_1458 = tpu.vector_load %arg8[%get3A_1455, %get3A_1456, %get3A_1457] {strides = array<i32>} : memref<5x64x128xi32, #tpu.memory_space<vmem>>, vector<1x1x16xi32>,
        %get3A_1459 = vector.shape_cast %get3A_1458 : vector<1x1x16xi32> to vector<16xi32>
        %and3A_1460 = arith.constant 65535 : i32
        %and3A_1461 = vector.broadcast %and3A_1460 : i32 to vector<16xi32>
        %and3A_1462 = arith.andi %get3A_1459, %and3A_1461 : vector<16xi32>
        %convert_element_type3A_1463 = arith.sitofp %and3A_1462 : vector<16xi32> to vector<16xf32>
        %shift_right_logical3A_1464 = arith.constant 16 : i32
        %shift_right_logical3A_1465 = vector.broadcast %shift_right_logical3A_1464 : i32 to vector<16xi32>
        %shift_right_logical3A_1466 = arith.shrui %get3A_1459, %shift_right_logical3A_1465 : vector<16xi32>
        %convert_element_type3A_1467 = arith.sitofp %shift_right_logical3A_1466 : vector<16xi32> to vector<16xf32>
        %mul3A_1468 = vector.broadcast %squeeze3A_1414 : f32 to vector<16xf32>
        %mul3A_1469 = arith.mulf %convert_element_type3A_1463, %mul3A_1468 : vector<16xf32>
        %add3A_1470 = arith.addf %add3A_1310, %mul3A_1469 : vector<16xf32>
        %mul3A_1471 = vector.broadcast %squeeze3A_1414 : f32 to vector<16xf32>
        %mul3A_1472 = arith.mulf %convert_element_type3A_1467, %mul3A_1471 : vector<16xf32>
        %add3A_1473 = arith.addf %add3A_1313, %mul3A_1472 : vector<16xf32>
        %get3A_1474 = arith.index_cast %rem3A_89 : i32 to index
        %get3A_1475 = arith.index_cast %add3A_1412 : i32 to index
        %get3A_1476 = arith.constant 48 : index
        %get3A_1477 = tpu.vector_load %arg8[%get3A_1474, %get3A_1475, %get3A_1476] {strides = array<i32>} : memref<5x64x128xi32, #tpu.memory_space<vmem>>, vector<1x1x16xi32>,
        %get3A_1478 = vector.shape_cast %get3A_1477 : vector<1x1x16xi32> to vector<16xi32>
        %and3A_1479 = arith.constant 65535 : i32
        %and3A_1480 = vector.broadcast %and3A_1479 : i32 to vector<16xi32>
        %and3A_1481 = arith.andi %get3A_1478, %and3A_1480 : vector<16xi32>
        %convert_element_type3A_1482 = arith.sitofp %and3A_1481 : vector<16xi32> to vector<16xf32>
        %shift_right_logical3A_1483 = arith.constant 16 : i32
        %shift_right_logical3A_1484 = vector.broadcast %shift_right_logical3A_1483 : i32 to vector<16xi32>
        %shift_right_logical3A_1485 = arith.shrui %get3A_1478, %shift_right_logical3A_1484 : vector<16xi32>
        %convert_element_type3A_1486 = arith.sitofp %shift_right_logical3A_1485 : vector<16xi32> to vector<16xf32>
        %mul3A_1487 = vector.broadcast %squeeze3A_1414 : f32 to vector<16xf32>
        %mul3A_1488 = arith.mulf %convert_element_type3A_1482, %mul3A_1487 : vector<16xf32>
        %add3A_1489 = arith.addf %add3A_1329, %mul3A_1488 : vector<16xf32>
        %mul3A_1490 = vector.broadcast %squeeze3A_1414 : f32 to vector<16xf32>
        %mul3A_1491 = arith.mulf %convert_element_type3A_1486, %mul3A_1490 : vector<16xf32>
        %add3A_1492 = arith.addf %add3A_1332, %mul3A_1491 : vector<16xf32>
        %get3A_1493 = arith.index_cast %rem3A_89 : i32 to index
        %get3A_1494 = arith.index_cast %add3A_1412 : i32 to index
        %get3A_1495 = arith.constant 64 : index
        %get3A_1496 = tpu.vector_load %arg8[%get3A_1493, %get3A_1494, %get3A_1495] {strides = array<i32>} : memref<5x64x128xi32, #tpu.memory_space<vmem>>, vector<1x1x16xi32>,
        %get3A_1497 = vector.shape_cast %get3A_1496 : vector<1x1x16xi32> to vector<16xi32>
        %and3A_1498 = arith.constant 65535 : i32
        %and3A_1499 = vector.broadcast %and3A_1498 : i32 to vector<16xi32>
        %and3A_1500 = arith.andi %get3A_1497, %and3A_1499 : vector<16xi32>
        %convert_element_type3A_1501 = arith.sitofp %and3A_1500 : vector<16xi32> to vector<16xf32>
        %shift_right_logical3A_1502 = arith.constant 16 : i32
        %shift_right_logical3A_1503 = vector.broadcast %shift_right_logical3A_1502 : i32 to vector<16xi32>
        %shift_right_logical3A_1504 = arith.shrui %get3A_1497, %shift_right_logical3A_1503 : vector<16xi32>
        %convert_element_type3A_1505 = arith.sitofp %shift_right_logical3A_1504 : vector<16xi32> to vector<16xf32>
        %mul3A_1506 = vector.broadcast %squeeze3A_1414 : f32 to vector<16xf32>
        %mul3A_1507 = arith.mulf %convert_element_type3A_1501, %mul3A_1506 : vector<16xf32>
        %add3A_1508 = arith.addf %add3A_1348, %mul3A_1507 : vector<16xf32>
        %mul3A_1509 = vector.broadcast %squeeze3A_1414 : f32 to vector<16xf32>
        %mul3A_1510 = arith.mulf %convert_element_type3A_1505, %mul3A_1509 : vector<16xf32>
        %add3A_1511 = arith.addf %add3A_1351, %mul3A_1510 : vector<16xf32>
        %get3A_1512 = arith.index_cast %rem3A_89 : i32 to index
        %get3A_1513 = arith.index_cast %add3A_1412 : i32 to index
        %get3A_1514 = arith.constant 80 : index
        %get3A_1515 = tpu.vector_load %arg8[%get3A_1512, %get3A_1513, %get3A_1514] {strides = array<i32>} : memref<5x64x128xi32, #tpu.memory_space<vmem>>, vector<1x1x16xi32>,
        %get3A_1516 = vector.shape_cast %get3A_1515 : vector<1x1x16xi32> to vector<16xi32>
        %and3A_1517 = arith.constant 65535 : i32
        %and3A_1518 = vector.broadcast %and3A_1517 : i32 to vector<16xi32>
        %and3A_1519 = arith.andi %get3A_1516, %and3A_1518 : vector<16xi32>
        %convert_element_type3A_1520 = arith.sitofp %and3A_1519 : vector<16xi32> to vector<16xf32>
        %shift_right_logical3A_1521 = arith.constant 16 : i32
        %shift_right_logical3A_1522 = vector.broadcast %shift_right_logical3A_1521 : i32 to vector<16xi32>
        %shift_right_logical3A_1523 = arith.shrui %get3A_1516, %shift_right_logical3A_1522 : vector<16xi32>
        %convert_element_type3A_1524 = arith.sitofp %shift_right_logical3A_1523 : vector<16xi32> to vector<16xf32>
        %mul3A_1525 = vector.broadcast %squeeze3A_1414 : f32 to vector<16xf32>
        %mul3A_1526 = arith.mulf %convert_element_type3A_1520, %mul3A_1525 : vector<16xf32>
        %add3A_1527 = arith.addf %add3A_1367, %mul3A_1526 : vector<16xf32>
        %mul3A_1528 = vector.broadcast %squeeze3A_1414 : f32 to vector<16xf32>
        %mul3A_1529 = arith.mulf %convert_element_type3A_1524, %mul3A_1528 : vector<16xf32>
        %add3A_1530 = arith.addf %add3A_1370, %mul3A_1529 : vector<16xf32>
        %get3A_1531 = arith.index_cast %rem3A_89 : i32 to index
        %get3A_1532 = arith.index_cast %add3A_1412 : i32 to index
        %get3A_1533 = arith.constant 96 : index
        %get3A_1534 = tpu.vector_load %arg8[%get3A_1531, %get3A_1532, %get3A_1533] {strides = array<i32>} : memref<5x64x128xi32, #tpu.memory_space<vmem>>, vector<1x1x16xi32>,
        %get3A_1535 = vector.shape_cast %get3A_1534 : vector<1x1x16xi32> to vector<16xi32>
        %and3A_1536 = arith.constant 65535 : i32
        %and3A_1537 = vector.broadcast %and3A_1536 : i32 to vector<16xi32>
        %and3A_1538 = arith.andi %get3A_1535, %and3A_1537 : vector<16xi32>
        %convert_element_type3A_1539 = arith.sitofp %and3A_1538 : vector<16xi32> to vector<16xf32>
        %shift_right_logical3A_1540 = arith.constant 16 : i32
        %shift_right_logical3A_1541 = vector.broadcast %shift_right_logical3A_1540 : i32 to vector<16xi32>
        %shift_right_logical3A_1542 = arith.shrui %get3A_1535, %shift_right_logical3A_1541 : vector<16xi32>
        %convert_element_type3A_1543 = arith.sitofp %shift_right_logical3A_1542 : vector<16xi32> to vector<16xf32>
        %mul3A_1544 = vector.broadcast %squeeze3A_1414 : f32 to vector<16xf32>
        %mul3A_1545 = arith.mulf %convert_element_type3A_1539, %mul3A_1544 : vector<16xf32>
        %add3A_1546 = arith.addf %add3A_1386, %mul3A_1545 : vector<16xf32>
        %mul3A_1547 = vector.broadcast %squeeze3A_1414 : f32 to vector<16xf32>
        %mul3A_1548 = arith.mulf %convert_element_type3A_1543, %mul3A_1547 : vector<16xf32>
        %add3A_1549 = arith.addf %add3A_1389, %mul3A_1548 : vector<16xf32>
        %get3A_1550 = arith.index_cast %rem3A_89 : i32 to index
        %get3A_1551 = arith.index_cast %add3A_1412 : i32 to index
        %get3A_1552 = arith.constant 112 : index
        %get3A_1553 = tpu.vector_load %arg8[%get3A_1550, %get3A_1551, %get3A_1552] {strides = array<i32>} : memref<5x64x128xi32, #tpu.memory_space<vmem>>, vector<1x1x16xi32>,
        %get3A_1554 = vector.shape_cast %get3A_1553 : vector<1x1x16xi32> to vector<16xi32>
        %and3A_1555 = arith.constant 65535 : i32
        %and3A_1556 = vector.broadcast %and3A_1555 : i32 to vector<16xi32>
        %and3A_1557 = arith.andi %get3A_1554, %and3A_1556 : vector<16xi32>
        %convert_element_type3A_1558 = arith.sitofp %and3A_1557 : vector<16xi32> to vector<16xf32>
        %shift_right_logical3A_1559 = arith.constant 16 : i32
        %shift_right_logical3A_1560 = vector.broadcast %shift_right_logical3A_1559 : i32 to vector<16xi32>
        %shift_right_logical3A_1561 = arith.shrui %get3A_1554, %shift_right_logical3A_1560 : vector<16xi32>
        %convert_element_type3A_1562 = arith.sitofp %shift_right_logical3A_1561 : vector<16xi32> to vector<16xf32>
        %mul3A_1563 = vector.broadcast %squeeze3A_1414 : f32 to vector<16xf32>
        %mul3A_1564 = arith.mulf %convert_element_type3A_1558, %mul3A_1563 : vector<16xf32>
        %add3A_1565 = arith.addf %add3A_1405, %mul3A_1564 : vector<16xf32>
        %mul3A_1566 = vector.broadcast %squeeze3A_1414 : f32 to vector<16xf32>
        %mul3A_1567 = arith.mulf %convert_element_type3A_1562, %mul3A_1566 : vector<16xf32>
        %add3A_1568 = arith.addf %add3A_1408, %mul3A_1567 : vector<16xf32>
        %mul3A_1569 = arith.constant 16 : i32
        %mul3A_1570 = arith.muli %scan3A_429, %mul3A_1569 : i32
        %add3A_1571 = arith.constant 7 : i32
        %add3A_1572 = arith.addi %mul3A_1570, %add3A_1571 : i32
        %slice3A_1573 = vector.extract_strided_slice %get3A_451 {offsets = [7], sizes = [1], strides = [1]} : vector<16xf32> to vector<1xf32>
        %squeeze3A_1574 = vector.extract %slice3A_1573[0] : f32 from vector<1xf32>
        %add3A_1575 = vector.broadcast %squeeze3A_1574 : f32 to vector<16xf32>
        %add3A_1576 = arith.addf %add3A_1416, %add3A_1575 : vector<16xf32>
        %get3A_1577 = arith.index_cast %rem3A_89 : i32 to index
        %get3A_1578 = arith.index_cast %add3A_1572 : i32 to index
        %get3A_1579 = arith.constant 0 : index
        %get3A_1580 = tpu.vector_load %arg8[%get3A_1577, %get3A_1578, %get3A_1579] {strides = array<i32>} : memref<5x64x128xi32, #tpu.memory_space<vmem>>, vector<1x1x16xi32>,
        %get3A_1581 = vector.shape_cast %get3A_1580 : vector<1x1x16xi32> to vector<16xi32>
        %and3A_1582 = arith.constant 65535 : i32
        %and3A_1583 = vector.broadcast %and3A_1582 : i32 to vector<16xi32>
        %and3A_1584 = arith.andi %get3A_1581, %and3A_1583 : vector<16xi32>
        %convert_element_type3A_1585 = arith.sitofp %and3A_1584 : vector<16xi32> to vector<16xf32>
        %shift_right_logical3A_1586 = arith.constant 16 : i32
        %shift_right_logical3A_1587 = vector.broadcast %shift_right_logical3A_1586 : i32 to vector<16xi32>
        %shift_right_logical3A_1588 = arith.shrui %get3A_1581, %shift_right_logical3A_1587 : vector<16xi32>
        %convert_element_type3A_1589 = arith.sitofp %shift_right_logical3A_1588 : vector<16xi32> to vector<16xf32>
        %mul3A_1590 = vector.broadcast %squeeze3A_1574 : f32 to vector<16xf32>
        %mul3A_1591 = arith.mulf %convert_element_type3A_1585, %mul3A_1590 : vector<16xf32>
        %add3A_1592 = arith.addf %add3A_1432, %mul3A_1591 : vector<16xf32>
        %mul3A_1593 = vector.broadcast %squeeze3A_1574 : f32 to vector<16xf32>
        %mul3A_1594 = arith.mulf %convert_element_type3A_1589, %mul3A_1593 : vector<16xf32>
        %add3A_1595 = arith.addf %add3A_1435, %mul3A_1594 : vector<16xf32>
        %get3A_1596 = arith.index_cast %rem3A_89 : i32 to index
        %get3A_1597 = arith.index_cast %add3A_1572 : i32 to index
        %get3A_1598 = arith.constant 16 : index
        %get3A_1599 = tpu.vector_load %arg8[%get3A_1596, %get3A_1597, %get3A_1598] {strides = array<i32>} : memref<5x64x128xi32, #tpu.memory_space<vmem>>, vector<1x1x16xi32>,
        %get3A_1600 = vector.shape_cast %get3A_1599 : vector<1x1x16xi32> to vector<16xi32>
        %and3A_1601 = arith.constant 65535 : i32
        %and3A_1602 = vector.broadcast %and3A_1601 : i32 to vector<16xi32>
        %and3A_1603 = arith.andi %get3A_1600, %and3A_1602 : vector<16xi32>
        %convert_element_type3A_1604 = arith.sitofp %and3A_1603 : vector<16xi32> to vector<16xf32>
        %shift_right_logical3A_1605 = arith.constant 16 : i32
        %shift_right_logical3A_1606 = vector.broadcast %shift_right_logical3A_1605 : i32 to vector<16xi32>
        %shift_right_logical3A_1607 = arith.shrui %get3A_1600, %shift_right_logical3A_1606 : vector<16xi32>
        %convert_element_type3A_1608 = arith.sitofp %shift_right_logical3A_1607 : vector<16xi32> to vector<16xf32>
        %mul3A_1609 = vector.broadcast %squeeze3A_1574 : f32 to vector<16xf32>
        %mul3A_1610 = arith.mulf %convert_element_type3A_1604, %mul3A_1609 : vector<16xf32>
        %add3A_1611 = arith.addf %add3A_1451, %mul3A_1610 : vector<16xf32>
        %mul3A_1612 = vector.broadcast %squeeze3A_1574 : f32 to vector<16xf32>
        %mul3A_1613 = arith.mulf %convert_element_type3A_1608, %mul3A_1612 : vector<16xf32>
        %add3A_1614 = arith.addf %add3A_1454, %mul3A_1613 : vector<16xf32>
        %get3A_1615 = arith.index_cast %rem3A_89 : i32 to index
        %get3A_1616 = arith.index_cast %add3A_1572 : i32 to index
        %get3A_1617 = arith.constant 32 : index
        %get3A_1618 = tpu.vector_load %arg8[%get3A_1615, %get3A_1616, %get3A_1617] {strides = array<i32>} : memref<5x64x128xi32, #tpu.memory_space<vmem>>, vector<1x1x16xi32>,
        %get3A_1619 = vector.shape_cast %get3A_1618 : vector<1x1x16xi32> to vector<16xi32>
        %and3A_1620 = arith.constant 65535 : i32
        %and3A_1621 = vector.broadcast %and3A_1620 : i32 to vector<16xi32>
        %and3A_1622 = arith.andi %get3A_1619, %and3A_1621 : vector<16xi32>
        %convert_element_type3A_1623 = arith.sitofp %and3A_1622 : vector<16xi32> to vector<16xf32>
        %shift_right_logical3A_1624 = arith.constant 16 : i32
        %shift_right_logical3A_1625 = vector.broadcast %shift_right_logical3A_1624 : i32 to vector<16xi32>
        %shift_right_logical3A_1626 = arith.shrui %get3A_1619, %shift_right_logical3A_1625 : vector<16xi32>
        %convert_element_type3A_1627 = arith.sitofp %shift_right_logical3A_1626 : vector<16xi32> to vector<16xf32>
        %mul3A_1628 = vector.broadcast %squeeze3A_1574 : f32 to vector<16xf32>
        %mul3A_1629 = arith.mulf %convert_element_type3A_1623, %mul3A_1628 : vector<16xf32>
        %add3A_1630 = arith.addf %add3A_1470, %mul3A_1629 : vector<16xf32>
        %mul3A_1631 = vector.broadcast %squeeze3A_1574 : f32 to vector<16xf32>
        %mul3A_1632 = arith.mulf %convert_element_type3A_1627, %mul3A_1631 : vector<16xf32>
        %add3A_1633 = arith.addf %add3A_1473, %mul3A_1632 : vector<16xf32>
        %get3A_1634 = arith.index_cast %rem3A_89 : i32 to index
        %get3A_1635 = arith.index_cast %add3A_1572 : i32 to index
        %get3A_1636 = arith.constant 48 : index
        %get3A_1637 = tpu.vector_load %arg8[%get3A_1634, %get3A_1635, %get3A_1636] {strides = array<i32>} : memref<5x64x128xi32, #tpu.memory_space<vmem>>, vector<1x1x16xi32>,
        %get3A_1638 = vector.shape_cast %get3A_1637 : vector<1x1x16xi32> to vector<16xi32>
        %and3A_1639 = arith.constant 65535 : i32
        %and3A_1640 = vector.broadcast %and3A_1639 : i32 to vector<16xi32>
        %and3A_1641 = arith.andi %get3A_1638, %and3A_1640 : vector<16xi32>
        %convert_element_type3A_1642 = arith.sitofp %and3A_1641 : vector<16xi32> to vector<16xf32>
        %shift_right_logical3A_1643 = arith.constant 16 : i32
        %shift_right_logical3A_1644 = vector.broadcast %shift_right_logical3A_1643 : i32 to vector<16xi32>
        %shift_right_logical3A_1645 = arith.shrui %get3A_1638, %shift_right_logical3A_1644 : vector<16xi32>
        %convert_element_type3A_1646 = arith.sitofp %shift_right_logical3A_1645 : vector<16xi32> to vector<16xf32>
        %mul3A_1647 = vector.broadcast %squeeze3A_1574 : f32 to vector<16xf32>
        %mul3A_1648 = arith.mulf %convert_element_type3A_1642, %mul3A_1647 : vector<16xf32>
        %add3A_1649 = arith.addf %add3A_1489, %mul3A_1648 : vector<16xf32>
        %mul3A_1650 = vector.broadcast %squeeze3A_1574 : f32 to vector<16xf32>
        %mul3A_1651 = arith.mulf %convert_element_type3A_1646, %mul3A_1650 : vector<16xf32>
        %add3A_1652 = arith.addf %add3A_1492, %mul3A_1651 : vector<16xf32>
        %get3A_1653 = arith.index_cast %rem3A_89 : i32 to index
        %get3A_1654 = arith.index_cast %add3A_1572 : i32 to index
        %get3A_1655 = arith.constant 64 : index
        %get3A_1656 = tpu.vector_load %arg8[%get3A_1653, %get3A_1654, %get3A_1655] {strides = array<i32>} : memref<5x64x128xi32, #tpu.memory_space<vmem>>, vector<1x1x16xi32>,
        %get3A_1657 = vector.shape_cast %get3A_1656 : vector<1x1x16xi32> to vector<16xi32>
        %and3A_1658 = arith.constant 65535 : i32
        %and3A_1659 = vector.broadcast %and3A_1658 : i32 to vector<16xi32>
        %and3A_1660 = arith.andi %get3A_1657, %and3A_1659 : vector<16xi32>
        %convert_element_type3A_1661 = arith.sitofp %and3A_1660 : vector<16xi32> to vector<16xf32>
        %shift_right_logical3A_1662 = arith.constant 16 : i32
        %shift_right_logical3A_1663 = vector.broadcast %shift_right_logical3A_1662 : i32 to vector<16xi32>
        %shift_right_logical3A_1664 = arith.shrui %get3A_1657, %shift_right_logical3A_1663 : vector<16xi32>
        %convert_element_type3A_1665 = arith.sitofp %shift_right_logical3A_1664 : vector<16xi32> to vector<16xf32>
        %mul3A_1666 = vector.broadcast %squeeze3A_1574 : f32 to vector<16xf32>
        %mul3A_1667 = arith.mulf %convert_element_type3A_1661, %mul3A_1666 : vector<16xf32>
        %add3A_1668 = arith.addf %add3A_1508, %mul3A_1667 : vector<16xf32>
        %mul3A_1669 = vector.broadcast %squeeze3A_1574 : f32 to vector<16xf32>
        %mul3A_1670 = arith.mulf %convert_element_type3A_1665, %mul3A_1669 : vector<16xf32>
        %add3A_1671 = arith.addf %add3A_1511, %mul3A_1670 : vector<16xf32>
        %get3A_1672 = arith.index_cast %rem3A_89 : i32 to index
        %get3A_1673 = arith.index_cast %add3A_1572 : i32 to index
        %get3A_1674 = arith.constant 80 : index
        %get3A_1675 = tpu.vector_load %arg8[%get3A_1672, %get3A_1673, %get3A_1674] {strides = array<i32>} : memref<5x64x128xi32, #tpu.memory_space<vmem>>, vector<1x1x16xi32>,
        %get3A_1676 = vector.shape_cast %get3A_1675 : vector<1x1x16xi32> to vector<16xi32>
        %and3A_1677 = arith.constant 65535 : i32
        %and3A_1678 = vector.broadcast %and3A_1677 : i32 to vector<16xi32>
        %and3A_1679 = arith.andi %get3A_1676, %and3A_1678 : vector<16xi32>
        %convert_element_type3A_1680 = arith.sitofp %and3A_1679 : vector<16xi32> to vector<16xf32>
        %shift_right_logical3A_1681 = arith.constant 16 : i32
        %shift_right_logical3A_1682 = vector.broadcast %shift_right_logical3A_1681 : i32 to vector<16xi32>
        %shift_right_logical3A_1683 = arith.shrui %get3A_1676, %shift_right_logical3A_1682 : vector<16xi32>
        %convert_element_type3A_1684 = arith.sitofp %shift_right_logical3A_1683 : vector<16xi32> to vector<16xf32>
        %mul3A_1685 = vector.broadcast %squeeze3A_1574 : f32 to vector<16xf32>
        %mul3A_1686 = arith.mulf %convert_element_type3A_1680, %mul3A_1685 : vector<16xf32>
        %add3A_1687 = arith.addf %add3A_1527, %mul3A_1686 : vector<16xf32>
        %mul3A_1688 = vector.broadcast %squeeze3A_1574 : f32 to vector<16xf32>
        %mul3A_1689 = arith.mulf %convert_element_type3A_1684, %mul3A_1688 : vector<16xf32>
        %add3A_1690 = arith.addf %add3A_1530, %mul3A_1689 : vector<16xf32>
        %get3A_1691 = arith.index_cast %rem3A_89 : i32 to index
        %get3A_1692 = arith.index_cast %add3A_1572 : i32 to index
        %get3A_1693 = arith.constant 96 : index
        %get3A_1694 = tpu.vector_load %arg8[%get3A_1691, %get3A_1692, %get3A_1693] {strides = array<i32>} : memref<5x64x128xi32, #tpu.memory_space<vmem>>, vector<1x1x16xi32>,
        %get3A_1695 = vector.shape_cast %get3A_1694 : vector<1x1x16xi32> to vector<16xi32>
        %and3A_1696 = arith.constant 65535 : i32
        %and3A_1697 = vector.broadcast %and3A_1696 : i32 to vector<16xi32>
        %and3A_1698 = arith.andi %get3A_1695, %and3A_1697 : vector<16xi32>
        %convert_element_type3A_1699 = arith.sitofp %and3A_1698 : vector<16xi32> to vector<16xf32>
        %shift_right_logical3A_1700 = arith.constant 16 : i32
        %shift_right_logical3A_1701 = vector.broadcast %shift_right_logical3A_1700 : i32 to vector<16xi32>
        %shift_right_logical3A_1702 = arith.shrui %get3A_1695, %shift_right_logical3A_1701 : vector<16xi32>
        %convert_element_type3A_1703 = arith.sitofp %shift_right_logical3A_1702 : vector<16xi32> to vector<16xf32>
        %mul3A_1704 = vector.broadcast %squeeze3A_1574 : f32 to vector<16xf32>
        %mul3A_1705 = arith.mulf %convert_element_type3A_1699, %mul3A_1704 : vector<16xf32>
        %add3A_1706 = arith.addf %add3A_1546, %mul3A_1705 : vector<16xf32>
        %mul3A_1707 = vector.broadcast %squeeze3A_1574 : f32 to vector<16xf32>
        %mul3A_1708 = arith.mulf %convert_element_type3A_1703, %mul3A_1707 : vector<16xf32>
        %add3A_1709 = arith.addf %add3A_1549, %mul3A_1708 : vector<16xf32>
        %get3A_1710 = arith.index_cast %rem3A_89 : i32 to index
        %get3A_1711 = arith.index_cast %add3A_1572 : i32 to index
        %get3A_1712 = arith.constant 112 : index
        %get3A_1713 = tpu.vector_load %arg8[%get3A_1710, %get3A_1711, %get3A_1712] {strides = array<i32>} : memref<5x64x128xi32, #tpu.memory_space<vmem>>, vector<1x1x16xi32>,
        %get3A_1714 = vector.shape_cast %get3A_1713 : vector<1x1x16xi32> to vector<16xi32>
        %and3A_1715 = arith.constant 65535 : i32
        %and3A_1716 = vector.broadcast %and3A_1715 : i32 to vector<16xi32>
        %and3A_1717 = arith.andi %get3A_1714, %and3A_1716 : vector<16xi32>
        %convert_element_type3A_1718 = arith.sitofp %and3A_1717 : vector<16xi32> to vector<16xf32>
        %shift_right_logical3A_1719 = arith.constant 16 : i32
        %shift_right_logical3A_1720 = vector.broadcast %shift_right_logical3A_1719 : i32 to vector<16xi32>
        %shift_right_logical3A_1721 = arith.shrui %get3A_1714, %shift_right_logical3A_1720 : vector<16xi32>
        %convert_element_type3A_1722 = arith.sitofp %shift_right_logical3A_1721 : vector<16xi32> to vector<16xf32>
        %mul3A_1723 = vector.broadcast %squeeze3A_1574 : f32 to vector<16xf32>
        %mul3A_1724 = arith.mulf %convert_element_type3A_1718, %mul3A_1723 : vector<16xf32>
        %add3A_1725 = arith.addf %add3A_1565, %mul3A_1724 : vector<16xf32>
        %mul3A_1726 = vector.broadcast %squeeze3A_1574 : f32 to vector<16xf32>
        %mul3A_1727 = arith.mulf %convert_element_type3A_1722, %mul3A_1726 : vector<16xf32>
        %add3A_1728 = arith.addf %add3A_1568, %mul3A_1727 : vector<16xf32>
        %mul3A_1729 = arith.constant 16 : i32
        %mul3A_1730 = arith.muli %scan3A_429, %mul3A_1729 : i32
        %add3A_1731 = arith.constant 8 : i32
        %add3A_1732 = arith.addi %mul3A_1730, %add3A_1731 : i32
        %slice3A_1733 = vector.extract_strided_slice %get3A_451 {offsets = [8], sizes = [1], strides = [1]} : vector<16xf32> to vector<1xf32>
        %squeeze3A_1734 = vector.extract %slice3A_1733[0] : f32 from vector<1xf32>
        %add3A_1735 = vector.broadcast %squeeze3A_1734 : f32 to vector<16xf32>
        %add3A_1736 = arith.addf %add3A_1576, %add3A_1735 : vector<16xf32>
        %get3A_1737 = arith.index_cast %rem3A_89 : i32 to index
        %get3A_1738 = arith.index_cast %add3A_1732 : i32 to index
        %get3A_1739 = arith.constant 0 : index
        %get3A_1740 = tpu.vector_load %arg8[%get3A_1737, %get3A_1738, %get3A_1739] {strides = array<i32>} : memref<5x64x128xi32, #tpu.memory_space<vmem>>, vector<1x1x16xi32>,
        %get3A_1741 = vector.shape_cast %get3A_1740 : vector<1x1x16xi32> to vector<16xi32>
        %and3A_1742 = arith.constant 65535 : i32
        %and3A_1743 = vector.broadcast %and3A_1742 : i32 to vector<16xi32>
        %and3A_1744 = arith.andi %get3A_1741, %and3A_1743 : vector<16xi32>
        %convert_element_type3A_1745 = arith.sitofp %and3A_1744 : vector<16xi32> to vector<16xf32>
        %shift_right_logical3A_1746 = arith.constant 16 : i32
        %shift_right_logical3A_1747 = vector.broadcast %shift_right_logical3A_1746 : i32 to vector<16xi32>
        %shift_right_logical3A_1748 = arith.shrui %get3A_1741, %shift_right_logical3A_1747 : vector<16xi32>
        %convert_element_type3A_1749 = arith.sitofp %shift_right_logical3A_1748 : vector<16xi32> to vector<16xf32>
        %mul3A_1750 = vector.broadcast %squeeze3A_1734 : f32 to vector<16xf32>
        %mul3A_1751 = arith.mulf %convert_element_type3A_1745, %mul3A_1750 : vector<16xf32>
        %add3A_1752 = arith.addf %add3A_1592, %mul3A_1751 : vector<16xf32>
        %mul3A_1753 = vector.broadcast %squeeze3A_1734 : f32 to vector<16xf32>
        %mul3A_1754 = arith.mulf %convert_element_type3A_1749, %mul3A_1753 : vector<16xf32>
        %add3A_1755 = arith.addf %add3A_1595, %mul3A_1754 : vector<16xf32>
        %get3A_1756 = arith.index_cast %rem3A_89 : i32 to index
        %get3A_1757 = arith.index_cast %add3A_1732 : i32 to index
        %get3A_1758 = arith.constant 16 : index
        %get3A_1759 = tpu.vector_load %arg8[%get3A_1756, %get3A_1757, %get3A_1758] {strides = array<i32>} : memref<5x64x128xi32, #tpu.memory_space<vmem>>, vector<1x1x16xi32>,
        %get3A_1760 = vector.shape_cast %get3A_1759 : vector<1x1x16xi32> to vector<16xi32>
        %and3A_1761 = arith.constant 65535 : i32
        %and3A_1762 = vector.broadcast %and3A_1761 : i32 to vector<16xi32>
        %and3A_1763 = arith.andi %get3A_1760, %and3A_1762 : vector<16xi32>
        %convert_element_type3A_1764 = arith.sitofp %and3A_1763 : vector<16xi32> to vector<16xf32>
        %shift_right_logical3A_1765 = arith.constant 16 : i32
        %shift_right_logical3A_1766 = vector.broadcast %shift_right_logical3A_1765 : i32 to vector<16xi32>
        %shift_right_logical3A_1767 = arith.shrui %get3A_1760, %shift_right_logical3A_1766 : vector<16xi32>
        %convert_element_type3A_1768 = arith.sitofp %shift_right_logical3A_1767 : vector<16xi32> to vector<16xf32>
        %mul3A_1769 = vector.broadcast %squeeze3A_1734 : f32 to vector<16xf32>
        %mul3A_1770 = arith.mulf %convert_element_type3A_1764, %mul3A_1769 : vector<16xf32>
        %add3A_1771 = arith.addf %add3A_1611, %mul3A_1770 : vector<16xf32>
        %mul3A_1772 = vector.broadcast %squeeze3A_1734 : f32 to vector<16xf32>
        %mul3A_1773 = arith.mulf %convert_element_type3A_1768, %mul3A_1772 : vector<16xf32>
        %add3A_1774 = arith.addf %add3A_1614, %mul3A_1773 : vector<16xf32>
        %get3A_1775 = arith.index_cast %rem3A_89 : i32 to index
        %get3A_1776 = arith.index_cast %add3A_1732 : i32 to index
        %get3A_1777 = arith.constant 32 : index
        %get3A_1778 = tpu.vector_load %arg8[%get3A_1775, %get3A_1776, %get3A_1777] {strides = array<i32>} : memref<5x64x128xi32, #tpu.memory_space<vmem>>, vector<1x1x16xi32>,
        %get3A_1779 = vector.shape_cast %get3A_1778 : vector<1x1x16xi32> to vector<16xi32>
        %and3A_1780 = arith.constant 65535 : i32
        %and3A_1781 = vector.broadcast %and3A_1780 : i32 to vector<16xi32>
        %and3A_1782 = arith.andi %get3A_1779, %and3A_1781 : vector<16xi32>
        %convert_element_type3A_1783 = arith.sitofp %and3A_1782 : vector<16xi32> to vector<16xf32>
        %shift_right_logical3A_1784 = arith.constant 16 : i32
        %shift_right_logical3A_1785 = vector.broadcast %shift_right_logical3A_1784 : i32 to vector<16xi32>
        %shift_right_logical3A_1786 = arith.shrui %get3A_1779, %shift_right_logical3A_1785 : vector<16xi32>
        %convert_element_type3A_1787 = arith.sitofp %shift_right_logical3A_1786 : vector<16xi32> to vector<16xf32>
        %mul3A_1788 = vector.broadcast %squeeze3A_1734 : f32 to vector<16xf32>
        %mul3A_1789 = arith.mulf %convert_element_type3A_1783, %mul3A_1788 : vector<16xf32>
        %add3A_1790 = arith.addf %add3A_1630, %mul3A_1789 : vector<16xf32>
        %mul3A_1791 = vector.broadcast %squeeze3A_1734 : f32 to vector<16xf32>
        %mul3A_1792 = arith.mulf %convert_element_type3A_1787, %mul3A_1791 : vector<16xf32>
        %add3A_1793 = arith.addf %add3A_1633, %mul3A_1792 : vector<16xf32>
        %get3A_1794 = arith.index_cast %rem3A_89 : i32 to index
        %get3A_1795 = arith.index_cast %add3A_1732 : i32 to index
        %get3A_1796 = arith.constant 48 : index
        %get3A_1797 = tpu.vector_load %arg8[%get3A_1794, %get3A_1795, %get3A_1796] {strides = array<i32>} : memref<5x64x128xi32, #tpu.memory_space<vmem>>, vector<1x1x16xi32>,
        %get3A_1798 = vector.shape_cast %get3A_1797 : vector<1x1x16xi32> to vector<16xi32>
        %and3A_1799 = arith.constant 65535 : i32
        %and3A_1800 = vector.broadcast %and3A_1799 : i32 to vector<16xi32>
        %and3A_1801 = arith.andi %get3A_1798, %and3A_1800 : vector<16xi32>
        %convert_element_type3A_1802 = arith.sitofp %and3A_1801 : vector<16xi32> to vector<16xf32>
        %shift_right_logical3A_1803 = arith.constant 16 : i32
        %shift_right_logical3A_1804 = vector.broadcast %shift_right_logical3A_1803 : i32 to vector<16xi32>
        %shift_right_logical3A_1805 = arith.shrui %get3A_1798, %shift_right_logical3A_1804 : vector<16xi32>
        %convert_element_type3A_1806 = arith.sitofp %shift_right_logical3A_1805 : vector<16xi32> to vector<16xf32>
        %mul3A_1807 = vector.broadcast %squeeze3A_1734 : f32 to vector<16xf32>
        %mul3A_1808 = arith.mulf %convert_element_type3A_1802, %mul3A_1807 : vector<16xf32>
        %add3A_1809 = arith.addf %add3A_1649, %mul3A_1808 : vector<16xf32>
        %mul3A_1810 = vector.broadcast %squeeze3A_1734 : f32 to vector<16xf32>
        %mul3A_1811 = arith.mulf %convert_element_type3A_1806, %mul3A_1810 : vector<16xf32>
        %add3A_1812 = arith.addf %add3A_1652, %mul3A_1811 : vector<16xf32>
        %get3A_1813 = arith.index_cast %rem3A_89 : i32 to index
        %get3A_1814 = arith.index_cast %add3A_1732 : i32 to index
        %get3A_1815 = arith.constant 64 : index
        %get3A_1816 = tpu.vector_load %arg8[%get3A_1813, %get3A_1814, %get3A_1815] {strides = array<i32>} : memref<5x64x128xi32, #tpu.memory_space<vmem>>, vector<1x1x16xi32>,
        %get3A_1817 = vector.shape_cast %get3A_1816 : vector<1x1x16xi32> to vector<16xi32>
        %and3A_1818 = arith.constant 65535 : i32
        %and3A_1819 = vector.broadcast %and3A_1818 : i32 to vector<16xi32>
        %and3A_1820 = arith.andi %get3A_1817, %and3A_1819 : vector<16xi32>
        %convert_element_type3A_1821 = arith.sitofp %and3A_1820 : vector<16xi32> to vector<16xf32>
        %shift_right_logical3A_1822 = arith.constant 16 : i32
        %shift_right_logical3A_1823 = vector.broadcast %shift_right_logical3A_1822 : i32 to vector<16xi32>
        %shift_right_logical3A_1824 = arith.shrui %get3A_1817, %shift_right_logical3A_1823 : vector<16xi32>
        %convert_element_type3A_1825 = arith.sitofp %shift_right_logical3A_1824 : vector<16xi32> to vector<16xf32>
        %mul3A_1826 = vector.broadcast %squeeze3A_1734 : f32 to vector<16xf32>
        %mul3A_1827 = arith.mulf %convert_element_type3A_1821, %mul3A_1826 : vector<16xf32>
        %add3A_1828 = arith.addf %add3A_1668, %mul3A_1827 : vector<16xf32>
        %mul3A_1829 = vector.broadcast %squeeze3A_1734 : f32 to vector<16xf32>
        %mul3A_1830 = arith.mulf %convert_element_type3A_1825, %mul3A_1829 : vector<16xf32>
        %add3A_1831 = arith.addf %add3A_1671, %mul3A_1830 : vector<16xf32>
        %get3A_1832 = arith.index_cast %rem3A_89 : i32 to index
        %get3A_1833 = arith.index_cast %add3A_1732 : i32 to index
        %get3A_1834 = arith.constant 80 : index
        %get3A_1835 = tpu.vector_load %arg8[%get3A_1832, %get3A_1833, %get3A_1834] {strides = array<i32>} : memref<5x64x128xi32, #tpu.memory_space<vmem>>, vector<1x1x16xi32>,
        %get3A_1836 = vector.shape_cast %get3A_1835 : vector<1x1x16xi32> to vector<16xi32>
        %and3A_1837 = arith.constant 65535 : i32
        %and3A_1838 = vector.broadcast %and3A_1837 : i32 to vector<16xi32>
        %and3A_1839 = arith.andi %get3A_1836, %and3A_1838 : vector<16xi32>
        %convert_element_type3A_1840 = arith.sitofp %and3A_1839 : vector<16xi32> to vector<16xf32>
        %shift_right_logical3A_1841 = arith.constant 16 : i32
        %shift_right_logical3A_1842 = vector.broadcast %shift_right_logical3A_1841 : i32 to vector<16xi32>
        %shift_right_logical3A_1843 = arith.shrui %get3A_1836, %shift_right_logical3A_1842 : vector<16xi32>
        %convert_element_type3A_1844 = arith.sitofp %shift_right_logical3A_1843 : vector<16xi32> to vector<16xf32>
        %mul3A_1845 = vector.broadcast %squeeze3A_1734 : f32 to vector<16xf32>
        %mul3A_1846 = arith.mulf %convert_element_type3A_1840, %mul3A_1845 : vector<16xf32>
        %add3A_1847 = arith.addf %add3A_1687, %mul3A_1846 : vector<16xf32>
        %mul3A_1848 = vector.broadcast %squeeze3A_1734 : f32 to vector<16xf32>
        %mul3A_1849 = arith.mulf %convert_element_type3A_1844, %mul3A_1848 : vector<16xf32>
        %add3A_1850 = arith.addf %add3A_1690, %mul3A_1849 : vector<16xf32>
        %get3A_1851 = arith.index_cast %rem3A_89 : i32 to index
        %get3A_1852 = arith.index_cast %add3A_1732 : i32 to index
        %get3A_1853 = arith.constant 96 : index
        %get3A_1854 = tpu.vector_load %arg8[%get3A_1851, %get3A_1852, %get3A_1853] {strides = array<i32>} : memref<5x64x128xi32, #tpu.memory_space<vmem>>, vector<1x1x16xi32>,
        %get3A_1855 = vector.shape_cast %get3A_1854 : vector<1x1x16xi32> to vector<16xi32>
        %and3A_1856 = arith.constant 65535 : i32
        %and3A_1857 = vector.broadcast %and3A_1856 : i32 to vector<16xi32>
        %and3A_1858 = arith.andi %get3A_1855, %and3A_1857 : vector<16xi32>
        %convert_element_type3A_1859 = arith.sitofp %and3A_1858 : vector<16xi32> to vector<16xf32>
        %shift_right_logical3A_1860 = arith.constant 16 : i32
        %shift_right_logical3A_1861 = vector.broadcast %shift_right_logical3A_1860 : i32 to vector<16xi32>
        %shift_right_logical3A_1862 = arith.shrui %get3A_1855, %shift_right_logical3A_1861 : vector<16xi32>
        %convert_element_type3A_1863 = arith.sitofp %shift_right_logical3A_1862 : vector<16xi32> to vector<16xf32>
        %mul3A_1864 = vector.broadcast %squeeze3A_1734 : f32 to vector<16xf32>
        %mul3A_1865 = arith.mulf %convert_element_type3A_1859, %mul3A_1864 : vector<16xf32>
        %add3A_1866 = arith.addf %add3A_1706, %mul3A_1865 : vector<16xf32>
        %mul3A_1867 = vector.broadcast %squeeze3A_1734 : f32 to vector<16xf32>
        %mul3A_1868 = arith.mulf %convert_element_type3A_1863, %mul3A_1867 : vector<16xf32>
        %add3A_1869 = arith.addf %add3A_1709, %mul3A_1868 : vector<16xf32>
        %get3A_1870 = arith.index_cast %rem3A_89 : i32 to index
        %get3A_1871 = arith.index_cast %add3A_1732 : i32 to index
        %get3A_1872 = arith.constant 112 : index
        %get3A_1873 = tpu.vector_load %arg8[%get3A_1870, %get3A_1871, %get3A_1872] {strides = array<i32>} : memref<5x64x128xi32, #tpu.memory_space<vmem>>, vector<1x1x16xi32>,
        %get3A_1874 = vector.shape_cast %get3A_1873 : vector<1x1x16xi32> to vector<16xi32>
        %and3A_1875 = arith.constant 65535 : i32
        %and3A_1876 = vector.broadcast %and3A_1875 : i32 to vector<16xi32>
        %and3A_1877 = arith.andi %get3A_1874, %and3A_1876 : vector<16xi32>
        %convert_element_type3A_1878 = arith.sitofp %and3A_1877 : vector<16xi32> to vector<16xf32>
        %shift_right_logical3A_1879 = arith.constant 16 : i32
        %shift_right_logical3A_1880 = vector.broadcast %shift_right_logical3A_1879 : i32 to vector<16xi32>
        %shift_right_logical3A_1881 = arith.shrui %get3A_1874, %shift_right_logical3A_1880 : vector<16xi32>
        %convert_element_type3A_1882 = arith.sitofp %shift_right_logical3A_1881 : vector<16xi32> to vector<16xf32>
        %mul3A_1883 = vector.broadcast %squeeze3A_1734 : f32 to vector<16xf32>
        %mul3A_1884 = arith.mulf %convert_element_type3A_1878, %mul3A_1883 : vector<16xf32>
        %add3A_1885 = arith.addf %add3A_1725, %mul3A_1884 : vector<16xf32>
        %mul3A_1886 = vector.broadcast %squeeze3A_1734 : f32 to vector<16xf32>
        %mul3A_1887 = arith.mulf %convert_element_type3A_1882, %mul3A_1886 : vector<16xf32>
        %add3A_1888 = arith.addf %add3A_1728, %mul3A_1887 : vector<16xf32>
        %mul3A_1889 = arith.constant 16 : i32
        %mul3A_1890 = arith.muli %scan3A_429, %mul3A_1889 : i32
        %add3A_1891 = arith.constant 9 : i32
        %add3A_1892 = arith.addi %mul3A_1890, %add3A_1891 : i32
        %slice3A_1893 = vector.extract_strided_slice %get3A_451 {offsets = [9], sizes = [1], strides = [1]} : vector<16xf32> to vector<1xf32>
        %squeeze3A_1894 = vector.extract %slice3A_1893[0] : f32 from vector<1xf32>
        %add3A_1895 = vector.broadcast %squeeze3A_1894 : f32 to vector<16xf32>
        %add3A_1896 = arith.addf %add3A_1736, %add3A_1895 : vector<16xf32>
        %get3A_1897 = arith.index_cast %rem3A_89 : i32 to index
        %get3A_1898 = arith.index_cast %add3A_1892 : i32 to index
        %get3A_1899 = arith.constant 0 : index
        %get3A_1900 = tpu.vector_load %arg8[%get3A_1897, %get3A_1898, %get3A_1899] {strides = array<i32>} : memref<5x64x128xi32, #tpu.memory_space<vmem>>, vector<1x1x16xi32>,
        %get3A_1901 = vector.shape_cast %get3A_1900 : vector<1x1x16xi32> to vector<16xi32>
        %and3A_1902 = arith.constant 65535 : i32
        %and3A_1903 = vector.broadcast %and3A_1902 : i32 to vector<16xi32>
        %and3A_1904 = arith.andi %get3A_1901, %and3A_1903 : vector<16xi32>
        %convert_element_type3A_1905 = arith.sitofp %and3A_1904 : vector<16xi32> to vector<16xf32>
        %shift_right_logical3A_1906 = arith.constant 16 : i32
        %shift_right_logical3A_1907 = vector.broadcast %shift_right_logical3A_1906 : i32 to vector<16xi32>
        %shift_right_logical3A_1908 = arith.shrui %get3A_1901, %shift_right_logical3A_1907 : vector<16xi32>
        %convert_element_type3A_1909 = arith.sitofp %shift_right_logical3A_1908 : vector<16xi32> to vector<16xf32>
        %mul3A_1910 = vector.broadcast %squeeze3A_1894 : f32 to vector<16xf32>
        %mul3A_1911 = arith.mulf %convert_element_type3A_1905, %mul3A_1910 : vector<16xf32>
        %add3A_1912 = arith.addf %add3A_1752, %mul3A_1911 : vector<16xf32>
        %mul3A_1913 = vector.broadcast %squeeze3A_1894 : f32 to vector<16xf32>
        %mul3A_1914 = arith.mulf %convert_element_type3A_1909, %mul3A_1913 : vector<16xf32>
        %add3A_1915 = arith.addf %add3A_1755, %mul3A_1914 : vector<16xf32>
        %get3A_1916 = arith.index_cast %rem3A_89 : i32 to index
        %get3A_1917 = arith.index_cast %add3A_1892 : i32 to index
        %get3A_1918 = arith.constant 16 : index
        %get3A_1919 = tpu.vector_load %arg8[%get3A_1916, %get3A_1917, %get3A_1918] {strides = array<i32>} : memref<5x64x128xi32, #tpu.memory_space<vmem>>, vector<1x1x16xi32>,
        %get3A_1920 = vector.shape_cast %get3A_1919 : vector<1x1x16xi32> to vector<16xi32>
        %and3A_1921 = arith.constant 65535 : i32
        %and3A_1922 = vector.broadcast %and3A_1921 : i32 to vector<16xi32>
        %and3A_1923 = arith.andi %get3A_1920, %and3A_1922 : vector<16xi32>
        %convert_element_type3A_1924 = arith.sitofp %and3A_1923 : vector<16xi32> to vector<16xf32>
        %shift_right_logical3A_1925 = arith.constant 16 : i32
        %shift_right_logical3A_1926 = vector.broadcast %shift_right_logical3A_1925 : i32 to vector<16xi32>
        %shift_right_logical3A_1927 = arith.shrui %get3A_1920, %shift_right_logical3A_1926 : vector<16xi32>
        %convert_element_type3A_1928 = arith.sitofp %shift_right_logical3A_1927 : vector<16xi32> to vector<16xf32>
        %mul3A_1929 = vector.broadcast %squeeze3A_1894 : f32 to vector<16xf32>
        %mul3A_1930 = arith.mulf %convert_element_type3A_1924, %mul3A_1929 : vector<16xf32>
        %add3A_1931 = arith.addf %add3A_1771, %mul3A_1930 : vector<16xf32>
        %mul3A_1932 = vector.broadcast %squeeze3A_1894 : f32 to vector<16xf32>
        %mul3A_1933 = arith.mulf %convert_element_type3A_1928, %mul3A_1932 : vector<16xf32>
        %add3A_1934 = arith.addf %add3A_1774, %mul3A_1933 : vector<16xf32>
        %get3A_1935 = arith.index_cast %rem3A_89 : i32 to index
        %get3A_1936 = arith.index_cast %add3A_1892 : i32 to index
        %get3A_1937 = arith.constant 32 : index
        %get3A_1938 = tpu.vector_load %arg8[%get3A_1935, %get3A_1936, %get3A_1937] {strides = array<i32>} : memref<5x64x128xi32, #tpu.memory_space<vmem>>, vector<1x1x16xi32>,
        %get3A_1939 = vector.shape_cast %get3A_1938 : vector<1x1x16xi32> to vector<16xi32>
        %and3A_1940 = arith.constant 65535 : i32
        %and3A_1941 = vector.broadcast %and3A_1940 : i32 to vector<16xi32>
        %and3A_1942 = arith.andi %get3A_1939, %and3A_1941 : vector<16xi32>
        %convert_element_type3A_1943 = arith.sitofp %and3A_1942 : vector<16xi32> to vector<16xf32>
        %shift_right_logical3A_1944 = arith.constant 16 : i32
        %shift_right_logical3A_1945 = vector.broadcast %shift_right_logical3A_1944 : i32 to vector<16xi32>
        %shift_right_logical3A_1946 = arith.shrui %get3A_1939, %shift_right_logical3A_1945 : vector<16xi32>
        %convert_element_type3A_1947 = arith.sitofp %shift_right_logical3A_1946 : vector<16xi32> to vector<16xf32>
        %mul3A_1948 = vector.broadcast %squeeze3A_1894 : f32 to vector<16xf32>
        %mul3A_1949 = arith.mulf %convert_element_type3A_1943, %mul3A_1948 : vector<16xf32>
        %add3A_1950 = arith.addf %add3A_1790, %mul3A_1949 : vector<16xf32>
        %mul3A_1951 = vector.broadcast %squeeze3A_1894 : f32 to vector<16xf32>
        %mul3A_1952 = arith.mulf %convert_element_type3A_1947, %mul3A_1951 : vector<16xf32>
        %add3A_1953 = arith.addf %add3A_1793, %mul3A_1952 : vector<16xf32>
        %get3A_1954 = arith.index_cast %rem3A_89 : i32 to index
        %get3A_1955 = arith.index_cast %add3A_1892 : i32 to index
        %get3A_1956 = arith.constant 48 : index
        %get3A_1957 = tpu.vector_load %arg8[%get3A_1954, %get3A_1955, %get3A_1956] {strides = array<i32>} : memref<5x64x128xi32, #tpu.memory_space<vmem>>, vector<1x1x16xi32>,
        %get3A_1958 = vector.shape_cast %get3A_1957 : vector<1x1x16xi32> to vector<16xi32>
        %and3A_1959 = arith.constant 65535 : i32
        %and3A_1960 = vector.broadcast %and3A_1959 : i32 to vector<16xi32>
        %and3A_1961 = arith.andi %get3A_1958, %and3A_1960 : vector<16xi32>
        %convert_element_type3A_1962 = arith.sitofp %and3A_1961 : vector<16xi32> to vector<16xf32>
        %shift_right_logical3A_1963 = arith.constant 16 : i32
        %shift_right_logical3A_1964 = vector.broadcast %shift_right_logical3A_1963 : i32 to vector<16xi32>
        %shift_right_logical3A_1965 = arith.shrui %get3A_1958, %shift_right_logical3A_1964 : vector<16xi32>
        %convert_element_type3A_1966 = arith.sitofp %shift_right_logical3A_1965 : vector<16xi32> to vector<16xf32>
        %mul3A_1967 = vector.broadcast %squeeze3A_1894 : f32 to vector<16xf32>
        %mul3A_1968 = arith.mulf %convert_element_type3A_1962, %mul3A_1967 : vector<16xf32>
        %add3A_1969 = arith.addf %add3A_1809, %mul3A_1968 : vector<16xf32>
        %mul3A_1970 = vector.broadcast %squeeze3A_1894 : f32 to vector<16xf32>
        %mul3A_1971 = arith.mulf %convert_element_type3A_1966, %mul3A_1970 : vector<16xf32>
        %add3A_1972 = arith.addf %add3A_1812, %mul3A_1971 : vector<16xf32>
        %get3A_1973 = arith.index_cast %rem3A_89 : i32 to index
        %get3A_1974 = arith.index_cast %add3A_1892 : i32 to index
        %get3A_1975 = arith.constant 64 : index
        %get3A_1976 = tpu.vector_load %arg8[%get3A_1973, %get3A_1974, %get3A_1975] {strides = array<i32>} : memref<5x64x128xi32, #tpu.memory_space<vmem>>, vector<1x1x16xi32>,
        %get3A_1977 = vector.shape_cast %get3A_1976 : vector<1x1x16xi32> to vector<16xi32>
        %and3A_1978 = arith.constant 65535 : i32
        %and3A_1979 = vector.broadcast %and3A_1978 : i32 to vector<16xi32>
        %and3A_1980 = arith.andi %get3A_1977, %and3A_1979 : vector<16xi32>
        %convert_element_type3A_1981 = arith.sitofp %and3A_1980 : vector<16xi32> to vector<16xf32>
        %shift_right_logical3A_1982 = arith.constant 16 : i32
        %shift_right_logical3A_1983 = vector.broadcast %shift_right_logical3A_1982 : i32 to vector<16xi32>
        %shift_right_logical3A_1984 = arith.shrui %get3A_1977, %shift_right_logical3A_1983 : vector<16xi32>
        %convert_element_type3A_1985 = arith.sitofp %shift_right_logical3A_1984 : vector<16xi32> to vector<16xf32>
        %mul3A_1986 = vector.broadcast %squeeze3A_1894 : f32 to vector<16xf32>
        %mul3A_1987 = arith.mulf %convert_element_type3A_1981, %mul3A_1986 : vector<16xf32>
        %add3A_1988 = arith.addf %add3A_1828, %mul3A_1987 : vector<16xf32>
        %mul3A_1989 = vector.broadcast %squeeze3A_1894 : f32 to vector<16xf32>
        %mul3A_1990 = arith.mulf %convert_element_type3A_1985, %mul3A_1989 : vector<16xf32>
        %add3A_1991 = arith.addf %add3A_1831, %mul3A_1990 : vector<16xf32>
        %get3A_1992 = arith.index_cast %rem3A_89 : i32 to index
        %get3A_1993 = arith.index_cast %add3A_1892 : i32 to index
        %get3A_1994 = arith.constant 80 : index
        %get3A_1995 = tpu.vector_load %arg8[%get3A_1992, %get3A_1993, %get3A_1994] {strides = array<i32>} : memref<5x64x128xi32, #tpu.memory_space<vmem>>, vector<1x1x16xi32>,
        %get3A_1996 = vector.shape_cast %get3A_1995 : vector<1x1x16xi32> to vector<16xi32>
        %and3A_1997 = arith.constant 65535 : i32
        %and3A_1998 = vector.broadcast %and3A_1997 : i32 to vector<16xi32>
        %and3A_1999 = arith.andi %get3A_1996, %and3A_1998 : vector<16xi32>
        %convert_element_type3A_2000 = arith.sitofp %and3A_1999 : vector<16xi32> to vector<16xf32>
        %shift_right_logical3A_2001 = arith.constant 16 : i32
        %shift_right_logical3A_2002 = vector.broadcast %shift_right_logical3A_2001 : i32 to vector<16xi32>
        %shift_right_logical3A_2003 = arith.shrui %get3A_1996, %shift_right_logical3A_2002 : vector<16xi32>
        %convert_element_type3A_2004 = arith.sitofp %shift_right_logical3A_2003 : vector<16xi32> to vector<16xf32>
        %mul3A_2005 = vector.broadcast %squeeze3A_1894 : f32 to vector<16xf32>
        %mul3A_2006 = arith.mulf %convert_element_type3A_2000, %mul3A_2005 : vector<16xf32>
        %add3A_2007 = arith.addf %add3A_1847, %mul3A_2006 : vector<16xf32>
        %mul3A_2008 = vector.broadcast %squeeze3A_1894 : f32 to vector<16xf32>
        %mul3A_2009 = arith.mulf %convert_element_type3A_2004, %mul3A_2008 : vector<16xf32>
        %add3A_2010 = arith.addf %add3A_1850, %mul3A_2009 : vector<16xf32>
        %get3A_2011 = arith.index_cast %rem3A_89 : i32 to index
        %get3A_2012 = arith.index_cast %add3A_1892 : i32 to index
        %get3A_2013 = arith.constant 96 : index
        %get3A_2014 = tpu.vector_load %arg8[%get3A_2011, %get3A_2012, %get3A_2013] {strides = array<i32>} : memref<5x64x128xi32, #tpu.memory_space<vmem>>, vector<1x1x16xi32>,
        %get3A_2015 = vector.shape_cast %get3A_2014 : vector<1x1x16xi32> to vector<16xi32>
        %and3A_2016 = arith.constant 65535 : i32
        %and3A_2017 = vector.broadcast %and3A_2016 : i32 to vector<16xi32>
        %and3A_2018 = arith.andi %get3A_2015, %and3A_2017 : vector<16xi32>
        %convert_element_type3A_2019 = arith.sitofp %and3A_2018 : vector<16xi32> to vector<16xf32>
        %shift_right_logical3A_2020 = arith.constant 16 : i32
        %shift_right_logical3A_2021 = vector.broadcast %shift_right_logical3A_2020 : i32 to vector<16xi32>
        %shift_right_logical3A_2022 = arith.shrui %get3A_2015, %shift_right_logical3A_2021 : vector<16xi32>
        %convert_element_type3A_2023 = arith.sitofp %shift_right_logical3A_2022 : vector<16xi32> to vector<16xf32>
        %mul3A_2024 = vector.broadcast %squeeze3A_1894 : f32 to vector<16xf32>
        %mul3A_2025 = arith.mulf %convert_element_type3A_2019, %mul3A_2024 : vector<16xf32>
        %add3A_2026 = arith.addf %add3A_1866, %mul3A_2025 : vector<16xf32>
        %mul3A_2027 = vector.broadcast %squeeze3A_1894 : f32 to vector<16xf32>
        %mul3A_2028 = arith.mulf %convert_element_type3A_2023, %mul3A_2027 : vector<16xf32>
        %add3A_2029 = arith.addf %add3A_1869, %mul3A_2028 : vector<16xf32>
        %get3A_2030 = arith.index_cast %rem3A_89 : i32 to index
        %get3A_2031 = arith.index_cast %add3A_1892 : i32 to index
        %get3A_2032 = arith.constant 112 : index
        %get3A_2033 = tpu.vector_load %arg8[%get3A_2030, %get3A_2031, %get3A_2032] {strides = array<i32>} : memref<5x64x128xi32, #tpu.memory_space<vmem>>, vector<1x1x16xi32>,
        %get3A_2034 = vector.shape_cast %get3A_2033 : vector<1x1x16xi32> to vector<16xi32>
        %and3A_2035 = arith.constant 65535 : i32
        %and3A_2036 = vector.broadcast %and3A_2035 : i32 to vector<16xi32>
        %and3A_2037 = arith.andi %get3A_2034, %and3A_2036 : vector<16xi32>
        %convert_element_type3A_2038 = arith.sitofp %and3A_2037 : vector<16xi32> to vector<16xf32>
        %shift_right_logical3A_2039 = arith.constant 16 : i32
        %shift_right_logical3A_2040 = vector.broadcast %shift_right_logical3A_2039 : i32 to vector<16xi32>
        %shift_right_logical3A_2041 = arith.shrui %get3A_2034, %shift_right_logical3A_2040 : vector<16xi32>
        %convert_element_type3A_2042 = arith.sitofp %shift_right_logical3A_2041 : vector<16xi32> to vector<16xf32>
        %mul3A_2043 = vector.broadcast %squeeze3A_1894 : f32 to vector<16xf32>
        %mul3A_2044 = arith.mulf %convert_element_type3A_2038, %mul3A_2043 : vector<16xf32>
        %add3A_2045 = arith.addf %add3A_1885, %mul3A_2044 : vector<16xf32>
        %mul3A_2046 = vector.broadcast %squeeze3A_1894 : f32 to vector<16xf32>
        %mul3A_2047 = arith.mulf %convert_element_type3A_2042, %mul3A_2046 : vector<16xf32>
        %add3A_2048 = arith.addf %add3A_1888, %mul3A_2047 : vector<16xf32>
        %mul3A_2049 = arith.constant 16 : i32
        %mul3A_2050 = arith.muli %scan3A_429, %mul3A_2049 : i32
        %add3A_2051 = arith.constant 10 : i32
        %add3A_2052 = arith.addi %mul3A_2050, %add3A_2051 : i32
        %slice3A_2053 = vector.extract_strided_slice %get3A_451 {offsets = [10], sizes = [1], strides = [1]} : vector<16xf32> to vector<1xf32>
        %squeeze3A_2054 = vector.extract %slice3A_2053[0] : f32 from vector<1xf32>
        %add3A_2055 = vector.broadcast %squeeze3A_2054 : f32 to vector<16xf32>
        %add3A_2056 = arith.addf %add3A_1896, %add3A_2055 : vector<16xf32>
        %get3A_2057 = arith.index_cast %rem3A_89 : i32 to index
        %get3A_2058 = arith.index_cast %add3A_2052 : i32 to index
        %get3A_2059 = arith.constant 0 : index
        %get3A_2060 = tpu.vector_load %arg8[%get3A_2057, %get3A_2058, %get3A_2059] {strides = array<i32>} : memref<5x64x128xi32, #tpu.memory_space<vmem>>, vector<1x1x16xi32>,
        %get3A_2061 = vector.shape_cast %get3A_2060 : vector<1x1x16xi32> to vector<16xi32>
        %and3A_2062 = arith.constant 65535 : i32
        %and3A_2063 = vector.broadcast %and3A_2062 : i32 to vector<16xi32>
        %and3A_2064 = arith.andi %get3A_2061, %and3A_2063 : vector<16xi32>
        %convert_element_type3A_2065 = arith.sitofp %and3A_2064 : vector<16xi32> to vector<16xf32>
        %shift_right_logical3A_2066 = arith.constant 16 : i32
        %shift_right_logical3A_2067 = vector.broadcast %shift_right_logical3A_2066 : i32 to vector<16xi32>
        %shift_right_logical3A_2068 = arith.shrui %get3A_2061, %shift_right_logical3A_2067 : vector<16xi32>
        %convert_element_type3A_2069 = arith.sitofp %shift_right_logical3A_2068 : vector<16xi32> to vector<16xf32>
        %mul3A_2070 = vector.broadcast %squeeze3A_2054 : f32 to vector<16xf32>
        %mul3A_2071 = arith.mulf %convert_element_type3A_2065, %mul3A_2070 : vector<16xf32>
        %add3A_2072 = arith.addf %add3A_1912, %mul3A_2071 : vector<16xf32>
        %mul3A_2073 = vector.broadcast %squeeze3A_2054 : f32 to vector<16xf32>
        %mul3A_2074 = arith.mulf %convert_element_type3A_2069, %mul3A_2073 : vector<16xf32>
        %add3A_2075 = arith.addf %add3A_1915, %mul3A_2074 : vector<16xf32>
        %get3A_2076 = arith.index_cast %rem3A_89 : i32 to index
        %get3A_2077 = arith.index_cast %add3A_2052 : i32 to index
        %get3A_2078 = arith.constant 16 : index
        %get3A_2079 = tpu.vector_load %arg8[%get3A_2076, %get3A_2077, %get3A_2078] {strides = array<i32>} : memref<5x64x128xi32, #tpu.memory_space<vmem>>, vector<1x1x16xi32>,
        %get3A_2080 = vector.shape_cast %get3A_2079 : vector<1x1x16xi32> to vector<16xi32>
        %and3A_2081 = arith.constant 65535 : i32
        %and3A_2082 = vector.broadcast %and3A_2081 : i32 to vector<16xi32>
        %and3A_2083 = arith.andi %get3A_2080, %and3A_2082 : vector<16xi32>
        %convert_element_type3A_2084 = arith.sitofp %and3A_2083 : vector<16xi32> to vector<16xf32>
        %shift_right_logical3A_2085 = arith.constant 16 : i32
        %shift_right_logical3A_2086 = vector.broadcast %shift_right_logical3A_2085 : i32 to vector<16xi32>
        %shift_right_logical3A_2087 = arith.shrui %get3A_2080, %shift_right_logical3A_2086 : vector<16xi32>
        %convert_element_type3A_2088 = arith.sitofp %shift_right_logical3A_2087 : vector<16xi32> to vector<16xf32>
        %mul3A_2089 = vector.broadcast %squeeze3A_2054 : f32 to vector<16xf32>
        %mul3A_2090 = arith.mulf %convert_element_type3A_2084, %mul3A_2089 : vector<16xf32>
        %add3A_2091 = arith.addf %add3A_1931, %mul3A_2090 : vector<16xf32>
        %mul3A_2092 = vector.broadcast %squeeze3A_2054 : f32 to vector<16xf32>
        %mul3A_2093 = arith.mulf %convert_element_type3A_2088, %mul3A_2092 : vector<16xf32>
        %add3A_2094 = arith.addf %add3A_1934, %mul3A_2093 : vector<16xf32>
        %get3A_2095 = arith.index_cast %rem3A_89 : i32 to index
        %get3A_2096 = arith.index_cast %add3A_2052 : i32 to index
        %get3A_2097 = arith.constant 32 : index
        %get3A_2098 = tpu.vector_load %arg8[%get3A_2095, %get3A_2096, %get3A_2097] {strides = array<i32>} : memref<5x64x128xi32, #tpu.memory_space<vmem>>, vector<1x1x16xi32>,
        %get3A_2099 = vector.shape_cast %get3A_2098 : vector<1x1x16xi32> to vector<16xi32>
        %and3A_2100 = arith.constant 65535 : i32
        %and3A_2101 = vector.broadcast %and3A_2100 : i32 to vector<16xi32>
        %and3A_2102 = arith.andi %get3A_2099, %and3A_2101 : vector<16xi32>
        %convert_element_type3A_2103 = arith.sitofp %and3A_2102 : vector<16xi32> to vector<16xf32>
        %shift_right_logical3A_2104 = arith.constant 16 : i32
        %shift_right_logical3A_2105 = vector.broadcast %shift_right_logical3A_2104 : i32 to vector<16xi32>
        %shift_right_logical3A_2106 = arith.shrui %get3A_2099, %shift_right_logical3A_2105 : vector<16xi32>
        %convert_element_type3A_2107 = arith.sitofp %shift_right_logical3A_2106 : vector<16xi32> to vector<16xf32>
        %mul3A_2108 = vector.broadcast %squeeze3A_2054 : f32 to vector<16xf32>
        %mul3A_2109 = arith.mulf %convert_element_type3A_2103, %mul3A_2108 : vector<16xf32>
        %add3A_2110 = arith.addf %add3A_1950, %mul3A_2109 : vector<16xf32>
        %mul3A_2111 = vector.broadcast %squeeze3A_2054 : f32 to vector<16xf32>
        %mul3A_2112 = arith.mulf %convert_element_type3A_2107, %mul3A_2111 : vector<16xf32>
        %add3A_2113 = arith.addf %add3A_1953, %mul3A_2112 : vector<16xf32>
        %get3A_2114 = arith.index_cast %rem3A_89 : i32 to index
        %get3A_2115 = arith.index_cast %add3A_2052 : i32 to index
        %get3A_2116 = arith.constant 48 : index
        %get3A_2117 = tpu.vector_load %arg8[%get3A_2114, %get3A_2115, %get3A_2116] {strides = array<i32>} : memref<5x64x128xi32, #tpu.memory_space<vmem>>, vector<1x1x16xi32>,
        %get3A_2118 = vector.shape_cast %get3A_2117 : vector<1x1x16xi32> to vector<16xi32>
        %and3A_2119 = arith.constant 65535 : i32
        %and3A_2120 = vector.broadcast %and3A_2119 : i32 to vector<16xi32>
        %and3A_2121 = arith.andi %get3A_2118, %and3A_2120 : vector<16xi32>
        %convert_element_type3A_2122 = arith.sitofp %and3A_2121 : vector<16xi32> to vector<16xf32>
        %shift_right_logical3A_2123 = arith.constant 16 : i32
        %shift_right_logical3A_2124 = vector.broadcast %shift_right_logical3A_2123 : i32 to vector<16xi32>
        %shift_right_logical3A_2125 = arith.shrui %get3A_2118, %shift_right_logical3A_2124 : vector<16xi32>
        %convert_element_type3A_2126 = arith.sitofp %shift_right_logical3A_2125 : vector<16xi32> to vector<16xf32>
        %mul3A_2127 = vector.broadcast %squeeze3A_2054 : f32 to vector<16xf32>
        %mul3A_2128 = arith.mulf %convert_element_type3A_2122, %mul3A_2127 : vector<16xf32>
        %add3A_2129 = arith.addf %add3A_1969, %mul3A_2128 : vector<16xf32>
        %mul3A_2130 = vector.broadcast %squeeze3A_2054 : f32 to vector<16xf32>
        %mul3A_2131 = arith.mulf %convert_element_type3A_2126, %mul3A_2130 : vector<16xf32>
        %add3A_2132 = arith.addf %add3A_1972, %mul3A_2131 : vector<16xf32>
        %get3A_2133 = arith.index_cast %rem3A_89 : i32 to index
        %get3A_2134 = arith.index_cast %add3A_2052 : i32 to index
        %get3A_2135 = arith.constant 64 : index
        %get3A_2136 = tpu.vector_load %arg8[%get3A_2133, %get3A_2134, %get3A_2135] {strides = array<i32>} : memref<5x64x128xi32, #tpu.memory_space<vmem>>, vector<1x1x16xi32>,
        %get3A_2137 = vector.shape_cast %get3A_2136 : vector<1x1x16xi32> to vector<16xi32>
        %and3A_2138 = arith.constant 65535 : i32
        %and3A_2139 = vector.broadcast %and3A_2138 : i32 to vector<16xi32>
        %and3A_2140 = arith.andi %get3A_2137, %and3A_2139 : vector<16xi32>
        %convert_element_type3A_2141 = arith.sitofp %and3A_2140 : vector<16xi32> to vector<16xf32>
        %shift_right_logical3A_2142 = arith.constant 16 : i32
        %shift_right_logical3A_2143 = vector.broadcast %shift_right_logical3A_2142 : i32 to vector<16xi32>
        %shift_right_logical3A_2144 = arith.shrui %get3A_2137, %shift_right_logical3A_2143 : vector<16xi32>
        %convert_element_type3A_2145 = arith.sitofp %shift_right_logical3A_2144 : vector<16xi32> to vector<16xf32>
        %mul3A_2146 = vector.broadcast %squeeze3A_2054 : f32 to vector<16xf32>
        %mul3A_2147 = arith.mulf %convert_element_type3A_2141, %mul3A_2146 : vector<16xf32>
        %add3A_2148 = arith.addf %add3A_1988, %mul3A_2147 : vector<16xf32>
        %mul3A_2149 = vector.broadcast %squeeze3A_2054 : f32 to vector<16xf32>
        %mul3A_2150 = arith.mulf %convert_element_type3A_2145, %mul3A_2149 : vector<16xf32>
        %add3A_2151 = arith.addf %add3A_1991, %mul3A_2150 : vector<16xf32>
        %get3A_2152 = arith.index_cast %rem3A_89 : i32 to index
        %get3A_2153 = arith.index_cast %add3A_2052 : i32 to index
        %get3A_2154 = arith.constant 80 : index
        %get3A_2155 = tpu.vector_load %arg8[%get3A_2152, %get3A_2153, %get3A_2154] {strides = array<i32>} : memref<5x64x128xi32, #tpu.memory_space<vmem>>, vector<1x1x16xi32>,
        %get3A_2156 = vector.shape_cast %get3A_2155 : vector<1x1x16xi32> to vector<16xi32>
        %and3A_2157 = arith.constant 65535 : i32
        %and3A_2158 = vector.broadcast %and3A_2157 : i32 to vector<16xi32>
        %and3A_2159 = arith.andi %get3A_2156, %and3A_2158 : vector<16xi32>
        %convert_element_type3A_2160 = arith.sitofp %and3A_2159 : vector<16xi32> to vector<16xf32>
        %shift_right_logical3A_2161 = arith.constant 16 : i32
        %shift_right_logical3A_2162 = vector.broadcast %shift_right_logical3A_2161 : i32 to vector<16xi32>
        %shift_right_logical3A_2163 = arith.shrui %get3A_2156, %shift_right_logical3A_2162 : vector<16xi32>
        %convert_element_type3A_2164 = arith.sitofp %shift_right_logical3A_2163 : vector<16xi32> to vector<16xf32>
        %mul3A_2165 = vector.broadcast %squeeze3A_2054 : f32 to vector<16xf32>
        %mul3A_2166 = arith.mulf %convert_element_type3A_2160, %mul3A_2165 : vector<16xf32>
        %add3A_2167 = arith.addf %add3A_2007, %mul3A_2166 : vector<16xf32>
        %mul3A_2168 = vector.broadcast %squeeze3A_2054 : f32 to vector<16xf32>
        %mul3A_2169 = arith.mulf %convert_element_type3A_2164, %mul3A_2168 : vector<16xf32>
        %add3A_2170 = arith.addf %add3A_2010, %mul3A_2169 : vector<16xf32>
        %get3A_2171 = arith.index_cast %rem3A_89 : i32 to index
        %get3A_2172 = arith.index_cast %add3A_2052 : i32 to index
        %get3A_2173 = arith.constant 96 : index
        %get3A_2174 = tpu.vector_load %arg8[%get3A_2171, %get3A_2172, %get3A_2173] {strides = array<i32>} : memref<5x64x128xi32, #tpu.memory_space<vmem>>, vector<1x1x16xi32>,
        %get3A_2175 = vector.shape_cast %get3A_2174 : vector<1x1x16xi32> to vector<16xi32>
        %and3A_2176 = arith.constant 65535 : i32
        %and3A_2177 = vector.broadcast %and3A_2176 : i32 to vector<16xi32>
        %and3A_2178 = arith.andi %get3A_2175, %and3A_2177 : vector<16xi32>
        %convert_element_type3A_2179 = arith.sitofp %and3A_2178 : vector<16xi32> to vector<16xf32>
        %shift_right_logical3A_2180 = arith.constant 16 : i32
        %shift_right_logical3A_2181 = vector.broadcast %shift_right_logical3A_2180 : i32 to vector<16xi32>
        %shift_right_logical3A_2182 = arith.shrui %get3A_2175, %shift_right_logical3A_2181 : vector<16xi32>
        %convert_element_type3A_2183 = arith.sitofp %shift_right_logical3A_2182 : vector<16xi32> to vector<16xf32>
        %mul3A_2184 = vector.broadcast %squeeze3A_2054 : f32 to vector<16xf32>
        %mul3A_2185 = arith.mulf %convert_element_type3A_2179, %mul3A_2184 : vector<16xf32>
        %add3A_2186 = arith.addf %add3A_2026, %mul3A_2185 : vector<16xf32>
        %mul3A_2187 = vector.broadcast %squeeze3A_2054 : f32 to vector<16xf32>
        %mul3A_2188 = arith.mulf %convert_element_type3A_2183, %mul3A_2187 : vector<16xf32>
        %add3A_2189 = arith.addf %add3A_2029, %mul3A_2188 : vector<16xf32>
        %get3A_2190 = arith.index_cast %rem3A_89 : i32 to index
        %get3A_2191 = arith.index_cast %add3A_2052 : i32 to index
        %get3A_2192 = arith.constant 112 : index
        %get3A_2193 = tpu.vector_load %arg8[%get3A_2190, %get3A_2191, %get3A_2192] {strides = array<i32>} : memref<5x64x128xi32, #tpu.memory_space<vmem>>, vector<1x1x16xi32>,
        %get3A_2194 = vector.shape_cast %get3A_2193 : vector<1x1x16xi32> to vector<16xi32>
        %and3A_2195 = arith.constant 65535 : i32
        %and3A_2196 = vector.broadcast %and3A_2195 : i32 to vector<16xi32>
        %and3A_2197 = arith.andi %get3A_2194, %and3A_2196 : vector<16xi32>
        %convert_element_type3A_2198 = arith.sitofp %and3A_2197 : vector<16xi32> to vector<16xf32>
        %shift_right_logical3A_2199 = arith.constant 16 : i32
        %shift_right_logical3A_2200 = vector.broadcast %shift_right_logical3A_2199 : i32 to vector<16xi32>
        %shift_right_logical3A_2201 = arith.shrui %get3A_2194, %shift_right_logical3A_2200 : vector<16xi32>
        %convert_element_type3A_2202 = arith.sitofp %shift_right_logical3A_2201 : vector<16xi32> to vector<16xf32>
        %mul3A_2203 = vector.broadcast %squeeze3A_2054 : f32 to vector<16xf32>
        %mul3A_2204 = arith.mulf %convert_element_type3A_2198, %mul3A_2203 : vector<16xf32>
        %add3A_2205 = arith.addf %add3A_2045, %mul3A_2204 : vector<16xf32>
        %mul3A_2206 = vector.broadcast %squeeze3A_2054 : f32 to vector<16xf32>
        %mul3A_2207 = arith.mulf %convert_element_type3A_2202, %mul3A_2206 : vector<16xf32>
        %add3A_2208 = arith.addf %add3A_2048, %mul3A_2207 : vector<16xf32>
        %mul3A_2209 = arith.constant 16 : i32
        %mul3A_2210 = arith.muli %scan3A_429, %mul3A_2209 : i32
        %add3A_2211 = arith.constant 11 : i32
        %add3A_2212 = arith.addi %mul3A_2210, %add3A_2211 : i32
        %slice3A_2213 = vector.extract_strided_slice %get3A_451 {offsets = [11], sizes = [1], strides = [1]} : vector<16xf32> to vector<1xf32>
        %squeeze3A_2214 = vector.extract %slice3A_2213[0] : f32 from vector<1xf32>
        %add3A_2215 = vector.broadcast %squeeze3A_2214 : f32 to vector<16xf32>
        %add3A_2216 = arith.addf %add3A_2056, %add3A_2215 : vector<16xf32>
        %get3A_2217 = arith.index_cast %rem3A_89 : i32 to index
        %get3A_2218 = arith.index_cast %add3A_2212 : i32 to index
        %get3A_2219 = arith.constant 0 : index
        %get3A_2220 = tpu.vector_load %arg8[%get3A_2217, %get3A_2218, %get3A_2219] {strides = array<i32>} : memref<5x64x128xi32, #tpu.memory_space<vmem>>, vector<1x1x16xi32>,
        %get3A_2221 = vector.shape_cast %get3A_2220 : vector<1x1x16xi32> to vector<16xi32>
        %and3A_2222 = arith.constant 65535 : i32
        %and3A_2223 = vector.broadcast %and3A_2222 : i32 to vector<16xi32>
        %and3A_2224 = arith.andi %get3A_2221, %and3A_2223 : vector<16xi32>
        %convert_element_type3A_2225 = arith.sitofp %and3A_2224 : vector<16xi32> to vector<16xf32>
        %shift_right_logical3A_2226 = arith.constant 16 : i32
        %shift_right_logical3A_2227 = vector.broadcast %shift_right_logical3A_2226 : i32 to vector<16xi32>
        %shift_right_logical3A_2228 = arith.shrui %get3A_2221, %shift_right_logical3A_2227 : vector<16xi32>
        %convert_element_type3A_2229 = arith.sitofp %shift_right_logical3A_2228 : vector<16xi32> to vector<16xf32>
        %mul3A_2230 = vector.broadcast %squeeze3A_2214 : f32 to vector<16xf32>
        %mul3A_2231 = arith.mulf %convert_element_type3A_2225, %mul3A_2230 : vector<16xf32>
        %add3A_2232 = arith.addf %add3A_2072, %mul3A_2231 : vector<16xf32>
        %mul3A_2233 = vector.broadcast %squeeze3A_2214 : f32 to vector<16xf32>
        %mul3A_2234 = arith.mulf %convert_element_type3A_2229, %mul3A_2233 : vector<16xf32>
        %add3A_2235 = arith.addf %add3A_2075, %mul3A_2234 : vector<16xf32>
        %get3A_2236 = arith.index_cast %rem3A_89 : i32 to index
        %get3A_2237 = arith.index_cast %add3A_2212 : i32 to index
        %get3A_2238 = arith.constant 16 : index
        %get3A_2239 = tpu.vector_load %arg8[%get3A_2236, %get3A_2237, %get3A_2238] {strides = array<i32>} : memref<5x64x128xi32, #tpu.memory_space<vmem>>, vector<1x1x16xi32>,
        %get3A_2240 = vector.shape_cast %get3A_2239 : vector<1x1x16xi32> to vector<16xi32>
        %and3A_2241 = arith.constant 65535 : i32
        %and3A_2242 = vector.broadcast %and3A_2241 : i32 to vector<16xi32>
        %and3A_2243 = arith.andi %get3A_2240, %and3A_2242 : vector<16xi32>
        %convert_element_type3A_2244 = arith.sitofp %and3A_2243 : vector<16xi32> to vector<16xf32>
        %shift_right_logical3A_2245 = arith.constant 16 : i32
        %shift_right_logical3A_2246 = vector.broadcast %shift_right_logical3A_2245 : i32 to vector<16xi32>
        %shift_right_logical3A_2247 = arith.shrui %get3A_2240, %shift_right_logical3A_2246 : vector<16xi32>
        %convert_element_type3A_2248 = arith.sitofp %shift_right_logical3A_2247 : vector<16xi32> to vector<16xf32>
        %mul3A_2249 = vector.broadcast %squeeze3A_2214 : f32 to vector<16xf32>
        %mul3A_2250 = arith.mulf %convert_element_type3A_2244, %mul3A_2249 : vector<16xf32>
        %add3A_2251 = arith.addf %add3A_2091, %mul3A_2250 : vector<16xf32>
        %mul3A_2252 = vector.broadcast %squeeze3A_2214 : f32 to vector<16xf32>
        %mul3A_2253 = arith.mulf %convert_element_type3A_2248, %mul3A_2252 : vector<16xf32>
        %add3A_2254 = arith.addf %add3A_2094, %mul3A_2253 : vector<16xf32>
        %get3A_2255 = arith.index_cast %rem3A_89 : i32 to index
        %get3A_2256 = arith.index_cast %add3A_2212 : i32 to index
        %get3A_2257 = arith.constant 32 : index
        %get3A_2258 = tpu.vector_load %arg8[%get3A_2255, %get3A_2256, %get3A_2257] {strides = array<i32>} : memref<5x64x128xi32, #tpu.memory_space<vmem>>, vector<1x1x16xi32>,
        %get3A_2259 = vector.shape_cast %get3A_2258 : vector<1x1x16xi32> to vector<16xi32>
        %and3A_2260 = arith.constant 65535 : i32
        %and3A_2261 = vector.broadcast %and3A_2260 : i32 to vector<16xi32>
        %and3A_2262 = arith.andi %get3A_2259, %and3A_2261 : vector<16xi32>
        %convert_element_type3A_2263 = arith.sitofp %and3A_2262 : vector<16xi32> to vector<16xf32>
        %shift_right_logical3A_2264 = arith.constant 16 : i32
        %shift_right_logical3A_2265 = vector.broadcast %shift_right_logical3A_2264 : i32 to vector<16xi32>
        %shift_right_logical3A_2266 = arith.shrui %get3A_2259, %shift_right_logical3A_2265 : vector<16xi32>
        %convert_element_type3A_2267 = arith.sitofp %shift_right_logical3A_2266 : vector<16xi32> to vector<16xf32>
        %mul3A_2268 = vector.broadcast %squeeze3A_2214 : f32 to vector<16xf32>
        %mul3A_2269 = arith.mulf %convert_element_type3A_2263, %mul3A_2268 : vector<16xf32>
        %add3A_2270 = arith.addf %add3A_2110, %mul3A_2269 : vector<16xf32>
        %mul3A_2271 = vector.broadcast %squeeze3A_2214 : f32 to vector<16xf32>
        %mul3A_2272 = arith.mulf %convert_element_type3A_2267, %mul3A_2271 : vector<16xf32>
        %add3A_2273 = arith.addf %add3A_2113, %mul3A_2272 : vector<16xf32>
        %get3A_2274 = arith.index_cast %rem3A_89 : i32 to index
        %get3A_2275 = arith.index_cast %add3A_2212 : i32 to index
        %get3A_2276 = arith.constant 48 : index
        %get3A_2277 = tpu.vector_load %arg8[%get3A_2274, %get3A_2275, %get3A_2276] {strides = array<i32>} : memref<5x64x128xi32, #tpu.memory_space<vmem>>, vector<1x1x16xi32>,
        %get3A_2278 = vector.shape_cast %get3A_2277 : vector<1x1x16xi32> to vector<16xi32>
        %and3A_2279 = arith.constant 65535 : i32
        %and3A_2280 = vector.broadcast %and3A_2279 : i32 to vector<16xi32>
        %and3A_2281 = arith.andi %get3A_2278, %and3A_2280 : vector<16xi32>
        %convert_element_type3A_2282 = arith.sitofp %and3A_2281 : vector<16xi32> to vector<16xf32>
        %shift_right_logical3A_2283 = arith.constant 16 : i32
        %shift_right_logical3A_2284 = vector.broadcast %shift_right_logical3A_2283 : i32 to vector<16xi32>
        %shift_right_logical3A_2285 = arith.shrui %get3A_2278, %shift_right_logical3A_2284 : vector<16xi32>
        %convert_element_type3A_2286 = arith.sitofp %shift_right_logical3A_2285 : vector<16xi32> to vector<16xf32>
        %mul3A_2287 = vector.broadcast %squeeze3A_2214 : f32 to vector<16xf32>
        %mul3A_2288 = arith.mulf %convert_element_type3A_2282, %mul3A_2287 : vector<16xf32>
        %add3A_2289 = arith.addf %add3A_2129, %mul3A_2288 : vector<16xf32>
        %mul3A_2290 = vector.broadcast %squeeze3A_2214 : f32 to vector<16xf32>
        %mul3A_2291 = arith.mulf %convert_element_type3A_2286, %mul3A_2290 : vector<16xf32>
        %add3A_2292 = arith.addf %add3A_2132, %mul3A_2291 : vector<16xf32>
        %get3A_2293 = arith.index_cast %rem3A_89 : i32 to index
        %get3A_2294 = arith.index_cast %add3A_2212 : i32 to index
        %get3A_2295 = arith.constant 64 : index
        %get3A_2296 = tpu.vector_load %arg8[%get3A_2293, %get3A_2294, %get3A_2295] {strides = array<i32>} : memref<5x64x128xi32, #tpu.memory_space<vmem>>, vector<1x1x16xi32>,
        %get3A_2297 = vector.shape_cast %get3A_2296 : vector<1x1x16xi32> to vector<16xi32>
        %and3A_2298 = arith.constant 65535 : i32
        %and3A_2299 = vector.broadcast %and3A_2298 : i32 to vector<16xi32>
        %and3A_2300 = arith.andi %get3A_2297, %and3A_2299 : vector<16xi32>
        %convert_element_type3A_2301 = arith.sitofp %and3A_2300 : vector<16xi32> to vector<16xf32>
        %shift_right_logical3A_2302 = arith.constant 16 : i32
        %shift_right_logical3A_2303 = vector.broadcast %shift_right_logical3A_2302 : i32 to vector<16xi32>
        %shift_right_logical3A_2304 = arith.shrui %get3A_2297, %shift_right_logical3A_2303 : vector<16xi32>
        %convert_element_type3A_2305 = arith.sitofp %shift_right_logical3A_2304 : vector<16xi32> to vector<16xf32>
        %mul3A_2306 = vector.broadcast %squeeze3A_2214 : f32 to vector<16xf32>
        %mul3A_2307 = arith.mulf %convert_element_type3A_2301, %mul3A_2306 : vector<16xf32>
        %add3A_2308 = arith.addf %add3A_2148, %mul3A_2307 : vector<16xf32>
        %mul3A_2309 = vector.broadcast %squeeze3A_2214 : f32 to vector<16xf32>
        %mul3A_2310 = arith.mulf %convert_element_type3A_2305, %mul3A_2309 : vector<16xf32>
        %add3A_2311 = arith.addf %add3A_2151, %mul3A_2310 : vector<16xf32>
        %get3A_2312 = arith.index_cast %rem3A_89 : i32 to index
        %get3A_2313 = arith.index_cast %add3A_2212 : i32 to index
        %get3A_2314 = arith.constant 80 : index
        %get3A_2315 = tpu.vector_load %arg8[%get3A_2312, %get3A_2313, %get3A_2314] {strides = array<i32>} : memref<5x64x128xi32, #tpu.memory_space<vmem>>, vector<1x1x16xi32>,
        %get3A_2316 = vector.shape_cast %get3A_2315 : vector<1x1x16xi32> to vector<16xi32>
        %and3A_2317 = arith.constant 65535 : i32
        %and3A_2318 = vector.broadcast %and3A_2317 : i32 to vector<16xi32>
        %and3A_2319 = arith.andi %get3A_2316, %and3A_2318 : vector<16xi32>
        %convert_element_type3A_2320 = arith.sitofp %and3A_2319 : vector<16xi32> to vector<16xf32>
        %shift_right_logical3A_2321 = arith.constant 16 : i32
        %shift_right_logical3A_2322 = vector.broadcast %shift_right_logical3A_2321 : i32 to vector<16xi32>
        %shift_right_logical3A_2323 = arith.shrui %get3A_2316, %shift_right_logical3A_2322 : vector<16xi32>
        %convert_element_type3A_2324 = arith.sitofp %shift_right_logical3A_2323 : vector<16xi32> to vector<16xf32>
        %mul3A_2325 = vector.broadcast %squeeze3A_2214 : f32 to vector<16xf32>
        %mul3A_2326 = arith.mulf %convert_element_type3A_2320, %mul3A_2325 : vector<16xf32>
        %add3A_2327 = arith.addf %add3A_2167, %mul3A_2326 : vector<16xf32>
        %mul3A_2328 = vector.broadcast %squeeze3A_2214 : f32 to vector<16xf32>
        %mul3A_2329 = arith.mulf %convert_element_type3A_2324, %mul3A_2328 : vector<16xf32>
        %add3A_2330 = arith.addf %add3A_2170, %mul3A_2329 : vector<16xf32>
        %get3A_2331 = arith.index_cast %rem3A_89 : i32 to index
        %get3A_2332 = arith.index_cast %add3A_2212 : i32 to index
        %get3A_2333 = arith.constant 96 : index
        %get3A_2334 = tpu.vector_load %arg8[%get3A_2331, %get3A_2332, %get3A_2333] {strides = array<i32>} : memref<5x64x128xi32, #tpu.memory_space<vmem>>, vector<1x1x16xi32>,
        %get3A_2335 = vector.shape_cast %get3A_2334 : vector<1x1x16xi32> to vector<16xi32>
        %and3A_2336 = arith.constant 65535 : i32
        %and3A_2337 = vector.broadcast %and3A_2336 : i32 to vector<16xi32>
        %and3A_2338 = arith.andi %get3A_2335, %and3A_2337 : vector<16xi32>
        %convert_element_type3A_2339 = arith.sitofp %and3A_2338 : vector<16xi32> to vector<16xf32>
        %shift_right_logical3A_2340 = arith.constant 16 : i32
        %shift_right_logical3A_2341 = vector.broadcast %shift_right_logical3A_2340 : i32 to vector<16xi32>
        %shift_right_logical3A_2342 = arith.shrui %get3A_2335, %shift_right_logical3A_2341 : vector<16xi32>
        %convert_element_type3A_2343 = arith.sitofp %shift_right_logical3A_2342 : vector<16xi32> to vector<16xf32>
        %mul3A_2344 = vector.broadcast %squeeze3A_2214 : f32 to vector<16xf32>
        %mul3A_2345 = arith.mulf %convert_element_type3A_2339, %mul3A_2344 : vector<16xf32>
        %add3A_2346 = arith.addf %add3A_2186, %mul3A_2345 : vector<16xf32>
        %mul3A_2347 = vector.broadcast %squeeze3A_2214 : f32 to vector<16xf32>
        %mul3A_2348 = arith.mulf %convert_element_type3A_2343, %mul3A_2347 : vector<16xf32>
        %add3A_2349 = arith.addf %add3A_2189, %mul3A_2348 : vector<16xf32>
        %get3A_2350 = arith.index_cast %rem3A_89 : i32 to index
        %get3A_2351 = arith.index_cast %add3A_2212 : i32 to index
        %get3A_2352 = arith.constant 112 : index
        %get3A_2353 = tpu.vector_load %arg8[%get3A_2350, %get3A_2351, %get3A_2352] {strides = array<i32>} : memref<5x64x128xi32, #tpu.memory_space<vmem>>, vector<1x1x16xi32>,
        %get3A_2354 = vector.shape_cast %get3A_2353 : vector<1x1x16xi32> to vector<16xi32>
        %and3A_2355 = arith.constant 65535 : i32
        %and3A_2356 = vector.broadcast %and3A_2355 : i32 to vector<16xi32>
        %and3A_2357 = arith.andi %get3A_2354, %and3A_2356 : vector<16xi32>
        %convert_element_type3A_2358 = arith.sitofp %and3A_2357 : vector<16xi32> to vector<16xf32>
        %shift_right_logical3A_2359 = arith.constant 16 : i32
        %shift_right_logical3A_2360 = vector.broadcast %shift_right_logical3A_2359 : i32 to vector<16xi32>
        %shift_right_logical3A_2361 = arith.shrui %get3A_2354, %shift_right_logical3A_2360 : vector<16xi32>
        %convert_element_type3A_2362 = arith.sitofp %shift_right_logical3A_2361 : vector<16xi32> to vector<16xf32>
        %mul3A_2363 = vector.broadcast %squeeze3A_2214 : f32 to vector<16xf32>
        %mul3A_2364 = arith.mulf %convert_element_type3A_2358, %mul3A_2363 : vector<16xf32>
        %add3A_2365 = arith.addf %add3A_2205, %mul3A_2364 : vector<16xf32>
        %mul3A_2366 = vector.broadcast %squeeze3A_2214 : f32 to vector<16xf32>
        %mul3A_2367 = arith.mulf %convert_element_type3A_2362, %mul3A_2366 : vector<16xf32>
        %add3A_2368 = arith.addf %add3A_2208, %mul3A_2367 : vector<16xf32>
        %mul3A_2369 = arith.constant 16 : i32
        %mul3A_2370 = arith.muli %scan3A_429, %mul3A_2369 : i32
        %add3A_2371 = arith.constant 12 : i32
        %add3A_2372 = arith.addi %mul3A_2370, %add3A_2371 : i32
        %slice3A_2373 = vector.extract_strided_slice %get3A_451 {offsets = [12], sizes = [1], strides = [1]} : vector<16xf32> to vector<1xf32>
        %squeeze3A_2374 = vector.extract %slice3A_2373[0] : f32 from vector<1xf32>
        %add3A_2375 = vector.broadcast %squeeze3A_2374 : f32 to vector<16xf32>
        %add3A_2376 = arith.addf %add3A_2216, %add3A_2375 : vector<16xf32>
        %get3A_2377 = arith.index_cast %rem3A_89 : i32 to index
        %get3A_2378 = arith.index_cast %add3A_2372 : i32 to index
        %get3A_2379 = arith.constant 0 : index
        %get3A_2380 = tpu.vector_load %arg8[%get3A_2377, %get3A_2378, %get3A_2379] {strides = array<i32>} : memref<5x64x128xi32, #tpu.memory_space<vmem>>, vector<1x1x16xi32>,
        %get3A_2381 = vector.shape_cast %get3A_2380 : vector<1x1x16xi32> to vector<16xi32>
        %and3A_2382 = arith.constant 65535 : i32
        %and3A_2383 = vector.broadcast %and3A_2382 : i32 to vector<16xi32>
        %and3A_2384 = arith.andi %get3A_2381, %and3A_2383 : vector<16xi32>
        %convert_element_type3A_2385 = arith.sitofp %and3A_2384 : vector<16xi32> to vector<16xf32>
        %shift_right_logical3A_2386 = arith.constant 16 : i32
        %shift_right_logical3A_2387 = vector.broadcast %shift_right_logical3A_2386 : i32 to vector<16xi32>
        %shift_right_logical3A_2388 = arith.shrui %get3A_2381, %shift_right_logical3A_2387 : vector<16xi32>
        %convert_element_type3A_2389 = arith.sitofp %shift_right_logical3A_2388 : vector<16xi32> to vector<16xf32>
        %mul3A_2390 = vector.broadcast %squeeze3A_2374 : f32 to vector<16xf32>
        %mul3A_2391 = arith.mulf %convert_element_type3A_2385, %mul3A_2390 : vector<16xf32>
        %add3A_2392 = arith.addf %add3A_2232, %mul3A_2391 : vector<16xf32>
        %mul3A_2393 = vector.broadcast %squeeze3A_2374 : f32 to vector<16xf32>
        %mul3A_2394 = arith.mulf %convert_element_type3A_2389, %mul3A_2393 : vector<16xf32>
        %add3A_2395 = arith.addf %add3A_2235, %mul3A_2394 : vector<16xf32>
        %get3A_2396 = arith.index_cast %rem3A_89 : i32 to index
        %get3A_2397 = arith.index_cast %add3A_2372 : i32 to index
        %get3A_2398 = arith.constant 16 : index
        %get3A_2399 = tpu.vector_load %arg8[%get3A_2396, %get3A_2397, %get3A_2398] {strides = array<i32>} : memref<5x64x128xi32, #tpu.memory_space<vmem>>, vector<1x1x16xi32>,
        %get3A_2400 = vector.shape_cast %get3A_2399 : vector<1x1x16xi32> to vector<16xi32>
        %and3A_2401 = arith.constant 65535 : i32
        %and3A_2402 = vector.broadcast %and3A_2401 : i32 to vector<16xi32>
        %and3A_2403 = arith.andi %get3A_2400, %and3A_2402 : vector<16xi32>
        %convert_element_type3A_2404 = arith.sitofp %and3A_2403 : vector<16xi32> to vector<16xf32>
        %shift_right_logical3A_2405 = arith.constant 16 : i32
        %shift_right_logical3A_2406 = vector.broadcast %shift_right_logical3A_2405 : i32 to vector<16xi32>
        %shift_right_logical3A_2407 = arith.shrui %get3A_2400, %shift_right_logical3A_2406 : vector<16xi32>
        %convert_element_type3A_2408 = arith.sitofp %shift_right_logical3A_2407 : vector<16xi32> to vector<16xf32>
        %mul3A_2409 = vector.broadcast %squeeze3A_2374 : f32 to vector<16xf32>
        %mul3A_2410 = arith.mulf %convert_element_type3A_2404, %mul3A_2409 : vector<16xf32>
        %add3A_2411 = arith.addf %add3A_2251, %mul3A_2410 : vector<16xf32>
        %mul3A_2412 = vector.broadcast %squeeze3A_2374 : f32 to vector<16xf32>
        %mul3A_2413 = arith.mulf %convert_element_type3A_2408, %mul3A_2412 : vector<16xf32>
        %add3A_2414 = arith.addf %add3A_2254, %mul3A_2413 : vector<16xf32>
        %get3A_2415 = arith.index_cast %rem3A_89 : i32 to index
        %get3A_2416 = arith.index_cast %add3A_2372 : i32 to index
        %get3A_2417 = arith.constant 32 : index
        %get3A_2418 = tpu.vector_load %arg8[%get3A_2415, %get3A_2416, %get3A_2417] {strides = array<i32>} : memref<5x64x128xi32, #tpu.memory_space<vmem>>, vector<1x1x16xi32>,
        %get3A_2419 = vector.shape_cast %get3A_2418 : vector<1x1x16xi32> to vector<16xi32>
        %and3A_2420 = arith.constant 65535 : i32
        %and3A_2421 = vector.broadcast %and3A_2420 : i32 to vector<16xi32>
        %and3A_2422 = arith.andi %get3A_2419, %and3A_2421 : vector<16xi32>
        %convert_element_type3A_2423 = arith.sitofp %and3A_2422 : vector<16xi32> to vector<16xf32>
        %shift_right_logical3A_2424 = arith.constant 16 : i32
        %shift_right_logical3A_2425 = vector.broadcast %shift_right_logical3A_2424 : i32 to vector<16xi32>
        %shift_right_logical3A_2426 = arith.shrui %get3A_2419, %shift_right_logical3A_2425 : vector<16xi32>
        %convert_element_type3A_2427 = arith.sitofp %shift_right_logical3A_2426 : vector<16xi32> to vector<16xf32>
        %mul3A_2428 = vector.broadcast %squeeze3A_2374 : f32 to vector<16xf32>
        %mul3A_2429 = arith.mulf %convert_element_type3A_2423, %mul3A_2428 : vector<16xf32>
        %add3A_2430 = arith.addf %add3A_2270, %mul3A_2429 : vector<16xf32>
        %mul3A_2431 = vector.broadcast %squeeze3A_2374 : f32 to vector<16xf32>
        %mul3A_2432 = arith.mulf %convert_element_type3A_2427, %mul3A_2431 : vector<16xf32>
        %add3A_2433 = arith.addf %add3A_2273, %mul3A_2432 : vector<16xf32>
        %get3A_2434 = arith.index_cast %rem3A_89 : i32 to index
        %get3A_2435 = arith.index_cast %add3A_2372 : i32 to index
        %get3A_2436 = arith.constant 48 : index
        %get3A_2437 = tpu.vector_load %arg8[%get3A_2434, %get3A_2435, %get3A_2436] {strides = array<i32>} : memref<5x64x128xi32, #tpu.memory_space<vmem>>, vector<1x1x16xi32>,
        %get3A_2438 = vector.shape_cast %get3A_2437 : vector<1x1x16xi32> to vector<16xi32>
        %and3A_2439 = arith.constant 65535 : i32
        %and3A_2440 = vector.broadcast %and3A_2439 : i32 to vector<16xi32>
        %and3A_2441 = arith.andi %get3A_2438, %and3A_2440 : vector<16xi32>
        %convert_element_type3A_2442 = arith.sitofp %and3A_2441 : vector<16xi32> to vector<16xf32>
        %shift_right_logical3A_2443 = arith.constant 16 : i32
        %shift_right_logical3A_2444 = vector.broadcast %shift_right_logical3A_2443 : i32 to vector<16xi32>
        %shift_right_logical3A_2445 = arith.shrui %get3A_2438, %shift_right_logical3A_2444 : vector<16xi32>
        %convert_element_type3A_2446 = arith.sitofp %shift_right_logical3A_2445 : vector<16xi32> to vector<16xf32>
        %mul3A_2447 = vector.broadcast %squeeze3A_2374 : f32 to vector<16xf32>
        %mul3A_2448 = arith.mulf %convert_element_type3A_2442, %mul3A_2447 : vector<16xf32>
        %add3A_2449 = arith.addf %add3A_2289, %mul3A_2448 : vector<16xf32>
        %mul3A_2450 = vector.broadcast %squeeze3A_2374 : f32 to vector<16xf32>
        %mul3A_2451 = arith.mulf %convert_element_type3A_2446, %mul3A_2450 : vector<16xf32>
        %add3A_2452 = arith.addf %add3A_2292, %mul3A_2451 : vector<16xf32>
        %get3A_2453 = arith.index_cast %rem3A_89 : i32 to index
        %get3A_2454 = arith.index_cast %add3A_2372 : i32 to index
        %get3A_2455 = arith.constant 64 : index
        %get3A_2456 = tpu.vector_load %arg8[%get3A_2453, %get3A_2454, %get3A_2455] {strides = array<i32>} : memref<5x64x128xi32, #tpu.memory_space<vmem>>, vector<1x1x16xi32>,
        %get3A_2457 = vector.shape_cast %get3A_2456 : vector<1x1x16xi32> to vector<16xi32>
        %and3A_2458 = arith.constant 65535 : i32
        %and3A_2459 = vector.broadcast %and3A_2458 : i32 to vector<16xi32>
        %and3A_2460 = arith.andi %get3A_2457, %and3A_2459 : vector<16xi32>
        %convert_element_type3A_2461 = arith.sitofp %and3A_2460 : vector<16xi32> to vector<16xf32>
        %shift_right_logical3A_2462 = arith.constant 16 : i32
        %shift_right_logical3A_2463 = vector.broadcast %shift_right_logical3A_2462 : i32 to vector<16xi32>
        %shift_right_logical3A_2464 = arith.shrui %get3A_2457, %shift_right_logical3A_2463 : vector<16xi32>
        %convert_element_type3A_2465 = arith.sitofp %shift_right_logical3A_2464 : vector<16xi32> to vector<16xf32>
        %mul3A_2466 = vector.broadcast %squeeze3A_2374 : f32 to vector<16xf32>
        %mul3A_2467 = arith.mulf %convert_element_type3A_2461, %mul3A_2466 : vector<16xf32>
        %add3A_2468 = arith.addf %add3A_2308, %mul3A_2467 : vector<16xf32>
        %mul3A_2469 = vector.broadcast %squeeze3A_2374 : f32 to vector<16xf32>
        %mul3A_2470 = arith.mulf %convert_element_type3A_2465, %mul3A_2469 : vector<16xf32>
        %add3A_2471 = arith.addf %add3A_2311, %mul3A_2470 : vector<16xf32>
        %get3A_2472 = arith.index_cast %rem3A_89 : i32 to index
        %get3A_2473 = arith.index_cast %add3A_2372 : i32 to index
        %get3A_2474 = arith.constant 80 : index
        %get3A_2475 = tpu.vector_load %arg8[%get3A_2472, %get3A_2473, %get3A_2474] {strides = array<i32>} : memref<5x64x128xi32, #tpu.memory_space<vmem>>, vector<1x1x16xi32>,
        %get3A_2476 = vector.shape_cast %get3A_2475 : vector<1x1x16xi32> to vector<16xi32>
        %and3A_2477 = arith.constant 65535 : i32
        %and3A_2478 = vector.broadcast %and3A_2477 : i32 to vector<16xi32>
        %and3A_2479 = arith.andi %get3A_2476, %and3A_2478 : vector<16xi32>
        %convert_element_type3A_2480 = arith.sitofp %and3A_2479 : vector<16xi32> to vector<16xf32>
        %shift_right_logical3A_2481 = arith.constant 16 : i32
        %shift_right_logical3A_2482 = vector.broadcast %shift_right_logical3A_2481 : i32 to vector<16xi32>
        %shift_right_logical3A_2483 = arith.shrui %get3A_2476, %shift_right_logical3A_2482 : vector<16xi32>
        %convert_element_type3A_2484 = arith.sitofp %shift_right_logical3A_2483 : vector<16xi32> to vector<16xf32>
        %mul3A_2485 = vector.broadcast %squeeze3A_2374 : f32 to vector<16xf32>
        %mul3A_2486 = arith.mulf %convert_element_type3A_2480, %mul3A_2485 : vector<16xf32>
        %add3A_2487 = arith.addf %add3A_2327, %mul3A_2486 : vector<16xf32>
        %mul3A_2488 = vector.broadcast %squeeze3A_2374 : f32 to vector<16xf32>
        %mul3A_2489 = arith.mulf %convert_element_type3A_2484, %mul3A_2488 : vector<16xf32>
        %add3A_2490 = arith.addf %add3A_2330, %mul3A_2489 : vector<16xf32>
        %get3A_2491 = arith.index_cast %rem3A_89 : i32 to index
        %get3A_2492 = arith.index_cast %add3A_2372 : i32 to index
        %get3A_2493 = arith.constant 96 : index
        %get3A_2494 = tpu.vector_load %arg8[%get3A_2491, %get3A_2492, %get3A_2493] {strides = array<i32>} : memref<5x64x128xi32, #tpu.memory_space<vmem>>, vector<1x1x16xi32>,
        %get3A_2495 = vector.shape_cast %get3A_2494 : vector<1x1x16xi32> to vector<16xi32>
        %and3A_2496 = arith.constant 65535 : i32
        %and3A_2497 = vector.broadcast %and3A_2496 : i32 to vector<16xi32>
        %and3A_2498 = arith.andi %get3A_2495, %and3A_2497 : vector<16xi32>
        %convert_element_type3A_2499 = arith.sitofp %and3A_2498 : vector<16xi32> to vector<16xf32>
        %shift_right_logical3A_2500 = arith.constant 16 : i32
        %shift_right_logical3A_2501 = vector.broadcast %shift_right_logical3A_2500 : i32 to vector<16xi32>
        %shift_right_logical3A_2502 = arith.shrui %get3A_2495, %shift_right_logical3A_2501 : vector<16xi32>
        %convert_element_type3A_2503 = arith.sitofp %shift_right_logical3A_2502 : vector<16xi32> to vector<16xf32>
        %mul3A_2504 = vector.broadcast %squeeze3A_2374 : f32 to vector<16xf32>
        %mul3A_2505 = arith.mulf %convert_element_type3A_2499, %mul3A_2504 : vector<16xf32>
        %add3A_2506 = arith.addf %add3A_2346, %mul3A_2505 : vector<16xf32>
        %mul3A_2507 = vector.broadcast %squeeze3A_2374 : f32 to vector<16xf32>
        %mul3A_2508 = arith.mulf %convert_element_type3A_2503, %mul3A_2507 : vector<16xf32>
        %add3A_2509 = arith.addf %add3A_2349, %mul3A_2508 : vector<16xf32>
        %get3A_2510 = arith.index_cast %rem3A_89 : i32 to index
        %get3A_2511 = arith.index_cast %add3A_2372 : i32 to index
        %get3A_2512 = arith.constant 112 : index
        %get3A_2513 = tpu.vector_load %arg8[%get3A_2510, %get3A_2511, %get3A_2512] {strides = array<i32>} : memref<5x64x128xi32, #tpu.memory_space<vmem>>, vector<1x1x16xi32>,
        %get3A_2514 = vector.shape_cast %get3A_2513 : vector<1x1x16xi32> to vector<16xi32>
        %and3A_2515 = arith.constant 65535 : i32
        %and3A_2516 = vector.broadcast %and3A_2515 : i32 to vector<16xi32>
        %and3A_2517 = arith.andi %get3A_2514, %and3A_2516 : vector<16xi32>
        %convert_element_type3A_2518 = arith.sitofp %and3A_2517 : vector<16xi32> to vector<16xf32>
        %shift_right_logical3A_2519 = arith.constant 16 : i32
        %shift_right_logical3A_2520 = vector.broadcast %shift_right_logical3A_2519 : i32 to vector<16xi32>
        %shift_right_logical3A_2521 = arith.shrui %get3A_2514, %shift_right_logical3A_2520 : vector<16xi32>
        %convert_element_type3A_2522 = arith.sitofp %shift_right_logical3A_2521 : vector<16xi32> to vector<16xf32>
        %mul3A_2523 = vector.broadcast %squeeze3A_2374 : f32 to vector<16xf32>
        %mul3A_2524 = arith.mulf %convert_element_type3A_2518, %mul3A_2523 : vector<16xf32>
        %add3A_2525 = arith.addf %add3A_2365, %mul3A_2524 : vector<16xf32>
        %mul3A_2526 = vector.broadcast %squeeze3A_2374 : f32 to vector<16xf32>
        %mul3A_2527 = arith.mulf %convert_element_type3A_2522, %mul3A_2526 : vector<16xf32>
        %add3A_2528 = arith.addf %add3A_2368, %mul3A_2527 : vector<16xf32>
        %mul3A_2529 = arith.constant 16 : i32
        %mul3A_2530 = arith.muli %scan3A_429, %mul3A_2529 : i32
        %add3A_2531 = arith.constant 13 : i32
        %add3A_2532 = arith.addi %mul3A_2530, %add3A_2531 : i32
        %slice3A_2533 = vector.extract_strided_slice %get3A_451 {offsets = [13], sizes = [1], strides = [1]} : vector<16xf32> to vector<1xf32>
        %squeeze3A_2534 = vector.extract %slice3A_2533[0] : f32 from vector<1xf32>
        %add3A_2535 = vector.broadcast %squeeze3A_2534 : f32 to vector<16xf32>
        %add3A_2536 = arith.addf %add3A_2376, %add3A_2535 : vector<16xf32>
        %get3A_2537 = arith.index_cast %rem3A_89 : i32 to index
        %get3A_2538 = arith.index_cast %add3A_2532 : i32 to index
        %get3A_2539 = arith.constant 0 : index
        %get3A_2540 = tpu.vector_load %arg8[%get3A_2537, %get3A_2538, %get3A_2539] {strides = array<i32>} : memref<5x64x128xi32, #tpu.memory_space<vmem>>, vector<1x1x16xi32>,
        %get3A_2541 = vector.shape_cast %get3A_2540 : vector<1x1x16xi32> to vector<16xi32>
        %and3A_2542 = arith.constant 65535 : i32
        %and3A_2543 = vector.broadcast %and3A_2542 : i32 to vector<16xi32>
        %and3A_2544 = arith.andi %get3A_2541, %and3A_2543 : vector<16xi32>
        %convert_element_type3A_2545 = arith.sitofp %and3A_2544 : vector<16xi32> to vector<16xf32>
        %shift_right_logical3A_2546 = arith.constant 16 : i32
        %shift_right_logical3A_2547 = vector.broadcast %shift_right_logical3A_2546 : i32 to vector<16xi32>
        %shift_right_logical3A_2548 = arith.shrui %get3A_2541, %shift_right_logical3A_2547 : vector<16xi32>
        %convert_element_type3A_2549 = arith.sitofp %shift_right_logical3A_2548 : vector<16xi32> to vector<16xf32>
        %mul3A_2550 = vector.broadcast %squeeze3A_2534 : f32 to vector<16xf32>
        %mul3A_2551 = arith.mulf %convert_element_type3A_2545, %mul3A_2550 : vector<16xf32>
        %add3A_2552 = arith.addf %add3A_2392, %mul3A_2551 : vector<16xf32>
        %mul3A_2553 = vector.broadcast %squeeze3A_2534 : f32 to vector<16xf32>
        %mul3A_2554 = arith.mulf %convert_element_type3A_2549, %mul3A_2553 : vector<16xf32>
        %add3A_2555 = arith.addf %add3A_2395, %mul3A_2554 : vector<16xf32>
        %get3A_2556 = arith.index_cast %rem3A_89 : i32 to index
        %get3A_2557 = arith.index_cast %add3A_2532 : i32 to index
        %get3A_2558 = arith.constant 16 : index
        %get3A_2559 = tpu.vector_load %arg8[%get3A_2556, %get3A_2557, %get3A_2558] {strides = array<i32>} : memref<5x64x128xi32, #tpu.memory_space<vmem>>, vector<1x1x16xi32>,
        %get3A_2560 = vector.shape_cast %get3A_2559 : vector<1x1x16xi32> to vector<16xi32>
        %and3A_2561 = arith.constant 65535 : i32
        %and3A_2562 = vector.broadcast %and3A_2561 : i32 to vector<16xi32>
        %and3A_2563 = arith.andi %get3A_2560, %and3A_2562 : vector<16xi32>
        %convert_element_type3A_2564 = arith.sitofp %and3A_2563 : vector<16xi32> to vector<16xf32>
        %shift_right_logical3A_2565 = arith.constant 16 : i32
        %shift_right_logical3A_2566 = vector.broadcast %shift_right_logical3A_2565 : i32 to vector<16xi32>
        %shift_right_logical3A_2567 = arith.shrui %get3A_2560, %shift_right_logical3A_2566 : vector<16xi32>
        %convert_element_type3A_2568 = arith.sitofp %shift_right_logical3A_2567 : vector<16xi32> to vector<16xf32>
        %mul3A_2569 = vector.broadcast %squeeze3A_2534 : f32 to vector<16xf32>
        %mul3A_2570 = arith.mulf %convert_element_type3A_2564, %mul3A_2569 : vector<16xf32>
        %add3A_2571 = arith.addf %add3A_2411, %mul3A_2570 : vector<16xf32>
        %mul3A_2572 = vector.broadcast %squeeze3A_2534 : f32 to vector<16xf32>
        %mul3A_2573 = arith.mulf %convert_element_type3A_2568, %mul3A_2572 : vector<16xf32>
        %add3A_2574 = arith.addf %add3A_2414, %mul3A_2573 : vector<16xf32>
        %get3A_2575 = arith.index_cast %rem3A_89 : i32 to index
        %get3A_2576 = arith.index_cast %add3A_2532 : i32 to index
        %get3A_2577 = arith.constant 32 : index
        %get3A_2578 = tpu.vector_load %arg8[%get3A_2575, %get3A_2576, %get3A_2577] {strides = array<i32>} : memref<5x64x128xi32, #tpu.memory_space<vmem>>, vector<1x1x16xi32>,
        %get3A_2579 = vector.shape_cast %get3A_2578 : vector<1x1x16xi32> to vector<16xi32>
        %and3A_2580 = arith.constant 65535 : i32
        %and3A_2581 = vector.broadcast %and3A_2580 : i32 to vector<16xi32>
        %and3A_2582 = arith.andi %get3A_2579, %and3A_2581 : vector<16xi32>
        %convert_element_type3A_2583 = arith.sitofp %and3A_2582 : vector<16xi32> to vector<16xf32>
        %shift_right_logical3A_2584 = arith.constant 16 : i32
        %shift_right_logical3A_2585 = vector.broadcast %shift_right_logical3A_2584 : i32 to vector<16xi32>
        %shift_right_logical3A_2586 = arith.shrui %get3A_2579, %shift_right_logical3A_2585 : vector<16xi32>
        %convert_element_type3A_2587 = arith.sitofp %shift_right_logical3A_2586 : vector<16xi32> to vector<16xf32>
        %mul3A_2588 = vector.broadcast %squeeze3A_2534 : f32 to vector<16xf32>
        %mul3A_2589 = arith.mulf %convert_element_type3A_2583, %mul3A_2588 : vector<16xf32>
        %add3A_2590 = arith.addf %add3A_2430, %mul3A_2589 : vector<16xf32>
        %mul3A_2591 = vector.broadcast %squeeze3A_2534 : f32 to vector<16xf32>
        %mul3A_2592 = arith.mulf %convert_element_type3A_2587, %mul3A_2591 : vector<16xf32>
        %add3A_2593 = arith.addf %add3A_2433, %mul3A_2592 : vector<16xf32>
        %get3A_2594 = arith.index_cast %rem3A_89 : i32 to index
        %get3A_2595 = arith.index_cast %add3A_2532 : i32 to index
        %get3A_2596 = arith.constant 48 : index
        %get3A_2597 = tpu.vector_load %arg8[%get3A_2594, %get3A_2595, %get3A_2596] {strides = array<i32>} : memref<5x64x128xi32, #tpu.memory_space<vmem>>, vector<1x1x16xi32>,
        %get3A_2598 = vector.shape_cast %get3A_2597 : vector<1x1x16xi32> to vector<16xi32>
        %and3A_2599 = arith.constant 65535 : i32
        %and3A_2600 = vector.broadcast %and3A_2599 : i32 to vector<16xi32>
        %and3A_2601 = arith.andi %get3A_2598, %and3A_2600 : vector<16xi32>
        %convert_element_type3A_2602 = arith.sitofp %and3A_2601 : vector<16xi32> to vector<16xf32>
        %shift_right_logical3A_2603 = arith.constant 16 : i32
        %shift_right_logical3A_2604 = vector.broadcast %shift_right_logical3A_2603 : i32 to vector<16xi32>
        %shift_right_logical3A_2605 = arith.shrui %get3A_2598, %shift_right_logical3A_2604 : vector<16xi32>
        %convert_element_type3A_2606 = arith.sitofp %shift_right_logical3A_2605 : vector<16xi32> to vector<16xf32>
        %mul3A_2607 = vector.broadcast %squeeze3A_2534 : f32 to vector<16xf32>
        %mul3A_2608 = arith.mulf %convert_element_type3A_2602, %mul3A_2607 : vector<16xf32>
        %add3A_2609 = arith.addf %add3A_2449, %mul3A_2608 : vector<16xf32>
        %mul3A_2610 = vector.broadcast %squeeze3A_2534 : f32 to vector<16xf32>
        %mul3A_2611 = arith.mulf %convert_element_type3A_2606, %mul3A_2610 : vector<16xf32>
        %add3A_2612 = arith.addf %add3A_2452, %mul3A_2611 : vector<16xf32>
        %get3A_2613 = arith.index_cast %rem3A_89 : i32 to index
        %get3A_2614 = arith.index_cast %add3A_2532 : i32 to index
        %get3A_2615 = arith.constant 64 : index
        %get3A_2616 = tpu.vector_load %arg8[%get3A_2613, %get3A_2614, %get3A_2615] {strides = array<i32>} : memref<5x64x128xi32, #tpu.memory_space<vmem>>, vector<1x1x16xi32>,
        %get3A_2617 = vector.shape_cast %get3A_2616 : vector<1x1x16xi32> to vector<16xi32>
        %and3A_2618 = arith.constant 65535 : i32
        %and3A_2619 = vector.broadcast %and3A_2618 : i32 to vector<16xi32>
        %and3A_2620 = arith.andi %get3A_2617, %and3A_2619 : vector<16xi32>
        %convert_element_type3A_2621 = arith.sitofp %and3A_2620 : vector<16xi32> to vector<16xf32>
        %shift_right_logical3A_2622 = arith.constant 16 : i32
        %shift_right_logical3A_2623 = vector.broadcast %shift_right_logical3A_2622 : i32 to vector<16xi32>
        %shift_right_logical3A_2624 = arith.shrui %get3A_2617, %shift_right_logical3A_2623 : vector<16xi32>
        %convert_element_type3A_2625 = arith.sitofp %shift_right_logical3A_2624 : vector<16xi32> to vector<16xf32>
        %mul3A_2626 = vector.broadcast %squeeze3A_2534 : f32 to vector<16xf32>
        %mul3A_2627 = arith.mulf %convert_element_type3A_2621, %mul3A_2626 : vector<16xf32>
        %add3A_2628 = arith.addf %add3A_2468, %mul3A_2627 : vector<16xf32>
        %mul3A_2629 = vector.broadcast %squeeze3A_2534 : f32 to vector<16xf32>
        %mul3A_2630 = arith.mulf %convert_element_type3A_2625, %mul3A_2629 : vector<16xf32>
        %add3A_2631 = arith.addf %add3A_2471, %mul3A_2630 : vector<16xf32>
        %get3A_2632 = arith.index_cast %rem3A_89 : i32 to index
        %get3A_2633 = arith.index_cast %add3A_2532 : i32 to index
        %get3A_2634 = arith.constant 80 : index
        %get3A_2635 = tpu.vector_load %arg8[%get3A_2632, %get3A_2633, %get3A_2634] {strides = array<i32>} : memref<5x64x128xi32, #tpu.memory_space<vmem>>, vector<1x1x16xi32>,
        %get3A_2636 = vector.shape_cast %get3A_2635 : vector<1x1x16xi32> to vector<16xi32>
        %and3A_2637 = arith.constant 65535 : i32
        %and3A_2638 = vector.broadcast %and3A_2637 : i32 to vector<16xi32>
        %and3A_2639 = arith.andi %get3A_2636, %and3A_2638 : vector<16xi32>
        %convert_element_type3A_2640 = arith.sitofp %and3A_2639 : vector<16xi32> to vector<16xf32>
        %shift_right_logical3A_2641 = arith.constant 16 : i32
        %shift_right_logical3A_2642 = vector.broadcast %shift_right_logical3A_2641 : i32 to vector<16xi32>
        %shift_right_logical3A_2643 = arith.shrui %get3A_2636, %shift_right_logical3A_2642 : vector<16xi32>
        %convert_element_type3A_2644 = arith.sitofp %shift_right_logical3A_2643 : vector<16xi32> to vector<16xf32>
        %mul3A_2645 = vector.broadcast %squeeze3A_2534 : f32 to vector<16xf32>
        %mul3A_2646 = arith.mulf %convert_element_type3A_2640, %mul3A_2645 : vector<16xf32>
        %add3A_2647 = arith.addf %add3A_2487, %mul3A_2646 : vector<16xf32>
        %mul3A_2648 = vector.broadcast %squeeze3A_2534 : f32 to vector<16xf32>
        %mul3A_2649 = arith.mulf %convert_element_type3A_2644, %mul3A_2648 : vector<16xf32>
        %add3A_2650 = arith.addf %add3A_2490, %mul3A_2649 : vector<16xf32>
        %get3A_2651 = arith.index_cast %rem3A_89 : i32 to index
        %get3A_2652 = arith.index_cast %add3A_2532 : i32 to index
        %get3A_2653 = arith.constant 96 : index
        %get3A_2654 = tpu.vector_load %arg8[%get3A_2651, %get3A_2652, %get3A_2653] {strides = array<i32>} : memref<5x64x128xi32, #tpu.memory_space<vmem>>, vector<1x1x16xi32>,
        %get3A_2655 = vector.shape_cast %get3A_2654 : vector<1x1x16xi32> to vector<16xi32>
        %and3A_2656 = arith.constant 65535 : i32
        %and3A_2657 = vector.broadcast %and3A_2656 : i32 to vector<16xi32>
        %and3A_2658 = arith.andi %get3A_2655, %and3A_2657 : vector<16xi32>
        %convert_element_type3A_2659 = arith.sitofp %and3A_2658 : vector<16xi32> to vector<16xf32>
        %shift_right_logical3A_2660 = arith.constant 16 : i32
        %shift_right_logical3A_2661 = vector.broadcast %shift_right_logical3A_2660 : i32 to vector<16xi32>
        %shift_right_logical3A_2662 = arith.shrui %get3A_2655, %shift_right_logical3A_2661 : vector<16xi32>
        %convert_element_type3A_2663 = arith.sitofp %shift_right_logical3A_2662 : vector<16xi32> to vector<16xf32>
        %mul3A_2664 = vector.broadcast %squeeze3A_2534 : f32 to vector<16xf32>
        %mul3A_2665 = arith.mulf %convert_element_type3A_2659, %mul3A_2664 : vector<16xf32>
        %add3A_2666 = arith.addf %add3A_2506, %mul3A_2665 : vector<16xf32>
        %mul3A_2667 = vector.broadcast %squeeze3A_2534 : f32 to vector<16xf32>
        %mul3A_2668 = arith.mulf %convert_element_type3A_2663, %mul3A_2667 : vector<16xf32>
        %add3A_2669 = arith.addf %add3A_2509, %mul3A_2668 : vector<16xf32>
        %get3A_2670 = arith.index_cast %rem3A_89 : i32 to index
        %get3A_2671 = arith.index_cast %add3A_2532 : i32 to index
        %get3A_2672 = arith.constant 112 : index
        %get3A_2673 = tpu.vector_load %arg8[%get3A_2670, %get3A_2671, %get3A_2672] {strides = array<i32>} : memref<5x64x128xi32, #tpu.memory_space<vmem>>, vector<1x1x16xi32>,
        %get3A_2674 = vector.shape_cast %get3A_2673 : vector<1x1x16xi32> to vector<16xi32>
        %and3A_2675 = arith.constant 65535 : i32
        %and3A_2676 = vector.broadcast %and3A_2675 : i32 to vector<16xi32>
        %and3A_2677 = arith.andi %get3A_2674, %and3A_2676 : vector<16xi32>
        %convert_element_type3A_2678 = arith.sitofp %and3A_2677 : vector<16xi32> to vector<16xf32>
        %shift_right_logical3A_2679 = arith.constant 16 : i32
        %shift_right_logical3A_2680 = vector.broadcast %shift_right_logical3A_2679 : i32 to vector<16xi32>
        %shift_right_logical3A_2681 = arith.shrui %get3A_2674, %shift_right_logical3A_2680 : vector<16xi32>
        %convert_element_type3A_2682 = arith.sitofp %shift_right_logical3A_2681 : vector<16xi32> to vector<16xf32>
        %mul3A_2683 = vector.broadcast %squeeze3A_2534 : f32 to vector<16xf32>
        %mul3A_2684 = arith.mulf %convert_element_type3A_2678, %mul3A_2683 : vector<16xf32>
        %add3A_2685 = arith.addf %add3A_2525, %mul3A_2684 : vector<16xf32>
        %mul3A_2686 = vector.broadcast %squeeze3A_2534 : f32 to vector<16xf32>
        %mul3A_2687 = arith.mulf %convert_element_type3A_2682, %mul3A_2686 : vector<16xf32>
        %add3A_2688 = arith.addf %add3A_2528, %mul3A_2687 : vector<16xf32>
        %mul3A_2689 = arith.constant 16 : i32
        %mul3A_2690 = arith.muli %scan3A_429, %mul3A_2689 : i32
        %add3A_2691 = arith.constant 14 : i32
        %add3A_2692 = arith.addi %mul3A_2690, %add3A_2691 : i32
        %slice3A_2693 = vector.extract_strided_slice %get3A_451 {offsets = [14], sizes = [1], strides = [1]} : vector<16xf32> to vector<1xf32>
        %squeeze3A_2694 = vector.extract %slice3A_2693[0] : f32 from vector<1xf32>
        %add3A_2695 = vector.broadcast %squeeze3A_2694 : f32 to vector<16xf32>
        %add3A_2696 = arith.addf %add3A_2536, %add3A_2695 : vector<16xf32>
        %get3A_2697 = arith.index_cast %rem3A_89 : i32 to index
        %get3A_2698 = arith.index_cast %add3A_2692 : i32 to index
        %get3A_2699 = arith.constant 0 : index
        %get3A_2700 = tpu.vector_load %arg8[%get3A_2697, %get3A_2698, %get3A_2699] {strides = array<i32>} : memref<5x64x128xi32, #tpu.memory_space<vmem>>, vector<1x1x16xi32>,
        %get3A_2701 = vector.shape_cast %get3A_2700 : vector<1x1x16xi32> to vector<16xi32>
        %and3A_2702 = arith.constant 65535 : i32
        %and3A_2703 = vector.broadcast %and3A_2702 : i32 to vector<16xi32>
        %and3A_2704 = arith.andi %get3A_2701, %and3A_2703 : vector<16xi32>
        %convert_element_type3A_2705 = arith.sitofp %and3A_2704 : vector<16xi32> to vector<16xf32>
        %shift_right_logical3A_2706 = arith.constant 16 : i32
        %shift_right_logical3A_2707 = vector.broadcast %shift_right_logical3A_2706 : i32 to vector<16xi32>
        %shift_right_logical3A_2708 = arith.shrui %get3A_2701, %shift_right_logical3A_2707 : vector<16xi32>
        %convert_element_type3A_2709 = arith.sitofp %shift_right_logical3A_2708 : vector<16xi32> to vector<16xf32>
        %mul3A_2710 = vector.broadcast %squeeze3A_2694 : f32 to vector<16xf32>
        %mul3A_2711 = arith.mulf %convert_element_type3A_2705, %mul3A_2710 : vector<16xf32>
        %add3A_2712 = arith.addf %add3A_2552, %mul3A_2711 : vector<16xf32>
        %mul3A_2713 = vector.broadcast %squeeze3A_2694 : f32 to vector<16xf32>
        %mul3A_2714 = arith.mulf %convert_element_type3A_2709, %mul3A_2713 : vector<16xf32>
        %add3A_2715 = arith.addf %add3A_2555, %mul3A_2714 : vector<16xf32>
        %get3A_2716 = arith.index_cast %rem3A_89 : i32 to index
        %get3A_2717 = arith.index_cast %add3A_2692 : i32 to index
        %get3A_2718 = arith.constant 16 : index
        %get3A_2719 = tpu.vector_load %arg8[%get3A_2716, %get3A_2717, %get3A_2718] {strides = array<i32>} : memref<5x64x128xi32, #tpu.memory_space<vmem>>, vector<1x1x16xi32>,
        %get3A_2720 = vector.shape_cast %get3A_2719 : vector<1x1x16xi32> to vector<16xi32>
        %and3A_2721 = arith.constant 65535 : i32
        %and3A_2722 = vector.broadcast %and3A_2721 : i32 to vector<16xi32>
        %and3A_2723 = arith.andi %get3A_2720, %and3A_2722 : vector<16xi32>
        %convert_element_type3A_2724 = arith.sitofp %and3A_2723 : vector<16xi32> to vector<16xf32>
        %shift_right_logical3A_2725 = arith.constant 16 : i32
        %shift_right_logical3A_2726 = vector.broadcast %shift_right_logical3A_2725 : i32 to vector<16xi32>
        %shift_right_logical3A_2727 = arith.shrui %get3A_2720, %shift_right_logical3A_2726 : vector<16xi32>
        %convert_element_type3A_2728 = arith.sitofp %shift_right_logical3A_2727 : vector<16xi32> to vector<16xf32>
        %mul3A_2729 = vector.broadcast %squeeze3A_2694 : f32 to vector<16xf32>
        %mul3A_2730 = arith.mulf %convert_element_type3A_2724, %mul3A_2729 : vector<16xf32>
        %add3A_2731 = arith.addf %add3A_2571, %mul3A_2730 : vector<16xf32>
        %mul3A_2732 = vector.broadcast %squeeze3A_2694 : f32 to vector<16xf32>
        %mul3A_2733 = arith.mulf %convert_element_type3A_2728, %mul3A_2732 : vector<16xf32>
        %add3A_2734 = arith.addf %add3A_2574, %mul3A_2733 : vector<16xf32>
        %get3A_2735 = arith.index_cast %rem3A_89 : i32 to index
        %get3A_2736 = arith.index_cast %add3A_2692 : i32 to index
        %get3A_2737 = arith.constant 32 : index
        %get3A_2738 = tpu.vector_load %arg8[%get3A_2735, %get3A_2736, %get3A_2737] {strides = array<i32>} : memref<5x64x128xi32, #tpu.memory_space<vmem>>, vector<1x1x16xi32>,
        %get3A_2739 = vector.shape_cast %get3A_2738 : vector<1x1x16xi32> to vector<16xi32>
        %and3A_2740 = arith.constant 65535 : i32
        %and3A_2741 = vector.broadcast %and3A_2740 : i32 to vector<16xi32>
        %and3A_2742 = arith.andi %get3A_2739, %and3A_2741 : vector<16xi32>
        %convert_element_type3A_2743 = arith.sitofp %and3A_2742 : vector<16xi32> to vector<16xf32>
        %shift_right_logical3A_2744 = arith.constant 16 : i32
        %shift_right_logical3A_2745 = vector.broadcast %shift_right_logical3A_2744 : i32 to vector<16xi32>
        %shift_right_logical3A_2746 = arith.shrui %get3A_2739, %shift_right_logical3A_2745 : vector<16xi32>
        %convert_element_type3A_2747 = arith.sitofp %shift_right_logical3A_2746 : vector<16xi32> to vector<16xf32>
        %mul3A_2748 = vector.broadcast %squeeze3A_2694 : f32 to vector<16xf32>
        %mul3A_2749 = arith.mulf %convert_element_type3A_2743, %mul3A_2748 : vector<16xf32>
        %add3A_2750 = arith.addf %add3A_2590, %mul3A_2749 : vector<16xf32>
        %mul3A_2751 = vector.broadcast %squeeze3A_2694 : f32 to vector<16xf32>
        %mul3A_2752 = arith.mulf %convert_element_type3A_2747, %mul3A_2751 : vector<16xf32>
        %add3A_2753 = arith.addf %add3A_2593, %mul3A_2752 : vector<16xf32>
        %get3A_2754 = arith.index_cast %rem3A_89 : i32 to index
        %get3A_2755 = arith.index_cast %add3A_2692 : i32 to index
        %get3A_2756 = arith.constant 48 : index
        %get3A_2757 = tpu.vector_load %arg8[%get3A_2754, %get3A_2755, %get3A_2756] {strides = array<i32>} : memref<5x64x128xi32, #tpu.memory_space<vmem>>, vector<1x1x16xi32>,
        %get3A_2758 = vector.shape_cast %get3A_2757 : vector<1x1x16xi32> to vector<16xi32>
        %and3A_2759 = arith.constant 65535 : i32
        %and3A_2760 = vector.broadcast %and3A_2759 : i32 to vector<16xi32>
        %and3A_2761 = arith.andi %get3A_2758, %and3A_2760 : vector<16xi32>
        %convert_element_type3A_2762 = arith.sitofp %and3A_2761 : vector<16xi32> to vector<16xf32>
        %shift_right_logical3A_2763 = arith.constant 16 : i32
        %shift_right_logical3A_2764 = vector.broadcast %shift_right_logical3A_2763 : i32 to vector<16xi32>
        %shift_right_logical3A_2765 = arith.shrui %get3A_2758, %shift_right_logical3A_2764 : vector<16xi32>
        %convert_element_type3A_2766 = arith.sitofp %shift_right_logical3A_2765 : vector<16xi32> to vector<16xf32>
        %mul3A_2767 = vector.broadcast %squeeze3A_2694 : f32 to vector<16xf32>
        %mul3A_2768 = arith.mulf %convert_element_type3A_2762, %mul3A_2767 : vector<16xf32>
        %add3A_2769 = arith.addf %add3A_2609, %mul3A_2768 : vector<16xf32>
        %mul3A_2770 = vector.broadcast %squeeze3A_2694 : f32 to vector<16xf32>
        %mul3A_2771 = arith.mulf %convert_element_type3A_2766, %mul3A_2770 : vector<16xf32>
        %add3A_2772 = arith.addf %add3A_2612, %mul3A_2771 : vector<16xf32>
        %get3A_2773 = arith.index_cast %rem3A_89 : i32 to index
        %get3A_2774 = arith.index_cast %add3A_2692 : i32 to index
        %get3A_2775 = arith.constant 64 : index
        %get3A_2776 = tpu.vector_load %arg8[%get3A_2773, %get3A_2774, %get3A_2775] {strides = array<i32>} : memref<5x64x128xi32, #tpu.memory_space<vmem>>, vector<1x1x16xi32>,
        %get3A_2777 = vector.shape_cast %get3A_2776 : vector<1x1x16xi32> to vector<16xi32>
        %and3A_2778 = arith.constant 65535 : i32
        %and3A_2779 = vector.broadcast %and3A_2778 : i32 to vector<16xi32>
        %and3A_2780 = arith.andi %get3A_2777, %and3A_2779 : vector<16xi32>
        %convert_element_type3A_2781 = arith.sitofp %and3A_2780 : vector<16xi32> to vector<16xf32>
        %shift_right_logical3A_2782 = arith.constant 16 : i32
        %shift_right_logical3A_2783 = vector.broadcast %shift_right_logical3A_2782 : i32 to vector<16xi32>
        %shift_right_logical3A_2784 = arith.shrui %get3A_2777, %shift_right_logical3A_2783 : vector<16xi32>
        %convert_element_type3A_2785 = arith.sitofp %shift_right_logical3A_2784 : vector<16xi32> to vector<16xf32>
        %mul3A_2786 = vector.broadcast %squeeze3A_2694 : f32 to vector<16xf32>
        %mul3A_2787 = arith.mulf %convert_element_type3A_2781, %mul3A_2786 : vector<16xf32>
        %add3A_2788 = arith.addf %add3A_2628, %mul3A_2787 : vector<16xf32>
        %mul3A_2789 = vector.broadcast %squeeze3A_2694 : f32 to vector<16xf32>
        %mul3A_2790 = arith.mulf %convert_element_type3A_2785, %mul3A_2789 : vector<16xf32>
        %add3A_2791 = arith.addf %add3A_2631, %mul3A_2790 : vector<16xf32>
        %get3A_2792 = arith.index_cast %rem3A_89 : i32 to index
        %get3A_2793 = arith.index_cast %add3A_2692 : i32 to index
        %get3A_2794 = arith.constant 80 : index
        %get3A_2795 = tpu.vector_load %arg8[%get3A_2792, %get3A_2793, %get3A_2794] {strides = array<i32>} : memref<5x64x128xi32, #tpu.memory_space<vmem>>, vector<1x1x16xi32>,
        %get3A_2796 = vector.shape_cast %get3A_2795 : vector<1x1x16xi32> to vector<16xi32>
        %and3A_2797 = arith.constant 65535 : i32
        %and3A_2798 = vector.broadcast %and3A_2797 : i32 to vector<16xi32>
        %and3A_2799 = arith.andi %get3A_2796, %and3A_2798 : vector<16xi32>
        %convert_element_type3A_2800 = arith.sitofp %and3A_2799 : vector<16xi32> to vector<16xf32>
        %shift_right_logical3A_2801 = arith.constant 16 : i32
        %shift_right_logical3A_2802 = vector.broadcast %shift_right_logical3A_2801 : i32 to vector<16xi32>
        %shift_right_logical3A_2803 = arith.shrui %get3A_2796, %shift_right_logical3A_2802 : vector<16xi32>
        %convert_element_type3A_2804 = arith.sitofp %shift_right_logical3A_2803 : vector<16xi32> to vector<16xf32>
        %mul3A_2805 = vector.broadcast %squeeze3A_2694 : f32 to vector<16xf32>
        %mul3A_2806 = arith.mulf %convert_element_type3A_2800, %mul3A_2805 : vector<16xf32>
        %add3A_2807 = arith.addf %add3A_2647, %mul3A_2806 : vector<16xf32>
        %mul3A_2808 = vector.broadcast %squeeze3A_2694 : f32 to vector<16xf32>
        %mul3A_2809 = arith.mulf %convert_element_type3A_2804, %mul3A_2808 : vector<16xf32>
        %add3A_2810 = arith.addf %add3A_2650, %mul3A_2809 : vector<16xf32>
        %get3A_2811 = arith.index_cast %rem3A_89 : i32 to index
        %get3A_2812 = arith.index_cast %add3A_2692 : i32 to index
        %get3A_2813 = arith.constant 96 : index
        %get3A_2814 = tpu.vector_load %arg8[%get3A_2811, %get3A_2812, %get3A_2813] {strides = array<i32>} : memref<5x64x128xi32, #tpu.memory_space<vmem>>, vector<1x1x16xi32>,
        %get3A_2815 = vector.shape_cast %get3A_2814 : vector<1x1x16xi32> to vector<16xi32>
        %and3A_2816 = arith.constant 65535 : i32
        %and3A_2817 = vector.broadcast %and3A_2816 : i32 to vector<16xi32>
        %and3A_2818 = arith.andi %get3A_2815, %and3A_2817 : vector<16xi32>
        %convert_element_type3A_2819 = arith.sitofp %and3A_2818 : vector<16xi32> to vector<16xf32>
        %shift_right_logical3A_2820 = arith.constant 16 : i32
        %shift_right_logical3A_2821 = vector.broadcast %shift_right_logical3A_2820 : i32 to vector<16xi32>
        %shift_right_logical3A_2822 = arith.shrui %get3A_2815, %shift_right_logical3A_2821 : vector<16xi32>
        %convert_element_type3A_2823 = arith.sitofp %shift_right_logical3A_2822 : vector<16xi32> to vector<16xf32>
        %mul3A_2824 = vector.broadcast %squeeze3A_2694 : f32 to vector<16xf32>
        %mul3A_2825 = arith.mulf %convert_element_type3A_2819, %mul3A_2824 : vector<16xf32>
        %add3A_2826 = arith.addf %add3A_2666, %mul3A_2825 : vector<16xf32>
        %mul3A_2827 = vector.broadcast %squeeze3A_2694 : f32 to vector<16xf32>
        %mul3A_2828 = arith.mulf %convert_element_type3A_2823, %mul3A_2827 : vector<16xf32>
        %add3A_2829 = arith.addf %add3A_2669, %mul3A_2828 : vector<16xf32>
        %get3A_2830 = arith.index_cast %rem3A_89 : i32 to index
        %get3A_2831 = arith.index_cast %add3A_2692 : i32 to index
        %get3A_2832 = arith.constant 112 : index
        %get3A_2833 = tpu.vector_load %arg8[%get3A_2830, %get3A_2831, %get3A_2832] {strides = array<i32>} : memref<5x64x128xi32, #tpu.memory_space<vmem>>, vector<1x1x16xi32>,
        %get3A_2834 = vector.shape_cast %get3A_2833 : vector<1x1x16xi32> to vector<16xi32>
        %and3A_2835 = arith.constant 65535 : i32
        %and3A_2836 = vector.broadcast %and3A_2835 : i32 to vector<16xi32>
        %and3A_2837 = arith.andi %get3A_2834, %and3A_2836 : vector<16xi32>
        %convert_element_type3A_2838 = arith.sitofp %and3A_2837 : vector<16xi32> to vector<16xf32>
        %shift_right_logical3A_2839 = arith.constant 16 : i32
        %shift_right_logical3A_2840 = vector.broadcast %shift_right_logical3A_2839 : i32 to vector<16xi32>
        %shift_right_logical3A_2841 = arith.shrui %get3A_2834, %shift_right_logical3A_2840 : vector<16xi32>
        %convert_element_type3A_2842 = arith.sitofp %shift_right_logical3A_2841 : vector<16xi32> to vector<16xf32>
        %mul3A_2843 = vector.broadcast %squeeze3A_2694 : f32 to vector<16xf32>
        %mul3A_2844 = arith.mulf %convert_element_type3A_2838, %mul3A_2843 : vector<16xf32>
        %add3A_2845 = arith.addf %add3A_2685, %mul3A_2844 : vector<16xf32>
        %mul3A_2846 = vector.broadcast %squeeze3A_2694 : f32 to vector<16xf32>
        %mul3A_2847 = arith.mulf %convert_element_type3A_2842, %mul3A_2846 : vector<16xf32>
        %add3A_2848 = arith.addf %add3A_2688, %mul3A_2847 : vector<16xf32>
        %mul3A_2849 = arith.constant 16 : i32
        %mul3A_2850 = arith.muli %scan3A_429, %mul3A_2849 : i32
        %add3A_2851 = arith.constant 15 : i32
        %add3A_2852 = arith.addi %mul3A_2850, %add3A_2851 : i32
        %slice3A_2853 = vector.extract_strided_slice %get3A_451 {offsets = [15], sizes = [1], strides = [1]} : vector<16xf32> to vector<1xf32>
        %squeeze3A_2854 = vector.extract %slice3A_2853[0] : f32 from vector<1xf32>
        %add3A_2855 = vector.broadcast %squeeze3A_2854 : f32 to vector<16xf32>
        %add3A_2856 = arith.addf %add3A_2696, %add3A_2855 : vector<16xf32>
        %get3A_2857 = arith.index_cast %rem3A_89 : i32 to index
        %get3A_2858 = arith.index_cast %add3A_2852 : i32 to index
        %get3A_2859 = arith.constant 0 : index
        %get3A_2860 = tpu.vector_load %arg8[%get3A_2857, %get3A_2858, %get3A_2859] {strides = array<i32>} : memref<5x64x128xi32, #tpu.memory_space<vmem>>, vector<1x1x16xi32>,
        %get3A_2861 = vector.shape_cast %get3A_2860 : vector<1x1x16xi32> to vector<16xi32>
        %and3A_2862 = arith.constant 65535 : i32
        %and3A_2863 = vector.broadcast %and3A_2862 : i32 to vector<16xi32>
        %and3A_2864 = arith.andi %get3A_2861, %and3A_2863 : vector<16xi32>
        %convert_element_type3A_2865 = arith.sitofp %and3A_2864 : vector<16xi32> to vector<16xf32>
        %shift_right_logical3A_2866 = arith.constant 16 : i32
        %shift_right_logical3A_2867 = vector.broadcast %shift_right_logical3A_2866 : i32 to vector<16xi32>
        %shift_right_logical3A_2868 = arith.shrui %get3A_2861, %shift_right_logical3A_2867 : vector<16xi32>
        %convert_element_type3A_2869 = arith.sitofp %shift_right_logical3A_2868 : vector<16xi32> to vector<16xf32>
        %mul3A_2870 = vector.broadcast %squeeze3A_2854 : f32 to vector<16xf32>
        %mul3A_2871 = arith.mulf %convert_element_type3A_2865, %mul3A_2870 : vector<16xf32>
        %add3A_2872 = arith.addf %add3A_2712, %mul3A_2871 : vector<16xf32>
        %mul3A_2873 = vector.broadcast %squeeze3A_2854 : f32 to vector<16xf32>
        %mul3A_2874 = arith.mulf %convert_element_type3A_2869, %mul3A_2873 : vector<16xf32>
        %add3A_2875 = arith.addf %add3A_2715, %mul3A_2874 : vector<16xf32>
        %get3A_2876 = arith.index_cast %rem3A_89 : i32 to index
        %get3A_2877 = arith.index_cast %add3A_2852 : i32 to index
        %get3A_2878 = arith.constant 16 : index
        %get3A_2879 = tpu.vector_load %arg8[%get3A_2876, %get3A_2877, %get3A_2878] {strides = array<i32>} : memref<5x64x128xi32, #tpu.memory_space<vmem>>, vector<1x1x16xi32>,
        %get3A_2880 = vector.shape_cast %get3A_2879 : vector<1x1x16xi32> to vector<16xi32>
        %and3A_2881 = arith.constant 65535 : i32
        %and3A_2882 = vector.broadcast %and3A_2881 : i32 to vector<16xi32>
        %and3A_2883 = arith.andi %get3A_2880, %and3A_2882 : vector<16xi32>
        %convert_element_type3A_2884 = arith.sitofp %and3A_2883 : vector<16xi32> to vector<16xf32>
        %shift_right_logical3A_2885 = arith.constant 16 : i32
        %shift_right_logical3A_2886 = vector.broadcast %shift_right_logical3A_2885 : i32 to vector<16xi32>
        %shift_right_logical3A_2887 = arith.shrui %get3A_2880, %shift_right_logical3A_2886 : vector<16xi32>
        %convert_element_type3A_2888 = arith.sitofp %shift_right_logical3A_2887 : vector<16xi32> to vector<16xf32>
        %mul3A_2889 = vector.broadcast %squeeze3A_2854 : f32 to vector<16xf32>
        %mul3A_2890 = arith.mulf %convert_element_type3A_2884, %mul3A_2889 : vector<16xf32>
        %add3A_2891 = arith.addf %add3A_2731, %mul3A_2890 : vector<16xf32>
        %mul3A_2892 = vector.broadcast %squeeze3A_2854 : f32 to vector<16xf32>
        %mul3A_2893 = arith.mulf %convert_element_type3A_2888, %mul3A_2892 : vector<16xf32>
        %add3A_2894 = arith.addf %add3A_2734, %mul3A_2893 : vector<16xf32>
        %get3A_2895 = arith.index_cast %rem3A_89 : i32 to index
        %get3A_2896 = arith.index_cast %add3A_2852 : i32 to index
        %get3A_2897 = arith.constant 32 : index
        %get3A_2898 = tpu.vector_load %arg8[%get3A_2895, %get3A_2896, %get3A_2897] {strides = array<i32>} : memref<5x64x128xi32, #tpu.memory_space<vmem>>, vector<1x1x16xi32>,
        %get3A_2899 = vector.shape_cast %get3A_2898 : vector<1x1x16xi32> to vector<16xi32>
        %and3A_2900 = arith.constant 65535 : i32
        %and3A_2901 = vector.broadcast %and3A_2900 : i32 to vector<16xi32>
        %and3A_2902 = arith.andi %get3A_2899, %and3A_2901 : vector<16xi32>
        %convert_element_type3A_2903 = arith.sitofp %and3A_2902 : vector<16xi32> to vector<16xf32>
        %shift_right_logical3A_2904 = arith.constant 16 : i32
        %shift_right_logical3A_2905 = vector.broadcast %shift_right_logical3A_2904 : i32 to vector<16xi32>
        %shift_right_logical3A_2906 = arith.shrui %get3A_2899, %shift_right_logical3A_2905 : vector<16xi32>
        %convert_element_type3A_2907 = arith.sitofp %shift_right_logical3A_2906 : vector<16xi32> to vector<16xf32>
        %mul3A_2908 = vector.broadcast %squeeze3A_2854 : f32 to vector<16xf32>
        %mul3A_2909 = arith.mulf %convert_element_type3A_2903, %mul3A_2908 : vector<16xf32>
        %add3A_2910 = arith.addf %add3A_2750, %mul3A_2909 : vector<16xf32>
        %mul3A_2911 = vector.broadcast %squeeze3A_2854 : f32 to vector<16xf32>
        %mul3A_2912 = arith.mulf %convert_element_type3A_2907, %mul3A_2911 : vector<16xf32>
        %add3A_2913 = arith.addf %add3A_2753, %mul3A_2912 : vector<16xf32>
        %get3A_2914 = arith.index_cast %rem3A_89 : i32 to index
        %get3A_2915 = arith.index_cast %add3A_2852 : i32 to index
        %get3A_2916 = arith.constant 48 : index
        %get3A_2917 = tpu.vector_load %arg8[%get3A_2914, %get3A_2915, %get3A_2916] {strides = array<i32>} : memref<5x64x128xi32, #tpu.memory_space<vmem>>, vector<1x1x16xi32>,
        %get3A_2918 = vector.shape_cast %get3A_2917 : vector<1x1x16xi32> to vector<16xi32>
        %and3A_2919 = arith.constant 65535 : i32
        %and3A_2920 = vector.broadcast %and3A_2919 : i32 to vector<16xi32>
        %and3A_2921 = arith.andi %get3A_2918, %and3A_2920 : vector<16xi32>
        %convert_element_type3A_2922 = arith.sitofp %and3A_2921 : vector<16xi32> to vector<16xf32>
        %shift_right_logical3A_2923 = arith.constant 16 : i32
        %shift_right_logical3A_2924 = vector.broadcast %shift_right_logical3A_2923 : i32 to vector<16xi32>
        %shift_right_logical3A_2925 = arith.shrui %get3A_2918, %shift_right_logical3A_2924 : vector<16xi32>
        %convert_element_type3A_2926 = arith.sitofp %shift_right_logical3A_2925 : vector<16xi32> to vector<16xf32>
        %mul3A_2927 = vector.broadcast %squeeze3A_2854 : f32 to vector<16xf32>
        %mul3A_2928 = arith.mulf %convert_element_type3A_2922, %mul3A_2927 : vector<16xf32>
        %add3A_2929 = arith.addf %add3A_2769, %mul3A_2928 : vector<16xf32>
        %mul3A_2930 = vector.broadcast %squeeze3A_2854 : f32 to vector<16xf32>
        %mul3A_2931 = arith.mulf %convert_element_type3A_2926, %mul3A_2930 : vector<16xf32>
        %add3A_2932 = arith.addf %add3A_2772, %mul3A_2931 : vector<16xf32>
        %get3A_2933 = arith.index_cast %rem3A_89 : i32 to index
        %get3A_2934 = arith.index_cast %add3A_2852 : i32 to index
        %get3A_2935 = arith.constant 64 : index
        %get3A_2936 = tpu.vector_load %arg8[%get3A_2933, %get3A_2934, %get3A_2935] {strides = array<i32>} : memref<5x64x128xi32, #tpu.memory_space<vmem>>, vector<1x1x16xi32>,
        %get3A_2937 = vector.shape_cast %get3A_2936 : vector<1x1x16xi32> to vector<16xi32>
        %and3A_2938 = arith.constant 65535 : i32
        %and3A_2939 = vector.broadcast %and3A_2938 : i32 to vector<16xi32>
        %and3A_2940 = arith.andi %get3A_2937, %and3A_2939 : vector<16xi32>
        %convert_element_type3A_2941 = arith.sitofp %and3A_2940 : vector<16xi32> to vector<16xf32>
        %shift_right_logical3A_2942 = arith.constant 16 : i32
        %shift_right_logical3A_2943 = vector.broadcast %shift_right_logical3A_2942 : i32 to vector<16xi32>
        %shift_right_logical3A_2944 = arith.shrui %get3A_2937, %shift_right_logical3A_2943 : vector<16xi32>
        %convert_element_type3A_2945 = arith.sitofp %shift_right_logical3A_2944 : vector<16xi32> to vector<16xf32>
        %mul3A_2946 = vector.broadcast %squeeze3A_2854 : f32 to vector<16xf32>
        %mul3A_2947 = arith.mulf %convert_element_type3A_2941, %mul3A_2946 : vector<16xf32>
        %add3A_2948 = arith.addf %add3A_2788, %mul3A_2947 : vector<16xf32>
        %mul3A_2949 = vector.broadcast %squeeze3A_2854 : f32 to vector<16xf32>
        %mul3A_2950 = arith.mulf %convert_element_type3A_2945, %mul3A_2949 : vector<16xf32>
        %add3A_2951 = arith.addf %add3A_2791, %mul3A_2950 : vector<16xf32>
        %get3A_2952 = arith.index_cast %rem3A_89 : i32 to index
        %get3A_2953 = arith.index_cast %add3A_2852 : i32 to index
        %get3A_2954 = arith.constant 80 : index
        %get3A_2955 = tpu.vector_load %arg8[%get3A_2952, %get3A_2953, %get3A_2954] {strides = array<i32>} : memref<5x64x128xi32, #tpu.memory_space<vmem>>, vector<1x1x16xi32>,
        %get3A_2956 = vector.shape_cast %get3A_2955 : vector<1x1x16xi32> to vector<16xi32>
        %and3A_2957 = arith.constant 65535 : i32
        %and3A_2958 = vector.broadcast %and3A_2957 : i32 to vector<16xi32>
        %and3A_2959 = arith.andi %get3A_2956, %and3A_2958 : vector<16xi32>
        %convert_element_type3A_2960 = arith.sitofp %and3A_2959 : vector<16xi32> to vector<16xf32>
        %shift_right_logical3A_2961 = arith.constant 16 : i32
        %shift_right_logical3A_2962 = vector.broadcast %shift_right_logical3A_2961 : i32 to vector<16xi32>
        %shift_right_logical3A_2963 = arith.shrui %get3A_2956, %shift_right_logical3A_2962 : vector<16xi32>
        %convert_element_type3A_2964 = arith.sitofp %shift_right_logical3A_2963 : vector<16xi32> to vector<16xf32>
        %mul3A_2965 = vector.broadcast %squeeze3A_2854 : f32 to vector<16xf32>
        %mul3A_2966 = arith.mulf %convert_element_type3A_2960, %mul3A_2965 : vector<16xf32>
        %add3A_2967 = arith.addf %add3A_2807, %mul3A_2966 : vector<16xf32>
        %mul3A_2968 = vector.broadcast %squeeze3A_2854 : f32 to vector<16xf32>
        %mul3A_2969 = arith.mulf %convert_element_type3A_2964, %mul3A_2968 : vector<16xf32>
        %add3A_2970 = arith.addf %add3A_2810, %mul3A_2969 : vector<16xf32>
        %get3A_2971 = arith.index_cast %rem3A_89 : i32 to index
        %get3A_2972 = arith.index_cast %add3A_2852 : i32 to index
        %get3A_2973 = arith.constant 96 : index
        %get3A_2974 = tpu.vector_load %arg8[%get3A_2971, %get3A_2972, %get3A_2973] {strides = array<i32>} : memref<5x64x128xi32, #tpu.memory_space<vmem>>, vector<1x1x16xi32>,
        %get3A_2975 = vector.shape_cast %get3A_2974 : vector<1x1x16xi32> to vector<16xi32>
        %and3A_2976 = arith.constant 65535 : i32
        %and3A_2977 = vector.broadcast %and3A_2976 : i32 to vector<16xi32>
        %and3A_2978 = arith.andi %get3A_2975, %and3A_2977 : vector<16xi32>
        %convert_element_type3A_2979 = arith.sitofp %and3A_2978 : vector<16xi32> to vector<16xf32>
        %shift_right_logical3A_2980 = arith.constant 16 : i32
        %shift_right_logical3A_2981 = vector.broadcast %shift_right_logical3A_2980 : i32 to vector<16xi32>
        %shift_right_logical3A_2982 = arith.shrui %get3A_2975, %shift_right_logical3A_2981 : vector<16xi32>
        %convert_element_type3A_2983 = arith.sitofp %shift_right_logical3A_2982 : vector<16xi32> to vector<16xf32>
        %mul3A_2984 = vector.broadcast %squeeze3A_2854 : f32 to vector<16xf32>
        %mul3A_2985 = arith.mulf %convert_element_type3A_2979, %mul3A_2984 : vector<16xf32>
        %add3A_2986 = arith.addf %add3A_2826, %mul3A_2985 : vector<16xf32>
        %mul3A_2987 = vector.broadcast %squeeze3A_2854 : f32 to vector<16xf32>
        %mul3A_2988 = arith.mulf %convert_element_type3A_2983, %mul3A_2987 : vector<16xf32>
        %add3A_2989 = arith.addf %add3A_2829, %mul3A_2988 : vector<16xf32>
        %get3A_2990 = arith.index_cast %rem3A_89 : i32 to index
        %get3A_2991 = arith.index_cast %add3A_2852 : i32 to index
        %get3A_2992 = arith.constant 112 : index
        %get3A_2993 = tpu.vector_load %arg8[%get3A_2990, %get3A_2991, %get3A_2992] {strides = array<i32>} : memref<5x64x128xi32, #tpu.memory_space<vmem>>, vector<1x1x16xi32>,
        %get3A_2994 = vector.shape_cast %get3A_2993 : vector<1x1x16xi32> to vector<16xi32>
        %and3A_2995 = arith.constant 65535 : i32
        %and3A_2996 = vector.broadcast %and3A_2995 : i32 to vector<16xi32>
        %and3A_2997 = arith.andi %get3A_2994, %and3A_2996 : vector<16xi32>
        %convert_element_type3A_2998 = arith.sitofp %and3A_2997 : vector<16xi32> to vector<16xf32>
        %shift_right_logical3A_2999 = arith.constant 16 : i32
        %shift_right_logical3A_3000 = vector.broadcast %shift_right_logical3A_2999 : i32 to vector<16xi32>
        %shift_right_logical3A_3001 = arith.shrui %get3A_2994, %shift_right_logical3A_3000 : vector<16xi32>
        %convert_element_type3A_3002 = arith.sitofp %shift_right_logical3A_3001 : vector<16xi32> to vector<16xf32>
        %mul3A_3003 = vector.broadcast %squeeze3A_2854 : f32 to vector<16xf32>
        %mul3A_3004 = arith.mulf %convert_element_type3A_2998, %mul3A_3003 : vector<16xf32>
        %add3A_3005 = arith.addf %add3A_2845, %mul3A_3004 : vector<16xf32>
        %mul3A_3006 = vector.broadcast %squeeze3A_2854 : f32 to vector<16xf32>
        %mul3A_3007 = arith.mulf %convert_element_type3A_3002, %mul3A_3006 : vector<16xf32>
        %add3A_3008 = arith.addf %add3A_2848, %mul3A_3007 : vector<16xf32>
        scf.yield %add3A_2872, %add3A_2875, %add3A_2891, %add3A_2894, %add3A_2910, %add3A_2913, %add3A_2929, %add3A_2932, %add3A_2948, %add3A_2951, %add3A_2967, %add3A_2970, %add3A_2986, %add3A_2989, %add3A_3005, %add3A_3008, %add3A_2856 : vector<16xf32>, vector<16xf32>, vector<16xf32>, vector<16xf32>, vector<16xf32>, vector<16xf32>, vector<16xf32>, vector<16xf32>, vector<16xf32>, vector<16xf32>, vector<16xf32>, vector<16xf32>, vector<16xf32>, vector<16xf32>, vector<16xf32>, vector<16xf32>, vector<16xf32>
      }
      %scan3A_224 = arith.constant 4 : i32
      %mul3A_225 = arith.constant 3.276800e+04 : f32
      %mul3A_226 = vector.broadcast %mul3A_225 : f32 to vector<16xf32>
      %mul3A_227 = arith.mulf %scan3A_223#16, %mul3A_226 : vector<16xf32>
      %rem3A_228 = arith.constant 20 : i32
      %rem3A_229 = arith.remsi %scan3A_88, %rem3A_228 : i32
      %jit3A_230 = arith.constant 20 : i32
      %div3A_231 = arith.divsi %scan3A_88, %jit3A_230 : i32
      %sign3A_232 = arith.constant 0 : i32
      %sign3A_233 = arith.cmpi sgt, %scan3A_88, %sign3A_232 : i32
      %sign3A_234 = arith.extui %sign3A_233 : i1 to i32
      %sign3A_235 = arith.constant 0 : i32
      %sign3A_236 = arith.cmpi slt, %scan3A_88, %sign3A_235 : i32
      %sign3A_237 = arith.extui %sign3A_236 : i1 to i32
      %sign3A_238 = arith.subi %sign3A_234, %sign3A_237 : i32
      %sign3A_239 = arith.constant 0 : i32
      %sign3A_240 = arith.cmpi sgt, %jit3A_230, %sign3A_239 : i32
      %sign3A_241 = arith.extui %sign3A_240 : i1 to i32
      %sign3A_242 = arith.constant 0 : i32
      %sign3A_243 = arith.cmpi slt, %jit3A_230, %sign3A_242 : i32
      %sign3A_244 = arith.extui %sign3A_243 : i1 to i32
      %sign3A_245 = arith.subi %sign3A_241, %sign3A_244 : i32
      %ne3A_246 = arith.cmpi ne, %sign3A_238, %sign3A_245 : i32
      %rem3A_247 = arith.remsi %scan3A_88, %jit3A_230 : i32
      %ne3A_248 = arith.constant 0 : i32
      %ne3A_249 = arith.cmpi ne, %rem3A_247, %ne3A_248 : i32
      %and3A_250 = arith.andi %ne3A_246, %ne3A_249 : i1
      %sub3A_251 = arith.constant 1 : i32
      %sub3A_252 = arith.subi %div3A_231, %sub3A_251 : i32
      %select_n3A_253 = arith.select %and3A_250, %sub3A_252, %div3A_231 : i32
      %rem3A_254 = arith.constant 2 : i32
      %rem3A_255 = arith.remsi %select_n3A_253, %rem3A_254 : i32
      %mul3A_256 = arith.constant 5120 : i32
      %mul3A_257 = arith.muli %rem3A_255, %mul3A_256 : i32
      %eq3A_258 = arith.constant 0 : i32
      %eq3A_259 = arith.cmpi eq, %rem3A_229, %eq3A_258 : i32
      %ge3A = arith.constant 40 : i32
      %ge3A_260 = arith.cmpi sge, %scan3A_88, %ge3A : i32
      %and3A_261 = arith.andi %eq3A_259, %ge3A_260 : i1
      %convert_element_type3A_262 = arith.extui %and3A_261 : i1 to i32
      %cond3A_263 = arith.constant 0 : i32
      %cond3A_264 = arith.cmpi ne, %convert_element_type3A_262, %cond3A_263 : i32
      scf.if %cond3A_264 {
        %add3A_429 = arith.addi %mul3A_2, %scan3A_88 : i32
        %sub3A_430 = arith.constant 40 : i32
        %sub3A_431 = arith.subi %add3A_429, %sub3A_430 : i32
        %mul3A_432 = arith.constant 256 : i32
        %mul3A_433 = arith.muli %sub3A_431, %mul3A_432 : i32
        %jit3A_434 = arith.constant 20 : i32
        %div3A_435 = arith.divsi %scan3A_88, %jit3A_434 : i32
        %sign3A_436 = arith.constant 0 : i32
        %sign3A_437 = arith.cmpi sgt, %scan3A_88, %sign3A_436 : i32
        %sign3A_438 = arith.extui %sign3A_437 : i1 to i32
        %sign3A_439 = arith.constant 0 : i32
        %sign3A_440 = arith.cmpi slt, %scan3A_88, %sign3A_439 : i32
        %sign3A_441 = arith.extui %sign3A_440 : i1 to i32
        %sign3A_442 = arith.subi %sign3A_438, %sign3A_441 : i32
        %sign3A_443 = arith.constant 0 : i32
        %sign3A_444 = arith.cmpi sgt, %jit3A_434, %sign3A_443 : i32
        %sign3A_445 = arith.extui %sign3A_444 : i1 to i32
        %sign3A_446 = arith.constant 0 : i32
        %sign3A_447 = arith.cmpi slt, %jit3A_434, %sign3A_446 : i32
        %sign3A_448 = arith.extui %sign3A_447 : i1 to i32
        %sign3A_449 = arith.subi %sign3A_445, %sign3A_448 : i32
        %ne3A_450 = arith.cmpi ne, %sign3A_442, %sign3A_449 : i32
        %rem3A_451 = arith.remsi %scan3A_88, %jit3A_434 : i32
        %ne3A_452 = arith.constant 0 : i32
        %ne3A_453 = arith.cmpi ne, %rem3A_451, %ne3A_452 : i32
        %and3A_454 = arith.andi %ne3A_450, %ne3A_453 : i1
        %sub3A_455 = arith.constant 1 : i32
        %sub3A_456 = arith.subi %div3A_435, %sub3A_455 : i32
        %select_n3A_457 = arith.select %and3A_454, %sub3A_456, %div3A_435 : i32
        %rem3A_458 = arith.constant 2 : i32
        %rem3A_459 = arith.remsi %select_n3A_457, %rem3A_458 : i32
        %dma_wait3A_460 = tpu.memref_slice %arg9[%mul3A_257] : memref<10240xf32, #tpu.memory_space<vmem>> -> memref<5120xf32, #tpu.memory_space<vmem>>
        %dma_wait3A_461 = tpu.memref_slice %arg5[%mul3A_433] : memref<4096000xf32, #tpu.memory_space<hbm>> -> memref<5120xf32, #tpu.memory_space<hbm>>
        %dma_wait3A_462 = tpu.memref_slice %arg12[%rem3A_459] : memref<2x!tpu.dma_semaphore, #tpu.memory_space<semaphore_mem>> -> memref<1x!tpu.dma_semaphore, #tpu.memory_space<semaphore_mem>>
        %dma_wait3A_463 = tpu.memref_squeeze %dma_wait3A_462 : memref<1x!tpu.dma_semaphore, #tpu.memory_space<semaphore_mem>> -> memref<!tpu.dma_semaphore, #tpu.memory_space<semaphore_mem>>
        %dma_wait3A_464 = tpu.memref_slice %arg5[%mul3A_433] : memref<4096000xf32, #tpu.memory_space<hbm>> -> memref<5120xf32, #tpu.memory_space<hbm>>
        %dma_wait3A_465 = tpu.memref_slice %arg9[%mul3A_257] : memref<10240xf32, #tpu.memory_space<vmem>> -> memref<5120xf32, #tpu.memory_space<vmem>>
        tpu.wait_dma2 semaphore(%dma_wait3A_463 : memref<!tpu.dma_semaphore, #tpu.memory_space<semaphore_mem>>) src(%dma_wait3A_465 : memref<5120xf32, #tpu.memory_space<vmem>>) dst(%dma_wait3A_464 : memref<5120xf32, #tpu.memory_space<hbm>>)
      } else {
      }
      %sub3A_265 = arith.subf %scan3A_223#0, %mul3A_227 : vector<16xf32>
      %mul3A_266 = arith.constant 256 : i32
      %mul3A_267 = arith.muli %rem3A_229, %mul3A_266 : i32
      %add3A_268 = arith.addi %mul3A_257, %mul3A_267 : i32
      %add3A_269 = arith.constant 0 : i32
      %add3A_270 = arith.addi %add3A_268, %add3A_269 : i32
      %swap3A = arith.index_cast %add3A_270 : i32 to index
      %swap3A_271 = tpu.vector_load %arg9[%swap3A] {strides = array<i32>} : memref<10240xf32, #tpu.memory_space<vmem>>, vector<16xf32>,
      %swap3A_272 = vector.shape_cast %swap3A_271 : vector<16xf32> to vector<16xf32>
      %swap3A_273 = vector.shape_cast %sub3A_265 : vector<16xf32> to vector<16xf32>
      tpu.vector_store %arg9[%swap3A], %swap3A_273 {strides = array<i32>} : memref<10240xf32, #tpu.memory_space<vmem>>, vector<16xf32>,
      %sub3A_274 = arith.subf %scan3A_223#1, %mul3A_227 : vector<16xf32>
      %mul3A_275 = arith.constant 256 : i32
      %mul3A_276 = arith.muli %rem3A_229, %mul3A_275 : i32
      %add3A_277 = arith.addi %mul3A_257, %mul3A_276 : i32
      %add3A_278 = arith.constant 16 : i32
      %add3A_279 = arith.addi %add3A_277, %add3A_278 : i32
      %swap3A_280 = arith.index_cast %add3A_279 : i32 to index
      %swap3A_281 = tpu.vector_load %arg9[%swap3A_280] {strides = array<i32>} : memref<10240xf32, #tpu.memory_space<vmem>>, vector<16xf32>,
      %swap3A_282 = vector.shape_cast %swap3A_281 : vector<16xf32> to vector<16xf32>
      %swap3A_283 = vector.shape_cast %sub3A_274 : vector<16xf32> to vector<16xf32>
      tpu.vector_store %arg9[%swap3A_280], %swap3A_283 {strides = array<i32>} : memref<10240xf32, #tpu.memory_space<vmem>>, vector<16xf32>,
      %sub3A_284 = arith.subf %scan3A_223#2, %mul3A_227 : vector<16xf32>
      %mul3A_285 = arith.constant 256 : i32
      %mul3A_286 = arith.muli %rem3A_229, %mul3A_285 : i32
      %add3A_287 = arith.addi %mul3A_257, %mul3A_286 : i32
      %add3A_288 = arith.constant 32 : i32
      %add3A_289 = arith.addi %add3A_287, %add3A_288 : i32
      %swap3A_290 = arith.index_cast %add3A_289 : i32 to index
      %swap3A_291 = tpu.vector_load %arg9[%swap3A_290] {strides = array<i32>} : memref<10240xf32, #tpu.memory_space<vmem>>, vector<16xf32>,
      %swap3A_292 = vector.shape_cast %swap3A_291 : vector<16xf32> to vector<16xf32>
      %swap3A_293 = vector.shape_cast %sub3A_284 : vector<16xf32> to vector<16xf32>
      tpu.vector_store %arg9[%swap3A_290], %swap3A_293 {strides = array<i32>} : memref<10240xf32, #tpu.memory_space<vmem>>, vector<16xf32>,
      %sub3A_294 = arith.subf %scan3A_223#3, %mul3A_227 : vector<16xf32>
      %mul3A_295 = arith.constant 256 : i32
      %mul3A_296 = arith.muli %rem3A_229, %mul3A_295 : i32
      %add3A_297 = arith.addi %mul3A_257, %mul3A_296 : i32
      %add3A_298 = arith.constant 48 : i32
      %add3A_299 = arith.addi %add3A_297, %add3A_298 : i32
      %swap3A_300 = arith.index_cast %add3A_299 : i32 to index
      %swap3A_301 = tpu.vector_load %arg9[%swap3A_300] {strides = array<i32>} : memref<10240xf32, #tpu.memory_space<vmem>>, vector<16xf32>,
      %swap3A_302 = vector.shape_cast %swap3A_301 : vector<16xf32> to vector<16xf32>
      %swap3A_303 = vector.shape_cast %sub3A_294 : vector<16xf32> to vector<16xf32>
      tpu.vector_store %arg9[%swap3A_300], %swap3A_303 {strides = array<i32>} : memref<10240xf32, #tpu.memory_space<vmem>>, vector<16xf32>,
      %sub3A_304 = arith.subf %scan3A_223#4, %mul3A_227 : vector<16xf32>
      %mul3A_305 = arith.constant 256 : i32
      %mul3A_306 = arith.muli %rem3A_229, %mul3A_305 : i32
      %add3A_307 = arith.addi %mul3A_257, %mul3A_306 : i32
      %add3A_308 = arith.constant 64 : i32
      %add3A_309 = arith.addi %add3A_307, %add3A_308 : i32
      %swap3A_310 = arith.index_cast %add3A_309 : i32 to index
      %swap3A_311 = tpu.vector_load %arg9[%swap3A_310] {strides = array<i32>} : memref<10240xf32, #tpu.memory_space<vmem>>, vector<16xf32>,
      %swap3A_312 = vector.shape_cast %swap3A_311 : vector<16xf32> to vector<16xf32>
      %swap3A_313 = vector.shape_cast %sub3A_304 : vector<16xf32> to vector<16xf32>
      tpu.vector_store %arg9[%swap3A_310], %swap3A_313 {strides = array<i32>} : memref<10240xf32, #tpu.memory_space<vmem>>, vector<16xf32>,
      %sub3A_314 = arith.subf %scan3A_223#5, %mul3A_227 : vector<16xf32>
      %mul3A_315 = arith.constant 256 : i32
      %mul3A_316 = arith.muli %rem3A_229, %mul3A_315 : i32
      %add3A_317 = arith.addi %mul3A_257, %mul3A_316 : i32
      %add3A_318 = arith.constant 80 : i32
      %add3A_319 = arith.addi %add3A_317, %add3A_318 : i32
      %swap3A_320 = arith.index_cast %add3A_319 : i32 to index
      %swap3A_321 = tpu.vector_load %arg9[%swap3A_320] {strides = array<i32>} : memref<10240xf32, #tpu.memory_space<vmem>>, vector<16xf32>,
      %swap3A_322 = vector.shape_cast %swap3A_321 : vector<16xf32> to vector<16xf32>
      %swap3A_323 = vector.shape_cast %sub3A_314 : vector<16xf32> to vector<16xf32>
      tpu.vector_store %arg9[%swap3A_320], %swap3A_323 {strides = array<i32>} : memref<10240xf32, #tpu.memory_space<vmem>>, vector<16xf32>,
      %sub3A_324 = arith.subf %scan3A_223#6, %mul3A_227 : vector<16xf32>
      %mul3A_325 = arith.constant 256 : i32
      %mul3A_326 = arith.muli %rem3A_229, %mul3A_325 : i32
      %add3A_327 = arith.addi %mul3A_257, %mul3A_326 : i32
      %add3A_328 = arith.constant 96 : i32
      %add3A_329 = arith.addi %add3A_327, %add3A_328 : i32
      %swap3A_330 = arith.index_cast %add3A_329 : i32 to index
      %swap3A_331 = tpu.vector_load %arg9[%swap3A_330] {strides = array<i32>} : memref<10240xf32, #tpu.memory_space<vmem>>, vector<16xf32>,
      %swap3A_332 = vector.shape_cast %swap3A_331 : vector<16xf32> to vector<16xf32>
      %swap3A_333 = vector.shape_cast %sub3A_324 : vector<16xf32> to vector<16xf32>
      tpu.vector_store %arg9[%swap3A_330], %swap3A_333 {strides = array<i32>} : memref<10240xf32, #tpu.memory_space<vmem>>, vector<16xf32>,
      %sub3A_334 = arith.subf %scan3A_223#7, %mul3A_227 : vector<16xf32>
      %mul3A_335 = arith.constant 256 : i32
      %mul3A_336 = arith.muli %rem3A_229, %mul3A_335 : i32
      %add3A_337 = arith.addi %mul3A_257, %mul3A_336 : i32
      %add3A_338 = arith.constant 112 : i32
      %add3A_339 = arith.addi %add3A_337, %add3A_338 : i32
      %swap3A_340 = arith.index_cast %add3A_339 : i32 to index
      %swap3A_341 = tpu.vector_load %arg9[%swap3A_340] {strides = array<i32>} : memref<10240xf32, #tpu.memory_space<vmem>>, vector<16xf32>,
      %swap3A_342 = vector.shape_cast %swap3A_341 : vector<16xf32> to vector<16xf32>
      %swap3A_343 = vector.shape_cast %sub3A_334 : vector<16xf32> to vector<16xf32>
      tpu.vector_store %arg9[%swap3A_340], %swap3A_343 {strides = array<i32>} : memref<10240xf32, #tpu.memory_space<vmem>>, vector<16xf32>,
      %sub3A_344 = arith.subf %scan3A_223#8, %mul3A_227 : vector<16xf32>
      %mul3A_345 = arith.constant 256 : i32
      %mul3A_346 = arith.muli %rem3A_229, %mul3A_345 : i32
      %add3A_347 = arith.addi %mul3A_257, %mul3A_346 : i32
      %add3A_348 = arith.constant 128 : i32
      %add3A_349 = arith.addi %add3A_347, %add3A_348 : i32
      %swap3A_350 = arith.index_cast %add3A_349 : i32 to index
      %swap3A_351 = tpu.vector_load %arg9[%swap3A_350] {strides = array<i32>} : memref<10240xf32, #tpu.memory_space<vmem>>, vector<16xf32>,
      %swap3A_352 = vector.shape_cast %swap3A_351 : vector<16xf32> to vector<16xf32>
      %swap3A_353 = vector.shape_cast %sub3A_344 : vector<16xf32> to vector<16xf32>
      tpu.vector_store %arg9[%swap3A_350], %swap3A_353 {strides = array<i32>} : memref<10240xf32, #tpu.memory_space<vmem>>, vector<16xf32>,
      %sub3A_354 = arith.subf %scan3A_223#9, %mul3A_227 : vector<16xf32>
      %mul3A_355 = arith.constant 256 : i32
      %mul3A_356 = arith.muli %rem3A_229, %mul3A_355 : i32
      %add3A_357 = arith.addi %mul3A_257, %mul3A_356 : i32
      %add3A_358 = arith.constant 144 : i32
      %add3A_359 = arith.addi %add3A_357, %add3A_358 : i32
      %swap3A_360 = arith.index_cast %add3A_359 : i32 to index
      %swap3A_361 = tpu.vector_load %arg9[%swap3A_360] {strides = array<i32>} : memref<10240xf32, #tpu.memory_space<vmem>>, vector<16xf32>,
      %swap3A_362 = vector.shape_cast %swap3A_361 : vector<16xf32> to vector<16xf32>
      %swap3A_363 = vector.shape_cast %sub3A_354 : vector<16xf32> to vector<16xf32>
      tpu.vector_store %arg9[%swap3A_360], %swap3A_363 {strides = array<i32>} : memref<10240xf32, #tpu.memory_space<vmem>>, vector<16xf32>,
      %sub3A_364 = arith.subf %scan3A_223#10, %mul3A_227 : vector<16xf32>
      %mul3A_365 = arith.constant 256 : i32
      %mul3A_366 = arith.muli %rem3A_229, %mul3A_365 : i32
      %add3A_367 = arith.addi %mul3A_257, %mul3A_366 : i32
      %add3A_368 = arith.constant 160 : i32
      %add3A_369 = arith.addi %add3A_367, %add3A_368 : i32
      %swap3A_370 = arith.index_cast %add3A_369 : i32 to index
      %swap3A_371 = tpu.vector_load %arg9[%swap3A_370] {strides = array<i32>} : memref<10240xf32, #tpu.memory_space<vmem>>, vector<16xf32>,
      %swap3A_372 = vector.shape_cast %swap3A_371 : vector<16xf32> to vector<16xf32>
      %swap3A_373 = vector.shape_cast %sub3A_364 : vector<16xf32> to vector<16xf32>
      tpu.vector_store %arg9[%swap3A_370], %swap3A_373 {strides = array<i32>} : memref<10240xf32, #tpu.memory_space<vmem>>, vector<16xf32>,
      %sub3A_374 = arith.subf %scan3A_223#11, %mul3A_227 : vector<16xf32>
      %mul3A_375 = arith.constant 256 : i32
      %mul3A_376 = arith.muli %rem3A_229, %mul3A_375 : i32
      %add3A_377 = arith.addi %mul3A_257, %mul3A_376 : i32
      %add3A_378 = arith.constant 176 : i32
      %add3A_379 = arith.addi %add3A_377, %add3A_378 : i32
      %swap3A_380 = arith.index_cast %add3A_379 : i32 to index
      %swap3A_381 = tpu.vector_load %arg9[%swap3A_380] {strides = array<i32>} : memref<10240xf32, #tpu.memory_space<vmem>>, vector<16xf32>,
      %swap3A_382 = vector.shape_cast %swap3A_381 : vector<16xf32> to vector<16xf32>
      %swap3A_383 = vector.shape_cast %sub3A_374 : vector<16xf32> to vector<16xf32>
      tpu.vector_store %arg9[%swap3A_380], %swap3A_383 {strides = array<i32>} : memref<10240xf32, #tpu.memory_space<vmem>>, vector<16xf32>,
      %sub3A_384 = arith.subf %scan3A_223#12, %mul3A_227 : vector<16xf32>
      %mul3A_385 = arith.constant 256 : i32
      %mul3A_386 = arith.muli %rem3A_229, %mul3A_385 : i32
      %add3A_387 = arith.addi %mul3A_257, %mul3A_386 : i32
      %add3A_388 = arith.constant 192 : i32
      %add3A_389 = arith.addi %add3A_387, %add3A_388 : i32
      %swap3A_390 = arith.index_cast %add3A_389 : i32 to index
      %swap3A_391 = tpu.vector_load %arg9[%swap3A_390] {strides = array<i32>} : memref<10240xf32, #tpu.memory_space<vmem>>, vector<16xf32>,
      %swap3A_392 = vector.shape_cast %swap3A_391 : vector<16xf32> to vector<16xf32>
      %swap3A_393 = vector.shape_cast %sub3A_384 : vector<16xf32> to vector<16xf32>
      tpu.vector_store %arg9[%swap3A_390], %swap3A_393 {strides = array<i32>} : memref<10240xf32, #tpu.memory_space<vmem>>, vector<16xf32>,
      %sub3A_394 = arith.subf %scan3A_223#13, %mul3A_227 : vector<16xf32>
      %mul3A_395 = arith.constant 256 : i32
      %mul3A_396 = arith.muli %rem3A_229, %mul3A_395 : i32
      %add3A_397 = arith.addi %mul3A_257, %mul3A_396 : i32
      %add3A_398 = arith.constant 208 : i32
      %add3A_399 = arith.addi %add3A_397, %add3A_398 : i32
      %swap3A_400 = arith.index_cast %add3A_399 : i32 to index
      %swap3A_401 = tpu.vector_load %arg9[%swap3A_400] {strides = array<i32>} : memref<10240xf32, #tpu.memory_space<vmem>>, vector<16xf32>,
      %swap3A_402 = vector.shape_cast %swap3A_401 : vector<16xf32> to vector<16xf32>
      %swap3A_403 = vector.shape_cast %sub3A_394 : vector<16xf32> to vector<16xf32>
      tpu.vector_store %arg9[%swap3A_400], %swap3A_403 {strides = array<i32>} : memref<10240xf32, #tpu.memory_space<vmem>>, vector<16xf32>,
      %sub3A_404 = arith.subf %scan3A_223#14, %mul3A_227 : vector<16xf32>
      %mul3A_405 = arith.constant 256 : i32
      %mul3A_406 = arith.muli %rem3A_229, %mul3A_405 : i32
      %add3A_407 = arith.addi %mul3A_257, %mul3A_406 : i32
      %add3A_408 = arith.constant 224 : i32
      %add3A_409 = arith.addi %add3A_407, %add3A_408 : i32
      %swap3A_410 = arith.index_cast %add3A_409 : i32 to index
      %swap3A_411 = tpu.vector_load %arg9[%swap3A_410] {strides = array<i32>} : memref<10240xf32, #tpu.memory_space<vmem>>, vector<16xf32>,
      %swap3A_412 = vector.shape_cast %swap3A_411 : vector<16xf32> to vector<16xf32>
      %swap3A_413 = vector.shape_cast %sub3A_404 : vector<16xf32> to vector<16xf32>
      tpu.vector_store %arg9[%swap3A_410], %swap3A_413 {strides = array<i32>} : memref<10240xf32, #tpu.memory_space<vmem>>, vector<16xf32>,
      %sub3A_414 = arith.subf %scan3A_223#15, %mul3A_227 : vector<16xf32>
      %mul3A_415 = arith.constant 256 : i32
      %mul3A_416 = arith.muli %rem3A_229, %mul3A_415 : i32
      %add3A_417 = arith.addi %mul3A_257, %mul3A_416 : i32
      %add3A_418 = arith.constant 240 : i32
      %add3A_419 = arith.addi %add3A_417, %add3A_418 : i32
      %swap3A_420 = arith.index_cast %add3A_419 : i32 to index
      %swap3A_421 = tpu.vector_load %arg9[%swap3A_420] {strides = array<i32>} : memref<10240xf32, #tpu.memory_space<vmem>>, vector<16xf32>,
      %swap3A_422 = vector.shape_cast %swap3A_421 : vector<16xf32> to vector<16xf32>
      %swap3A_423 = vector.shape_cast %sub3A_414 : vector<16xf32> to vector<16xf32>
      tpu.vector_store %arg9[%swap3A_420], %swap3A_423 {strides = array<i32>} : memref<10240xf32, #tpu.memory_space<vmem>>, vector<16xf32>,
      %eq3A_424 = arith.constant 19 : i32
      %eq3A_425 = arith.cmpi eq, %rem3A_229, %eq3A_424 : i32
      %convert_element_type3A_426 = arith.extui %eq3A_425 : i1 to i32
      %cond3A_427 = arith.constant 0 : i32
      %cond3A_428 = arith.cmpi ne, %convert_element_type3A_426, %cond3A_427 : i32
      scf.if %cond3A_428 {
        %add3A_429 = arith.addi %mul3A_2, %scan3A_88 : i32
        %add3A_430 = arith.constant 1 : i32
        %add3A_431 = arith.addi %add3A_429, %add3A_430 : i32
        %sub3A_432 = arith.constant 20 : i32
        %sub3A_433 = arith.subi %add3A_431, %sub3A_432 : i32
        %mul3A_434 = arith.constant 256 : i32
        %mul3A_435 = arith.muli %sub3A_433, %mul3A_434 : i32
        %jit3A_436 = arith.constant 20 : i32
        %div3A_437 = arith.divsi %scan3A_88, %jit3A_436 : i32
        %sign3A_438 = arith.constant 0 : i32
        %sign3A_439 = arith.cmpi sgt, %scan3A_88, %sign3A_438 : i32
        %sign3A_440 = arith.extui %sign3A_439 : i1 to i32
        %sign3A_441 = arith.constant 0 : i32
        %sign3A_442 = arith.cmpi slt, %scan3A_88, %sign3A_441 : i32
        %sign3A_443 = arith.extui %sign3A_442 : i1 to i32
        %sign3A_444 = arith.subi %sign3A_440, %sign3A_443 : i32
        %sign3A_445 = arith.constant 0 : i32
        %sign3A_446 = arith.cmpi sgt, %jit3A_436, %sign3A_445 : i32
        %sign3A_447 = arith.extui %sign3A_446 : i1 to i32
        %sign3A_448 = arith.constant 0 : i32
        %sign3A_449 = arith.cmpi slt, %jit3A_436, %sign3A_448 : i32
        %sign3A_450 = arith.extui %sign3A_449 : i1 to i32
        %sign3A_451 = arith.subi %sign3A_447, %sign3A_450 : i32
        %ne3A_452 = arith.cmpi ne, %sign3A_444, %sign3A_451 : i32
        %rem3A_453 = arith.remsi %scan3A_88, %jit3A_436 : i32
        %ne3A_454 = arith.constant 0 : i32
        %ne3A_455 = arith.cmpi ne, %rem3A_453, %ne3A_454 : i32
        %and3A_456 = arith.andi %ne3A_452, %ne3A_455 : i1
        %sub3A_457 = arith.constant 1 : i32
        %sub3A_458 = arith.subi %div3A_437, %sub3A_457 : i32
        %select_n3A_459 = arith.select %and3A_456, %sub3A_458, %div3A_437 : i32
        %rem3A_460 = arith.constant 2 : i32
        %rem3A_461 = arith.remsi %select_n3A_459, %rem3A_460 : i32
        %dma_start3A_462 = tpu.memref_slice %arg9[%mul3A_257] : memref<10240xf32, #tpu.memory_space<vmem>> -> memref<5120xf32, #tpu.memory_space<vmem>>
        %dma_start3A_463 = tpu.memref_slice %arg5[%mul3A_435] : memref<4096000xf32, #tpu.memory_space<hbm>> -> memref<5120xf32, #tpu.memory_space<hbm>>
        %dma_start3A_464 = tpu.memref_slice %arg12[%rem3A_461] : memref<2x!tpu.dma_semaphore, #tpu.memory_space<semaphore_mem>> -> memref<1x!tpu.dma_semaphore, #tpu.memory_space<semaphore_mem>>
        %dma_start3A_465 = tpu.memref_squeeze %dma_start3A_464 : memref<1x!tpu.dma_semaphore, #tpu.memory_space<semaphore_mem>> -> memref<!tpu.dma_semaphore, #tpu.memory_space<semaphore_mem>>
        %dma_start3A_466 = tpu.memref_slice %arg5[%mul3A_435] : memref<4096000xf32, #tpu.memory_space<hbm>> -> memref<5120xf32, #tpu.memory_space<hbm>>
        %dma_start3A_467 = tpu.memref_slice %arg9[%mul3A_257] : memref<10240xf32, #tpu.memory_space<vmem>> -> memref<5120xf32, #tpu.memory_space<vmem>>
        tpu.enqueue_dma source(%dma_start3A_467 : memref<5120xf32, #tpu.memory_space<vmem>>) target(%dma_start3A_466 : memref<5120xf32, #tpu.memory_space<hbm>>) target_semaphore(%dma_start3A_465 : memref<!tpu.dma_semaphore, #tpu.memory_space<semaphore_mem>>)
      } else {
      }
    }
    %scan3A_62 = arith.constant 500 : i32
    %add3A_63 = arith.constant 460 : i32
    %add3A_64 = arith.addi %mul3A_2, %add3A_63 : i32
    %mul3A_65 = arith.constant 256 : i32
    %mul3A_66 = arith.muli %add3A_64, %mul3A_65 : i32
    %dma_wait3A = arith.constant 1 : i32
    %dma_wait3A_67 = arith.constant 5120 : i32
    %dma_wait3A_68 = tpu.memref_slice %arg9[%dma_wait3A_67] : memref<10240xf32, #tpu.memory_space<vmem>> -> memref<5120xf32, #tpu.memory_space<vmem>>
    %dma_wait3A_69 = tpu.memref_slice %arg5[%mul3A_66] : memref<4096000xf32, #tpu.memory_space<hbm>> -> memref<5120xf32, #tpu.memory_space<hbm>>
    %dma_wait3A_70 = tpu.memref_slice %arg12[%dma_wait3A] : memref<2x!tpu.dma_semaphore, #tpu.memory_space<semaphore_mem>> -> memref<1x!tpu.dma_semaphore, #tpu.memory_space<semaphore_mem>>
    %dma_wait3A_71 = tpu.memref_squeeze %dma_wait3A_70 : memref<1x!tpu.dma_semaphore, #tpu.memory_space<semaphore_mem>> -> memref<!tpu.dma_semaphore, #tpu.memory_space<semaphore_mem>>
    %dma_wait3A_72 = tpu.memref_slice %arg5[%mul3A_66] : memref<4096000xf32, #tpu.memory_space<hbm>> -> memref<5120xf32, #tpu.memory_space<hbm>>
    %dma_wait3A_73 = arith.constant 5120 : i32
    %dma_wait3A_74 = tpu.memref_slice %arg9[%dma_wait3A_73] : memref<10240xf32, #tpu.memory_space<vmem>> -> memref<5120xf32, #tpu.memory_space<vmem>>
    tpu.wait_dma2 semaphore(%dma_wait3A_71 : memref<!tpu.dma_semaphore, #tpu.memory_space<semaphore_mem>>) src(%dma_wait3A_74 : memref<5120xf32, #tpu.memory_space<vmem>>) dst(%dma_wait3A_72 : memref<5120xf32, #tpu.memory_space<hbm>>)
    %add3A_75 = arith.constant 480 : i32
    %add3A_76 = arith.addi %mul3A_2, %add3A_75 : i32
    %mul3A_77 = arith.constant 256 : i32
    %mul3A_78 = arith.muli %add3A_76, %mul3A_77 : i32
    %dma_wait3A_79 = arith.constant 0 : i32
    %dma_wait3A_80 = arith.constant 0 : i32
    %dma_wait3A_81 = tpu.memref_slice %arg9[%dma_wait3A_80] : memref<10240xf32, #tpu.memory_space<vmem>> -> memref<5120xf32, #tpu.memory_space<vmem>>
    %dma_wait3A_82 = tpu.memref_slice %arg5[%mul3A_78] : memref<4096000xf32, #tpu.memory_space<hbm>> -> memref<5120xf32, #tpu.memory_space<hbm>>
    %dma_wait3A_83 = tpu.memref_slice %arg12[%dma_wait3A_79] : memref<2x!tpu.dma_semaphore, #tpu.memory_space<semaphore_mem>> -> memref<1x!tpu.dma_semaphore, #tpu.memory_space<semaphore_mem>>
    %dma_wait3A_84 = tpu.memref_squeeze %dma_wait3A_83 : memref<1x!tpu.dma_semaphore, #tpu.memory_space<semaphore_mem>> -> memref<!tpu.dma_semaphore, #tpu.memory_space<semaphore_mem>>
    %dma_wait3A_85 = tpu.memref_slice %arg5[%mul3A_78] : memref<4096000xf32, #tpu.memory_space<hbm>> -> memref<5120xf32, #tpu.memory_space<hbm>>
    %dma_wait3A_86 = arith.constant 0 : i32
    %dma_wait3A_87 = tpu.memref_slice %arg9[%dma_wait3A_86] : memref<10240xf32, #tpu.memory_space<vmem>> -> memref<5120xf32, #tpu.memory_space<vmem>>
    tpu.wait_dma2 semaphore(%dma_wait3A_84 : memref<!tpu.dma_semaphore, #tpu.memory_space<semaphore_mem>>) src(%dma_wait3A_87 : memref<5120xf32, #tpu.memory_space<vmem>>) dst(%dma_wait3A_85 : memref<5120xf32, #tpu.memory_space<hbm>>)
    return
  }
}

module attributes {stable_mosaic.version = 14 : i64} {
  func.func @_stage_a_body(%arg0: i32, %arg1: memref<200x256xf32, #tpu.memory_space<vmem>>, %arg2: memref<200x4xf32, #tpu.memory_space<vmem>>, %arg3: memref<256x128xf32, #tpu.memory_space<vmem>>, %arg4: memref<1x128xf32, #tpu.memory_space<vmem>>, %arg5: memref<256x256xf32, #tpu.memory_space<vmem>>, %arg6: memref<1x256xf32, #tpu.memory_space<vmem>>, %arg7: memref<128x128xf32, #tpu.memory_space<vmem>>, %arg8: memref<8x200x128xi32, #tpu.memory_space<vmem>>, %arg9: memref<8x200x128xf32, #tpu.memory_space<vmem>>, %arg10: memref<200x8xf32, #tpu.memory_space<vmem>>) attributes {dimension_semantics = [#tpu.dimension_semantics<arbitrary>], iteration_bounds = array<i64: 10>, scalar_prefetch = 0 : i64, scratch_operands = 0 : i64, tpu.core_type = #tpu.core_type<tc>, window_params = [{transform_indices = @transform_0, window_bounds = array<i64: 200, 256>}, {transform_indices = @transform_1, window_bounds = array<i64: 200, 4>}, {pipeline_mode = #tpu.pipeline_mode<synchronous>, transform_indices = @transform_2, window_bounds = array<i64: 256, 128>}, {pipeline_mode = #tpu.pipeline_mode<synchronous>, transform_indices = @transform_3, window_bounds = array<i64: 1, 128>}, {pipeline_mode = #tpu.pipeline_mode<synchronous>, transform_indices = @transform_4, window_bounds = array<i64: 256, 256>}, {pipeline_mode = #tpu.pipeline_mode<synchronous>, transform_indices = @transform_5, window_bounds = array<i64: 1, 256>}, {pipeline_mode = #tpu.pipeline_mode<synchronous>, transform_indices = @transform_6, window_bounds = array<i64: 128, 128>}, {transform_indices = @transform_7, window_bounds = array<i64: 8, 200, 128>}, {transform_indices = @transform_8, window_bounds = array<i64: 8, 200, 128>}, {transform_indices = @transform_9, window_bounds = array<i64: 200, 8>}]} {
    %jit3A = arith.constant 5 : i32
    %div3A = arith.divsi %arg0, %jit3A : i32
    %sign3A = arith.constant 0 : i32
    %sign3A_0 = arith.cmpi sgt, %arg0, %sign3A : i32
    %sign3A_1 = arith.extui %sign3A_0 : i1 to i32
    %sign3A_2 = arith.constant 0 : i32
    %sign3A_3 = arith.cmpi slt, %arg0, %sign3A_2 : i32
    %sign3A_4 = arith.extui %sign3A_3 : i1 to i32
    %sign3A_5 = arith.subi %sign3A_1, %sign3A_4 : i32
    %sign3A_6 = arith.constant 0 : i32
    %sign3A_7 = arith.cmpi sgt, %jit3A, %sign3A_6 : i32
    %sign3A_8 = arith.extui %sign3A_7 : i1 to i32
    %sign3A_9 = arith.constant 0 : i32
    %sign3A_10 = arith.cmpi slt, %jit3A, %sign3A_9 : i32
    %sign3A_11 = arith.extui %sign3A_10 : i1 to i32
    %sign3A_12 = arith.subi %sign3A_8, %sign3A_11 : i32
    %ne3A = arith.cmpi ne, %sign3A_5, %sign3A_12 : i32
    %rem3A = arith.remsi %arg0, %jit3A : i32
    %ne3A_13 = arith.constant 0 : i32
    %ne3A_14 = arith.cmpi ne, %rem3A, %ne3A_13 : i32
    %and3A = arith.andi %ne3A, %ne3A_14 : i1
    %sub3A = arith.constant 1 : i32
    %sub3A_15 = arith.subi %div3A, %sub3A : i32
    %select_n3A = arith.select %and3A, %sub3A_15, %div3A : i32
    %mul3A = arith.constant 10000 : i32
    %mul3A_16 = arith.muli %select_n3A, %mul3A : i32
    %get3A = arith.constant 0 : index
    %get3A_17 = arith.constant 0 : index
    %get3A_18 = vector.load %arg1[%get3A, %get3A_17] : memref<200x256xf32, #tpu.memory_space<vmem>>, vector<200x256xf32>
    %get3A_19 = arith.constant 0 : index
    %get3A_20 = arith.constant 0 : index
    %get3A_21 = vector.load %arg2[%get3A_19, %get3A_20] : memref<200x4xf32, #tpu.memory_space<vmem>>, vector<200x4xf32>
    %slice3A = vector.extract_strided_slice %get3A_21 {offsets = [0, 0], sizes = [200, 1], strides = [1, 1]} : vector<200x4xf32> to vector<200x1xf32>
    %neg3A = arith.constant 0.000000e+00 : f32
    %neg3A_22 = vector.broadcast %neg3A : f32 to vector<200x1xf32>
    %neg3A_23 = arith.subf %neg3A_22, %slice3A : vector<200x1xf32>
    %exp3A = math.exp %neg3A_23 : vector<200x1xf32>
    %add3A = arith.constant 1.000000e+00 : f32
    %add3A_24 = vector.broadcast %add3A : f32 to vector<200x1xf32>
    %add3A_25 = arith.addf %add3A_24, %exp3A : vector<200x1xf32>
    %div3A_26 = arith.constant 1.000000e+00 : f32
    %div3A_27 = vector.broadcast %div3A_26 : f32 to vector<200x1xf32>
    %div3A_28 = arith.divf %div3A_27, %add3A_25 : vector<200x1xf32>
    %slice3A_29 = vector.extract_strided_slice %get3A_21 {offsets = [0, 1], sizes = [200, 1], strides = [1, 1]} : vector<200x4xf32> to vector<200x1xf32>
    %neg3A_30 = arith.constant 0.000000e+00 : f32
    %neg3A_31 = vector.broadcast %neg3A_30 : f32 to vector<200x1xf32>
    %neg3A_32 = arith.subf %neg3A_31, %slice3A_29 : vector<200x1xf32>
    %exp3A_33 = math.exp %neg3A_32 : vector<200x1xf32>
    %add3A_34 = arith.constant 1.000000e+00 : f32
    %add3A_35 = vector.broadcast %add3A_34 : f32 to vector<200x1xf32>
    %add3A_36 = arith.addf %add3A_35, %exp3A_33 : vector<200x1xf32>
    %div3A_37 = arith.constant 1.000000e+00 : f32
    %div3A_38 = vector.broadcast %div3A_37 : f32 to vector<200x1xf32>
    %div3A_39 = arith.divf %div3A_38, %add3A_36 : vector<200x1xf32>
    %mul3A_40 = arith.constant 3.125000e-02 : f32
    %mul3A_41 = vector.broadcast %mul3A_40 : f32 to vector<200x1xf32>
    %mul3A_42 = arith.mulf %div3A_28, %mul3A_41 : vector<200x1xf32>
    %mul3A_43 = arith.constant 3.125000e-02 : f32
    %mul3A_44 = vector.broadcast %mul3A_43 : f32 to vector<200x1xf32>
    %mul3A_45 = arith.mulf %div3A_39, %mul3A_44 : vector<200x1xf32>
    %get3A_46 = arith.constant 0 : index
    %get3A_47 = arith.constant 0 : index
    %get3A_48 = vector.load %arg7[%get3A_46, %get3A_47] : memref<128x128xf32, #tpu.memory_space<vmem>>, vector<128x128xf32>
    %get3A_49 = arith.constant 0 : index
    %get3A_50 = arith.constant 0 : index
    %get3A_51 = vector.load %arg3[%get3A_49, %get3A_50] : memref<256x128xf32, #tpu.memory_space<vmem>>, vector<256x128xf32>
    %dot_general3A = arith.constant dense<0.000000e+00> : vector<200x128xf32>
    %dot_general3A_52 = tpu.matmul %get3A_18, %get3A_51, %dot_general3A {dimension_numbers = #tpu.dot_dimension_numbers<[1], [0], [0], [1], [0, 0, 1, 1], [], []>, transpose_lhs_hint = false} : vector<200x256xf32>, vector<256x128xf32>, vector<200x128xf32> -> vector<200x128xf32>
    %get3A_53 = arith.constant 0 : index
    %get3A_54 = arith.constant 0 : index
    %get3A_55 = vector.load %arg4[%get3A_53, %get3A_54] : memref<1x128xf32, #tpu.memory_space<vmem>>, vector<1x128xf32>
    %add3A_56 = vector.broadcast %get3A_55 : vector<1x128xf32> to vector<200x128xf32>
    %add3A_57 = arith.addf %dot_general3A_52, %add3A_56 : vector<200x128xf32>
    %reduce_max3A = arith.constant dense<0xFF800000> : vector<200xf32>
    %reduce_max3A_58 = vector.multi_reduction <maximumf>, %add3A_57, %reduce_max3A [1] : vector<200x128xf32> to vector<200xf32>
    %broadcast_in_dim3A = vector.shape_cast %reduce_max3A_58 : vector<200xf32> to vector<200x1xf32>
    %sub3A_59 = vector.broadcast %broadcast_in_dim3A : vector<200x1xf32> to vector<200x128xf32>
    %sub3A_60 = arith.subf %add3A_57, %sub3A_59 : vector<200x128xf32>
    %exp3A_61 = math.exp %sub3A_60 : vector<200x128xf32>
    %dot_general3A_62 = arith.constant dense<0.000000e+00> : vector<200x128xf32>
    %dot_general3A_63 = tpu.matmul %exp3A_61, %get3A_48, %dot_general3A_62 {dimension_numbers = #tpu.dot_dimension_numbers<[1], [0], [0], [1], [0, 0, 1, 1], [], []>, transpose_lhs_hint = false} : vector<200x128xf32>, vector<128x128xf32>, vector<200x128xf32> -> vector<200x128xf32>
    %div3A_64 = arith.divf %exp3A_61, %dot_general3A_63 : vector<200x128xf32>
    %get3A_65 = arith.constant 0 : index
    %get3A_66 = arith.constant 0 : index
    %get3A_67 = vector.load %arg5[%get3A_65, %get3A_66] : memref<256x256xf32, #tpu.memory_space<vmem>>, vector<256x256xf32>
    %dot_general3A_68 = arith.constant dense<0.000000e+00> : vector<200x256xf32>
    %dot_general3A_69 = tpu.matmul %get3A_18, %get3A_67, %dot_general3A_68 {dimension_numbers = #tpu.dot_dimension_numbers<[1], [0], [0], [1], [0, 0, 1, 1], [], []>, transpose_lhs_hint = false} : vector<200x256xf32>, vector<256x256xf32>, vector<200x256xf32> -> vector<200x256xf32>
    %get3A_70 = arith.constant 0 : index
    %get3A_71 = arith.constant 0 : index
    %get3A_72 = vector.load %arg6[%get3A_70, %get3A_71] : memref<1x256xf32, #tpu.memory_space<vmem>>, vector<1x256xf32>
    %add3A_73 = vector.broadcast %get3A_72 : vector<1x256xf32> to vector<200x256xf32>
    %add3A_74 = arith.addf %dot_general3A_69, %add3A_73 : vector<200x256xf32>
    %slice3A_75 = vector.extract_strided_slice %add3A_74 {offsets = [0, 0], sizes = [200, 128], strides = [1, 1]} : vector<200x256xf32> to vector<200x128xf32>
    %mul3A_76 = vector.broadcast %mul3A_42 : vector<200x1xf32> to vector<200x128xf32>
    %mul3A_77 = arith.mulf %slice3A_75, %mul3A_76 : vector<200x128xf32>
    %add3A_78 = vector.broadcast %div3A_28 : vector<200x1xf32> to vector<200x128xf32>
    %add3A_79 = arith.addf %add3A_78, %mul3A_77 : vector<200x128xf32>
    %slice3A_80 = vector.extract_strided_slice %add3A_74 {offsets = [0, 128], sizes = [200, 128], strides = [1, 1]} : vector<200x256xf32> to vector<200x128xf32>
    %mul3A_81 = vector.broadcast %mul3A_45 : vector<200x1xf32> to vector<200x128xf32>
    %mul3A_82 = arith.mulf %slice3A_80, %mul3A_81 : vector<200x128xf32>
    %add3A_83 = vector.broadcast %div3A_39 : vector<200x1xf32> to vector<200x128xf32>
    %add3A_84 = arith.addf %add3A_83, %mul3A_82 : vector<200x128xf32>
    %mul3A_85 = arith.constant 2.000000e+00 : f32
    %mul3A_86 = vector.broadcast %mul3A_85 : f32 to vector<200x128xf32>
    %mul3A_87 = arith.mulf %mul3A_86, %add3A_79 : vector<200x128xf32>
    %sub3A_88 = arith.constant 1.000000e+00 : f32
    %sub3A_89 = vector.broadcast %sub3A_88 : f32 to vector<200x128xf32>
    %sub3A_90 = arith.subf %mul3A_87, %sub3A_89 : vector<200x128xf32>
    %jit3A_91 = arith.constant -1.000000e+00 : f32
    %jit3A_92 = arith.constant 1.000000e+00 : f32
    %max3A = vector.broadcast %jit3A_91 : f32 to vector<200x128xf32>
    %max3A_93 = arith.maximumf %max3A, %sub3A_90 : vector<200x128xf32>
    %min3A = vector.broadcast %jit3A_92 : f32 to vector<200x128xf32>
    %min3A_94 = arith.minimumf %min3A, %max3A_93 : vector<200x128xf32>
    %add3A_95 = arith.constant 1.000000e+00 : f32
    %add3A_96 = vector.broadcast %add3A_95 : f32 to vector<200x128xf32>
    %add3A_97 = arith.addf %min3A_94, %add3A_96 : vector<200x128xf32>
    %mul3A_98 = arith.constant 1.000000e+02 : f32
    %mul3A_99 = vector.broadcast %mul3A_98 : f32 to vector<200x128xf32>
    %mul3A_100 = arith.mulf %add3A_97, %mul3A_99 : vector<200x128xf32>
    %sub3A_101 = arith.constant 1.000000e+00 : f32
    %sub3A_102 = vector.broadcast %sub3A_101 : f32 to vector<200x128xf32>
    %sub3A_103 = arith.subf %mul3A_100, %sub3A_102 : vector<200x128xf32>
    %mul3A_104 = arith.constant 5.000000e-01 : f32
    %mul3A_105 = vector.broadcast %mul3A_104 : f32 to vector<200x128xf32>
    %mul3A_106 = arith.mulf %sub3A_103, %mul3A_105 : vector<200x128xf32>
    %mul3A_107 = arith.constant 2.000000e+00 : f32
    %mul3A_108 = vector.broadcast %mul3A_107 : f32 to vector<200x128xf32>
    %mul3A_109 = arith.mulf %mul3A_108, %add3A_84 : vector<200x128xf32>
    %sub3A_110 = arith.constant 1.000000e+00 : f32
    %sub3A_111 = vector.broadcast %sub3A_110 : f32 to vector<200x128xf32>
    %sub3A_112 = arith.subf %mul3A_109, %sub3A_111 : vector<200x128xf32>
    %jit3A_113 = arith.constant -1.000000e+00 : f32
    %jit3A_114 = arith.constant 1.000000e+00 : f32
    %max3A_115 = vector.broadcast %jit3A_113 : f32 to vector<200x128xf32>
    %max3A_116 = arith.maximumf %max3A_115, %sub3A_112 : vector<200x128xf32>
    %min3A_117 = vector.broadcast %jit3A_114 : f32 to vector<200x128xf32>
    %min3A_118 = arith.minimumf %min3A_117, %max3A_116 : vector<200x128xf32>
    %add3A_119 = arith.constant 1.000000e+00 : f32
    %add3A_120 = vector.broadcast %add3A_119 : f32 to vector<200x128xf32>
    %add3A_121 = arith.addf %min3A_118, %add3A_120 : vector<200x128xf32>
    %mul3A_122 = arith.constant 1.000000e+02 : f32
    %mul3A_123 = vector.broadcast %mul3A_122 : f32 to vector<200x128xf32>
    %mul3A_124 = arith.mulf %add3A_121, %mul3A_123 : vector<200x128xf32>
    %sub3A_125 = arith.constant 1.000000e+00 : f32
    %sub3A_126 = vector.broadcast %sub3A_125 : f32 to vector<200x128xf32>
    %sub3A_127 = arith.subf %mul3A_124, %sub3A_126 : vector<200x128xf32>
    %mul3A_128 = arith.constant 5.000000e-01 : f32
    %mul3A_129 = vector.broadcast %mul3A_128 : f32 to vector<200x128xf32>
    %mul3A_130 = arith.mulf %sub3A_127, %mul3A_129 : vector<200x128xf32>
    %floor3A = math.floor %mul3A_106 : vector<200x128xf32>
    %floor3A_131 = math.floor %mul3A_130 : vector<200x128xf32>
    %sub3A_132 = arith.subf %mul3A_106, %floor3A : vector<200x128xf32>
    %sub3A_133 = arith.constant 1.000000e+00 : f32
    %sub3A_134 = vector.broadcast %sub3A_133 : f32 to vector<200x128xf32>
    %sub3A_135 = arith.subf %sub3A_134, %sub3A_132 : vector<200x128xf32>
    %sub3A_136 = arith.subf %mul3A_130, %floor3A_131 : vector<200x128xf32>
    %sub3A_137 = arith.constant 1.000000e+00 : f32
    %sub3A_138 = vector.broadcast %sub3A_137 : f32 to vector<200x128xf32>
    %sub3A_139 = arith.subf %sub3A_138, %sub3A_136 : vector<200x128xf32>
    %ge3A = arith.constant 0.000000e+00 : f32
    %ge3A_140 = vector.broadcast %ge3A : f32 to vector<200x128xf32>
    %ge3A_141 = arith.cmpf oge, %floor3A, %ge3A_140 : vector<200x128xf32>
    %le3A = arith.constant 9.900000e+01 : f32
    %le3A_142 = vector.broadcast %le3A : f32 to vector<200x128xf32>
    %le3A_143 = arith.cmpf ole, %floor3A, %le3A_142 : vector<200x128xf32>
    %and3A_144 = arith.andi %ge3A_141, %le3A_143 : vector<200x128xi1>
    %ge3A_145 = arith.constant 0.000000e+00 : f32
    %ge3A_146 = vector.broadcast %ge3A_145 : f32 to vector<200x128xf32>
    %ge3A_147 = arith.cmpf oge, %floor3A_131, %ge3A_146 : vector<200x128xf32>
    %and3A_148 = arith.andi %and3A_144, %ge3A_147 : vector<200x128xi1>
    %le3A_149 = arith.constant 9.900000e+01 : f32
    %le3A_150 = vector.broadcast %le3A_149 : f32 to vector<200x128xf32>
    %le3A_151 = arith.cmpf ole, %floor3A_131, %le3A_150 : vector<200x128xf32>
    %and3A_152 = arith.andi %and3A_148, %le3A_151 : vector<200x128xi1>
    %jit3A_153 = arith.constant 0.000000e+00 : f32
    %jit3A_154 = arith.constant 9.900000e+01 : f32
    %max3A_155 = vector.broadcast %jit3A_153 : f32 to vector<200x128xf32>
    %max3A_156 = arith.maximumf %max3A_155, %floor3A : vector<200x128xf32>
    %min3A_157 = vector.broadcast %jit3A_154 : f32 to vector<200x128xf32>
    %min3A_158 = arith.minimumf %min3A_157, %max3A_156 : vector<200x128xf32>
    %convert_element_type3A = arith.fptosi %min3A_158 : vector<200x128xf32> to vector<200x128xi32>
    %jit3A_159 = arith.constant 0.000000e+00 : f32
    %jit3A_160 = arith.constant 9.900000e+01 : f32
    %max3A_161 = vector.broadcast %jit3A_159 : f32 to vector<200x128xf32>
    %max3A_162 = arith.maximumf %max3A_161, %floor3A_131 : vector<200x128xf32>
    %min3A_163 = vector.broadcast %jit3A_160 : f32 to vector<200x128xf32>
    %min3A_164 = arith.minimumf %min3A_163, %max3A_162 : vector<200x128xf32>
    %convert_element_type3A_165 = arith.fptosi %min3A_164 : vector<200x128xf32> to vector<200x128xi32>
    %mul3A_166 = arith.constant 100 : i32
    %mul3A_167 = vector.broadcast %mul3A_166 : i32 to vector<200x128xi32>
    %mul3A_168 = arith.muli %convert_element_type3A_165, %mul3A_167 : vector<200x128xi32>
    %add3A_169 = arith.addi %mul3A_168, %convert_element_type3A : vector<200x128xi32>
    %add3A_170 = vector.broadcast %mul3A_16 : i32 to vector<200x128xi32>
    %add3A_171 = arith.addi %add3A_169, %add3A_170 : vector<200x128xi32>
    %mul3A_172 = arith.mulf %sub3A_135, %sub3A_139 : vector<200x128xf32>
    %mul3A_173 = arith.mulf %div3A_64, %mul3A_172 : vector<200x128xf32>
    %convert_element_type3A_174 = arith.extui %and3A_152 : vector<200x128xi1> to vector<200x128xi32>
    %convert_element_type3A_175 = arith.sitofp %convert_element_type3A_174 : vector<200x128xi32> to vector<200x128xf32>
    %mul3A_176 = arith.mulf %mul3A_173, %convert_element_type3A_175 : vector<200x128xf32>
    %add3A_177 = arith.constant 1.000000e+00 : f32
    %add3A_178 = vector.broadcast %add3A_177 : f32 to vector<200x128xf32>
    %add3A_179 = arith.addf %floor3A, %add3A_178 : vector<200x128xf32>
    %ge3A_180 = arith.constant 0.000000e+00 : f32
    %ge3A_181 = vector.broadcast %ge3A_180 : f32 to vector<200x128xf32>
    %ge3A_182 = arith.cmpf oge, %add3A_179, %ge3A_181 : vector<200x128xf32>
    %le3A_183 = arith.constant 9.900000e+01 : f32
    %le3A_184 = vector.broadcast %le3A_183 : f32 to vector<200x128xf32>
    %le3A_185 = arith.cmpf ole, %add3A_179, %le3A_184 : vector<200x128xf32>
    %and3A_186 = arith.andi %ge3A_182, %le3A_185 : vector<200x128xi1>
    %ge3A_187 = arith.constant 0.000000e+00 : f32
    %ge3A_188 = vector.broadcast %ge3A_187 : f32 to vector<200x128xf32>
    %ge3A_189 = arith.cmpf oge, %floor3A_131, %ge3A_188 : vector<200x128xf32>
    %and3A_190 = arith.andi %and3A_186, %ge3A_189 : vector<200x128xi1>
    %le3A_191 = arith.constant 9.900000e+01 : f32
    %le3A_192 = vector.broadcast %le3A_191 : f32 to vector<200x128xf32>
    %le3A_193 = arith.cmpf ole, %floor3A_131, %le3A_192 : vector<200x128xf32>
    %and3A_194 = arith.andi %and3A_190, %le3A_193 : vector<200x128xi1>
    %jit3A_195 = arith.constant 0.000000e+00 : f32
    %jit3A_196 = arith.constant 9.900000e+01 : f32
    %max3A_197 = vector.broadcast %jit3A_195 : f32 to vector<200x128xf32>
    %max3A_198 = arith.maximumf %max3A_197, %add3A_179 : vector<200x128xf32>
    %min3A_199 = vector.broadcast %jit3A_196 : f32 to vector<200x128xf32>
    %min3A_200 = arith.minimumf %min3A_199, %max3A_198 : vector<200x128xf32>
    %convert_element_type3A_201 = arith.fptosi %min3A_200 : vector<200x128xf32> to vector<200x128xi32>
    %jit3A_202 = arith.constant 0.000000e+00 : f32
    %jit3A_203 = arith.constant 9.900000e+01 : f32
    %max3A_204 = vector.broadcast %jit3A_202 : f32 to vector<200x128xf32>
    %max3A_205 = arith.maximumf %max3A_204, %floor3A_131 : vector<200x128xf32>
    %min3A_206 = vector.broadcast %jit3A_203 : f32 to vector<200x128xf32>
    %min3A_207 = arith.minimumf %min3A_206, %max3A_205 : vector<200x128xf32>
    %convert_element_type3A_208 = arith.fptosi %min3A_207 : vector<200x128xf32> to vector<200x128xi32>
    %mul3A_209 = arith.constant 100 : i32
    %mul3A_210 = vector.broadcast %mul3A_209 : i32 to vector<200x128xi32>
    %mul3A_211 = arith.muli %convert_element_type3A_208, %mul3A_210 : vector<200x128xi32>
    %add3A_212 = arith.addi %mul3A_211, %convert_element_type3A_201 : vector<200x128xi32>
    %add3A_213 = vector.broadcast %mul3A_16 : i32 to vector<200x128xi32>
    %add3A_214 = arith.addi %add3A_212, %add3A_213 : vector<200x128xi32>
    %mul3A_215 = arith.mulf %sub3A_132, %sub3A_139 : vector<200x128xf32>
    %mul3A_216 = arith.mulf %div3A_64, %mul3A_215 : vector<200x128xf32>
    %convert_element_type3A_217 = arith.extui %and3A_194 : vector<200x128xi1> to vector<200x128xi32>
    %convert_element_type3A_218 = arith.sitofp %convert_element_type3A_217 : vector<200x128xi32> to vector<200x128xf32>
    %mul3A_219 = arith.mulf %mul3A_216, %convert_element_type3A_218 : vector<200x128xf32>
    %add3A_220 = arith.constant 1.000000e+00 : f32
    %add3A_221 = vector.broadcast %add3A_220 : f32 to vector<200x128xf32>
    %add3A_222 = arith.addf %floor3A_131, %add3A_221 : vector<200x128xf32>
    %ge3A_223 = arith.constant 0.000000e+00 : f32
    %ge3A_224 = vector.broadcast %ge3A_223 : f32 to vector<200x128xf32>
    %ge3A_225 = arith.cmpf oge, %floor3A, %ge3A_224 : vector<200x128xf32>
    %le3A_226 = arith.constant 9.900000e+01 : f32
    %le3A_227 = vector.broadcast %le3A_226 : f32 to vector<200x128xf32>
    %le3A_228 = arith.cmpf ole, %floor3A, %le3A_227 : vector<200x128xf32>
    %and3A_229 = arith.andi %ge3A_225, %le3A_228 : vector<200x128xi1>
    %ge3A_230 = arith.constant 0.000000e+00 : f32
    %ge3A_231 = vector.broadcast %ge3A_230 : f32 to vector<200x128xf32>
    %ge3A_232 = arith.cmpf oge, %add3A_222, %ge3A_231 : vector<200x128xf32>
    %and3A_233 = arith.andi %and3A_229, %ge3A_232 : vector<200x128xi1>
    %le3A_234 = arith.constant 9.900000e+01 : f32
    %le3A_235 = vector.broadcast %le3A_234 : f32 to vector<200x128xf32>
    %le3A_236 = arith.cmpf ole, %add3A_222, %le3A_235 : vector<200x128xf32>
    %and3A_237 = arith.andi %and3A_233, %le3A_236 : vector<200x128xi1>
    %jit3A_238 = arith.constant 0.000000e+00 : f32
    %jit3A_239 = arith.constant 9.900000e+01 : f32
    %max3A_240 = vector.broadcast %jit3A_238 : f32 to vector<200x128xf32>
    %max3A_241 = arith.maximumf %max3A_240, %floor3A : vector<200x128xf32>
    %min3A_242 = vector.broadcast %jit3A_239 : f32 to vector<200x128xf32>
    %min3A_243 = arith.minimumf %min3A_242, %max3A_241 : vector<200x128xf32>
    %convert_element_type3A_244 = arith.fptosi %min3A_243 : vector<200x128xf32> to vector<200x128xi32>
    %jit3A_245 = arith.constant 0.000000e+00 : f32
    %jit3A_246 = arith.constant 9.900000e+01 : f32
    %max3A_247 = vector.broadcast %jit3A_245 : f32 to vector<200x128xf32>
    %max3A_248 = arith.maximumf %max3A_247, %add3A_222 : vector<200x128xf32>
    %min3A_249 = vector.broadcast %jit3A_246 : f32 to vector<200x128xf32>
    %min3A_250 = arith.minimumf %min3A_249, %max3A_248 : vector<200x128xf32>
    %convert_element_type3A_251 = arith.fptosi %min3A_250 : vector<200x128xf32> to vector<200x128xi32>
    %mul3A_252 = arith.constant 100 : i32
    %mul3A_253 = vector.broadcast %mul3A_252 : i32 to vector<200x128xi32>
    %mul3A_254 = arith.muli %convert_element_type3A_251, %mul3A_253 : vector<200x128xi32>
    %add3A_255 = arith.addi %mul3A_254, %convert_element_type3A_244 : vector<200x128xi32>
    %add3A_256 = vector.broadcast %mul3A_16 : i32 to vector<200x128xi32>
    %add3A_257 = arith.addi %add3A_255, %add3A_256 : vector<200x128xi32>
    %mul3A_258 = arith.mulf %sub3A_135, %sub3A_136 : vector<200x128xf32>
    %mul3A_259 = arith.mulf %div3A_64, %mul3A_258 : vector<200x128xf32>
    %convert_element_type3A_260 = arith.extui %and3A_237 : vector<200x128xi1> to vector<200x128xi32>
    %convert_element_type3A_261 = arith.sitofp %convert_element_type3A_260 : vector<200x128xi32> to vector<200x128xf32>
    %mul3A_262 = arith.mulf %mul3A_259, %convert_element_type3A_261 : vector<200x128xf32>
    %add3A_263 = arith.constant 1.000000e+00 : f32
    %add3A_264 = vector.broadcast %add3A_263 : f32 to vector<200x128xf32>
    %add3A_265 = arith.addf %floor3A, %add3A_264 : vector<200x128xf32>
    %add3A_266 = arith.constant 1.000000e+00 : f32
    %add3A_267 = vector.broadcast %add3A_266 : f32 to vector<200x128xf32>
    %add3A_268 = arith.addf %floor3A_131, %add3A_267 : vector<200x128xf32>
    %ge3A_269 = arith.constant 0.000000e+00 : f32
    %ge3A_270 = vector.broadcast %ge3A_269 : f32 to vector<200x128xf32>
    %ge3A_271 = arith.cmpf oge, %add3A_265, %ge3A_270 : vector<200x128xf32>
    %le3A_272 = arith.constant 9.900000e+01 : f32
    %le3A_273 = vector.broadcast %le3A_272 : f32 to vector<200x128xf32>
    %le3A_274 = arith.cmpf ole, %add3A_265, %le3A_273 : vector<200x128xf32>
    %and3A_275 = arith.andi %ge3A_271, %le3A_274 : vector<200x128xi1>
    %ge3A_276 = arith.constant 0.000000e+00 : f32
    %ge3A_277 = vector.broadcast %ge3A_276 : f32 to vector<200x128xf32>
    %ge3A_278 = arith.cmpf oge, %add3A_268, %ge3A_277 : vector<200x128xf32>
    %and3A_279 = arith.andi %and3A_275, %ge3A_278 : vector<200x128xi1>
    %le3A_280 = arith.constant 9.900000e+01 : f32
    %le3A_281 = vector.broadcast %le3A_280 : f32 to vector<200x128xf32>
    %le3A_282 = arith.cmpf ole, %add3A_268, %le3A_281 : vector<200x128xf32>
    %and3A_283 = arith.andi %and3A_279, %le3A_282 : vector<200x128xi1>
    %jit3A_284 = arith.constant 0.000000e+00 : f32
    %jit3A_285 = arith.constant 9.900000e+01 : f32
    %max3A_286 = vector.broadcast %jit3A_284 : f32 to vector<200x128xf32>
    %max3A_287 = arith.maximumf %max3A_286, %add3A_265 : vector<200x128xf32>
    %min3A_288 = vector.broadcast %jit3A_285 : f32 to vector<200x128xf32>
    %min3A_289 = arith.minimumf %min3A_288, %max3A_287 : vector<200x128xf32>
    %convert_element_type3A_290 = arith.fptosi %min3A_289 : vector<200x128xf32> to vector<200x128xi32>
    %jit3A_291 = arith.constant 0.000000e+00 : f32
    %jit3A_292 = arith.constant 9.900000e+01 : f32
    %max3A_293 = vector.broadcast %jit3A_291 : f32 to vector<200x128xf32>
    %max3A_294 = arith.maximumf %max3A_293, %add3A_268 : vector<200x128xf32>
    %min3A_295 = vector.broadcast %jit3A_292 : f32 to vector<200x128xf32>
    %min3A_296 = arith.minimumf %min3A_295, %max3A_294 : vector<200x128xf32>
    %convert_element_type3A_297 = arith.fptosi %min3A_296 : vector<200x128xf32> to vector<200x128xi32>
    %mul3A_298 = arith.constant 100 : i32
    %mul3A_299 = vector.broadcast %mul3A_298 : i32 to vector<200x128xi32>
    %mul3A_300 = arith.muli %convert_element_type3A_297, %mul3A_299 : vector<200x128xi32>
    %add3A_301 = arith.addi %mul3A_300, %convert_element_type3A_290 : vector<200x128xi32>
    %add3A_302 = vector.broadcast %mul3A_16 : i32 to vector<200x128xi32>
    %add3A_303 = arith.addi %add3A_301, %add3A_302 : vector<200x128xi32>
    %mul3A_304 = arith.mulf %sub3A_132, %sub3A_136 : vector<200x128xf32>
    %mul3A_305 = arith.mulf %div3A_64, %mul3A_304 : vector<200x128xf32>
    %convert_element_type3A_306 = arith.extui %and3A_283 : vector<200x128xi1> to vector<200x128xi32>
    %convert_element_type3A_307 = arith.sitofp %convert_element_type3A_306 : vector<200x128xi32> to vector<200x128xf32>
    %mul3A_308 = arith.mulf %mul3A_305, %convert_element_type3A_307 : vector<200x128xf32>
    %add3A_309 = arith.addf %mul3A_176, %mul3A_219 : vector<200x128xf32>
    %add3A_310 = arith.addf %add3A_309, %mul3A_262 : vector<200x128xf32>
    %add3A_311 = arith.addf %add3A_310, %mul3A_308 : vector<200x128xf32>
    %dot_general3A_312 = arith.constant dense<0.000000e+00> : vector<200x128xf32>
    %dot_general3A_313 = tpu.matmul %add3A_311, %get3A_48, %dot_general3A_312 {dimension_numbers = #tpu.dot_dimension_numbers<[1], [0], [0], [1], [0, 0, 1, 1], [], []>, transpose_lhs_hint = false} : vector<200x128xf32>, vector<128x128xf32>, vector<200x128xf32> -> vector<200x128xf32>
    %broadcast_in_dim3A_314 = arith.constant 0 : i32
    %broadcast_in_dim3A_315 = vector.broadcast %broadcast_in_dim3A_314 : i32 to vector<200x64xi32>
    %broadcast_in_dim3A_316 = arith.constant 0.000000e+00 : f32
    %broadcast_in_dim3A_317 = vector.broadcast %broadcast_in_dim3A_316 : f32 to vector<200x64xf32>
    %slice3A_318 = vector.extract_strided_slice %add3A_171 {offsets = [0, 0], sizes = [200, 16], strides = [1, 1]} : vector<200x128xi32> to vector<200x16xi32>
    %slice3A_319 = vector.extract_strided_slice %add3A_214 {offsets = [0, 0], sizes = [200, 16], strides = [1, 1]} : vector<200x128xi32> to vector<200x16xi32>
    %slice3A_320 = vector.extract_strided_slice %add3A_257 {offsets = [0, 0], sizes = [200, 16], strides = [1, 1]} : vector<200x128xi32> to vector<200x16xi32>
    %slice3A_321 = vector.extract_strided_slice %add3A_303 {offsets = [0, 0], sizes = [200, 16], strides = [1, 1]} : vector<200x128xi32> to vector<200x16xi32>
    %concatenate3A = tpu.concatenate %slice3A_318, %slice3A_319, %slice3A_320, %slice3A_321, %broadcast_in_dim3A_315 in 1 : vector<200x16xi32>, vector<200x16xi32>, vector<200x16xi32>, vector<200x16xi32>, vector<200x64xi32> -> vector<200x128xi32>
    %swap3A = arith.constant 0 : index
    %swap3A_322 = arith.constant 0 : index
    %swap3A_323 = arith.constant 0 : index
    %swap3A_324 = vector.load %arg8[%swap3A, %swap3A_322, %swap3A_323] : memref<8x200x128xi32, #tpu.memory_space<vmem>>, vector<1x200x128xi32>
    %swap3A_325 = vector.shape_cast %swap3A_324 : vector<1x200x128xi32> to vector<200x128xi32>
    %swap3A_326 = vector.shape_cast %concatenate3A : vector<200x128xi32> to vector<1x200x128xi32>
    tpu.vector_store %arg8[%swap3A, %swap3A_322, %swap3A_323], %swap3A_326 {strides = array<i32>} : memref<8x200x128xi32, #tpu.memory_space<vmem>>, vector<1x200x128xi32>,
    %slice3A_327 = vector.extract_strided_slice %mul3A_176 {offsets = [0, 0], sizes = [200, 16], strides = [1, 1]} : vector<200x128xf32> to vector<200x16xf32>
    %slice3A_328 = vector.extract_strided_slice %mul3A_219 {offsets = [0, 0], sizes = [200, 16], strides = [1, 1]} : vector<200x128xf32> to vector<200x16xf32>
    %slice3A_329 = vector.extract_strided_slice %mul3A_262 {offsets = [0, 0], sizes = [200, 16], strides = [1, 1]} : vector<200x128xf32> to vector<200x16xf32>
    %slice3A_330 = vector.extract_strided_slice %mul3A_308 {offsets = [0, 0], sizes = [200, 16], strides = [1, 1]} : vector<200x128xf32> to vector<200x16xf32>
    %concatenate3A_331 = tpu.concatenate %slice3A_327, %slice3A_328, %slice3A_329, %slice3A_330, %broadcast_in_dim3A_317 in 1 : vector<200x16xf32>, vector<200x16xf32>, vector<200x16xf32>, vector<200x16xf32>, vector<200x64xf32> -> vector<200x128xf32>
    %mul3A_332 = arith.constant 0.001953125 : f32
    %mul3A_333 = vector.broadcast %mul3A_332 : f32 to vector<200x128xf32>
    %mul3A_334 = arith.mulf %concatenate3A_331, %mul3A_333 : vector<200x128xf32>
    %swap3A_335 = arith.constant 0 : index
    %swap3A_336 = arith.constant 0 : index
    %swap3A_337 = arith.constant 0 : index
    %swap3A_338 = vector.load %arg9[%swap3A_335, %swap3A_336, %swap3A_337] : memref<8x200x128xf32, #tpu.memory_space<vmem>>, vector<1x200x128xf32>
    %swap3A_339 = vector.shape_cast %swap3A_338 : vector<1x200x128xf32> to vector<200x128xf32>
    %swap3A_340 = vector.shape_cast %mul3A_334 : vector<200x128xf32> to vector<1x200x128xf32>
    tpu.vector_store %arg9[%swap3A_335, %swap3A_336, %swap3A_337], %swap3A_340 {strides = array<i32>} : memref<8x200x128xf32, #tpu.memory_space<vmem>>, vector<1x200x128xf32>,
    %slice3A_341 = vector.extract_strided_slice %dot_general3A_313 {offsets = [0, 0], sizes = [200, 1], strides = [1, 1]} : vector<200x128xf32> to vector<200x1xf32>
    %slice3A_342 = vector.extract_strided_slice %add3A_171 {offsets = [0, 16], sizes = [200, 16], strides = [1, 1]} : vector<200x128xi32> to vector<200x16xi32>
    %slice3A_343 = vector.extract_strided_slice %add3A_214 {offsets = [0, 16], sizes = [200, 16], strides = [1, 1]} : vector<200x128xi32> to vector<200x16xi32>
    %slice3A_344 = vector.extract_strided_slice %add3A_257 {offsets = [0, 16], sizes = [200, 16], strides = [1, 1]} : vector<200x128xi32> to vector<200x16xi32>
    %slice3A_345 = vector.extract_strided_slice %add3A_303 {offsets = [0, 16], sizes = [200, 16], strides = [1, 1]} : vector<200x128xi32> to vector<200x16xi32>
    %concatenate3A_346 = tpu.concatenate %slice3A_342, %slice3A_343, %slice3A_344, %slice3A_345, %broadcast_in_dim3A_315 in 1 : vector<200x16xi32>, vector<200x16xi32>, vector<200x16xi32>, vector<200x16xi32>, vector<200x64xi32> -> vector<200x128xi32>
    %swap3A_347 = arith.constant 1 : index
    %swap3A_348 = arith.constant 0 : index
    %swap3A_349 = arith.constant 0 : index
    %swap3A_350 = vector.load %arg8[%swap3A_347, %swap3A_348, %swap3A_349] : memref<8x200x128xi32, #tpu.memory_space<vmem>>, vector<1x200x128xi32>
    %swap3A_351 = vector.shape_cast %swap3A_350 : vector<1x200x128xi32> to vector<200x128xi32>
    %swap3A_352 = vector.shape_cast %concatenate3A_346 : vector<200x128xi32> to vector<1x200x128xi32>
    tpu.vector_store %arg8[%swap3A_347, %swap3A_348, %swap3A_349], %swap3A_352 {strides = array<i32>} : memref<8x200x128xi32, #tpu.memory_space<vmem>>, vector<1x200x128xi32>,
    %slice3A_353 = vector.extract_strided_slice %mul3A_176 {offsets = [0, 16], sizes = [200, 16], strides = [1, 1]} : vector<200x128xf32> to vector<200x16xf32>
    %slice3A_354 = vector.extract_strided_slice %mul3A_219 {offsets = [0, 16], sizes = [200, 16], strides = [1, 1]} : vector<200x128xf32> to vector<200x16xf32>
    %slice3A_355 = vector.extract_strided_slice %mul3A_262 {offsets = [0, 16], sizes = [200, 16], strides = [1, 1]} : vector<200x128xf32> to vector<200x16xf32>
    %slice3A_356 = vector.extract_strided_slice %mul3A_308 {offsets = [0, 16], sizes = [200, 16], strides = [1, 1]} : vector<200x128xf32> to vector<200x16xf32>
    %concatenate3A_357 = tpu.concatenate %slice3A_353, %slice3A_354, %slice3A_355, %slice3A_356, %broadcast_in_dim3A_317 in 1 : vector<200x16xf32>, vector<200x16xf32>, vector<200x16xf32>, vector<200x16xf32>, vector<200x64xf32> -> vector<200x128xf32>
    %mul3A_358 = arith.constant 0.001953125 : f32
    %mul3A_359 = vector.broadcast %mul3A_358 : f32 to vector<200x128xf32>
    %mul3A_360 = arith.mulf %concatenate3A_357, %mul3A_359 : vector<200x128xf32>
    %swap3A_361 = arith.constant 1 : index
    %swap3A_362 = arith.constant 0 : index
    %swap3A_363 = arith.constant 0 : index
    %swap3A_364 = vector.load %arg9[%swap3A_361, %swap3A_362, %swap3A_363] : memref<8x200x128xf32, #tpu.memory_space<vmem>>, vector<1x200x128xf32>
    %swap3A_365 = vector.shape_cast %swap3A_364 : vector<1x200x128xf32> to vector<200x128xf32>
    %swap3A_366 = vector.shape_cast %mul3A_360 : vector<200x128xf32> to vector<1x200x128xf32>
    tpu.vector_store %arg9[%swap3A_361, %swap3A_362, %swap3A_363], %swap3A_366 {strides = array<i32>} : memref<8x200x128xf32, #tpu.memory_space<vmem>>, vector<1x200x128xf32>,
    %slice3A_367 = vector.extract_strided_slice %dot_general3A_313 {offsets = [0, 16], sizes = [200, 1], strides = [1, 1]} : vector<200x128xf32> to vector<200x1xf32>
    %slice3A_368 = vector.extract_strided_slice %add3A_171 {offsets = [0, 32], sizes = [200, 16], strides = [1, 1]} : vector<200x128xi32> to vector<200x16xi32>
    %slice3A_369 = vector.extract_strided_slice %add3A_214 {offsets = [0, 32], sizes = [200, 16], strides = [1, 1]} : vector<200x128xi32> to vector<200x16xi32>
    %slice3A_370 = vector.extract_strided_slice %add3A_257 {offsets = [0, 32], sizes = [200, 16], strides = [1, 1]} : vector<200x128xi32> to vector<200x16xi32>
    %slice3A_371 = vector.extract_strided_slice %add3A_303 {offsets = [0, 32], sizes = [200, 16], strides = [1, 1]} : vector<200x128xi32> to vector<200x16xi32>
    %concatenate3A_372 = tpu.concatenate %slice3A_368, %slice3A_369, %slice3A_370, %slice3A_371, %broadcast_in_dim3A_315 in 1 : vector<200x16xi32>, vector<200x16xi32>, vector<200x16xi32>, vector<200x16xi32>, vector<200x64xi32> -> vector<200x128xi32>
    %swap3A_373 = arith.constant 2 : index
    %swap3A_374 = arith.constant 0 : index
    %swap3A_375 = arith.constant 0 : index
    %swap3A_376 = vector.load %arg8[%swap3A_373, %swap3A_374, %swap3A_375] : memref<8x200x128xi32, #tpu.memory_space<vmem>>, vector<1x200x128xi32>
    %swap3A_377 = vector.shape_cast %swap3A_376 : vector<1x200x128xi32> to vector<200x128xi32>
    %swap3A_378 = vector.shape_cast %concatenate3A_372 : vector<200x128xi32> to vector<1x200x128xi32>
    tpu.vector_store %arg8[%swap3A_373, %swap3A_374, %swap3A_375], %swap3A_378 {strides = array<i32>} : memref<8x200x128xi32, #tpu.memory_space<vmem>>, vector<1x200x128xi32>,
    %slice3A_379 = vector.extract_strided_slice %mul3A_176 {offsets = [0, 32], sizes = [200, 16], strides = [1, 1]} : vector<200x128xf32> to vector<200x16xf32>
    %slice3A_380 = vector.extract_strided_slice %mul3A_219 {offsets = [0, 32], sizes = [200, 16], strides = [1, 1]} : vector<200x128xf32> to vector<200x16xf32>
    %slice3A_381 = vector.extract_strided_slice %mul3A_262 {offsets = [0, 32], sizes = [200, 16], strides = [1, 1]} : vector<200x128xf32> to vector<200x16xf32>
    %slice3A_382 = vector.extract_strided_slice %mul3A_308 {offsets = [0, 32], sizes = [200, 16], strides = [1, 1]} : vector<200x128xf32> to vector<200x16xf32>
    %concatenate3A_383 = tpu.concatenate %slice3A_379, %slice3A_380, %slice3A_381, %slice3A_382, %broadcast_in_dim3A_317 in 1 : vector<200x16xf32>, vector<200x16xf32>, vector<200x16xf32>, vector<200x16xf32>, vector<200x64xf32> -> vector<200x128xf32>
    %mul3A_384 = arith.constant 0.001953125 : f32
    %mul3A_385 = vector.broadcast %mul3A_384 : f32 to vector<200x128xf32>
    %mul3A_386 = arith.mulf %concatenate3A_383, %mul3A_385 : vector<200x128xf32>
    %swap3A_387 = arith.constant 2 : index
    %swap3A_388 = arith.constant 0 : index
    %swap3A_389 = arith.constant 0 : index
    %swap3A_390 = vector.load %arg9[%swap3A_387, %swap3A_388, %swap3A_389] : memref<8x200x128xf32, #tpu.memory_space<vmem>>, vector<1x200x128xf32>
    %swap3A_391 = vector.shape_cast %swap3A_390 : vector<1x200x128xf32> to vector<200x128xf32>
    %swap3A_392 = vector.shape_cast %mul3A_386 : vector<200x128xf32> to vector<1x200x128xf32>
    tpu.vector_store %arg9[%swap3A_387, %swap3A_388, %swap3A_389], %swap3A_392 {strides = array<i32>} : memref<8x200x128xf32, #tpu.memory_space<vmem>>, vector<1x200x128xf32>,
    %slice3A_393 = vector.extract_strided_slice %dot_general3A_313 {offsets = [0, 32], sizes = [200, 1], strides = [1, 1]} : vector<200x128xf32> to vector<200x1xf32>
    %slice3A_394 = vector.extract_strided_slice %add3A_171 {offsets = [0, 48], sizes = [200, 16], strides = [1, 1]} : vector<200x128xi32> to vector<200x16xi32>
    %slice3A_395 = vector.extract_strided_slice %add3A_214 {offsets = [0, 48], sizes = [200, 16], strides = [1, 1]} : vector<200x128xi32> to vector<200x16xi32>
    %slice3A_396 = vector.extract_strided_slice %add3A_257 {offsets = [0, 48], sizes = [200, 16], strides = [1, 1]} : vector<200x128xi32> to vector<200x16xi32>
    %slice3A_397 = vector.extract_strided_slice %add3A_303 {offsets = [0, 48], sizes = [200, 16], strides = [1, 1]} : vector<200x128xi32> to vector<200x16xi32>
    %concatenate3A_398 = tpu.concatenate %slice3A_394, %slice3A_395, %slice3A_396, %slice3A_397, %broadcast_in_dim3A_315 in 1 : vector<200x16xi32>, vector<200x16xi32>, vector<200x16xi32>, vector<200x16xi32>, vector<200x64xi32> -> vector<200x128xi32>
    %swap3A_399 = arith.constant 3 : index
    %swap3A_400 = arith.constant 0 : index
    %swap3A_401 = arith.constant 0 : index
    %swap3A_402 = vector.load %arg8[%swap3A_399, %swap3A_400, %swap3A_401] : memref<8x200x128xi32, #tpu.memory_space<vmem>>, vector<1x200x128xi32>
    %swap3A_403 = vector.shape_cast %swap3A_402 : vector<1x200x128xi32> to vector<200x128xi32>
    %swap3A_404 = vector.shape_cast %concatenate3A_398 : vector<200x128xi32> to vector<1x200x128xi32>
    tpu.vector_store %arg8[%swap3A_399, %swap3A_400, %swap3A_401], %swap3A_404 {strides = array<i32>} : memref<8x200x128xi32, #tpu.memory_space<vmem>>, vector<1x200x128xi32>,
    %slice3A_405 = vector.extract_strided_slice %mul3A_176 {offsets = [0, 48], sizes = [200, 16], strides = [1, 1]} : vector<200x128xf32> to vector<200x16xf32>
    %slice3A_406 = vector.extract_strided_slice %mul3A_219 {offsets = [0, 48], sizes = [200, 16], strides = [1, 1]} : vector<200x128xf32> to vector<200x16xf32>
    %slice3A_407 = vector.extract_strided_slice %mul3A_262 {offsets = [0, 48], sizes = [200, 16], strides = [1, 1]} : vector<200x128xf32> to vector<200x16xf32>
    %slice3A_408 = vector.extract_strided_slice %mul3A_308 {offsets = [0, 48], sizes = [200, 16], strides = [1, 1]} : vector<200x128xf32> to vector<200x16xf32>
    %concatenate3A_409 = tpu.concatenate %slice3A_405, %slice3A_406, %slice3A_407, %slice3A_408, %broadcast_in_dim3A_317 in 1 : vector<200x16xf32>, vector<200x16xf32>, vector<200x16xf32>, vector<200x16xf32>, vector<200x64xf32> -> vector<200x128xf32>
    %mul3A_410 = arith.constant 0.001953125 : f32
    %mul3A_411 = vector.broadcast %mul3A_410 : f32 to vector<200x128xf32>
    %mul3A_412 = arith.mulf %concatenate3A_409, %mul3A_411 : vector<200x128xf32>
    %swap3A_413 = arith.constant 3 : index
    %swap3A_414 = arith.constant 0 : index
    %swap3A_415 = arith.constant 0 : index
    %swap3A_416 = vector.load %arg9[%swap3A_413, %swap3A_414, %swap3A_415] : memref<8x200x128xf32, #tpu.memory_space<vmem>>, vector<1x200x128xf32>
    %swap3A_417 = vector.shape_cast %swap3A_416 : vector<1x200x128xf32> to vector<200x128xf32>
    %swap3A_418 = vector.shape_cast %mul3A_412 : vector<200x128xf32> to vector<1x200x128xf32>
    tpu.vector_store %arg9[%swap3A_413, %swap3A_414, %swap3A_415], %swap3A_418 {strides = array<i32>} : memref<8x200x128xf32, #tpu.memory_space<vmem>>, vector<1x200x128xf32>,
    %slice3A_419 = vector.extract_strided_slice %dot_general3A_313 {offsets = [0, 48], sizes = [200, 1], strides = [1, 1]} : vector<200x128xf32> to vector<200x1xf32>
    %slice3A_420 = vector.extract_strided_slice %add3A_171 {offsets = [0, 64], sizes = [200, 16], strides = [1, 1]} : vector<200x128xi32> to vector<200x16xi32>
    %slice3A_421 = vector.extract_strided_slice %add3A_214 {offsets = [0, 64], sizes = [200, 16], strides = [1, 1]} : vector<200x128xi32> to vector<200x16xi32>
    %slice3A_422 = vector.extract_strided_slice %add3A_257 {offsets = [0, 64], sizes = [200, 16], strides = [1, 1]} : vector<200x128xi32> to vector<200x16xi32>
    %slice3A_423 = vector.extract_strided_slice %add3A_303 {offsets = [0, 64], sizes = [200, 16], strides = [1, 1]} : vector<200x128xi32> to vector<200x16xi32>
    %concatenate3A_424 = tpu.concatenate %slice3A_420, %slice3A_421, %slice3A_422, %slice3A_423, %broadcast_in_dim3A_315 in 1 : vector<200x16xi32>, vector<200x16xi32>, vector<200x16xi32>, vector<200x16xi32>, vector<200x64xi32> -> vector<200x128xi32>
    %swap3A_425 = arith.constant 4 : index
    %swap3A_426 = arith.constant 0 : index
    %swap3A_427 = arith.constant 0 : index
    %swap3A_428 = vector.load %arg8[%swap3A_425, %swap3A_426, %swap3A_427] : memref<8x200x128xi32, #tpu.memory_space<vmem>>, vector<1x200x128xi32>
    %swap3A_429 = vector.shape_cast %swap3A_428 : vector<1x200x128xi32> to vector<200x128xi32>
    %swap3A_430 = vector.shape_cast %concatenate3A_424 : vector<200x128xi32> to vector<1x200x128xi32>
    tpu.vector_store %arg8[%swap3A_425, %swap3A_426, %swap3A_427], %swap3A_430 {strides = array<i32>} : memref<8x200x128xi32, #tpu.memory_space<vmem>>, vector<1x200x128xi32>,
    %slice3A_431 = vector.extract_strided_slice %mul3A_176 {offsets = [0, 64], sizes = [200, 16], strides = [1, 1]} : vector<200x128xf32> to vector<200x16xf32>
    %slice3A_432 = vector.extract_strided_slice %mul3A_219 {offsets = [0, 64], sizes = [200, 16], strides = [1, 1]} : vector<200x128xf32> to vector<200x16xf32>
    %slice3A_433 = vector.extract_strided_slice %mul3A_262 {offsets = [0, 64], sizes = [200, 16], strides = [1, 1]} : vector<200x128xf32> to vector<200x16xf32>
    %slice3A_434 = vector.extract_strided_slice %mul3A_308 {offsets = [0, 64], sizes = [200, 16], strides = [1, 1]} : vector<200x128xf32> to vector<200x16xf32>
    %concatenate3A_435 = tpu.concatenate %slice3A_431, %slice3A_432, %slice3A_433, %slice3A_434, %broadcast_in_dim3A_317 in 1 : vector<200x16xf32>, vector<200x16xf32>, vector<200x16xf32>, vector<200x16xf32>, vector<200x64xf32> -> vector<200x128xf32>
    %mul3A_436 = arith.constant 0.001953125 : f32
    %mul3A_437 = vector.broadcast %mul3A_436 : f32 to vector<200x128xf32>
    %mul3A_438 = arith.mulf %concatenate3A_435, %mul3A_437 : vector<200x128xf32>
    %swap3A_439 = arith.constant 4 : index
    %swap3A_440 = arith.constant 0 : index
    %swap3A_441 = arith.constant 0 : index
    %swap3A_442 = vector.load %arg9[%swap3A_439, %swap3A_440, %swap3A_441] : memref<8x200x128xf32, #tpu.memory_space<vmem>>, vector<1x200x128xf32>
    %swap3A_443 = vector.shape_cast %swap3A_442 : vector<1x200x128xf32> to vector<200x128xf32>
    %swap3A_444 = vector.shape_cast %mul3A_438 : vector<200x128xf32> to vector<1x200x128xf32>
    tpu.vector_store %arg9[%swap3A_439, %swap3A_440, %swap3A_441], %swap3A_444 {strides = array<i32>} : memref<8x200x128xf32, #tpu.memory_space<vmem>>, vector<1x200x128xf32>,
    %slice3A_445 = vector.extract_strided_slice %dot_general3A_313 {offsets = [0, 64], sizes = [200, 1], strides = [1, 1]} : vector<200x128xf32> to vector<200x1xf32>
    %slice3A_446 = vector.extract_strided_slice %add3A_171 {offsets = [0, 80], sizes = [200, 16], strides = [1, 1]} : vector<200x128xi32> to vector<200x16xi32>
    %slice3A_447 = vector.extract_strided_slice %add3A_214 {offsets = [0, 80], sizes = [200, 16], strides = [1, 1]} : vector<200x128xi32> to vector<200x16xi32>
    %slice3A_448 = vector.extract_strided_slice %add3A_257 {offsets = [0, 80], sizes = [200, 16], strides = [1, 1]} : vector<200x128xi32> to vector<200x16xi32>
    %slice3A_449 = vector.extract_strided_slice %add3A_303 {offsets = [0, 80], sizes = [200, 16], strides = [1, 1]} : vector<200x128xi32> to vector<200x16xi32>
    %concatenate3A_450 = tpu.concatenate %slice3A_446, %slice3A_447, %slice3A_448, %slice3A_449, %broadcast_in_dim3A_315 in 1 : vector<200x16xi32>, vector<200x16xi32>, vector<200x16xi32>, vector<200x16xi32>, vector<200x64xi32> -> vector<200x128xi32>
    %swap3A_451 = arith.constant 5 : index
    %swap3A_452 = arith.constant 0 : index
    %swap3A_453 = arith.constant 0 : index
    %swap3A_454 = vector.load %arg8[%swap3A_451, %swap3A_452, %swap3A_453] : memref<8x200x128xi32, #tpu.memory_space<vmem>>, vector<1x200x128xi32>
    %swap3A_455 = vector.shape_cast %swap3A_454 : vector<1x200x128xi32> to vector<200x128xi32>
    %swap3A_456 = vector.shape_cast %concatenate3A_450 : vector<200x128xi32> to vector<1x200x128xi32>
    tpu.vector_store %arg8[%swap3A_451, %swap3A_452, %swap3A_453], %swap3A_456 {strides = array<i32>} : memref<8x200x128xi32, #tpu.memory_space<vmem>>, vector<1x200x128xi32>,
    %slice3A_457 = vector.extract_strided_slice %mul3A_176 {offsets = [0, 80], sizes = [200, 16], strides = [1, 1]} : vector<200x128xf32> to vector<200x16xf32>
    %slice3A_458 = vector.extract_strided_slice %mul3A_219 {offsets = [0, 80], sizes = [200, 16], strides = [1, 1]} : vector<200x128xf32> to vector<200x16xf32>
    %slice3A_459 = vector.extract_strided_slice %mul3A_262 {offsets = [0, 80], sizes = [200, 16], strides = [1, 1]} : vector<200x128xf32> to vector<200x16xf32>
    %slice3A_460 = vector.extract_strided_slice %mul3A_308 {offsets = [0, 80], sizes = [200, 16], strides = [1, 1]} : vector<200x128xf32> to vector<200x16xf32>
    %concatenate3A_461 = tpu.concatenate %slice3A_457, %slice3A_458, %slice3A_459, %slice3A_460, %broadcast_in_dim3A_317 in 1 : vector<200x16xf32>, vector<200x16xf32>, vector<200x16xf32>, vector<200x16xf32>, vector<200x64xf32> -> vector<200x128xf32>
    %mul3A_462 = arith.constant 0.001953125 : f32
    %mul3A_463 = vector.broadcast %mul3A_462 : f32 to vector<200x128xf32>
    %mul3A_464 = arith.mulf %concatenate3A_461, %mul3A_463 : vector<200x128xf32>
    %swap3A_465 = arith.constant 5 : index
    %swap3A_466 = arith.constant 0 : index
    %swap3A_467 = arith.constant 0 : index
    %swap3A_468 = vector.load %arg9[%swap3A_465, %swap3A_466, %swap3A_467] : memref<8x200x128xf32, #tpu.memory_space<vmem>>, vector<1x200x128xf32>
    %swap3A_469 = vector.shape_cast %swap3A_468 : vector<1x200x128xf32> to vector<200x128xf32>
    %swap3A_470 = vector.shape_cast %mul3A_464 : vector<200x128xf32> to vector<1x200x128xf32>
    tpu.vector_store %arg9[%swap3A_465, %swap3A_466, %swap3A_467], %swap3A_470 {strides = array<i32>} : memref<8x200x128xf32, #tpu.memory_space<vmem>>, vector<1x200x128xf32>,
    %slice3A_471 = vector.extract_strided_slice %dot_general3A_313 {offsets = [0, 80], sizes = [200, 1], strides = [1, 1]} : vector<200x128xf32> to vector<200x1xf32>
    %slice3A_472 = vector.extract_strided_slice %add3A_171 {offsets = [0, 96], sizes = [200, 16], strides = [1, 1]} : vector<200x128xi32> to vector<200x16xi32>
    %slice3A_473 = vector.extract_strided_slice %add3A_214 {offsets = [0, 96], sizes = [200, 16], strides = [1, 1]} : vector<200x128xi32> to vector<200x16xi32>
    %slice3A_474 = vector.extract_strided_slice %add3A_257 {offsets = [0, 96], sizes = [200, 16], strides = [1, 1]} : vector<200x128xi32> to vector<200x16xi32>
    %slice3A_475 = vector.extract_strided_slice %add3A_303 {offsets = [0, 96], sizes = [200, 16], strides = [1, 1]} : vector<200x128xi32> to vector<200x16xi32>
    %concatenate3A_476 = tpu.concatenate %slice3A_472, %slice3A_473, %slice3A_474, %slice3A_475, %broadcast_in_dim3A_315 in 1 : vector<200x16xi32>, vector<200x16xi32>, vector<200x16xi32>, vector<200x16xi32>, vector<200x64xi32> -> vector<200x128xi32>
    %swap3A_477 = arith.constant 6 : index
    %swap3A_478 = arith.constant 0 : index
    %swap3A_479 = arith.constant 0 : index
    %swap3A_480 = vector.load %arg8[%swap3A_477, %swap3A_478, %swap3A_479] : memref<8x200x128xi32, #tpu.memory_space<vmem>>, vector<1x200x128xi32>
    %swap3A_481 = vector.shape_cast %swap3A_480 : vector<1x200x128xi32> to vector<200x128xi32>
    %swap3A_482 = vector.shape_cast %concatenate3A_476 : vector<200x128xi32> to vector<1x200x128xi32>
    tpu.vector_store %arg8[%swap3A_477, %swap3A_478, %swap3A_479], %swap3A_482 {strides = array<i32>} : memref<8x200x128xi32, #tpu.memory_space<vmem>>, vector<1x200x128xi32>,
    %slice3A_483 = vector.extract_strided_slice %mul3A_176 {offsets = [0, 96], sizes = [200, 16], strides = [1, 1]} : vector<200x128xf32> to vector<200x16xf32>
    %slice3A_484 = vector.extract_strided_slice %mul3A_219 {offsets = [0, 96], sizes = [200, 16], strides = [1, 1]} : vector<200x128xf32> to vector<200x16xf32>
    %slice3A_485 = vector.extract_strided_slice %mul3A_262 {offsets = [0, 96], sizes = [200, 16], strides = [1, 1]} : vector<200x128xf32> to vector<200x16xf32>
    %slice3A_486 = vector.extract_strided_slice %mul3A_308 {offsets = [0, 96], sizes = [200, 16], strides = [1, 1]} : vector<200x128xf32> to vector<200x16xf32>
    %concatenate3A_487 = tpu.concatenate %slice3A_483, %slice3A_484, %slice3A_485, %slice3A_486, %broadcast_in_dim3A_317 in 1 : vector<200x16xf32>, vector<200x16xf32>, vector<200x16xf32>, vector<200x16xf32>, vector<200x64xf32> -> vector<200x128xf32>
    %mul3A_488 = arith.constant 0.001953125 : f32
    %mul3A_489 = vector.broadcast %mul3A_488 : f32 to vector<200x128xf32>
    %mul3A_490 = arith.mulf %concatenate3A_487, %mul3A_489 : vector<200x128xf32>
    %swap3A_491 = arith.constant 6 : index
    %swap3A_492 = arith.constant 0 : index
    %swap3A_493 = arith.constant 0 : index
    %swap3A_494 = vector.load %arg9[%swap3A_491, %swap3A_492, %swap3A_493] : memref<8x200x128xf32, #tpu.memory_space<vmem>>, vector<1x200x128xf32>
    %swap3A_495 = vector.shape_cast %swap3A_494 : vector<1x200x128xf32> to vector<200x128xf32>
    %swap3A_496 = vector.shape_cast %mul3A_490 : vector<200x128xf32> to vector<1x200x128xf32>
    tpu.vector_store %arg9[%swap3A_491, %swap3A_492, %swap3A_493], %swap3A_496 {strides = array<i32>} : memref<8x200x128xf32, #tpu.memory_space<vmem>>, vector<1x200x128xf32>,
    %slice3A_497 = vector.extract_strided_slice %dot_general3A_313 {offsets = [0, 96], sizes = [200, 1], strides = [1, 1]} : vector<200x128xf32> to vector<200x1xf32>
    %slice3A_498 = vector.extract_strided_slice %add3A_171 {offsets = [0, 112], sizes = [200, 16], strides = [1, 1]} : vector<200x128xi32> to vector<200x16xi32>
    %slice3A_499 = vector.extract_strided_slice %add3A_214 {offsets = [0, 112], sizes = [200, 16], strides = [1, 1]} : vector<200x128xi32> to vector<200x16xi32>
    %slice3A_500 = vector.extract_strided_slice %add3A_257 {offsets = [0, 112], sizes = [200, 16], strides = [1, 1]} : vector<200x128xi32> to vector<200x16xi32>
    %slice3A_501 = vector.extract_strided_slice %add3A_303 {offsets = [0, 112], sizes = [200, 16], strides = [1, 1]} : vector<200x128xi32> to vector<200x16xi32>
    %concatenate3A_502 = tpu.concatenate %slice3A_498, %slice3A_499, %slice3A_500, %slice3A_501, %broadcast_in_dim3A_315 in 1 : vector<200x16xi32>, vector<200x16xi32>, vector<200x16xi32>, vector<200x16xi32>, vector<200x64xi32> -> vector<200x128xi32>
    %swap3A_503 = arith.constant 7 : index
    %swap3A_504 = arith.constant 0 : index
    %swap3A_505 = arith.constant 0 : index
    %swap3A_506 = vector.load %arg8[%swap3A_503, %swap3A_504, %swap3A_505] : memref<8x200x128xi32, #tpu.memory_space<vmem>>, vector<1x200x128xi32>
    %swap3A_507 = vector.shape_cast %swap3A_506 : vector<1x200x128xi32> to vector<200x128xi32>
    %swap3A_508 = vector.shape_cast %concatenate3A_502 : vector<200x128xi32> to vector<1x200x128xi32>
    tpu.vector_store %arg8[%swap3A_503, %swap3A_504, %swap3A_505], %swap3A_508 {strides = array<i32>} : memref<8x200x128xi32, #tpu.memory_space<vmem>>, vector<1x200x128xi32>,
    %slice3A_509 = vector.extract_strided_slice %mul3A_176 {offsets = [0, 112], sizes = [200, 16], strides = [1, 1]} : vector<200x128xf32> to vector<200x16xf32>
    %slice3A_510 = vector.extract_strided_slice %mul3A_219 {offsets = [0, 112], sizes = [200, 16], strides = [1, 1]} : vector<200x128xf32> to vector<200x16xf32>
    %slice3A_511 = vector.extract_strided_slice %mul3A_262 {offsets = [0, 112], sizes = [200, 16], strides = [1, 1]} : vector<200x128xf32> to vector<200x16xf32>
    %slice3A_512 = vector.extract_strided_slice %mul3A_308 {offsets = [0, 112], sizes = [200, 16], strides = [1, 1]} : vector<200x128xf32> to vector<200x16xf32>
    %concatenate3A_513 = tpu.concatenate %slice3A_509, %slice3A_510, %slice3A_511, %slice3A_512, %broadcast_in_dim3A_317 in 1 : vector<200x16xf32>, vector<200x16xf32>, vector<200x16xf32>, vector<200x16xf32>, vector<200x64xf32> -> vector<200x128xf32>
    %mul3A_514 = arith.constant 0.001953125 : f32
    %mul3A_515 = vector.broadcast %mul3A_514 : f32 to vector<200x128xf32>
    %mul3A_516 = arith.mulf %concatenate3A_513, %mul3A_515 : vector<200x128xf32>
    %swap3A_517 = arith.constant 7 : index
    %swap3A_518 = arith.constant 0 : index
    %swap3A_519 = arith.constant 0 : index
    %swap3A_520 = vector.load %arg9[%swap3A_517, %swap3A_518, %swap3A_519] : memref<8x200x128xf32, #tpu.memory_space<vmem>>, vector<1x200x128xf32>
    %swap3A_521 = vector.shape_cast %swap3A_520 : vector<1x200x128xf32> to vector<200x128xf32>
    %swap3A_522 = vector.shape_cast %mul3A_516 : vector<200x128xf32> to vector<1x200x128xf32>
    tpu.vector_store %arg9[%swap3A_517, %swap3A_518, %swap3A_519], %swap3A_522 {strides = array<i32>} : memref<8x200x128xf32, #tpu.memory_space<vmem>>, vector<1x200x128xf32>,
    %slice3A_523 = vector.extract_strided_slice %dot_general3A_313 {offsets = [0, 112], sizes = [200, 1], strides = [1, 1]} : vector<200x128xf32> to vector<200x1xf32>
    %concatenate3A_524 = tpu.concatenate %slice3A_341, %slice3A_367, %slice3A_393, %slice3A_419, %slice3A_445, %slice3A_471, %slice3A_497, %slice3A_523 in 1 : vector<200x1xf32>, vector<200x1xf32>, vector<200x1xf32>, vector<200x1xf32>, vector<200x1xf32>, vector<200x1xf32>, vector<200x1xf32>, vector<200x1xf32> -> vector<200x8xf32>
    %swap3A_525 = arith.constant 0 : index
    %swap3A_526 = arith.constant 0 : index
    %swap3A_527 = vector.load %arg10[%swap3A_525, %swap3A_526] : memref<200x8xf32, #tpu.memory_space<vmem>>, vector<200x8xf32>
    tpu.vector_store %arg10[%swap3A_525, %swap3A_526], %concatenate3A_524 {strides = array<i32>} : memref<200x8xf32, #tpu.memory_space<vmem>>, vector<200x8xf32>,
    return
  }
  func.func @transform_0(%arg0: i32) -> (i32, i32) {
    %c0_i32 = arith.constant 0 : i32
    %c0_i32_0 = arith.constant 0 : i32
    return %arg0, %c0_i32 : i32, i32
  }
  func.func @transform_1(%arg0: i32) -> (i32, i32) {
    %c0_i32 = arith.constant 0 : i32
    %c0_i32_0 = arith.constant 0 : i32
    return %arg0, %c0_i32 : i32, i32
  }
  func.func @transform_2(%arg0: i32) -> (i32, i32) {
    %c0_i32 = arith.constant 0 : i32
    %c0_i32_0 = arith.constant 0 : i32
    %c0_i32_1 = arith.constant 0 : i32
    return %c0_i32, %c0_i32_0 : i32, i32
  }
  func.func @transform_3(%arg0: i32) -> (i32, i32) {
    %c0_i32 = arith.constant 0 : i32
    %c0_i32_0 = arith.constant 0 : i32
    %c0_i32_1 = arith.constant 0 : i32
    return %c0_i32, %c0_i32_0 : i32, i32
  }
  func.func @transform_4(%arg0: i32) -> (i32, i32) {
    %c0_i32 = arith.constant 0 : i32
    %c0_i32_0 = arith.constant 0 : i32
    %c0_i32_1 = arith.constant 0 : i32
    return %c0_i32, %c0_i32_0 : i32, i32
  }
  func.func @transform_5(%arg0: i32) -> (i32, i32) {
    %c0_i32 = arith.constant 0 : i32
    %c0_i32_0 = arith.constant 0 : i32
    %c0_i32_1 = arith.constant 0 : i32
    return %c0_i32, %c0_i32_0 : i32, i32
  }
  func.func @transform_6(%arg0: i32) -> (i32, i32) {
    %c0_i32 = arith.constant 0 : i32
    %c0_i32_0 = arith.constant 0 : i32
    %c0_i32_1 = arith.constant 0 : i32
    return %c0_i32, %c0_i32_0 : i32, i32
  }
  func.func @transform_7(%arg0: i32) -> (i32, i32, i32) {
    %c0_i32 = arith.constant 0 : i32
    %c0_i32_0 = arith.constant 0 : i32
    %c0_i32_1 = arith.constant 0 : i32
    return %c0_i32, %arg0, %c0_i32_0 : i32, i32, i32
  }
  func.func @transform_8(%arg0: i32) -> (i32, i32, i32) {
    %c0_i32 = arith.constant 0 : i32
    %c0_i32_0 = arith.constant 0 : i32
    %c0_i32_1 = arith.constant 0 : i32
    return %c0_i32, %arg0, %c0_i32_0 : i32, i32, i32
  }
  func.func @transform_9(%arg0: i32) -> (i32, i32) {
    %c0_i32 = arith.constant 0 : i32
    %c0_i32_0 = arith.constant 0 : i32
    return %arg0, %c0_i32 : i32, i32
  }
}

module attributes {stable_mosaic.version = 14 : i64} {
  func.func @_precompute_body(%arg0: memref<256x256xf32, #tpu.memory_space<vmem>>, %arg1: memref<8x256x256xf32, #tpu.memory_space<vmem>>, %arg2: memref<1x256xf32, #tpu.memory_space<vmem>>, %arg3: memref<8x256x256xf32, #tpu.memory_space<vmem>>, %arg4: memref<8x256xf32, #tpu.memory_space<vmem>>) attributes {dimension_semantics = [], scalar_prefetch = 0 : i64, scratch_operands = 0 : i64, tpu.core_type = #tpu.core_type<tc>} {
    %get3A = arith.constant 0 : index
    %get3A_0 = arith.constant 0 : index
    %get3A_1 = vector.load %arg0[%get3A, %get3A_0] : memref<256x256xf32, #tpu.memory_space<vmem>>, vector<256x256xf32>
    %get3A_2 = arith.constant 0 : index
    %get3A_3 = arith.constant 0 : index
    %get3A_4 = vector.load %arg2[%get3A_2, %get3A_3] : memref<1x256xf32, #tpu.memory_space<vmem>>, vector<1x256xf32>
    %get3A_5 = arith.constant 0 : index
    %get3A_6 = arith.constant 0 : index
    %get3A_7 = arith.constant 0 : index
    %get3A_8 = vector.load %arg1[%get3A_5, %get3A_6, %get3A_7] : memref<8x256x256xf32, #tpu.memory_space<vmem>>, vector<1x256x256xf32>
    %get3A_9 = vector.shape_cast %get3A_8 : vector<1x256x256xf32> to vector<256x256xf32>
    %dot_general3A = arith.constant dense<0.000000e+00> : vector<256x256xf32>
    %dot_general3A_10 = tpu.matmul %get3A_1, %get3A_9, %dot_general3A {dimension_numbers = #tpu.dot_dimension_numbers<[1], [0], [0], [1], [0, 0, 1, 1], [], []>, transpose_lhs_hint = false} : vector<256x256xf32>, vector<256x256xf32>, vector<256x256xf32> -> vector<256x256xf32>
    %swap3A = arith.constant 0 : index
    %swap3A_11 = arith.constant 0 : index
    %swap3A_12 = arith.constant 0 : index
    %swap3A_13 = vector.load %arg3[%swap3A, %swap3A_11, %swap3A_12] : memref<8x256x256xf32, #tpu.memory_space<vmem>>, vector<1x256x256xf32>
    %swap3A_14 = vector.shape_cast %swap3A_13 : vector<1x256x256xf32> to vector<256x256xf32>
    %swap3A_15 = vector.shape_cast %dot_general3A_10 : vector<256x256xf32> to vector<1x256x256xf32>
    tpu.vector_store %arg3[%swap3A, %swap3A_11, %swap3A_12], %swap3A_15 {strides = array<i32>} : memref<8x256x256xf32, #tpu.memory_space<vmem>>, vector<1x256x256xf32>,
    %dot_general3A_16 = arith.constant dense<0.000000e+00> : vector<1x256xf32>
    %dot_general3A_17 = tpu.matmul %get3A_4, %get3A_9, %dot_general3A_16 {dimension_numbers = #tpu.dot_dimension_numbers<[1], [0], [0], [1], [0, 0, 1, 1], [], []>, transpose_lhs_hint = false} : vector<1x256xf32>, vector<256x256xf32>, vector<1x256xf32> -> vector<1x256xf32>
    %get3A_18 = arith.constant 1 : index
    %get3A_19 = arith.constant 0 : index
    %get3A_20 = arith.constant 0 : index
    %get3A_21 = vector.load %arg1[%get3A_18, %get3A_19, %get3A_20] : memref<8x256x256xf32, #tpu.memory_space<vmem>>, vector<1x256x256xf32>
    %get3A_22 = vector.shape_cast %get3A_21 : vector<1x256x256xf32> to vector<256x256xf32>
    %dot_general3A_23 = arith.constant dense<0.000000e+00> : vector<256x256xf32>
    %dot_general3A_24 = tpu.matmul %get3A_1, %get3A_22, %dot_general3A_23 {dimension_numbers = #tpu.dot_dimension_numbers<[1], [0], [0], [1], [0, 0, 1, 1], [], []>, transpose_lhs_hint = false} : vector<256x256xf32>, vector<256x256xf32>, vector<256x256xf32> -> vector<256x256xf32>
    %swap3A_25 = arith.constant 1 : index
    %swap3A_26 = arith.constant 0 : index
    %swap3A_27 = arith.constant 0 : index
    %swap3A_28 = vector.load %arg3[%swap3A_25, %swap3A_26, %swap3A_27] : memref<8x256x256xf32, #tpu.memory_space<vmem>>, vector<1x256x256xf32>
    %swap3A_29 = vector.shape_cast %swap3A_28 : vector<1x256x256xf32> to vector<256x256xf32>
    %swap3A_30 = vector.shape_cast %dot_general3A_24 : vector<256x256xf32> to vector<1x256x256xf32>
    tpu.vector_store %arg3[%swap3A_25, %swap3A_26, %swap3A_27], %swap3A_30 {strides = array<i32>} : memref<8x256x256xf32, #tpu.memory_space<vmem>>, vector<1x256x256xf32>,
    %dot_general3A_31 = arith.constant dense<0.000000e+00> : vector<1x256xf32>
    %dot_general3A_32 = tpu.matmul %get3A_4, %get3A_22, %dot_general3A_31 {dimension_numbers = #tpu.dot_dimension_numbers<[1], [0], [0], [1], [0, 0, 1, 1], [], []>, transpose_lhs_hint = false} : vector<1x256xf32>, vector<256x256xf32>, vector<1x256xf32> -> vector<1x256xf32>
    %get3A_33 = arith.constant 2 : index
    %get3A_34 = arith.constant 0 : index
    %get3A_35 = arith.constant 0 : index
    %get3A_36 = vector.load %arg1[%get3A_33, %get3A_34, %get3A_35] : memref<8x256x256xf32, #tpu.memory_space<vmem>>, vector<1x256x256xf32>
    %get3A_37 = vector.shape_cast %get3A_36 : vector<1x256x256xf32> to vector<256x256xf32>
    %dot_general3A_38 = arith.constant dense<0.000000e+00> : vector<256x256xf32>
    %dot_general3A_39 = tpu.matmul %get3A_1, %get3A_37, %dot_general3A_38 {dimension_numbers = #tpu.dot_dimension_numbers<[1], [0], [0], [1], [0, 0, 1, 1], [], []>, transpose_lhs_hint = false} : vector<256x256xf32>, vector<256x256xf32>, vector<256x256xf32> -> vector<256x256xf32>
    %swap3A_40 = arith.constant 2 : index
    %swap3A_41 = arith.constant 0 : index
    %swap3A_42 = arith.constant 0 : index
    %swap3A_43 = vector.load %arg3[%swap3A_40, %swap3A_41, %swap3A_42] : memref<8x256x256xf32, #tpu.memory_space<vmem>>, vector<1x256x256xf32>
    %swap3A_44 = vector.shape_cast %swap3A_43 : vector<1x256x256xf32> to vector<256x256xf32>
    %swap3A_45 = vector.shape_cast %dot_general3A_39 : vector<256x256xf32> to vector<1x256x256xf32>
    tpu.vector_store %arg3[%swap3A_40, %swap3A_41, %swap3A_42], %swap3A_45 {strides = array<i32>} : memref<8x256x256xf32, #tpu.memory_space<vmem>>, vector<1x256x256xf32>,
    %dot_general3A_46 = arith.constant dense<0.000000e+00> : vector<1x256xf32>
    %dot_general3A_47 = tpu.matmul %get3A_4, %get3A_37, %dot_general3A_46 {dimension_numbers = #tpu.dot_dimension_numbers<[1], [0], [0], [1], [0, 0, 1, 1], [], []>, transpose_lhs_hint = false} : vector<1x256xf32>, vector<256x256xf32>, vector<1x256xf32> -> vector<1x256xf32>
    %get3A_48 = arith.constant 3 : index
    %get3A_49 = arith.constant 0 : index
    %get3A_50 = arith.constant 0 : index
    %get3A_51 = vector.load %arg1[%get3A_48, %get3A_49, %get3A_50] : memref<8x256x256xf32, #tpu.memory_space<vmem>>, vector<1x256x256xf32>
    %get3A_52 = vector.shape_cast %get3A_51 : vector<1x256x256xf32> to vector<256x256xf32>
    %dot_general3A_53 = arith.constant dense<0.000000e+00> : vector<256x256xf32>
    %dot_general3A_54 = tpu.matmul %get3A_1, %get3A_52, %dot_general3A_53 {dimension_numbers = #tpu.dot_dimension_numbers<[1], [0], [0], [1], [0, 0, 1, 1], [], []>, transpose_lhs_hint = false} : vector<256x256xf32>, vector<256x256xf32>, vector<256x256xf32> -> vector<256x256xf32>
    %swap3A_55 = arith.constant 3 : index
    %swap3A_56 = arith.constant 0 : index
    %swap3A_57 = arith.constant 0 : index
    %swap3A_58 = vector.load %arg3[%swap3A_55, %swap3A_56, %swap3A_57] : memref<8x256x256xf32, #tpu.memory_space<vmem>>, vector<1x256x256xf32>
    %swap3A_59 = vector.shape_cast %swap3A_58 : vector<1x256x256xf32> to vector<256x256xf32>
    %swap3A_60 = vector.shape_cast %dot_general3A_54 : vector<256x256xf32> to vector<1x256x256xf32>
    tpu.vector_store %arg3[%swap3A_55, %swap3A_56, %swap3A_57], %swap3A_60 {strides = array<i32>} : memref<8x256x256xf32, #tpu.memory_space<vmem>>, vector<1x256x256xf32>,
    %dot_general3A_61 = arith.constant dense<0.000000e+00> : vector<1x256xf32>
    %dot_general3A_62 = tpu.matmul %get3A_4, %get3A_52, %dot_general3A_61 {dimension_numbers = #tpu.dot_dimension_numbers<[1], [0], [0], [1], [0, 0, 1, 1], [], []>, transpose_lhs_hint = false} : vector<1x256xf32>, vector<256x256xf32>, vector<1x256xf32> -> vector<1x256xf32>
    %get3A_63 = arith.constant 4 : index
    %get3A_64 = arith.constant 0 : index
    %get3A_65 = arith.constant 0 : index
    %get3A_66 = vector.load %arg1[%get3A_63, %get3A_64, %get3A_65] : memref<8x256x256xf32, #tpu.memory_space<vmem>>, vector<1x256x256xf32>
    %get3A_67 = vector.shape_cast %get3A_66 : vector<1x256x256xf32> to vector<256x256xf32>
    %dot_general3A_68 = arith.constant dense<0.000000e+00> : vector<256x256xf32>
    %dot_general3A_69 = tpu.matmul %get3A_1, %get3A_67, %dot_general3A_68 {dimension_numbers = #tpu.dot_dimension_numbers<[1], [0], [0], [1], [0, 0, 1, 1], [], []>, transpose_lhs_hint = false} : vector<256x256xf32>, vector<256x256xf32>, vector<256x256xf32> -> vector<256x256xf32>
    %swap3A_70 = arith.constant 4 : index
    %swap3A_71 = arith.constant 0 : index
    %swap3A_72 = arith.constant 0 : index
    %swap3A_73 = vector.load %arg3[%swap3A_70, %swap3A_71, %swap3A_72] : memref<8x256x256xf32, #tpu.memory_space<vmem>>, vector<1x256x256xf32>
    %swap3A_74 = vector.shape_cast %swap3A_73 : vector<1x256x256xf32> to vector<256x256xf32>
    %swap3A_75 = vector.shape_cast %dot_general3A_69 : vector<256x256xf32> to vector<1x256x256xf32>
    tpu.vector_store %arg3[%swap3A_70, %swap3A_71, %swap3A_72], %swap3A_75 {strides = array<i32>} : memref<8x256x256xf32, #tpu.memory_space<vmem>>, vector<1x256x256xf32>,
    %dot_general3A_76 = arith.constant dense<0.000000e+00> : vector<1x256xf32>
    %dot_general3A_77 = tpu.matmul %get3A_4, %get3A_67, %dot_general3A_76 {dimension_numbers = #tpu.dot_dimension_numbers<[1], [0], [0], [1], [0, 0, 1, 1], [], []>, transpose_lhs_hint = false} : vector<1x256xf32>, vector<256x256xf32>, vector<1x256xf32> -> vector<1x256xf32>
    %get3A_78 = arith.constant 5 : index
    %get3A_79 = arith.constant 0 : index
    %get3A_80 = arith.constant 0 : index
    %get3A_81 = vector.load %arg1[%get3A_78, %get3A_79, %get3A_80] : memref<8x256x256xf32, #tpu.memory_space<vmem>>, vector<1x256x256xf32>
    %get3A_82 = vector.shape_cast %get3A_81 : vector<1x256x256xf32> to vector<256x256xf32>
    %dot_general3A_83 = arith.constant dense<0.000000e+00> : vector<256x256xf32>
    %dot_general3A_84 = tpu.matmul %get3A_1, %get3A_82, %dot_general3A_83 {dimension_numbers = #tpu.dot_dimension_numbers<[1], [0], [0], [1], [0, 0, 1, 1], [], []>, transpose_lhs_hint = false} : vector<256x256xf32>, vector<256x256xf32>, vector<256x256xf32> -> vector<256x256xf32>
    %swap3A_85 = arith.constant 5 : index
    %swap3A_86 = arith.constant 0 : index
    %swap3A_87 = arith.constant 0 : index
    %swap3A_88 = vector.load %arg3[%swap3A_85, %swap3A_86, %swap3A_87] : memref<8x256x256xf32, #tpu.memory_space<vmem>>, vector<1x256x256xf32>
    %swap3A_89 = vector.shape_cast %swap3A_88 : vector<1x256x256xf32> to vector<256x256xf32>
    %swap3A_90 = vector.shape_cast %dot_general3A_84 : vector<256x256xf32> to vector<1x256x256xf32>
    tpu.vector_store %arg3[%swap3A_85, %swap3A_86, %swap3A_87], %swap3A_90 {strides = array<i32>} : memref<8x256x256xf32, #tpu.memory_space<vmem>>, vector<1x256x256xf32>,
    %dot_general3A_91 = arith.constant dense<0.000000e+00> : vector<1x256xf32>
    %dot_general3A_92 = tpu.matmul %get3A_4, %get3A_82, %dot_general3A_91 {dimension_numbers = #tpu.dot_dimension_numbers<[1], [0], [0], [1], [0, 0, 1, 1], [], []>, transpose_lhs_hint = false} : vector<1x256xf32>, vector<256x256xf32>, vector<1x256xf32> -> vector<1x256xf32>
    %get3A_93 = arith.constant 6 : index
    %get3A_94 = arith.constant 0 : index
    %get3A_95 = arith.constant 0 : index
    %get3A_96 = vector.load %arg1[%get3A_93, %get3A_94, %get3A_95] : memref<8x256x256xf32, #tpu.memory_space<vmem>>, vector<1x256x256xf32>
    %get3A_97 = vector.shape_cast %get3A_96 : vector<1x256x256xf32> to vector<256x256xf32>
    %dot_general3A_98 = arith.constant dense<0.000000e+00> : vector<256x256xf32>
    %dot_general3A_99 = tpu.matmul %get3A_1, %get3A_97, %dot_general3A_98 {dimension_numbers = #tpu.dot_dimension_numbers<[1], [0], [0], [1], [0, 0, 1, 1], [], []>, transpose_lhs_hint = false} : vector<256x256xf32>, vector<256x256xf32>, vector<256x256xf32> -> vector<256x256xf32>
    %swap3A_100 = arith.constant 6 : index
    %swap3A_101 = arith.constant 0 : index
    %swap3A_102 = arith.constant 0 : index
    %swap3A_103 = vector.load %arg3[%swap3A_100, %swap3A_101, %swap3A_102] : memref<8x256x256xf32, #tpu.memory_space<vmem>>, vector<1x256x256xf32>
    %swap3A_104 = vector.shape_cast %swap3A_103 : vector<1x256x256xf32> to vector<256x256xf32>
    %swap3A_105 = vector.shape_cast %dot_general3A_99 : vector<256x256xf32> to vector<1x256x256xf32>
    tpu.vector_store %arg3[%swap3A_100, %swap3A_101, %swap3A_102], %swap3A_105 {strides = array<i32>} : memref<8x256x256xf32, #tpu.memory_space<vmem>>, vector<1x256x256xf32>,
    %dot_general3A_106 = arith.constant dense<0.000000e+00> : vector<1x256xf32>
    %dot_general3A_107 = tpu.matmul %get3A_4, %get3A_97, %dot_general3A_106 {dimension_numbers = #tpu.dot_dimension_numbers<[1], [0], [0], [1], [0, 0, 1, 1], [], []>, transpose_lhs_hint = false} : vector<1x256xf32>, vector<256x256xf32>, vector<1x256xf32> -> vector<1x256xf32>
    %get3A_108 = arith.constant 7 : index
    %get3A_109 = arith.constant 0 : index
    %get3A_110 = arith.constant 0 : index
    %get3A_111 = vector.load %arg1[%get3A_108, %get3A_109, %get3A_110] : memref<8x256x256xf32, #tpu.memory_space<vmem>>, vector<1x256x256xf32>
    %get3A_112 = vector.shape_cast %get3A_111 : vector<1x256x256xf32> to vector<256x256xf32>
    %dot_general3A_113 = arith.constant dense<0.000000e+00> : vector<256x256xf32>
    %dot_general3A_114 = tpu.matmul %get3A_1, %get3A_112, %dot_general3A_113 {dimension_numbers = #tpu.dot_dimension_numbers<[1], [0], [0], [1], [0, 0, 1, 1], [], []>, transpose_lhs_hint = false} : vector<256x256xf32>, vector<256x256xf32>, vector<256x256xf32> -> vector<256x256xf32>
    %swap3A_115 = arith.constant 7 : index
    %swap3A_116 = arith.constant 0 : index
    %swap3A_117 = arith.constant 0 : index
    %swap3A_118 = vector.load %arg3[%swap3A_115, %swap3A_116, %swap3A_117] : memref<8x256x256xf32, #tpu.memory_space<vmem>>, vector<1x256x256xf32>
    %swap3A_119 = vector.shape_cast %swap3A_118 : vector<1x256x256xf32> to vector<256x256xf32>
    %swap3A_120 = vector.shape_cast %dot_general3A_114 : vector<256x256xf32> to vector<1x256x256xf32>
    tpu.vector_store %arg3[%swap3A_115, %swap3A_116, %swap3A_117], %swap3A_120 {strides = array<i32>} : memref<8x256x256xf32, #tpu.memory_space<vmem>>, vector<1x256x256xf32>,
    %dot_general3A_121 = arith.constant dense<0.000000e+00> : vector<1x256xf32>
    %dot_general3A_122 = tpu.matmul %get3A_4, %get3A_112, %dot_general3A_121 {dimension_numbers = #tpu.dot_dimension_numbers<[1], [0], [0], [1], [0, 0, 1, 1], [], []>, transpose_lhs_hint = false} : vector<1x256xf32>, vector<256x256xf32>, vector<1x256xf32> -> vector<1x256xf32>
    %concatenate3A = tpu.concatenate %dot_general3A_17, %dot_general3A_32, %dot_general3A_47, %dot_general3A_62, %dot_general3A_77, %dot_general3A_92, %dot_general3A_107, %dot_general3A_122 in 0 : vector<1x256xf32>, vector<1x256xf32>, vector<1x256xf32>, vector<1x256xf32>, vector<1x256xf32>, vector<1x256xf32>, vector<1x256xf32>, vector<1x256xf32> -> vector<8x256xf32>
    %swap3A_123 = arith.constant 0 : index
    %swap3A_124 = arith.constant 0 : index
    %swap3A_125 = vector.load %arg4[%swap3A_123, %swap3A_124] : memref<8x256xf32, #tpu.memory_space<vmem>>, vector<8x256xf32>
    tpu.vector_store %arg4[%swap3A_123, %swap3A_124], %concatenate3A {strides = array<i32>} : memref<8x256xf32, #tpu.memory_space<vmem>>, vector<8x256xf32>,
    return
  }
}

module attributes {stable_mosaic.version = 14 : i64} {
  func.func @_stage_c_body(%arg0: i32, %arg1: memref<8x200x256xf32, #tpu.memory_space<vmem>>, %arg2: memref<200x8xf32, #tpu.memory_space<vmem>>, %arg3: memref<8x256x256xf32, #tpu.memory_space<vmem>>, %arg4: memref<8x256xf32, #tpu.memory_space<vmem>>, %arg5: memref<8x256xf32, #tpu.memory_space<vmem>>, %arg6: memref<200x256xf32, #tpu.memory_space<vmem>>) attributes {dimension_semantics = [#tpu.dimension_semantics<arbitrary>], iteration_bounds = array<i64: 10>, scalar_prefetch = 0 : i64, scratch_operands = 0 : i64, tpu.core_type = #tpu.core_type<tc>, window_params = [{transform_indices = @transform_0, window_bounds = array<i64: 8, 200, 256>}, {transform_indices = @transform_1, window_bounds = array<i64: 200, 8>}, {pipeline_mode = #tpu.pipeline_mode<synchronous>, transform_indices = @transform_2, window_bounds = array<i64: 8, 256, 256>}, {pipeline_mode = #tpu.pipeline_mode<synchronous>, transform_indices = @transform_3, window_bounds = array<i64: 8, 256>}, {pipeline_mode = #tpu.pipeline_mode<synchronous>, transform_indices = @transform_4, window_bounds = array<i64: 8, 256>}, {transform_indices = @transform_5, window_bounds = array<i64: 200, 256>}]} {
    %get3A = arith.constant 0 : index
    %get3A_0 = arith.constant 0 : index
    %get3A_1 = vector.load %arg2[%get3A, %get3A_0] : memref<200x8xf32, #tpu.memory_space<vmem>>, vector<200x8xf32>
    %get3A_2 = arith.constant 0 : index
    %get3A_3 = arith.constant 0 : index
    %get3A_4 = vector.load %arg4[%get3A_2, %get3A_3] : memref<8x256xf32, #tpu.memory_space<vmem>>, vector<8x256xf32>
    %dot_general3A = arith.constant dense<0.000000e+00> : vector<200x256xf32>
    %dot_general3A_5 = tpu.matmul %get3A_1, %get3A_4, %dot_general3A {dimension_numbers = #tpu.dot_dimension_numbers<[1], [0], [0], [1], [0, 0, 1, 1], [], []>, transpose_lhs_hint = false} : vector<200x8xf32>, vector<8x256xf32>, vector<200x256xf32> -> vector<200x256xf32>
    %get3A_6 = arith.constant 0 : index
    %get3A_7 = arith.constant 0 : index
    %get3A_8 = arith.constant 0 : index
    %get3A_9 = vector.load %arg1[%get3A_6, %get3A_7, %get3A_8] : memref<8x200x256xf32, #tpu.memory_space<vmem>>, vector<1x200x256xf32>
    %get3A_10 = vector.shape_cast %get3A_9 : vector<1x200x256xf32> to vector<200x256xf32>
    %get3A_11 = arith.constant 0 : index
    %get3A_12 = arith.constant 0 : index
    %get3A_13 = arith.constant 0 : index
    %get3A_14 = vector.load %arg3[%get3A_11, %get3A_12, %get3A_13] : memref<8x256x256xf32, #tpu.memory_space<vmem>>, vector<1x256x256xf32>
    %get3A_15 = vector.shape_cast %get3A_14 : vector<1x256x256xf32> to vector<256x256xf32>
    %dot_general3A_16 = arith.constant dense<0.000000e+00> : vector<200x256xf32>
    %dot_general3A_17 = tpu.matmul %get3A_10, %get3A_15, %dot_general3A_16 {dimension_numbers = #tpu.dot_dimension_numbers<[1], [0], [0], [1], [0, 0, 1, 1], [], []>, transpose_lhs_hint = false} : vector<200x256xf32>, vector<256x256xf32>, vector<200x256xf32> -> vector<200x256xf32>
    %add3A = arith.addf %dot_general3A_5, %dot_general3A_17 : vector<200x256xf32>
    %get3A_18 = arith.constant 1 : index
    %get3A_19 = arith.constant 0 : index
    %get3A_20 = arith.constant 0 : index
    %get3A_21 = vector.load %arg1[%get3A_18, %get3A_19, %get3A_20] : memref<8x200x256xf32, #tpu.memory_space<vmem>>, vector<1x200x256xf32>
    %get3A_22 = vector.shape_cast %get3A_21 : vector<1x200x256xf32> to vector<200x256xf32>
    %get3A_23 = arith.constant 1 : index
    %get3A_24 = arith.constant 0 : index
    %get3A_25 = arith.constant 0 : index
    %get3A_26 = vector.load %arg3[%get3A_23, %get3A_24, %get3A_25] : memref<8x256x256xf32, #tpu.memory_space<vmem>>, vector<1x256x256xf32>
    %get3A_27 = vector.shape_cast %get3A_26 : vector<1x256x256xf32> to vector<256x256xf32>
    %dot_general3A_28 = arith.constant dense<0.000000e+00> : vector<200x256xf32>
    %dot_general3A_29 = tpu.matmul %get3A_22, %get3A_27, %dot_general3A_28 {dimension_numbers = #tpu.dot_dimension_numbers<[1], [0], [0], [1], [0, 0, 1, 1], [], []>, transpose_lhs_hint = false} : vector<200x256xf32>, vector<256x256xf32>, vector<200x256xf32> -> vector<200x256xf32>
    %add3A_30 = arith.addf %add3A, %dot_general3A_29 : vector<200x256xf32>
    %get3A_31 = arith.constant 2 : index
    %get3A_32 = arith.constant 0 : index
    %get3A_33 = arith.constant 0 : index
    %get3A_34 = vector.load %arg1[%get3A_31, %get3A_32, %get3A_33] : memref<8x200x256xf32, #tpu.memory_space<vmem>>, vector<1x200x256xf32>
    %get3A_35 = vector.shape_cast %get3A_34 : vector<1x200x256xf32> to vector<200x256xf32>
    %get3A_36 = arith.constant 2 : index
    %get3A_37 = arith.constant 0 : index
    %get3A_38 = arith.constant 0 : index
    %get3A_39 = vector.load %arg3[%get3A_36, %get3A_37, %get3A_38] : memref<8x256x256xf32, #tpu.memory_space<vmem>>, vector<1x256x256xf32>
    %get3A_40 = vector.shape_cast %get3A_39 : vector<1x256x256xf32> to vector<256x256xf32>
    %dot_general3A_41 = arith.constant dense<0.000000e+00> : vector<200x256xf32>
    %dot_general3A_42 = tpu.matmul %get3A_35, %get3A_40, %dot_general3A_41 {dimension_numbers = #tpu.dot_dimension_numbers<[1], [0], [0], [1], [0, 0, 1, 1], [], []>, transpose_lhs_hint = false} : vector<200x256xf32>, vector<256x256xf32>, vector<200x256xf32> -> vector<200x256xf32>
    %add3A_43 = arith.addf %add3A_30, %dot_general3A_42 : vector<200x256xf32>
    %get3A_44 = arith.constant 3 : index
    %get3A_45 = arith.constant 0 : index
    %get3A_46 = arith.constant 0 : index
    %get3A_47 = vector.load %arg1[%get3A_44, %get3A_45, %get3A_46] : memref<8x200x256xf32, #tpu.memory_space<vmem>>, vector<1x200x256xf32>
    %get3A_48 = vector.shape_cast %get3A_47 : vector<1x200x256xf32> to vector<200x256xf32>
    %get3A_49 = arith.constant 3 : index
    %get3A_50 = arith.constant 0 : index
    %get3A_51 = arith.constant 0 : index
    %get3A_52 = vector.load %arg3[%get3A_49, %get3A_50, %get3A_51] : memref<8x256x256xf32, #tpu.memory_space<vmem>>, vector<1x256x256xf32>
    %get3A_53 = vector.shape_cast %get3A_52 : vector<1x256x256xf32> to vector<256x256xf32>
    %dot_general3A_54 = arith.constant dense<0.000000e+00> : vector<200x256xf32>
    %dot_general3A_55 = tpu.matmul %get3A_48, %get3A_53, %dot_general3A_54 {dimension_numbers = #tpu.dot_dimension_numbers<[1], [0], [0], [1], [0, 0, 1, 1], [], []>, transpose_lhs_hint = false} : vector<200x256xf32>, vector<256x256xf32>, vector<200x256xf32> -> vector<200x256xf32>
    %add3A_56 = arith.addf %add3A_43, %dot_general3A_55 : vector<200x256xf32>
    %get3A_57 = arith.constant 4 : index
    %get3A_58 = arith.constant 0 : index
    %get3A_59 = arith.constant 0 : index
    %get3A_60 = vector.load %arg1[%get3A_57, %get3A_58, %get3A_59] : memref<8x200x256xf32, #tpu.memory_space<vmem>>, vector<1x200x256xf32>
    %get3A_61 = vector.shape_cast %get3A_60 : vector<1x200x256xf32> to vector<200x256xf32>
    %get3A_62 = arith.constant 4 : index
    %get3A_63 = arith.constant 0 : index
    %get3A_64 = arith.constant 0 : index
    %get3A_65 = vector.load %arg3[%get3A_62, %get3A_63, %get3A_64] : memref<8x256x256xf32, #tpu.memory_space<vmem>>, vector<1x256x256xf32>
    %get3A_66 = vector.shape_cast %get3A_65 : vector<1x256x256xf32> to vector<256x256xf32>
    %dot_general3A_67 = arith.constant dense<0.000000e+00> : vector<200x256xf32>
    %dot_general3A_68 = tpu.matmul %get3A_61, %get3A_66, %dot_general3A_67 {dimension_numbers = #tpu.dot_dimension_numbers<[1], [0], [0], [1], [0, 0, 1, 1], [], []>, transpose_lhs_hint = false} : vector<200x256xf32>, vector<256x256xf32>, vector<200x256xf32> -> vector<200x256xf32>
    %add3A_69 = arith.addf %add3A_56, %dot_general3A_68 : vector<200x256xf32>
    %get3A_70 = arith.constant 5 : index
    %get3A_71 = arith.constant 0 : index
    %get3A_72 = arith.constant 0 : index
    %get3A_73 = vector.load %arg1[%get3A_70, %get3A_71, %get3A_72] : memref<8x200x256xf32, #tpu.memory_space<vmem>>, vector<1x200x256xf32>
    %get3A_74 = vector.shape_cast %get3A_73 : vector<1x200x256xf32> to vector<200x256xf32>
    %get3A_75 = arith.constant 5 : index
    %get3A_76 = arith.constant 0 : index
    %get3A_77 = arith.constant 0 : index
    %get3A_78 = vector.load %arg3[%get3A_75, %get3A_76, %get3A_77] : memref<8x256x256xf32, #tpu.memory_space<vmem>>, vector<1x256x256xf32>
    %get3A_79 = vector.shape_cast %get3A_78 : vector<1x256x256xf32> to vector<256x256xf32>
    %dot_general3A_80 = arith.constant dense<0.000000e+00> : vector<200x256xf32>
    %dot_general3A_81 = tpu.matmul %get3A_74, %get3A_79, %dot_general3A_80 {dimension_numbers = #tpu.dot_dimension_numbers<[1], [0], [0], [1], [0, 0, 1, 1], [], []>, transpose_lhs_hint = false} : vector<200x256xf32>, vector<256x256xf32>, vector<200x256xf32> -> vector<200x256xf32>
    %add3A_82 = arith.addf %add3A_69, %dot_general3A_81 : vector<200x256xf32>
    %get3A_83 = arith.constant 6 : index
    %get3A_84 = arith.constant 0 : index
    %get3A_85 = arith.constant 0 : index
    %get3A_86 = vector.load %arg1[%get3A_83, %get3A_84, %get3A_85] : memref<8x200x256xf32, #tpu.memory_space<vmem>>, vector<1x200x256xf32>
    %get3A_87 = vector.shape_cast %get3A_86 : vector<1x200x256xf32> to vector<200x256xf32>
    %get3A_88 = arith.constant 6 : index
    %get3A_89 = arith.constant 0 : index
    %get3A_90 = arith.constant 0 : index
    %get3A_91 = vector.load %arg3[%get3A_88, %get3A_89, %get3A_90] : memref<8x256x256xf32, #tpu.memory_space<vmem>>, vector<1x256x256xf32>
    %get3A_92 = vector.shape_cast %get3A_91 : vector<1x256x256xf32> to vector<256x256xf32>
    %dot_general3A_93 = arith.constant dense<0.000000e+00> : vector<200x256xf32>
    %dot_general3A_94 = tpu.matmul %get3A_87, %get3A_92, %dot_general3A_93 {dimension_numbers = #tpu.dot_dimension_numbers<[1], [0], [0], [1], [0, 0, 1, 1], [], []>, transpose_lhs_hint = false} : vector<200x256xf32>, vector<256x256xf32>, vector<200x256xf32> -> vector<200x256xf32>
    %add3A_95 = arith.addf %add3A_82, %dot_general3A_94 : vector<200x256xf32>
    %get3A_96 = arith.constant 7 : index
    %get3A_97 = arith.constant 0 : index
    %get3A_98 = arith.constant 0 : index
    %get3A_99 = vector.load %arg1[%get3A_96, %get3A_97, %get3A_98] : memref<8x200x256xf32, #tpu.memory_space<vmem>>, vector<1x200x256xf32>
    %get3A_100 = vector.shape_cast %get3A_99 : vector<1x200x256xf32> to vector<200x256xf32>
    %get3A_101 = arith.constant 7 : index
    %get3A_102 = arith.constant 0 : index
    %get3A_103 = arith.constant 0 : index
    %get3A_104 = vector.load %arg3[%get3A_101, %get3A_102, %get3A_103] : memref<8x256x256xf32, #tpu.memory_space<vmem>>, vector<1x256x256xf32>
    %get3A_105 = vector.shape_cast %get3A_104 : vector<1x256x256xf32> to vector<256x256xf32>
    %dot_general3A_106 = arith.constant dense<0.000000e+00> : vector<200x256xf32>
    %dot_general3A_107 = tpu.matmul %get3A_100, %get3A_105, %dot_general3A_106 {dimension_numbers = #tpu.dot_dimension_numbers<[1], [0], [0], [1], [0, 0, 1, 1], [], []>, transpose_lhs_hint = false} : vector<200x256xf32>, vector<256x256xf32>, vector<200x256xf32> -> vector<200x256xf32>
    %add3A_108 = arith.addf %add3A_95, %dot_general3A_107 : vector<200x256xf32>
    %get3A_109 = arith.constant 0 : index
    %get3A_110 = arith.constant 0 : index
    %get3A_111 = vector.load %arg5[%get3A_109, %get3A_110] : memref<8x256xf32, #tpu.memory_space<vmem>>, vector<8x256xf32>
    %reduce_sum3A = arith.constant dense<0.000000e+00> : vector<256xf32>
    %reduce_sum3A_112 = vector.multi_reduction <add>, %get3A_111, %reduce_sum3A [0] : vector<8x256xf32> to vector<256xf32>
    %broadcast_in_dim3A = vector.shape_cast %reduce_sum3A_112 : vector<256xf32> to vector<1x256xf32>
    %add3A_113 = vector.broadcast %broadcast_in_dim3A : vector<1x256xf32> to vector<200x256xf32>
    %add3A_114 = arith.addf %add3A_108, %add3A_113 : vector<200x256xf32>
    %swap3A = arith.constant 0 : index
    %swap3A_115 = arith.constant 0 : index
    %swap3A_116 = vector.load %arg6[%swap3A, %swap3A_115] : memref<200x256xf32, #tpu.memory_space<vmem>>, vector<200x256xf32>
    tpu.vector_store %arg6[%swap3A, %swap3A_115], %add3A_114 {strides = array<i32>} : memref<200x256xf32, #tpu.memory_space<vmem>>, vector<200x256xf32>,
    return
  }
  func.func @transform_0(%arg0: i32) -> (i32, i32, i32) {
    %c0_i32 = arith.constant 0 : i32
    %c0_i32_0 = arith.constant 0 : i32
    %c0_i32_1 = arith.constant 0 : i32
    return %c0_i32, %arg0, %c0_i32_0 : i32, i32, i32
  }
  func.func @transform_1(%arg0: i32) -> (i32, i32) {
    %c0_i32 = arith.constant 0 : i32
    %c0_i32_0 = arith.constant 0 : i32
    return %arg0, %c0_i32 : i32, i32
  }
  func.func @transform_2(%arg0: i32) -> (i32, i32, i32) {
    %c0_i32 = arith.constant 0 : i32
    %c0_i32_0 = arith.constant 0 : i32
    %c0_i32_1 = arith.constant 0 : i32
    %c0_i32_2 = arith.constant 0 : i32
    return %c0_i32, %c0_i32_0, %c0_i32_1 : i32, i32, i32
  }
  func.func @transform_3(%arg0: i32) -> (i32, i32) {
    %c0_i32 = arith.constant 0 : i32
    %c0_i32_0 = arith.constant 0 : i32
    %c0_i32_1 = arith.constant 0 : i32
    return %c0_i32, %c0_i32_0 : i32, i32
  }
  func.func @transform_4(%arg0: i32) -> (i32, i32) {
    %c0_i32 = arith.constant 0 : i32
    %c0_i32_0 = arith.constant 0 : i32
    %c0_i32_1 = arith.constant 0 : i32
    return %c0_i32, %c0_i32_0 : i32, i32
  }
  func.func @transform_5(%arg0: i32) -> (i32, i32) {
    %c0_i32 = arith.constant 0 : i32
    %c0_i32_0 = arith.constant 0 : i32
    return %arg0, %c0_i32 : i32, i32
  }
}

</mosaic_0001>

<sc_bundles>
// kernel: kernel.6.cloned.1.call-start
scs
__scs_entry_jumppad:
0x0: {  	(pc) =	sbr.rel $0x88, $3  }
0x1: {  	(tag) =	ssettag $0x0;
	lr =	simm.s32 $0x1  }
0x2: {  	[smem:$0x3F96] =	sst lr;
	_ =	strace $0xD0000000  }
0x3: {  	_ = 	snop  }
0x4: {  	_ = 	snop  }
0x5: {  	_ = 	snop  }
0x6: {  	_ = 	snop  }
0x7: {  	_ = 	snop  }
__scs_overlays_trampoline_lowered:
0x8: {  	[smem:$0x3FA5] =	sst s0  }
0x9: {  	[smem:$0x3FA6] =	sst s1  }
0xa: {  	[smem:$0x3FA7] =	sst s2  }
0xb: {  	[smem:$0x3FA8] =	sst s3  }
0xc: {  	[smem:$0x3FA9] =	sst s4  }
0xd: {  	[smem:$0x3FAA] =	sst s5  }
0xe: {  	[smem:$0x3FAB] =	sst s6  }
0xf: {  	[smem:$0x3FAC] =	sst s7  }
0x10: {  	[smem:$0x3FAD] =	sst s8  }
0x11: {  	[smem:$0x3FAE] =	sst s9;
	s0 =	simm.s32 @!p0 $0x0  }
0x12: {  	s1 =	sld [smem:$0x3F94];
	s0 =	simm.s32 @p0 $0x1  }
0x13: {  	[smem:$0x3FAF] =	sst s0;
	s0 =	simm.s32 @!p1 $0x0  }
0x14: {  	s2 =	sld [smem:$0x3F93];
	s0 =	simm.s32 @p1 $0x1  }
0x15: {  	[smem:$0x3FB0] =	sst s0;
	s0 =	simm.s32 @!p2 $0x0  }
0x16: {  	s3 =	sld [smem:$0x3FDB];
	s0 =	simm.s32 @p2 $0x1  }
0x17: {  	s4 =	simm.s32 $0x1BF5;
	[smem:$0x3FB2] =	sst s0  }
0x18: {  	s0 =	sld [smem:$0x3F95];
	_ =	swait.ge [sflag:s4], $0x0  }
0x19: {  	s7 =	sld [smem:$0x3F96]  }
0x1a: {  	s8 =	sadd.s32 $0xFFFFE003, lr  }
0x1b: {  	s9 =	sadd.s32 $0xFFFFFEF7, lr;
	s5 =	simm.s32 $0xFFFFFFFF;
	p2 =	slt.u32 s8, $0xFFFFF086  }
0x1c: {  	p1 =	slt.u32 s9, $0xF7A;
	s5 =	simm.s32 @!p2 $0x0  }
0x1d: {  	s5 =	simm.s32 @p1 $0x1;
	p0 =	seq.s32 s7, s2  }
0x1e: {  	s7 =	smul.u32 @!p0 $0xF7A, s2;
	p2 =	seq.s32 @!p0 s5, $0x0  }
0x1f: {  	s9 =	smul.u32 $0xF7A, s1;
	s8 =	simm.s32 @!p0 $0x1BF5;
	p2 =	por !p2, p0  }
0x20: {  	[sflag:s8] =	ssyncset.s32 @!p0 $0xFFFFF086;
	s6 =	sadd.s32 @!p0 s3, s7;
	s7 =	simm.s32 @!p0 $0x108  }
0x21: {  	s3 =	sadd.s32 s3, s9;
	s6 =	sadd.s32 @!p0 $0x88, s6;
	s7 =	simm.s32 @p2 $0x1082  }
0x22: {  	[simem:s7], [sflag:s8] =	dma.local @!p0 [hbm:s6], $0xF7A  }
0x23: {  	s9 =	sor.u32 $0xD0000000, s2;
	s6 =	simm.s32 $0x108;
	_ =	swait.ge @!p0 [sflag:s8], $0x0  }
0x24: {  	s3 =	sadd.s32 $0x88, s3;
	s6 =	simm.s32 @!p1 $0x1082;
	[sflag:s4] =	ssyncset.s32 $0xFFFFF086  }
0x25: {  	[simem:s6], [sflag:s4] =	dma.local [hbm:s3], $0xF7A  }
0x26: {  	[smem:$0x3F96] =	sst s1;
	(tag) =	ssettag s2;
	_ =	strace s9  }
0x27: {  	s1 =	sld [smem:$0x3FA6]  }
0x28: {  	s2 =	sld [smem:$0x3FA7]  }
0x29: {  	s4 =	sld [smem:$0x3FA9]  }
0x2a: {  	p0 =	seq.s32 s5, $0x0;
	s5 =	sld [smem:$0x3FAA]  }
0x2b: {  	s6 =	sld [smem:$0x3FAB]  }
0x2c: {  	s7 =	sld [smem:$0x3FAC]  }
0x2d: {  	s3 =	simm.s32 $0x108;
	s8 =	sld [smem:$0x3FAD]  }
0x2e: {  	s3 =	simm.s32 @!p0 $0x1082;
	s9 =	sld [smem:$0x3FAE]  }
0x2f: {  	lr =	sadd.s32 s0, s3;
	s0 =	sld [smem:$0x3FA5]  }
0x30: {  	s3 =	sld [smem:$0x3FA8]  }
0x31: {  	[smem:$0x3FB1] =	sst s10  }
0x32: {  	s10 =	sld [smem:$0x3FAF];
	_ =	sdelay $0x3  }
0x33: {  	p0 =	seq.s32 s10, $0x1;
	s10 =	sld [smem:$0x3FB1];
	_ =	sdelay $0x3  }
0x34: {  	[smem:$0x3FB1] =	sst s10  }
0x35: {  	s10 =	sld [smem:$0x3FB0];
	_ =	sdelay $0x3  }
0x36: {  	p1 =	seq.s32 s10, $0x1;
	s10 =	sld [smem:$0x3FB1];
	_ =	sdelay $0x3  }
0x37: {  	[smem:$0x3FB1] =	sst s10  }
0x38: {  	s10 =	sld [smem:$0x3FB2]  }
0x39: {  	_ = 	snop;
	(pc) =	sbr.ind lr, $3  }
0x3a: {  	_ = 	snop  }
0x3b: {  	_ = 	snop  }
0x3c: {  	p2 =	seq.s32 s10, $0x1;
	s10 =	sld [smem:$0x3FB1]  }
0x3d: {  	_ =	shalt  }
0x3e: {  	_ =	shalt  }
0x3f: {  	_ =	shalt  }
0x40: {  	_ =	shalt  }
0x41: {  	_ =	shalt  }
0x42: {  	_ =	shalt  }
0x43: {  	_ =	shalt  }
0x44: {  	_ =	shalt  }
0x45: {  	_ =	shalt  }
0x46: {  	_ =	shalt  }
0x47: {  	_ =	shalt  }
0x48: {  	_ =	shalt  }
0x49: {  	_ =	shalt  }
0x4a: {  	_ =	shalt  }
0x4b: {  	_ =	shalt  }
0x4c: {  	_ =	shalt  }
0x4d: {  	_ =	shalt  }
0x4e: {  	_ =	shalt  }
0x4f: {  	_ =	shalt  }
0x50: {  	_ =	shalt  }
0x51: {  	_ =	shalt  }
0x52: {  	_ =	shalt  }
0x53: {  	_ =	shalt  }
0x54: {  	_ =	shalt  }
0x55: {  	_ =	shalt  }
0x56: {  	_ =	shalt  }
0x57: {  	_ =	shalt  }
0x58: {  	_ =	shalt  }
0x59: {  	_ =	shalt  }
0x5a: {  	_ =	shalt  }
0x5b: {  	_ =	shalt  }
0x5c: {  	_ =	shalt  }
0x5d: {  	_ =	shalt  }
0x5e: {  	_ =	shalt  }
0x5f: {  	_ =	shalt  }
0x60: {  	_ =	shalt  }
0x61: {  	_ =	shalt  }
0x62: {  	_ =	shalt  }
0x63: {  	_ =	shalt  }
0x64: {  	_ =	shalt  }
0x65: {  	_ =	shalt  }
0x66: {  	_ =	shalt  }
0x67: {  	_ =	shalt  }
0x68: {  	_ =	shalt  }
0x69: {  	_ =	shalt  }
0x6a: {  	_ =	shalt  }
0x6b: {  	_ =	shalt  }
0x6c: {  	_ =	shalt  }
0x6d: {  	_ =	shalt  }
0x6e: {  	_ =	shalt  }
0x6f: {  	_ =	shalt  }
0x70: {  	_ =	shalt  }
0x71: {  	_ =	shalt  }
0x72: {  	_ =	shalt  }
0x73: {  	_ =	shalt  }
0x74: {  	_ =	shalt  }
0x75: {  	_ =	shalt  }
0x76: {  	_ =	shalt  }
0x77: {  	_ =	shalt  }
0x78: {  	_ =	shalt  }
0x79: {  	_ =	shalt  }
0x7a: {  	_ =	shalt  }
0x7b: {  	_ =	shalt  }
0x7c: {  	_ =	shalt  }
0x7d: {  	_ =	shalt  }
0x7e: {  	_ =	shalt  }
0x7f: {  	_ =	shalt  }
0x80: {  	_ =	shalt  }
0x81: {  	_ =	shalt  }
0x82: {  	_ =	shalt  }
0x83: {  	_ =	shalt  }
0x84: {  	_ =	shalt  }
0x85: {  	_ =	shalt  }
0x86: {  	_ =	shalt  }
0x87: {  	_ =	shalt  }
.Lfunc_end0:
.L_simem_size_0:
called_computation_lowered:
.L_overlay_start_0:
0x88: {  	s2 =	sld [smem:$0x3FD9]  }
0x89: {  	s3 =	sld [smem:$0x3FFE];
	_ =	sdelay $0x1  }
0x8a: {  	s1 =	srdreg.scid  }
0x8b: {  	s0 =	sand.u32 $0x1, s1  }
0x8c: {  	s16 =	sshll.u32 s0, $0xA;
	s2 =	sadd.s32 s3, s2  }
0x8d: {  	s2 =	sadd.s32 s2, s16  }
0x8e: {  	[smem:$0x3FBD] =	sst s2  }
0x8f: {  	_ = 	snop  }
0x90: {  	(tm) =	ssettm $0x1  }
0x91: {  	s17 =	sld [smem:$0x3FFB];
	_ =	sdelay $0x3  }
0x92: {  	_ =	strace s17  }
0x93: {  	s2 =	sld [smem:$0x3FFC];
	_ =	sdelay $0x3  }
0x94: {  	_ =	strace s2  }
0x95: {  	s2 =	sld [smem:$0x3FFD];
	_ =	sdelay $0x3  }
0x96: {  	_ =	strace s2  }
0x97: {  	_ =	strace $0x8FFFFFFF  }
0x98: {  	s18 =	sld [smem:$0x3FDB];
	_ =	sdelay $0x1  }
0x99: {  	s19 =	simm.s32 $_scs_section_size  }
0x9a: {  	s4 =	simm.s32 $_size__tile_overlayer_lowered;
	s5 =	simm.s32 $_tile_overlayer_lowered  }
0x9b: {  	s22 =	simm.s32 $0x1BFF;
	s21 =	sshll.u32 s5, $0x1;
	s2 =	sadd.s32 s19, s18  }
0x9c: {  	s6 =	simm.s32 $0x0;
	s20 =	sshll.u32 s4, $0x1;
	s4 =	sadd.s32 s21, s2  }
0x9d: {  	[timem:s6], [sflag:s22] =	dma.local [hbm:s4], s20  }
0x9e: {  	_ =	swait.ge [sflag:s22], s20  }
0x9f: {  	s3 =	ssub.s32 $0x0, s20;
	[sflag:s22] =	ssyncset.done $0x0  }
0xa0: {  	[sflag:s22] =	ssyncadd.s32 s3;
	_ =	sdelay $0x1  }
0xa1: {  	s23 =	simm.s32 $0x1B8B  }
0xa2: {  	_ =	swait.ge [sflag:s23], $0x1  }
0xa3: {  	[sflag:s23] =	ssyncset.done $0x0  }
0xa4: {  	s25 =	simm.s32 $0x1B8E;
	s24 =	sld [smem:$0x3FFE];
	[sflag:s23] =	ssyncadd.s32 $0xFFFFFFFF  }
0xa5: {  	s26 =	simm.s32 $execute0_lowered;
	[smem:$0x3FD2] =	sst s25  }
0xa6: {  	s4 =	sshll.u32 s26, $0x1;
	_ =	strace $0x80000046;
	[dreg:$0x1] =	wrdreg $0xFFFFFFFF  }
0xa7: {  	s28 =	simm.s32 $_size_execute0_lowered;
	s2 =	sadd.s32 s2, s4;
	[dreg:$0x0] =	wrdreg $0x0  }
0xa8: {  	s4 =	sshll.u32 s28, $0x1;
	[dreg:$0x2] =	wrdreg s2  }
0xa9: {  	[dreg:$0x3] =	wrdreg s4  }
0xaa: {  	[dreg:$0x4] =	wrdreg $0xC0  }
0xab: {  	_ =	task [dreg:s6], $0x5FFFF  }
0xac: {  	[dreg:$0x1] =	wrdreg $0xFFFFFFFF  }
0xad: {  	[dreg:$0x0] =	wrdreg $0x60  }
0xae: {  	[dreg:$0x2] =	wrdreg s24  }
0xaf: {  	[dreg:$0x3] =	wrdreg $0x9  }
0xb0: {  	_ =	task.clear_ibuf [dreg:s6], $0x4FFFF;
	_ =	strace $0x90000046  }
0xb1: {  	s29 =	simm.s32 $0x9;
	_ =	strace $0x80000048  }
0xb2: {  	_ =	swait.ge [sflag:s29], $0x1  }
0xb3: {  	[sflag:s29] =	ssyncadd.s32 $0xFFFFFFFF  }
0xb4: {  	_ =	strace $0x90000048  }
0xb5: {  	_ =	sfence  }
0xb6: {  	s30 =	sld [smem:$0x0];
	_ =	sdelay $0x2  }
0xb7: {  	s31 =	sshll.u32 s1, $0xD;
	s1 =	sshrl.u32 s1, $0x2  }
0xb8: {  	s3 =	sand.u32 $0x4000, s31;
	s1 =	sadd.s32 s1, s30  }
0xb9: {  	s0 =	sor.u32 s3, s0;
	s1 =	sshll.u32 s1, $0x11  }
0xba: {  	s0 =	sor.u32 s1, s0  }
0xbb: {  	s0 =	sadd.s32 $0x8F2B, s0  }
0xbc: {  	[sflag:s0] =	ssyncadd.remote.s32 $0x1  }
0xbd: {  	_ =	sfence.sel $0xFFFF  }
0xbe: {  	[dreg:$0x0] =	wrdreg $0xFFFFFFFF;
	(pc) =	sbr.abs _section_cstart, $3  }
0xbf: {  	[dreg:$0x1] =	wrdreg $0xFFFFFFFF  }
0xc0: {  	_ =	task.clear_ibuf [dreg:s6], $0x2FFFF;
	_ =	strace $0x9FFFFFFF  }
0xc1: {  	(tm) =	ssettm $0x7FFFFFFF  }
tec
execute0_lowered:
.L_overlay_start_1:
0x0: {  	(tag) =	ssettag $0x1  }
0x1: {  	s0 =	rddreg [dreg:$0x0]  }
0x2: {  	s2 =	simm.s32 $0x0;
	s1 =	srdreg.scid;
	s4 =	stileid.u32  }
0x3: {  	s11 =	simm.s32 $0xA;
	s13 =	simm.s32 $0x40;
	s16 =	simm.s32 $0x100  }
0x4: {  	s17 =	simm.s32 $0x10800;
	s18 =	simm.s32 $0x180;
	s19 =	simm.s32 $0x12800  }
0x5: {  	s20 =	simm.s32 $0xC800;
	s21 =	simm.s32 $0x9;
	s22 =	simm.s32 $0x8  }
0x6: {  	s23 =	simm.s32 $0x6;
	s24 =	simm.s32 $0x7;
	s25 =	simm.s32 $0x0  }
0x7: {  	[smem:$0x7FF] =	sst s2;
	s3 =	sadd.s32 $0x2600, s0;
	s1 =	sand.u32 $0x1, s1  }
.Ltmp0:
0x8: {  	s5 =	sshll.u32 s4, $0x1;
	s4 =	sadd.s32 $0x50800, s0;
	(pc) =	sbr.rel .LBB2_1-.Ltmp0, $4  }
0x9: {  	s6 =	sadd.s32 $0xCD800, s0;
	s7 =	ssub.s32 $0x2, s1;
	s1 =	sor.u32 s1, s5  }
0xa: {  	_ =	strace $0x80000047;
	s8 =	sshrl.u32 s7, $0x1;
	s9 =	smul.u32 $0x1F40, s1  }
0xb: {  	s5 =	sadd.s32 $0x8F000, s0;
	s31 =	ssub.s32 s7, s8;
	s7 =	smul.u32 $0x1F4, s1  }
0xc: {  	s8 =	sadd.s32 s4, s9;
	s9 =	sadd.s32 s5, s9;
	s10 =	smax.u32 s31, $0x1  }
.LBB2_11:
0xd: {  	s25 =	sadd.s32 $0x1, s25  }
0xe: {  	_ =	swait.ge [sflag:s21], $0x1400;
	p0 =	sne.s32 s25, s10  }
.Ltmp1:
0xf: {  	[sflag:s21] =	ssyncset.done $0x0;
	(pc) =	sbr.rel @!p0 .LBB2_12-.Ltmp1, $4  }
0x10: {  	[sflag:s21] =	ssyncadd.s32 $0xFFFFEC00  }
0x11: {  	_ =	swait.ge [sflag:s22], $0x1400  }
0x12: {  	[sflag:s22] =	ssyncset.done $0x0  }
0x13: {  	[sflag:s22] =	ssyncadd.s32 $0xFFFFEC00  }
.LBB2_1:
0x14: {  	[tilespmem:s2], [sflag:$0xA] =	stream.linear.gather [hbm4b:s8+s2], $0x3200, $0x38;
	[tilespmem:$0x19000] =	vst v63  }
0x15: {  	_ =	swait.ge [sflag:s11], $0x3200  }
0x16: {  	[sflag:s11] =	ssyncset.done $0x0  }
0x17: {  	s0 =	simm.s32 $0x6400;
	[sflag:s11] =	ssyncadd.s32 $0xFFFFCE00  }
0x18: {  	[tilespmem:s0], [sflag:$0xA] =	stream.linear.gather [hbm4b:s9+s2], $0x3200, $0x38;
	[tilespmem:$0x19000] =	vst v63  }
0x19: {  	_ =	swait.ge [sflag:s11], $0x3200  }
0x1a: {  	[sflag:s11] =	ssyncset.done $0x0  }
0x1b: {  	[sflag:s11] =	ssyncadd.s32 $0xFFFFCE00  }
0x1c: {  	[tilespmem:s20], [sflag:$0x1] =	stream.indirect.gather [hbm4b:s3+s13], $0x80, s2, s13, $0xb8;
	[tilespmem:$0x19000] =	vst v63  }
0x1d: {  	s31 =	simm.s32 $0x80;
	s1 =	simm.s32 $0xE800  }
0x1e: {  	[tilespmem:s1], [sflag:$0x2] =	stream.indirect.gather [hbm4b:s3+s13], $0x80, s31, s13, $0xb8;
	[tilespmem:$0x19000] =	vst v63  }
0x1f: {  	s26 =	simm.s32 $0xC800  }
0x20: {  	[tilespmem:s17], [sflag:$0x3] =	stream.indirect.gather [hbm4b:s3+s13], $0x80, s16, s13, $0xb8;
	[tilespmem:$0x19000] =	vst v63  }
0x21: {  	s28 =	simm.s32 $0x0;
	s29 =	simm.s32 $0x0;
	s30 =	simm.s32 $0x0  }
0x22: {  	[tilespmem:s19], [sflag:$0x4] =	stream.indirect.gather [hbm4b:s3+s13], $0x80, s18, s13, $0xb8;
	[tilespmem:$0x19000] =	vst v63  }
.LBB2_2:
0x23: {  	s0 =	sadd.s32 $0x4, s30  }
0x24: {  	s1 =	sand.u32 $0xFFFC, s0  }
0x25: {  	s1 =	sshrl.u32 s1, $0x2  }
0x26: {  	s1 =	smul.u32 $0x147B, s1;
	_ =	sdelay $0x1  }
0x27: {  	s31 =	sshrl.u32 s1, $0x11  }
0x28: {  	s1 =	smul.u32 $0x64, s31;
	_ =	sdelay $0x1  }
0x29: {  	p0 =	sgt.u32 s30, $0x18B;
	s1 =	ssub.s32 s0, s1  }
0x2a: {  	s12 =	sand.u32 @!p0 $0xFFFF, s1  }
0x2b: {  	p1 =	sne.s32 @!p0 s12, $0x32  }
0x2c: {  	p0 =	por p0, p1  }
.Ltmp2:
0x2d: {  	_ = 	snop;
	(pc) =	sbr.rel @p0 .LBB2_4-.Ltmp2, $1  }
0x2e: {  	_ =	sdelay $0x3  }
0x2f: {  	s12 =	sadd.s32 $0x1, s31  }
0x30: {  	s14 =	smul.u32 $0x64, s12;
	_ =	sdelay $0x1  }
0x31: {  	s14 =	sand.u32 $0xFFFC, s14  }
0x32: {  	s12 =	sand.u32 $0x1, s12;
	s14 =	sadd.s32 s14, s7  }
0x33: {  	p0 =	seq.s32 s12, $0x1;
	s14 =	sshll.u32 s14, $0x4  }
.Ltmp3:
0x34: {  	s12 =	simm.s32 $0x3200;
	s14 =	sand.u32 $0x1FFFC0, s14;
	(pc) =	sbr.rel .LBB2_7-.Ltmp3, $4  }
0x35: {  	s12 =	simm.s32 @!p0 $0x0;
	s15 =	sadd.s32 s4, s14  }
0x36: {  	[tilespmem:s12], [sflag:$0x6] =	stream.linear.gather [hbm4b:s15+s2], $0x3200, $0x38;
	[tilespmem:$0x19000] =	vst v63  }
0x37: {  	s14 =	sadd.s32 s5, s14;
	s12 =	sadd.s32 $0x6400, s12  }
0x38: {  	[tilespmem:s12], [sflag:$0x7] =	stream.linear.gather [hbm4b:s14+s2], $0x3200, $0x38;
	[tilespmem:$0x19000] =	vst v63  }
.LBB2_4:
0x39: {  	p0 =	sgt.u32 s30, $0x1EF  }
0x3a: {  	s12 =	sand.u32 @!p0 $0xFFFF, s1  }
0x3b: {  	p1 =	sne.s32 @!p0 s12, $0x0  }
0x3c: {  	p1 =	por p0, p1  }
.Ltmp4:
0x3d: {  	_ = 	snop;
	(pc) =	sbr.rel @p1 .LBB2_6-.Ltmp4, $1  }
0x3e: {  	_ =	sdelay $0x3  }
0x3f: {  	_ =	swait.ge [sflag:s23], $0x3200  }
0x40: {  	[sflag:s23] =	ssyncset.done $0x0  }
0x41: {  	[sflag:s23] =	ssyncadd.s32 $0xFFFFCE00  }
0x42: {  	_ =	swait.ge [sflag:s24], $0x3200  }
0x43: {  	[sflag:s24] =	ssyncset.done $0x0  }
0x44: {  	[sflag:s24] =	ssyncadd.s32 $0xFFFFCE00  }
.LBB2_7:
0x45: {  	s12 =	sand.u32 $0xFFFF, s0  }
0x46: {  	s12 =	smul.u32 $0xCCCD, s12;
	_ =	sdelay $0x1  }
0x47: {  	s12 =	sshrl.u32 s12, $0x12  }
0x48: {  	s12 =	smul.u32 $0x5, s12;
	_ =	sdelay $0x1  }
0x49: {  	s31 =	sand.u32 $0x1, s31;
	s1 =	sshll.u32 s1, $0x7;
	s15 =	ssub.s32 s0, s12  }
0x4a: {  	p0 =	seq.s32 s31, $0x1;
	s12 =	simm.s32 $0x3200;
	s0 =	sand.u32 $0xFFFF, s15  }
0x4b: {  	s1 =	sand.u32 $0x3F80, s1;
	s12 =	simm.s32 @!p0 $0x0;
	s14 =	sshll.u32 s0, $0xD  }
0x4c: {  	s1 =	sadd.s32 s1, s12;
	s0 =	sadd.s32 $0x1, s0;
	s14 =	sadd.s32 $0xC800, s14  }
0x4d: {  	[tilespmem:s14], [sflag:s0] =	stream.indirect.gather [hbm4b:s3+s13], $0x80, s1, s13, $0xb8;
	[tilespmem:$0x19000] =	vst v63  }
.LBB2_8:
0x4e: {  	s0 =	sand.u32 $0xFFFC, s28  }
0x4f: {  	s1 =	sand.u32 $0xFFFF, s30;
	s0 =	sshrl.u32 s0, $0x2  }
0x50: {  	s12 =	sshrl.u32 s1, $0x2;
	s0 =	smul.u32 $0x147B, s0  }
0x51: {  	s12 =	smul.u32 $0x147B, s12  }
0x52: {  	s1 =	smul.u32 $0xCCCD, s1;
	s0 =	sshrl.u32 s0, $0x11  }
0x53: {  	s12 =	sshrl.u32 s12, $0x11;
	s0 =	smul.u32 $0x3800, s0  }
0x54: {  	s1 =	sshrl.u32 s1, $0x12;
	s12 =	sand.u32 $0x1, s12  }
0x55: {  	p0 =	seq.s32 s12, $0x1;
	s12 =	simm.s32 $0xC800;
	s0 =	sadd.s32 s0, s29  }
0x56: {  	s1 =	smul.u32 $0x5, s1;
	s12 =	simm.s32 @!p0 $0x0;
	s0 =	sand.u32 $0xFFFF, s0  }
0x57: {  	s31 =	smulhi.u32 $0xCCCCCCCD, s30;
	s0 =	sadd.s32 s0, s12  }
0x58: {  	v18 =	vimm.f32 $0.0e+00;
	v2 =	vimm.f32 $0.0e+00;
	v3 =	vimm.f32 $0.0e+00;
	s1 =	ssub.s32 s30, s1;
	s0 =	sshrl.u32 s0, $0x2  }
0x59: {  	v4 =	vimm.f32 $0.0e+00;
	v5 =	vimm.f32 $0.0e+00;
	v6 =	vimm.f32 $0.0e+00;
	s15 =	sshrl.u32 s31, $0x2;
	s1 =	sand.u32 $0xFFFF, s1;
	s0 =	sadd.s32 $0x6400, s0  }
0x5a: {  	v7 =	vimm.f32 $0.0e+00;
	v8 =	vimm.f32 $0.0e+00;
	s1 =	sadd.s32 $0x1, s1;
	v0 =	vmov s0;
	s0 =	smul.u32 $0xFFFD8000, s15  }
0x5b: {  	v9 =	vimm.f32 $0.0e+00;
	v11 =	vimm.f32 $0.0e+00;
	v10 =	vimm.f32 $0.0e+00;
	_ =	swait.ge [sflag:s1], $0x2000  }
0x5c: {  	v12 =	vimm.f32 $0.0e+00;
	v13 =	vimm.f32 $0.0e+00;
	v14 =	vimm.f32 $0.0e+00;
	[sflag:s1] =	ssyncset.done $0x0;
	s0 =	sshra.s32 s0, $0x2  }
0x5d: {  	v15 =	vimm.f32 $0.0e+00;
	v17 =	vimm.f32 $0.0e+00;
	v16 =	vimm.f32 $0.0e+00;
	[sflag:s1] =	ssyncadd.s32 $0xFFFFE000;
	s1 =	simm.s32 $0x0;
	s0 =	sadd.s32 s0, s26  }
.LBB2_9:
0x5e: {  	v19 =	vld [tilespmem:s0+$0x0]  }
0x5f: {  	v20 =	vld [tilespmem:s0+$0x10]  }
0x60: {  	v24 =	vld [tilespmem:s0+$0x30]  }
0x61: {  	v52 =	vld [tilespmem:s0+$0x40]  }
0x62: {  	v53 =	vld [tilespmem:s0+$0x50]  }
0x63: {  	v55 =	vld [tilespmem:s0+$0x60]  }
0x64: {  	v58 =	vld [tilespmem:s0+$0x70]  }
0x65: {  	v62 =	vld [tilespmem:s0+$0x80]  }
0x66: {  	v27 =	vld [tilespmem:s0+$0x90]  }
0x67: {  	v29 =	vld [tilespmem:s0+$0xA0]  }
0x68: {  	v36 =	vld [tilespmem:s0+$0xC0]  }
0x69: {  	s12 =	sshra.s32 s1, $0x2;
	v38 =	vld [tilespmem:s0+$0xD0]  }
0x6a: {  	v1 =	vld.idx.msk [tilespmem:v0+s12+$0x0 ss:$0x1], $0xffff;
	v21 =	vand.u32 $0xFFFF, v19;
	v19 =	vshrl.u32 v19, $0x10  }
0x6b: {  	v41 =	vld [tilespmem:s0+$0xE0];
	v25 =	vand.u32 $0xFFFF, v20;
	v20 =	vshrl.u32 v20, $0x10;
	v26 =	vand.u32 $0xFFFF, v24  }
0x6c: {  	v43 =	vld [tilespmem:s0+$0xF0];
	v24 =	vshrl.u32 v24, $0x10;
	v56 =	vand.u32 $0xFFFF, v52;
	v57 =	vand.u32 $0xFFFF, v53  }
0x6d: {  	v59 =	vand.u32 $0xFFFF, v55;
	v63 =	vand.u32 $0xFFFF, v58;
	v31 =	vand.u32 $0xFFFF, v62  }
0x6e: {  	v45 =	vld [tilespmem:s0+$0x100];
	v32 =	vand.u32 $0xFFFF, v27;
	v33 =	vshrl.u32 v27, $0x10;
	v34 =	vand.u32 $0xFFFF, v29  }
0x6f: {  	v28 =	vld [tilespmem:s0+$0x180];
	v40 =	vand.u32 $0xFFFF, v36;
	v42 =	vand.u32 $0xFFFF, v38;
	v22 =	vbroadcast v1, $0x0  }
0x70: {  	v44 =	vand.u32 $0xFFFF, v41;
	v21 =	vcvt.s32.f32 v21;
	v19 =	vcvt.s32.f32 v19  }
0x71: {  	v47 =	vand.u32 $0xFFFF, v43;
	v51 =	vcvt.s32.f32 v25;
	v26 =	vcvt.s32.f32 v26  }
0x72: {  	v23 =	vld [tilespmem:s0+$0x20];
	v25 =	vshrl.u32 v52, $0x10;
	v30 =	vbroadcast v1, $0x1;
	v35 =	vcvt.s32.f32 v34  }
0x73: {  	v49 =	vand.u32 $0xFFFF, v45;
	v50 =	vbroadcast v1, $0x2;
	v25 =	vcvt.s32.f32 v25  }
0x74: {  	v34 =	vshrl.u32 v28, $0x10;
	v21 =	vmul.f32 v21, v22;
	v19 =	vmul.f32 v19, v22  }
0x75: {  	v48 =	vld [tilespmem:s0+$0x110];
	v18 =	vadd.f32 v22, v18;
	v54 =	vmul.f32 v26, v22;
	v26 =	vcvt.s32.f32 v59  }
0x76: {  	v16 =	vadd.f32 v21, v16;
	v17 =	vadd.f32 v19, v17;
	v19 =	vcvt.s32.f32 v20  }
0x77: {  	v20 =	vand.u32 $0xFFFF, v23;
	v21 =	vmul.f32 v51, v22;
	v23 =	vshrl.u32 v23, $0x10  }
0x78: {  	v10 =	vadd.f32 v54, v10;
	v61 =	vmul.f32 v26, v22;
	v18 =	vadd.f32 v18, v30  }
0x79: {  	v26 =	vshrl.u32 v36, $0x10;
	v51 =	vshrl.u32 v45, $0x10;
	v20 =	vcvt.s32.f32 v20  }
0x7a: {  	v54 =	vand.u32 $0xFFFF, v48;
	v23 =	vcvt.s32.f32 v23;
	v19 =	vmul.f32 v19, v22  }
0x7b: {  	v15 =	vadd.f32 v21, v15;
	v21 =	vshrl.u32 v53, $0x10;
	v20 =	vmul.f32 v20, v22  }
0x7c: {  	v52 =	vld [tilespmem:s0+$0x120];
	v5 =	vadd.f32 v61, v5;
	v14 =	vadd.f32 v19, v14;
	v19 =	vcvt.s32.f32 v24  }
0x7d: {  	v24 =	vshrl.u32 v55, $0x10;
	v13 =	vadd.f32 v20, v13;
	v20 =	vmul.f32 v23, v22  }
0x7e: {  	v21 =	vcvt.s32.f32 v21;
	v55 =	vld [tilespmem:s0+$0x130];
	v60 =	vcvt.s32.f32 v24;
	v24 =	vshrl.u32 v62, $0x10  }
0x7f: {  	v19 =	vmul.f32 v19, v22;
	v12 =	vadd.f32 v20, v12;
	v20 =	vcvt.s32.f32 v56  }
0x80: {  	v18 =	vadd.f32 v18, v50;
	v23 =	vcvt.s32.f32 v57;
	v24 =	vcvt.s32.f32 v24  }
0x81: {  	v57 =	vand.u32 $0xFFFF, v52;
	v11 =	vadd.f32 v19, v11;
	v19 =	vmul.f32 v20, v22  }
0x82: {  	v24 =	vmul.f32 v24, v30;
	v20 =	vmul.f32 v25, v22;
	v25 =	vshrl.u32 v58, $0x10  }
0x83: {  	v62 =	vld [tilespmem:s0+$0x160];
	v58 =	vshrl.u32 v52, $0x10;
	v59 =	vand.u32 $0xFFFF, v55;
	v9 =	vadd.f32 v19, v9  }
0x84: {  	v19 =	vmul.f32 v23, v22;
	v8 =	vadd.f32 v20, v8;
	v20 =	vmul.f32 v21, v22  }
0x85: {  	v56 =	vld [tilespmem:s0+$0x140];
	v25 =	vcvt.s32.f32 v25;
	v17 =	vadd.f32 v24, v17;
	v23 =	vmul.f32 v60, v22  }
0x86: {  	v7 =	vadd.f32 v19, v7;
	v19 =	vcvt.s32.f32 v63;
	v6 =	vadd.f32 v20, v6  }
0x87: {  	v4 =	vadd.f32 v23, v4;
	v20 =	vmul.f32 v25, v22;
	v23 =	vcvt.s32.f32 v31  }
0x88: {  	v27 =	vand.u32 $0xFFFF, v62;
	v21 =	vshrl.u32 v29, $0x10;
	v63 =	vld [tilespmem:s0+$0x170];
	v19 =	vmul.f32 v19, v22  }
0x89: {  	v21 =	vcvt.s32.f32 v21;
	v2 =	vadd.f32 v20, v2;
	v20 =	vld [tilespmem:s0+$0xB0];
	v23 =	vmul.f32 v23, v30  }
0x8a: {  	v60 =	vand.u32 $0xFFFF, v56;
	v25 =	vcvt.s32.f32 v33;
	v3 =	vadd.f32 v19, v3  }
0x8b: {  	v31 =	vld [tilespmem:s0+$0x1A0];
	v19 =	vcvt.s32.f32 v32;
	v16 =	vadd.f32 v23, v16;
	v23 =	vmul.f32 v35, v30  }
0x8c: {  	v33 =	vand.u32 $0xFFFF, v28;
	v22 =	vshrl.u32 v56, $0x10;
	v32 =	vbroadcast v1, $0x3  }
0x8d: {  	v29 =	vand.u32 $0xFFFF, v63;
	v19 =	vmul.f32 v19, v30;
	v13 =	vadd.f32 v23, v13  }
0x8e: {  	v35 =	vld [tilespmem:s0+$0x1B0];
	v23 =	vcvt.s32.f32 v40;
	v18 =	vadd.f32 v18, v32;
	v37 =	vand.u32 $0xFFFF, v20  }
0x8f: {  	v20 =	vshrl.u32 v20, $0x10;
	v15 =	vadd.f32 v19, v15;
	v19 =	vmul.f32 v25, v30  }
0x90: {  	v24 =	vcvt.s32.f32 v37;
	v25 =	vshrl.u32 v38, $0x10;
	v37 =	vand.u32 $0xFFFF, v31  }
0x91: {  	v61 =	vld [tilespmem:s0+$0x150];
	v25 =	vcvt.s32.f32 v25;
	v14 =	vadd.f32 v19, v14;
	v19 =	vcvt.s32.f32 v20  }
0x92: {  	v20 =	vmul.f32 v21, v30;
	v39 =	vmul.f32 v24, v30;
	v24 =	vshrl.u32 v41, $0x10  }
0x93: {  	v38 =	vld [tilespmem:s0+$0x1C0];
	v21 =	vcvt.s32.f32 v42;
	v41 =	vshrl.u32 v35, $0x10;
	v24 =	vcvt.s32.f32 v24  }
0x94: {  	v40 =	vld [tilespmem:s0+$0x1D0];
	v46 =	vmul.f32 v25, v30;
	v25 =	vshrl.u32 v62, $0x10;
	v19 =	vmul.f32 v19, v30  }
0x95: {  	v12 =	vadd.f32 v20, v12;
	v10 =	vadd.f32 v39, v10;
	v20 =	vcvt.s32.f32 v26  }
0x96: {  	v26 =	vshrl.u32 v61, $0x10;
	v39 =	vand.u32 $0xFFFF, v35;
	v24 =	vmul.f32 v24, v30  }
0x97: {  	v6 =	vadd.f32 v46, v6;
	v11 =	vadd.f32 v19, v11;
	v19 =	vmul.f32 v23, v30  }
0x98: {  	v42 =	vand.u32 $0xFFFF, v38;
	v20 =	vmul.f32 v20, v30;
	v23 =	vcvt.s32.f32 v49  }
0x99: {  	v46 =	vand.u32 $0xFFFF, v40;
	v9 =	vadd.f32 v19, v9;
	v19 =	vcvt.s32.f32 v44  }
0x9a: {  	v8 =	vadd.f32 v20, v8;
	v20 =	vmul.f32 v21, v30;
	v53 =	vmul.f32 v23, v50  }
0x9b: {  	v21 =	vshrl.u32 v48, $0x10;
	v23 =	vshrl.u32 v55, $0x10;
	v55 =	vbroadcast v1, $0x4  }
0x9c: {  	v4 =	vadd.f32 v24, v4;
	v21 =	vcvt.s32.f32 v21;
	v23 =	vcvt.s32.f32 v23  }
0x9d: {  	v19 =	vmul.f32 v19, v30;
	v7 =	vadd.f32 v20, v7;
	v20 =	vcvt.s32.f32 v47  }
0x9e: {  	v44 =	vld [tilespmem:s0+$0x1E0];
	v16 =	vadd.f32 v53, v16;
	v18 =	vadd.f32 v18, v55;
	v21 =	vmul.f32 v21, v50  }
0x9f: {  	v5 =	vadd.f32 v19, v5;
	v19 =	vshrl.u32 v43, $0x10;
	v20 =	vmul.f32 v20, v30  }
0xa0: {  	v23 =	vmul.f32 v23, v50;
	v43 =	vshrl.u32 v38, $0x10;
	v19 =	vcvt.s32.f32 v19  }
0xa1: {  	v47 =	vld [tilespmem:s0+$0x1F0];
	v14 =	vadd.f32 v21, v14;
	v3 =	vadd.f32 v20, v3;
	v20 =	vcvt.s32.f32 v51  }
0xa2: {  	v53 =	vld [tilespmem:s0+$0x210];
	v21 =	vcvt.s32.f32 v59;
	v11 =	vadd.f32 v23, v11;
	v19 =	vmul.f32 v19, v30  }
0xa3: {  	v23 =	vcvt.s32.f32 v27;
	v48 =	vand.u32 $0xFFFF, v44;
	v20 =	vmul.f32 v20, v50  }
0xa4: {  	v21 =	vmul.f32 v21, v50;
	v2 =	vadd.f32 v19, v2;
	v19 =	vcvt.s32.f32 v54  }
0xa5: {  	v49 =	vld [tilespmem:s0+$0x200];
	v23 =	vmul.f32 v23, v50;
	v17 =	vadd.f32 v20, v17;
	v20 =	vcvt.s32.f32 v57  }
0xa6: {  	v51 =	vand.u32 $0xFFFF, v47;
	v24 =	vshrl.u32 v47, $0x10;
	v19 =	vmul.f32 v19, v50  }
0xa7: {  	v30 =	vld [tilespmem:s0+$0x190];
	v59 =	vshrl.u32 v53, $0x10;
	v24 =	vcvt.s32.f32 v24;
	v20 =	vmul.f32 v20, v50  }
0xa8: {  	v10 =	vadd.f32 v21, v10;
	v15 =	vadd.f32 v19, v15;
	v19 =	vcvt.s32.f32 v58  }
0xa9: {  	v56 =	vld [tilespmem:s0+$0x220];
	v5 =	vadd.f32 v23, v5;
	v13 =	vadd.f32 v20, v13;
	v20 =	vcvt.s32.f32 v60  }
0xaa: {  	v54 =	vand.u32 $0xFFFF, v49;
	v23 =	vmul.f32 v24, v32;
	v57 =	vld [tilespmem:s0+$0x230];
	v19 =	vmul.f32 v19, v50  }
0xab: {  	v21 =	vshrl.u32 v63, $0x10;
	v24 =	vcvt.s32.f32 v54;
	v20 =	vmul.f32 v20, v50  }
0xac: {  	v36 =	vand.u32 $0xFFFF, v30;
	v12 =	vadd.f32 v19, v12;
	v19 =	vcvt.s32.f32 v22  }
0xad: {  	v22 =	vcvt.s32.f32 v26;
	v9 =	vadd.f32 v20, v9;
	v20 =	vand.u32 $0xFFFF, v61  }
0xae: {  	v62 =	vld [tilespmem:s0+$0x240];
	v58 =	vand.u32 $0xFFFF, v53;
	v19 =	vmul.f32 v19, v50;
	v20 =	vcvt.s32.f32 v20  }
0xaf: {  	v60 =	vand.u32 $0xFFFF, v56;
	v63 =	vand.u32 $0xFFFF, v57;
	v22 =	vmul.f32 v22, v50  }
0xb0: {  	v8 =	vadd.f32 v19, v8;
	v19 =	vmul.f32 v20, v50;
	v20 =	vcvt.s32.f32 v25  }
0xb1: {  	v26 =	vcvt.s32.f32 v29;
	v61 =	vshrl.u32 v56, $0x10;
	v6 =	vadd.f32 v22, v6  }
0xb2: {  	v25 =	vcvt.s32.f32 v36;
	v22 =	vshrl.u32 v31, $0x10;
	v20 =	vmul.f32 v20, v50  }
0xb3: {  	v31 =	vand.u32 $0xFFFF, v62;
	v7 =	vadd.f32 v19, v7;
	v19 =	vcvt.s32.f32 v21  }
0xb4: {  	v35 =	vld [tilespmem:s0+$0x270];
	v22 =	vcvt.s32.f32 v22;
	v4 =	vadd.f32 v20, v4;
	v20 =	vmul.f32 v26, v50  }
0xb5: {  	v21 =	vshrl.u32 v30, $0x10;
	v25 =	vmul.f32 v25, v32;
	v19 =	vmul.f32 v19, v50  }
0xb6: {  	v21 =	vcvt.s32.f32 v21;
	v3 =	vadd.f32 v20, v3;
	v20 =	vcvt.s32.f32 v33  }
0xb7: {  	v15 =	vadd.f32 v25, v15;
	v2 =	vadd.f32 v19, v2;
	v19 =	vcvt.s32.f32 v34  }
0xb8: {  	v30 =	vld [tilespmem:s0+$0x260];
	v25 =	vshrl.u32 v40, $0x10;
	v50 =	vshrl.u32 v44, $0x10;
	v20 =	vmul.f32 v20, v32  }
0xb9: {  	v40 =	vand.u32 $0xFFFF, v35;
	v21 =	vmul.f32 v21, v32;
	v19 =	vmul.f32 v19, v32  }
0xba: {  	v2 =	vadd.f32 v23, v2;
	v16 =	vadd.f32 v20, v16;
	v20 =	vcvt.s32.f32 v37  }
0xbb: {  	v23 =	vcvt.s32.f32 v61;
	v17 =	vadd.f32 v19, v17;
	v19 =	vcvt.s32.f32 v39;
	v39 =	vld [tilespmem:s0+$0x280]  }
0xbc: {  	v14 =	vadd.f32 v21, v14;
	v21 =	vcvt.s32.f32 v41;
	v20 =	vmul.f32 v20, v32  }
0xbd: {  	v28 =	vmul.f32 v23, v55;
	v23 =	vshrl.u32 v30, $0x10;
	v19 =	vmul.f32 v19, v32  }
0xbe: {  	v36 =	vand.u32 $0xFFFF, v30;
	v37 =	vcvt.s32.f32 v23;
	v13 =	vadd.f32 v20, v13  }
0xbf: {  	v41 =	vld [tilespmem:s0+$0x290];
	v20 =	vmul.f32 v22, v32;
	v22 =	vcvt.s32.f32 v42;
	v10 =	vadd.f32 v19, v10  }
0xc0: {  	v19 =	vcvt.s32.f32 v43;
	v43 =	vbroadcast v1, $0x5;
	v44 =	vand.u32 $0xFFFF, v39  }
0xc1: {  	v12 =	vadd.f32 v20, v12;
	v20 =	vmul.f32 v21, v32;
	v45 =	vmul.f32 v22, v32  }
0xc2: {  	v23 =	vshrl.u32 v39, $0x10;
	v19 =	vmul.f32 v19, v32;
	v22 =	vcvt.s32.f32 v46  }
0xc3: {  	v21 =	vcvt.s32.f32 v48;
	v23 =	vcvt.s32.f32 v23;
	v18 =	vadd.f32 v18, v43  }
0xc4: {  	v42 =	vld [tilespmem:s0+$0x2A0];
	v46 =	vshrl.u32 v41, $0x10;
	v11 =	vadd.f32 v20, v11;
	v9 =	vadd.f32 v45, v9  }
0xc5: {  	v20 =	vcvt.s32.f32 v25;
	v8 =	vadd.f32 v19, v8;
	v19 =	vmul.f32 v22, v32  }
0xc6: {  	v25 =	vcvt.s32.f32 v50;
	v22 =	vshrl.u32 v49, $0x10;
	v12 =	vadd.f32 v28, v12  }
0xc7: {  	v45 =	vand.u32 $0xFFFF, v41;
	v23 =	vmul.f32 v23, v43;
	v28 =	vbroadcast v1, $0x6  }
0xc8: {  	v20 =	vmul.f32 v20, v32;
	v7 =	vadd.f32 v19, v7;
	v19 =	vcvt.s32.f32 v51  }
0xc9: {  	v30 =	vld [tilespmem:s0+$0x320];
	v47 =	vand.u32 $0xFFFF, v42;
	v52 =	vmul.f32 v25, v32;
	v25 =	vcvt.s32.f32 v63  }
0xca: {  	v49 =	vld [tilespmem:s0+$0x2C0];
	v48 =	vcvt.s32.f32 v47;
	v18 =	vadd.f32 v18, v28;
	v6 =	vadd.f32 v20, v6  }
0xcb: {  	v20 =	vmul.f32 v21, v32;
	v19 =	vmul.f32 v19, v32;
	v4 =	vadd.f32 v52, v4  }
0xcc: {  	v21 =	vshrl.u32 v57, $0x10;
	v29 =	vmul.f32 v25, v55;
	v32 =	vcvt.s32.f32 v31  }
0xcd: {  	v25 =	vcvt.s32.f32 v36;
	v5 =	vadd.f32 v20, v5;
	v20 =	vcvt.s32.f32 v22  }
0xce: {  	v50 =	vmul.f32 v48, v43;
	v36 =	vshrl.u32 v30, $0x10;
	v48 =	vbroadcast v1, $0x7  }
0xcf: {  	v54 =	vand.u32 $0xFFFF, v49;
	v26 =	vshrl.u32 v49, $0x10;
	v20 =	vmul.f32 v20, v55  }
0xd0: {  	v3 =	vadd.f32 v19, v3;
	v19 =	vmul.f32 v24, v55;
	v22 =	vcvt.s32.f32 v60  }
0xd1: {  	v52 =	vld [tilespmem:s0+$0x2D0];
	v24 =	vshrl.u32 v62, $0x10;
	v17 =	vadd.f32 v20, v17;
	v20 =	vcvt.s32.f32 v59  }
0xd2: {  	v57 =	vld [tilespmem:s0+$0x2F0];
	v38 =	vmul.f32 v25, v55;
	v16 =	vadd.f32 v19, v16;
	v19 =	vcvt.s32.f32 v58  }
0xd3: {  	v10 =	vadd.f32 v29, v10;
	v25 =	vcvt.s32.f32 v46;
	v20 =	vmul.f32 v20, v55  }
0xd4: {  	v18 =	vadd.f32 v18, v48;
	v24 =	vcvt.s32.f32 v24;
	v19 =	vmul.f32 v19, v55  }
0xd5: {  	v22 =	vmul.f32 v22, v55;
	v5 =	vadd.f32 v38, v5;
	v14 =	vadd.f32 v20, v14;
	v20 =	vld [tilespmem:s0+$0x250]  }
0xd6: {  	v33 =	vmul.f32 v24, v55;
	v15 =	vadd.f32 v19, v15;
	v19 =	vcvt.s32.f32 v21  }
0xd7: {  	v24 =	vshrl.u32 v35, $0x10;
	v56 =	vand.u32 $0xFFFF, v52;
	v61 =	vand.u32 $0xFFFF, v57  }
0xd8: {  	v39 =	vld [tilespmem:s0+$0x350];
	v35 =	vand.u32 $0xFFFF, v30;
	v13 =	vadd.f32 v22, v13;
	v19 =	vmul.f32 v19, v55  }
0xd9: {  	v24 =	vcvt.s32.f32 v24;
	v59 =	vld [tilespmem:s0+$0x300];
	v8 =	vadd.f32 v33, v8;
	v17 =	vadd.f32 v23, v17  }
0xda: {  	v21 =	vshrl.u32 v42, $0x10;
	v11 =	vadd.f32 v19, v11;
	v34 =	vand.u32 $0xFFFF, v20  }
0xdb: {  	v19 =	vmul.f32 v32, v55;
	v20 =	vshrl.u32 v20, $0x10;
	v22 =	vcvt.s32.f32 v34  }
0xdc: {  	v62 =	vld [tilespmem:s0+$0x310];
	v13 =	vadd.f32 v50, v13;
	v23 =	vcvt.s32.f32 v54;
	v20 =	vcvt.s32.f32 v20  }
0xdd: {  	v42 =	vshrl.u32 v39, $0x10;
	v9 =	vadd.f32 v19, v9;
	v34 =	vld [tilespmem:s0+$0x340];
	v19 =	vmul.f32 v22, v55  }
0xde: {  	v41 =	vld [tilespmem:s0+$0x370];
	v21 =	vcvt.s32.f32 v21;
	v63 =	vand.u32 $0xFFFF, v59;
	v20 =	vmul.f32 v20, v55  }
0xdf: {  	v54 =	vld [tilespmem:s0+$0x3C0];
	v29 =	vshrl.u32 v59, $0x10;
	v22 =	vmul.f32 v37, v55;
	v7 =	vadd.f32 v19, v7  }
0xe0: {  	v33 =	vld [tilespmem:s0+$0x330];
	v19 =	vcvt.s32.f32 v40;
	v6 =	vadd.f32 v20, v6;
	v20 =	vmul.f32 v24, v55  }
0xe1: {  	v32 =	vand.u32 $0xFFFF, v62;
	v4 =	vadd.f32 v22, v4;
	v24 =	vcvt.s32.f32 v44;
	v44 =	vld [tilespmem:s0+$0x380]  }
0xe2: {  	v38 =	vand.u32 $0xFFFF, v34;
	v19 =	vmul.f32 v19, v55;
	v2 =	vadd.f32 v20, v2;
	v20 =	vld [tilespmem:s0+$0x2B0]  }
0xe3: {  	v22 =	vshrl.u32 v34, $0x10;
	v34 =	vbroadcast v1, $0x8;
	v24 =	vmul.f32 v24, v43  }
0xe4: {  	v59 =	vshrl.u32 v54, $0x10;
	v55 =	vld [tilespmem:s0+$0x2E0];
	v3 =	vadd.f32 v19, v3;
	v19 =	vcvt.s32.f32 v45  }
0xe5: {  	v37 =	vand.u32 $0xFFFF, v33;
	v18 =	vadd.f32 v18, v34;
	v16 =	vadd.f32 v24, v16  }
0xe6: {  	v45 =	vand.u32 $0xFFFF, v41;
	v49 =	vand.u32 $0xFFFF, v44;
	v19 =	vmul.f32 v19, v43  }
0xe7: {  	v46 =	vld [tilespmem:s0+$0x390];
	v50 =	vshrl.u32 v44, $0x10;
	v51 =	vand.u32 $0xFFFF, v20;
	v20 =	vshrl.u32 v20, $0x10  }
0xe8: {  	v40 =	vld [tilespmem:s0+$0x360];
	v15 =	vadd.f32 v19, v15;
	v19 =	vmul.f32 v25, v43;
	v25 =	vshrl.u32 v52, $0x10  }
0xe9: {  	v58 =	vand.u32 $0xFFFF, v55;
	v24 =	vcvt.s32.f32 v51;
	v25 =	vcvt.s32.f32 v25  }
0xea: {  	v47 =	vld [tilespmem:s0+$0x3A0];
	v14 =	vadd.f32 v19, v14;
	v19 =	vcvt.s32.f32 v20;
	v20 =	vmul.f32 v21, v43  }
0xeb: {  	v53 =	vmul.f32 v24, v43;
	v21 =	vcvt.s32.f32 v56;
	v24 =	vshrl.u32 v55, $0x10  }
0xec: {  	v51 =	vld [tilespmem:s0+$0x3B0];
	v52 =	vand.u32 $0xFFFF, v46;
	v24 =	vcvt.s32.f32 v24;
	v60 =	vmul.f32 v25, v43  }
0xed: {  	v25 =	vshrl.u32 v40, $0x10;
	v19 =	vmul.f32 v19, v43;
	v12 =	vadd.f32 v20, v12  }
0xee: {  	v10 =	vadd.f32 v53, v10;
	v20 =	vcvt.s32.f32 v26;
	v26 =	vcvt.s32.f32 v45  }
0xef: {  	v56 =	vld [tilespmem:s0+$0x3D0];
	v53 =	vand.u32 $0xFFFF, v47;
	v24 =	vmul.f32 v24, v43;
	v6 =	vadd.f32 v60, v6  }
0xf0: {  	v11 =	vadd.f32 v19, v11;
	v19 =	vmul.f32 v23, v43;
	v20 =	vmul.f32 v20, v43  }
0xf1: {  	v55 =	vand.u32 $0xFFFF, v51;
	v23 =	vcvt.s32.f32 v63;
	v4 =	vadd.f32 v24, v4  }
0xf2: {  	v9 =	vadd.f32 v19, v9;
	v19 =	vcvt.s32.f32 v58;
	v8 =	vadd.f32 v20, v8  }
0xf3: {  	v60 =	vld [tilespmem:s0+$0x3E0];
	v20 =	vmul.f32 v21, v43;
	v31 =	vmul.f32 v23, v28;
	v21 =	vshrl.u32 v62, $0x10  }
0xf4: {  	v23 =	vshrl.u32 v33, $0x10;
	v58 =	vand.u32 $0xFFFF, v54;
	v62 =	vand.u32 $0xFFFF, v56  }
0xf5: {  	v63 =	vld [tilespmem:s0+$0x3F0];
	v19 =	vmul.f32 v19, v43;
	v7 =	vadd.f32 v20, v7;
	v20 =	vcvt.s32.f32 v61  }
0xf6: {  	v21 =	vcvt.s32.f32 v21;
	v23 =	vcvt.s32.f32 v23;
	v16 =	vadd.f32 v31, v16  }
0xf7: {  	v45 =	vld [tilespmem:s0+$0x460];
	v5 =	vadd.f32 v19, v5;
	v19 =	vshrl.u32 v57, $0x10;
	v20 =	vmul.f32 v20, v43  }
0xf8: {  	v27 =	vand.u32 $0xFFFF, v60;
	v21 =	vmul.f32 v21, v28;
	v19 =	vcvt.s32.f32 v19  }
0xf9: {  	v23 =	vmul.f32 v23, v28;
	v3 =	vadd.f32 v20, v3;
	v20 =	vcvt.s32.f32 v29  }
0xfa: {  	v30 =	vand.u32 $0xFFFF, v63;
	v24 =	vshrl.u32 v63, $0x10;
	v19 =	vmul.f32 v19, v43  }
0xfb: {  	v57 =	vshrl.u32 v51, $0x10;
	v24 =	vcvt.s32.f32 v24;
	v20 =	vmul.f32 v20, v28  }
0xfc: {  	v51 =	vand.u32 $0xFFFF, v45;
	v2 =	vadd.f32 v19, v2;
	v19 =	vcvt.s32.f32 v32  }
0xfd: {  	v14 =	vadd.f32 v21, v14;
	v17 =	vadd.f32 v20, v17;
	v20 =	vcvt.s32.f32 v35  }
0xfe: {  	v21 =	vcvt.s32.f32 v37;
	v43 =	vand.u32 $0xFFFF, v40;
	v19 =	vmul.f32 v19, v28  }
0xff: {  	v11 =	vadd.f32 v23, v11;
	v23 =	vcvt.s32.f32 v43;
	v20 =	vmul.f32 v20, v28  }
0x100: {  	v21 =	vmul.f32 v21, v28;
	v15 =	vadd.f32 v19, v15;
	v19 =	vcvt.s32.f32 v36  }
0x101: {  	v32 =	vld [tilespmem:s0+$0x410];
	v23 =	vmul.f32 v23, v28;
	v13 =	vadd.f32 v20, v13;
	v20 =	vcvt.s32.f32 v38  }
0x102: {  	v29 =	vshrl.u32 v60, $0x10;
	v10 =	vadd.f32 v21, v10;
	v35 =	vld [tilespmem:s0+$0x420];
	v19 =	vmul.f32 v19, v28  }
0x103: {  	v21 =	vshrl.u32 v41, $0x10;
	v5 =	vadd.f32 v23, v5;
	v20 =	vmul.f32 v20, v28  }
0x104: {  	v23 =	vmul.f32 v24, v48;
	v12 =	vadd.f32 v19, v12;
	v19 =	vcvt.s32.f32 v22  }
0x105: {  	v22 =	vcvt.s32.f32 v42;
	v9 =	vadd.f32 v20, v9;
	v20 =	vand.u32 $0xFFFF, v39  }
0x106: {  	v37 =	vand.u32 $0xFFFF, v32;
	v19 =	vmul.f32 v19, v28;
	v20 =	vcvt.s32.f32 v20  }
0x107: {  	v36 =	vld [tilespmem:s0+$0x430];
	v38 =	vshrl.u32 v32, $0x10;
	v40 =	vshrl.u32 v35, $0x10;
	v22 =	vmul.f32 v22, v28  }
0x108: {  	v8 =	vadd.f32 v19, v8;
	v19 =	vmul.f32 v20, v28;
	v20 =	vcvt.s32.f32 v25  }
0x109: {  	v41 =	vld [tilespmem:s0+$0x440];
	v6 =	vadd.f32 v22, v6;
	v25 =	vcvt.s32.f32 v52;
	v22 =	vshrl.u32 v47, $0x10  }
0x10a: {  	v39 =	vand.u32 $0xFFFF, v35;
	v22 =	vcvt.s32.f32 v22;
	v20 =	vmul.f32 v20, v28  }
0x10b: {  	v7 =	vadd.f32 v19, v7;
	v19 =	vcvt.s32.f32 v21;
	v21 =	vshrl.u32 v46, $0x10  }
0x10c: {  	v42 =	vand.u32 $0xFFFF, v36;
	v25 =	vmul.f32 v25, v48;
	v21 =	vcvt.s32.f32 v21  }
0x10d: {  	v4 =	vadd.f32 v20, v4;
	v20 =	vmul.f32 v26, v28;
	v19 =	vmul.f32 v19, v28;
	v28 =	vld [tilespmem:s0+$0x400]  }
0x10e: {  	v46 =	vand.u32 $0xFFFF, v41;
	v15 =	vadd.f32 v25, v15;
	v25 =	vshrl.u32 v56, $0x10;
	v56 =	vld [tilespmem:s0+$0x490]  }
0x10f: {  	v21 =	vmul.f32 v21, v48;
	v3 =	vadd.f32 v20, v3;
	v20 =	vcvt.s32.f32 v49  }
0x110: {  	v47 =	vcvt.s32.f32 v46;
	v2 =	vadd.f32 v19, v2;
	v19 =	vcvt.s32.f32 v50  }
0x111: {  	v54 =	vld [tilespmem:s0+$0x480];
	v14 =	vadd.f32 v21, v14;
	v21 =	vcvt.s32.f32 v57;
	v20 =	vmul.f32 v20, v48  }
0x112: {  	v50 =	vld [tilespmem:s0+$0x470];
	v19 =	vmul.f32 v19, v48;
	v2 =	vadd.f32 v23, v2;
	v23 =	vcvt.s32.f32 v40  }
0x113: {  	v33 =	vand.u32 $0xFFFF, v28;
	v60 =	vand.u32 $0xFFFF, v56;
	v16 =	vadd.f32 v20, v16  }
0x114: {  	v20 =	vcvt.s32.f32 v53;
	v17 =	vadd.f32 v19, v17;
	v19 =	vcvt.s32.f32 v55  }
0x115: {  	v24 =	vcvt.s32.f32 v33;
	v43 =	vmul.f32 v23, v34;
	v23 =	vshrl.u32 v45, $0x10  }
0x116: {  	v52 =	vcvt.s32.f32 v23;
	v23 =	vshrl.u32 v54, $0x10;
	v20 =	vmul.f32 v20, v48  }
0x117: {  	v57 =	vld [tilespmem:s0+$0x4A0];
	v55 =	vand.u32 $0xFFFF, v50;
	v19 =	vmul.f32 v19, v48;
	v23 =	vcvt.s32.f32 v23  }
0x118: {  	v13 =	vadd.f32 v20, v13;
	v20 =	vmul.f32 v22, v48;
	v22 =	vcvt.s32.f32 v58  }
0x119: {  	v10 =	vadd.f32 v19, v10;
	v19 =	vcvt.s32.f32 v59;
	v58 =	vbroadcast v1, $0x9  }
0x11a: {  	v12 =	vadd.f32 v20, v12;
	v20 =	vmul.f32 v21, v48;
	v61 =	vmul.f32 v22, v48  }
0x11b: {  	v59 =	vand.u32 $0xFFFF, v54;
	v19 =	vmul.f32 v19, v48;
	v22 =	vcvt.s32.f32 v62  }
0x11c: {  	v21 =	vcvt.s32.f32 v27;
	v23 =	vmul.f32 v23, v58;
	v62 =	vand.u32 $0xFFFF, v57  }
0x11d: {  	v18 =	vadd.f32 v18, v58;
	v63 =	vcvt.s32.f32 v62;
	v11 =	vadd.f32 v20, v11  }
0x11e: {  	v9 =	vadd.f32 v61, v9;
	v20 =	vcvt.s32.f32 v25;
	v8 =	vadd.f32 v19, v8  }
0x11f: {  	v19 =	vmul.f32 v22, v48;
	v25 =	vcvt.s32.f32 v29;
	v22 =	vshrl.u32 v28, $0x10  }
0x120: {  	v12 =	vadd.f32 v43, v12;
	v43 =	vbroadcast v1, $0xA;
	v20 =	vmul.f32 v20, v48  }
0x121: {  	v29 =	vmul.f32 v63, v58;
	v63 =	vbroadcast v1, $0xB;
	v7 =	vadd.f32 v19, v7  }
0x122: {  	v45 =	vld [tilespmem:s0+$0x520];
	v19 =	vcvt.s32.f32 v30;
	v6 =	vadd.f32 v20, v6;
	v20 =	vmul.f32 v21, v48  }
0x123: {  	v61 =	vshrl.u32 v56, $0x10;
	v31 =	vmul.f32 v25, v48;
	v25 =	vcvt.s32.f32 v42  }
0x124: {  	v28 =	vld [tilespmem:s0+$0x4C0];
	v18 =	vadd.f32 v18, v43;
	v5 =	vadd.f32 v20, v5;
	v20 =	vcvt.s32.f32 v22  }
0x125: {  	v19 =	vmul.f32 v19, v48;
	v4 =	vadd.f32 v31, v4;
	v44 =	vmul.f32 v25, v34  }
0x126: {  	v21 =	vshrl.u32 v36, $0x10;
	v25 =	vcvt.s32.f32 v51;
	v20 =	vmul.f32 v20, v34  }
0x127: {  	v51 =	vshrl.u32 v45, $0x10;
	v3 =	vadd.f32 v19, v3;
	v19 =	vmul.f32 v24, v34  }
0x128: {  	v18 =	vadd.f32 v18, v63;
	v17 =	vadd.f32 v20, v17;
	v20 =	vcvt.s32.f32 v38  }
0x129: {  	v33 =	vand.u32 $0xFFFF, v28;
	v16 =	vadd.f32 v19, v16;
	v19 =	vcvt.s32.f32 v37  }
0x12a: {  	v31 =	vld [tilespmem:s0+$0x4D0];
	v26 =	vshrl.u32 v28, $0x10;
	v22 =	vcvt.s32.f32 v39;
	v20 =	vmul.f32 v20, v34  }
0x12b: {  	v36 =	vld [tilespmem:s0+$0x4F0];
	v24 =	vshrl.u32 v41, $0x10;
	v10 =	vadd.f32 v44, v10;
	v19 =	vmul.f32 v19, v34  }
0x12c: {  	v53 =	vmul.f32 v25, v34;
	v24 =	vcvt.s32.f32 v24;
	v14 =	vadd.f32 v20, v14;
	v20 =	vld [tilespmem:s0+$0x450]  }
0x12d: {  	v25 =	vcvt.s32.f32 v61;
	v15 =	vadd.f32 v19, v15;
	v19 =	vcvt.s32.f32 v21  }
0x12e: {  	v22 =	vmul.f32 v22, v34;
	v5 =	vadd.f32 v53, v5;
	v48 =	vmul.f32 v24, v34  }
0x12f: {  	v24 =	vshrl.u32 v50, $0x10;
	v35 =	vand.u32 $0xFFFF, v31;
	v19 =	vmul.f32 v19, v34  }
0x130: {  	v40 =	vand.u32 $0xFFFF, v36;
	v50 =	vand.u32 $0xFFFF, v45;
	v13 =	vadd.f32 v22, v13  }
0x131: {  	v54 =	vld [tilespmem:s0+$0x550];
	v24 =	vcvt.s32.f32 v24;
	v11 =	vadd.f32 v19, v11;
	v49 =	vand.u32 $0xFFFF, v20  }
0x132: {  	v41 =	vld [tilespmem:s0+$0x510];
	v19 =	vmul.f32 v47, v34;
	v20 =	vshrl.u32 v20, $0x10;
	v22 =	vcvt.s32.f32 v49  }
0x133: {  	v38 =	vld [tilespmem:s0+$0x500];
	v8 =	vadd.f32 v48, v8;
	v17 =	vadd.f32 v23, v17;
	v20 =	vcvt.s32.f32 v20  }
0x134: {  	v48 =	vld [tilespmem:s0+$0x530];
	v21 =	vshrl.u32 v57, $0x10;
	v9 =	vadd.f32 v19, v9;
	v19 =	vmul.f32 v22, v34  }
0x135: {  	v13 =	vadd.f32 v29, v13;
	v23 =	vcvt.s32.f32 v33;
	v33 =	vld [tilespmem:s0+$0x5C0];
	v20 =	vmul.f32 v20, v34  }
0x136: {  	v56 =	vld [tilespmem:s0+$0x570];
	v57 =	vshrl.u32 v54, $0x10;
	v21 =	vcvt.s32.f32 v21;
	v7 =	vadd.f32 v19, v7  }
0x137: {  	v49 =	vld [tilespmem:s0+$0x540];
	v19 =	vcvt.s32.f32 v55;
	v6 =	vadd.f32 v20, v6;
	v20 =	vmul.f32 v24, v34  }
0x138: {  	v42 =	vand.u32 $0xFFFF, v38;
	v44 =	vshrl.u32 v38, $0x10;
	v24 =	vcvt.s32.f32 v59;
	v59 =	vld [tilespmem:s0+$0x580]  }
0x139: {  	v47 =	vand.u32 $0xFFFF, v41;
	v19 =	vmul.f32 v19, v34;
	v2 =	vadd.f32 v20, v2;
	v20 =	vld [tilespmem:s0+$0x4B0]  }
0x13a: {  	v38 =	vshrl.u32 v33, $0x10;
	v22 =	vmul.f32 v52, v34;
	v52 =	vand.u32 $0xFFFF, v48  }
0x13b: {  	v24 =	vmul.f32 v24, v58;
	v34 =	vld [tilespmem:s0+$0x4E0];
	v3 =	vadd.f32 v19, v3;
	v19 =	vcvt.s32.f32 v60  }
0x13c: {  	v4 =	vadd.f32 v22, v4;
	v53 =	vand.u32 $0xFFFF, v49;
	v22 =	vshrl.u32 v49, $0x10  }
0x13d: {  	v16 =	vadd.f32 v24, v16;
	v60 =	vand.u32 $0xFFFF, v56;
	v19 =	vmul.f32 v19, v58  }
0x13e: {  	v61 =	vld [tilespmem:s0+$0x590];
	v28 =	vand.u32 $0xFFFF, v59;
	v29 =	vshrl.u32 v59, $0x10;
	v30 =	vand.u32 $0xFFFF, v20  }
0x13f: {  	v55 =	vld [tilespmem:s0+$0x560];
	v20 =	vshrl.u32 v20, $0x10;
	v15 =	vadd.f32 v19, v15;
	v19 =	vmul.f32 v25, v58  }
0x140: {  	v37 =	vand.u32 $0xFFFF, v34;
	v24 =	vcvt.s32.f32 v30;
	v25 =	vshrl.u32 v31, $0x10  }
0x141: {  	v62 =	vld [tilespmem:s0+$0x5A0];
	v25 =	vcvt.s32.f32 v25;
	v14 =	vadd.f32 v19, v14;
	v19 =	vcvt.s32.f32 v20  }
0x142: {  	v20 =	vmul.f32 v21, v58;
	v32 =	vmul.f32 v24, v58;
	v24 =	vshrl.u32 v34, $0x10  }
0x143: {  	v30 =	vld [tilespmem:s0+$0x5B0];
	v31 =	vand.u32 $0xFFFF, v61;
	v21 =	vcvt.s32.f32 v35;
	v24 =	vcvt.s32.f32 v24  }
0x144: {  	v39 =	vmul.f32 v25, v58;
	v25 =	vshrl.u32 v55, $0x10;
	v19 =	vmul.f32 v19, v58  }
0x145: {  	v12 =	vadd.f32 v20, v12;
	v10 =	vadd.f32 v32, v10;
	v20 =	vcvt.s32.f32 v26  }
0x146: {  	v26 =	vcvt.s32.f32 v60;
	v32 =	vand.u32 $0xFFFF, v62;
	v24 =	vmul.f32 v24, v58  }
0x147: {  	v35 =	vld [tilespmem:s0+$0x5D0];
	v6 =	vadd.f32 v39, v6;
	v11 =	vadd.f32 v19, v11;
	v19 =	vmul.f32 v23, v58  }
0x148: {  	v34 =	vand.u32 $0xFFFF, v30;
	v20 =	vmul.f32 v20, v58;
	v23 =	vcvt.s32.f32 v42  }
0x149: {  	v39 =	vld [tilespmem:s0+$0x5E0];
	v4 =	vadd.f32 v24, v4;
	v9 =	vadd.f32 v19, v9;
	v19 =	vcvt.s32.f32 v37  }
0x14a: {  	v8 =	vadd.f32 v20, v8;
	v20 =	vmul.f32 v21, v58;
	v46 =	vmul.f32 v23, v43  }
0x14b: {  	v42 =	vld [tilespmem:s0+$0x5F0];
	v21 =	vshrl.u32 v41, $0x10;
	v23 =	vshrl.u32 v48, $0x10;
	v37 =	vand.u32 $0xFFFF, v33  }
0x14c: {  	v41 =	vand.u32 $0xFFFF, v35;
	v21 =	vcvt.s32.f32 v21;
	v23 =	vcvt.s32.f32 v23  }
0x14d: {  	v19 =	vmul.f32 v19, v58;
	v7 =	vadd.f32 v20, v7;
	v20 =	vcvt.s32.f32 v40  }
0x14e: {  	v16 =	vadd.f32 v46, v16;
	v45 =	vshrl.u32 v39, $0x10;
	v21 =	vmul.f32 v21, v43  }
0x14f: {  	v5 =	vadd.f32 v19, v5;
	v19 =	vshrl.u32 v36, $0x10;
	v20 =	vmul.f32 v20, v58  }
0x150: {  	v23 =	vmul.f32 v23, v43;
	v46 =	vand.u32 $0xFFFF, v42;
	v19 =	vcvt.s32.f32 v19  }
0x151: {  	v24 =	vshrl.u32 v42, $0x10;
	v3 =	vadd.f32 v20, v3;
	v20 =	vcvt.s32.f32 v44  }
0x152: {  	v14 =	vadd.f32 v21, v14;
	v21 =	vcvt.s32.f32 v52;
	v19 =	vmul.f32 v19, v58  }
0x153: {  	v36 =	vshrl.u32 v30, $0x10;
	v24 =	vcvt.s32.f32 v24;
	v20 =	vmul.f32 v20, v43  }
0x154: {  	v52 =	vld [tilespmem:s0+$0x630];
	v21 =	vmul.f32 v21, v43;
	v2 =	vadd.f32 v19, v2;
	v19 =	vcvt.s32.f32 v47  }
0x155: {  	v44 =	vld [tilespmem:s0+$0x600];
	v58 =	vand.u32 $0xFFFF, v55;
	v17 =	vadd.f32 v20, v17;
	v20 =	vcvt.s32.f32 v50  }
0x156: {  	v11 =	vadd.f32 v23, v11;
	v23 =	vcvt.s32.f32 v58;
	v19 =	vmul.f32 v19, v43  }
0x157: {  	v10 =	vadd.f32 v21, v10;
	v21 =	vshrl.u32 v56, $0x10;
	v20 =	vmul.f32 v20, v43  }
0x158: {  	v23 =	vmul.f32 v23, v43;
	v15 =	vadd.f32 v19, v15;
	v19 =	vcvt.s32.f32 v51  }
0x159: {  	v50 =	vbroadcast v1, $0xC;
	v13 =	vadd.f32 v20, v13;
	v20 =	vcvt.s32.f32 v53  }
0x15a: {  	v48 =	vld [tilespmem:s0+$0x610];
	v58 =	vand.u32 $0xFFFF, v52;
	v49 =	vand.u32 $0xFFFF, v44;
	v19 =	vmul.f32 v19, v43  }
0x15b: {  	v5 =	vadd.f32 v23, v5;
	v23 =	vmul.f32 v24, v63;
	v51 =	vld [tilespmem:s0+$0x620];
	v20 =	vmul.f32 v20, v43  }
0x15c: {  	v24 =	vcvt.s32.f32 v49;
	v12 =	vadd.f32 v19, v12;
	v19 =	vcvt.s32.f32 v22  }
0x15d: {  	v22 =	vcvt.s32.f32 v57;
	v9 =	vadd.f32 v20, v9;
	v20 =	vand.u32 $0xFFFF, v54  }
0x15e: {  	v18 =	vadd.f32 v18, v50;
	v57 =	vld [tilespmem:s0+$0x640];
	v19 =	vmul.f32 v19, v43;
	v20 =	vcvt.s32.f32 v20  }
0x15f: {  	v53 =	vand.u32 $0xFFFF, v48;
	v54 =	vshrl.u32 v48, $0x10;
	v22 =	vmul.f32 v22, v43  }
0x160: {  	v55 =	vand.u32 $0xFFFF, v51;
	v8 =	vadd.f32 v19, v8;
	v19 =	vmul.f32 v20, v43  }
0x161: {  	v48 =	vld [tilespmem:s0+$0x6E0];
	v20 =	vcvt.s32.f32 v25;
	v6 =	vadd.f32 v22, v6;
	v22 =	vshrl.u32 v62, $0x10  }
0x162: {  	v56 =	vshrl.u32 v51, $0x10;
	v25 =	vcvt.s32.f32 v31;
	v22 =	vcvt.s32.f32 v22  }
0x163: {  	v62 =	vand.u32 $0xFFFF, v57;
	v20 =	vmul.f32 v20, v43;
	v7 =	vadd.f32 v19, v7  }
0x164: {  	v19 =	vcvt.s32.f32 v21;
	v21 =	vshrl.u32 v61, $0x10;
	v25 =	vmul.f32 v25, v63  }
0x165: {  	v21 =	vcvt.s32.f32 v21;
	v4 =	vadd.f32 v20, v4;
	v20 =	vmul.f32 v26, v43  }
0x166: {  	v51 =	vand.u32 $0xFFFF, v48;
	v19 =	vmul.f32 v19, v43;
	v15 =	vadd.f32 v25, v15  }
0x167: {  	v30 =	vld [tilespmem:s0+$0x670];
	v21 =	vmul.f32 v21, v63;
	v3 =	vadd.f32 v20, v3;
	v20 =	vcvt.s32.f32 v28  }
0x168: {  	v61 =	vld [tilespmem:s0+$0x660];
	v25 =	vshrl.u32 v35, $0x10;
	v2 =	vadd.f32 v19, v2;
	v19 =	vcvt.s32.f32 v29  }
0x169: {  	v43 =	vand.u32 $0xFFFF, v39;
	v14 =	vadd.f32 v21, v14;
	v20 =	vmul.f32 v20, v63  }
0x16a: {  	v21 =	vcvt.s32.f32 v36;
	v36 =	vld [tilespmem:s0+$0x690];
	v19 =	vmul.f32 v19, v63;
	v2 =	vadd.f32 v23, v2  }
0x16b: {  	v23 =	vcvt.s32.f32 v56;
	v16 =	vadd.f32 v20, v16;
	v20 =	vcvt.s32.f32 v32  }
0x16c: {  	v35 =	vand.u32 $0xFFFF, v30;
	v17 =	vadd.f32 v19, v17;
	v19 =	vcvt.s32.f32 v34  }
0x16d: {  	v59 =	vmul.f32 v23, v50;
	v23 =	vshrl.u32 v61, $0x10;
	v34 =	vld [tilespmem:s0+$0x680];
	v20 =	vmul.f32 v20, v63  }
0x16e: {  	v31 =	vand.u32 $0xFFFF, v61;
	v32 =	vcvt.s32.f32 v23;
	v19 =	vmul.f32 v19, v63  }
0x16f: {  	v39 =	vand.u32 $0xFFFF, v36;
	v13 =	vadd.f32 v20, v13;
	v20 =	vmul.f32 v22, v63  }
0x170: {  	v22 =	vcvt.s32.f32 v37;
	v10 =	vadd.f32 v19, v10;
	v19 =	vcvt.s32.f32 v38  }
0x171: {  	v37 =	vbroadcast v1, $0xD;
	v12 =	vadd.f32 v20, v12;
	v20 =	vmul.f32 v21, v63  }
0x172: {  	v23 =	vshrl.u32 v34, $0x10;
	v40 =	vmul.f32 v22, v63;
	v19 =	vmul.f32 v19, v63  }
0x173: {  	v22 =	vcvt.s32.f32 v41;
	v11 =	vadd.f32 v20, v11;
	v20 =	vcvt.s32.f32 v25  }
0x174: {  	v38 =	vand.u32 $0xFFFF, v34;
	v21 =	vcvt.s32.f32 v43;
	v23 =	vcvt.s32.f32 v23  }
0x175: {  	v41 =	vshrl.u32 v36, $0x10;
	v18 =	vadd.f32 v18, v37;
	v20 =	vmul.f32 v20, v63  }
0x176: {  	v9 =	vadd.f32 v40, v9;
	v8 =	vadd.f32 v19, v8;
	v19 =	vmul.f32 v22, v63  }
0x177: {  	v25 =	vcvt.s32.f32 v45;
	v6 =	vadd.f32 v20, v6;
	v20 =	vmul.f32 v21, v63  }
0x178: {  	v22 =	vshrl.u32 v44, $0x10;
	v7 =	vadd.f32 v19, v7;
	v19 =	vcvt.s32.f32 v46  }
0x179: {  	v47 =	vmul.f32 v25, v63;
	v5 =	vadd.f32 v20, v5;
	v20 =	vcvt.s32.f32 v22  }
0x17a: {  	v42 =	vld [tilespmem:s0+$0x6C0];
	v12 =	vadd.f32 v59, v12;
	v23 =	vmul.f32 v23, v37;
	v19 =	vmul.f32 v19, v63  }
0x17b: {  	v40 =	vld [tilespmem:s0+$0x6A0];
	v25 =	vcvt.s32.f32 v58;
	v4 =	vadd.f32 v47, v4;
	v20 =	vmul.f32 v20, v50  }
0x17c: {  	v21 =	vshrl.u32 v52, $0x10;
	v3 =	vadd.f32 v19, v3;
	v19 =	vmul.f32 v24, v50  }
0x17d: {  	v60 =	vmul.f32 v25, v50;
	v17 =	vadd.f32 v20, v17;
	v20 =	vcvt.s32.f32 v54  }
0x17e: {  	v63 =	vcvt.s32.f32 v62;
	v16 =	vadd.f32 v19, v16;
	v19 =	vcvt.s32.f32 v53  }
0x17f: {  	v25 =	vcvt.s32.f32 v31;
	v47 =	vand.u32 $0xFFFF, v42;
	v20 =	vmul.f32 v20, v50  }
0x180: {  	v58 =	vld [tilespmem:s0+$0x720];
	v52 =	vshrl.u32 v48, $0x10;
	v43 =	vand.u32 $0xFFFF, v40;
	v19 =	vmul.f32 v19, v50  }
0x181: {  	v44 =	vshrl.u32 v40, $0x10;
	v26 =	vcvt.s32.f32 v47;
	v14 =	vadd.f32 v20, v14;
	v20 =	vld [tilespmem:s0+$0x650]  }
0x182: {  	v22 =	vcvt.s32.f32 v55;
	v15 =	vadd.f32 v19, v15;
	v19 =	vcvt.s32.f32 v21  }
0x183: {  	v24 =	vshrl.u32 v57, $0x10;
	v33 =	vmul.f32 v25, v50;
	v57 =	vbroadcast v1, $0xE  }
0x184: {  	v10 =	vadd.f32 v60, v10;
	v22 =	vmul.f32 v22, v50;
	v19 =	vmul.f32 v19, v50  }
0x185: {  	v49 =	vld [tilespmem:s0+$0x6F0];
	v1 =	vbroadcast v1, $0xF;
	v24 =	vcvt.s32.f32 v24;
	v62 =	vshrl.u32 v58, $0x10  }
0x186: {  	v13 =	vadd.f32 v22, v13;
	v11 =	vadd.f32 v19, v11;
	v29 =	vand.u32 $0xFFFF, v20  }
0x187: {  	v19 =	vmul.f32 v63, v50;
	v20 =	vshrl.u32 v20, $0x10;
	v22 =	vcvt.s32.f32 v29  }
0x188: {  	v5 =	vadd.f32 v33, v5;
	v28 =	vmul.f32 v24, v50;
	v20 =	vcvt.s32.f32 v20  }
0x189: {  	v60 =	vld [tilespmem:s0+$0x730];
	v24 =	vshrl.u32 v30, $0x10;
	v9 =	vadd.f32 v19, v9;
	v19 =	vmul.f32 v22, v50  }
0x18a: {  	v46 =	vld [tilespmem:s0+$0x6D0];
	v53 =	vand.u32 $0xFFFF, v49;
	v24 =	vcvt.s32.f32 v24;
	v20 =	vmul.f32 v20, v50  }
0x18b: {  	v18 =	vadd.f32 v18, v57;
	v55 =	vcvt.s32.f32 v53;
	v54 =	vld [tilespmem:s0+$0x710];
	v7 =	vadd.f32 v19, v7  }
0x18c: {  	v63 =	vld [tilespmem:s0+$0x740];
	v19 =	vcvt.s32.f32 v35;
	v6 =	vadd.f32 v20, v6;
	v20 =	vmul.f32 v24, v50  }
0x18d: {  	v18 =	vadd.f32 v18, v1;
	v8 =	vadd.f32 v28, v8;
	v29 =	vld [tilespmem:s0+$0x750];
	v22 =	vmul.f32 v32, v50  }
0x18e: {  	v28 =	vand.u32 $0xFFFF, v60;
	v19 =	vmul.f32 v19, v50;
	v2 =	vadd.f32 v20, v2;
	v20 =	vld [tilespmem:s0+$0x6B0]  }
0x18f: {  	v17 =	vadd.f32 v23, v17;
	v4 =	vadd.f32 v22, v4;
	v22 =	vcvt.s32.f32 v38  }
0x190: {  	v23 =	vcvt.s32.f32 v43;
	v3 =	vadd.f32 v19, v3;
	v19 =	vcvt.s32.f32 v39  }
0x191: {  	v59 =	vand.u32 $0xFFFF, v54;
	v31 =	vand.u32 $0xFFFF, v63;
	v22 =	vmul.f32 v22, v37  }
0x192: {  	v24 =	vcvt.s32.f32 v41;
	v35 =	vld [tilespmem:s0+$0x770];
	v33 =	vand.u32 $0xFFFF, v29;
	v19 =	vmul.f32 v19, v37  }
0x193: {  	v50 =	vand.u32 $0xFFFF, v46;
	v16 =	vadd.f32 v22, v16;
	v45 =	vand.u32 $0xFFFF, v20  }
0x194: {  	v20 =	vshrl.u32 v20, $0x10;
	v15 =	vadd.f32 v19, v15;
	v19 =	vmul.f32 v24, v37  }
0x195: {  	v22 =	vshrl.u32 v42, $0x10;
	v24 =	vcvt.s32.f32 v44;
	v20 =	vcvt.s32.f32 v20  }
0x196: {  	v25 =	vcvt.s32.f32 v45;
	v14 =	vadd.f32 v19, v14;
	v19 =	vmul.f32 v23, v37  }
0x197: {  	v39 =	vand.u32 $0xFFFF, v35;
	v24 =	vmul.f32 v24, v37;
	v20 =	vmul.f32 v20, v37  }
0x198: {  	v25 =	vmul.f32 v25, v37;
	v23 =	vshrl.u32 v46, $0x10;
	v13 =	vadd.f32 v19, v13  }
0x199: {  	v19 =	vcvt.s32.f32 v22;
	v11 =	vadd.f32 v20, v11;
	v20 =	vmul.f32 v26, v37  }
0x19a: {  	v40 =	vcvt.s32.f32 v39;
	v23 =	vcvt.s32.f32 v23;
	v12 =	vadd.f32 v24, v12  }
0x19b: {  	v10 =	vadd.f32 v25, v10;
	v19 =	vmul.f32 v19, v37;
	v9 =	vadd.f32 v20, v9;
	v20 =	vld [tilespmem:s0+$0x700]  }
0x19c: {  	v24 =	vcvt.s32.f32 v50;
	v25 =	vcvt.s32.f32 v52;
	v22 =	vshrl.u32 v49, $0x10  }
0x19d: {  	v42 =	vld [tilespmem:s0+$0x790];
	v23 =	vmul.f32 v23, v37;
	v8 =	vadd.f32 v19, v8;
	v19 =	vcvt.s32.f32 v51  }
0x19e: {  	v34 =	vshrl.u32 v29, $0x10;
	v22 =	vcvt.s32.f32 v22;
	v24 =	vmul.f32 v24, v37  }
0x19f: {  	v45 =	vld [tilespmem:s0+$0x7B0];
	v6 =	vadd.f32 v23, v6;
	v23 =	vmul.f32 v55, v37;
	v19 =	vmul.f32 v19, v37  }
0x1a0: {  	v7 =	vadd.f32 v24, v7;
	v56 =	vand.u32 $0xFFFF, v20;
	v20 =	vshrl.u32 v20, $0x10  }
0x1a1: {  	v5 =	vadd.f32 v19, v5;
	v19 =	vmul.f32 v25, v37;
	v24 =	vcvt.s32.f32 v56  }
0x1a2: {  	v47 =	vand.u32 $0xFFFF, v42;
	v21 =	vmul.f32 v22, v37;
	v20 =	vcvt.s32.f32 v20  }
0x1a3: {  	v22 =	vcvt.s32.f32 v59;
	v4 =	vadd.f32 v19, v4;
	v19 =	vmul.f32 v24, v57  }
0x1a4: {  	v50 =	vld [tilespmem:s0+$0x7C0];
	v51 =	vand.u32 $0xFFFF, v45;
	v2 =	vadd.f32 v21, v2;
	v20 =	vmul.f32 v20, v57  }
0x1a5: {  	v61 =	vmul.f32 v22, v57;
	v21 =	vcvt.s32.f32 v62;
	v16 =	vadd.f32 v19, v16  }
0x1a6: {  	v19 =	vshrl.u32 v54, $0x10;
	v17 =	vadd.f32 v20, v17;
	v20 =	vand.u32 $0xFFFF, v58  }
0x1a7: {  	v22 =	vshrl.u32 v63, $0x10;
	v19 =	vcvt.s32.f32 v19;
	v20 =	vcvt.s32.f32 v20  }
0x1a8: {  	v3 =	vadd.f32 v23, v3;
	v23 =	vcvt.s32.f32 v28;
	v32 =	vcvt.s32.f32 v22  }
0x1a9: {  	v55 =	vld [tilespmem:s0+$0x7E0];
	v53 =	vand.u32 $0xFFFF, v50;
	v19 =	vmul.f32 v19, v57;
	v20 =	vmul.f32 v20, v57  }
0x1aa: {  	v22 =	vcvt.s32.f32 v33;
	v15 =	vadd.f32 v61, v15;
	v21 =	vmul.f32 v21, v57  }
0x1ab: {  	v14 =	vadd.f32 v19, v14;
	v13 =	vadd.f32 v20, v13;
	v19 =	vmul.f32 v23, v57;
	v20 =	vld [tilespmem:s0+$0x760]  }
0x1ac: {  	v22 =	vmul.f32 v22, v57;
	v12 =	vadd.f32 v21, v12;
	v21 =	vmul.f32 v32, v57  }
0x1ad: {  	v24 =	vshrl.u32 v60, $0x10;
	v10 =	vadd.f32 v19, v10;
	v19 =	vcvt.s32.f32 v31  }
0x1ae: {  	v59 =	vand.u32 $0xFFFF, v55;
	v7 =	vadd.f32 v22, v7;
	v24 =	vcvt.s32.f32 v24  }
0x1af: {  	v60 =	vshrl.u32 v55, $0x10;
	v8 =	vadd.f32 v21, v8;
	v19 =	vmul.f32 v19, v57  }
0x1b0: {  	v30 =	vmul.f32 v24, v57;
	v36 =	vand.u32 $0xFFFF, v20;
	v20 =	vshrl.u32 v20, $0x10  }
0x1b1: {  	v58 =	vld [tilespmem:s0+$0x7F0];
	v24 =	vshrl.u32 v35, $0x10;
	v9 =	vadd.f32 v19, v9;
	v19 =	vcvt.s32.f32 v20  }
0x1b2: {  	v21 =	vmul.f32 v40, v57;
	v41 =	vcvt.s32.f32 v24;
	v24 =	vshrl.u32 v42, $0x10;
	v20 =	vld [tilespmem:s0+$0x780]  }
0x1b3: {  	v54 =	vshrl.u32 v50, $0x10;
	v24 =	vcvt.s32.f32 v24;
	v19 =	vmul.f32 v19, v57  }
0x1b4: {  	v3 =	vadd.f32 v21, v3;
	v21 =	vshrl.u32 v45, $0x10;
	v23 =	vcvt.s32.f32 v34  }
0x1b5: {  	v21 =	vcvt.s32.f32 v21;
	v24 =	vmul.f32 v24, v1;
	v4 =	vadd.f32 v19, v4;
	v19 =	vld [tilespmem:s0+$0x7A0]  }
0x1b6: {  	v11 =	vadd.f32 v30, v11;
	v43 =	vmul.f32 v41, v57;
	v37 =	vmul.f32 v23, v57  }
0x1b7: {  	v14 =	vadd.f32 v24, v14;
	v24 =	vshrl.u32 v58, $0x10;
	v44 =	vand.u32 $0xFFFF, v20  }
0x1b8: {  	v26 =	vcvt.s32.f32 v36;
	v20 =	vshrl.u32 v20, $0x10;
	v23 =	vcvt.s32.f32 v44  }
0x1b9: {  	v52 =	vld [tilespmem:s0+$0x7D0];
	v61 =	vand.u32 $0xFFFF, v58;
	v62 =	vcvt.s32.f32 v24;
	v20 =	vcvt.s32.f32 v20  }
0x1ba: {  	v38 =	vmul.f32 v26, v57;
	v46 =	vmul.f32 v23, v1;
	v48 =	vand.u32 $0xFFFF, v19  }
0x1bb: {  	v20 =	vmul.f32 v20, v1;
	v19 =	vshrl.u32 v19, $0x10;
	v49 =	vcvt.s32.f32 v48  }
0x1bc: {  	v2 =	vadd.f32 v43, v2;
	v23 =	vcvt.s32.f32 v47;
	v19 =	vcvt.s32.f32 v19  }
0x1bd: {  	v17 =	vadd.f32 v20, v17;
	v20 =	vcvt.s32.f32 v51;
	v22 =	vmul.f32 v49, v1  }
0x1be: {  	v57 =	vand.u32 $0xFFFF, v52;
	v23 =	vmul.f32 v23, v1;
	v19 =	vmul.f32 v19, v1  }
0x1bf: {  	v20 =	vmul.f32 v20, v1;
	v13 =	vadd.f32 v22, v13;
	v22 =	vcvt.s32.f32 v53  }
0x1c0: {  	v15 =	vadd.f32 v23, v15;
	v12 =	vadd.f32 v19, v12;
	v19 =	vcvt.s32.f32 v54  }
0x1c1: {  	v10 =	vadd.f32 v20, v10;
	v20 =	vmul.f32 v21, v1;
	v56 =	vmul.f32 v22, v1  }
0x1c2: {  	v23 =	vshrl.u32 v52, $0x10;
	v19 =	vmul.f32 v19, v1;
	v22 =	vcvt.s32.f32 v57  }
0x1c3: {  	v6 =	vadd.f32 v37, v6;
	v11 =	vadd.f32 v20, v11;
	v20 =	vcvt.s32.f32 v23  }
0x1c4: {  	v21 =	vcvt.s32.f32 v59;
	v8 =	vadd.f32 v19, v8;
	v19 =	vmul.f32 v22, v1  }
0x1c5: {  	p0 =	sne.s32 s1, $0xC0;
	v5 =	vadd.f32 v38, v5;
	v20 =	vmul.f32 v20, v1;
	v22 =	vcvt.s32.f32 v60  }
.Ltmp5:
0x1c6: {  	v16 =	vadd.f32 v46, v16;
	v7 =	vadd.f32 v19, v7;
	v19 =	vcvt.s32.f32 v61;
	(pc) =	sbr.rel @p0 .LBB2_9-.Ltmp5, $4  }
0x1c7: {  	v6 =	vadd.f32 v20, v6;
	v20 =	vmul.f32 v21, v1;
	v63 =	vmul.f32 v22, v1  }
0x1c8: {  	v9 =	vadd.f32 v56, v9;
	v19 =	vmul.f32 v19, v1;
	v1 =	vmul.f32 v62, v1  }
0x1c9: {  	v5 =	vadd.f32 v20, v5;
	v4 =	vadd.f32 v63, v4  }
0x1ca: {  	s1 =	sadd.s32 $0x40, s1;
	s0 =	sadd.s32 $0x800, s0;
	v3 =	vadd.f32 v19, v3;
	v2 =	vadd.f32 v1, v2  }
0x1cb: {  	s0 =	sshrl.u32 s31, $0x4  }
0x1cc: {  	s1 =	smul.u32 $0x14, s0;
	_ =	sdelay $0x1  }
0x1cd: {  	p0 =	slt.u32 s30, $0x28;
	s1 =	ssub.s32 s30, s1  }
0x1ce: {  	s0 =	sand.u32 $0x1, s0;
	p1 =	sne.s32 @!p0 s1, $0x0  }
0x1cf: {  	s12 =	smul.u32 $0x5000, s0;
	p0 =	por p1, p0  }
0x1d0: {  	v0 =	vmul.f32 $3.276800000e+04, v18;
	s14 =	sor.u32 @!p0 $0x8, s0  }
0x1d1: {  	s12 =	sshrl.u32 s12, $0x2;
	s15 =	sshll.u32 s1, $0x8;
	_ =	swait.ge @!p0 [sflag:s14], $0x1400  }
0x1d2: {  	v1 =	vsub.f32 v16, v0;
	s12 =	sadd.s32 $0x16800, s12;
	s15 =	sand.u32 $0x3FFFFF00, s15;
	[sflag:s14] =	ssyncset.done @!p0 $0x0  }
0x1d3: {  	v55 =	vsub.f32 v17, v0;
	s31 =	sadd.s32 s15, s12;
	[sflag:s14] =	ssyncadd.s32 @!p0 $0xFFFFEC00  }
0x1d4: {  	v56 =	vsub.f32 v15, v0;
	[tilespmem:s31+$0x0] =	vst v1  }
0x1d5: {  	v14 =	vsub.f32 v14, v0;
	[tilespmem:s31+$0x10] =	vst v55  }
0x1d6: {  	v57 =	vsub.f32 v13, v0;
	[tilespmem:s31+$0x20] =	vst v56  }
0x1d7: {  	v12 =	vsub.f32 v12, v0;
	[tilespmem:s31+$0x30] =	vst v14  }
0x1d8: {  	v58 =	vsub.f32 v10, v0;
	[tilespmem:s31+$0x40] =	vst v57  }
0x1d9: {  	v59 =	vsub.f32 v11, v0;
	[tilespmem:s31+$0x50] =	vst v12  }
0x1da: {  	v60 =	vsub.f32 v9, v0;
	[tilespmem:s31+$0x60] =	vst v58  }
0x1db: {  	v8 =	vsub.f32 v8, v0;
	[tilespmem:s31+$0x70] =	vst v59  }
0x1dc: {  	v61 =	vsub.f32 v7, v0;
	[tilespmem:s31+$0x80] =	vst v60  }
0x1dd: {  	v6 =	vsub.f32 v6, v0;
	[tilespmem:s31+$0x90] =	vst v8  }
0x1de: {  	v62 =	vsub.f32 v5, v0;
	p0 =	sne.s32 s1, $0x13;
	[tilespmem:s31+$0xA0] =	vst v61  }
0x1df: {  	v4 =	vsub.f32 v4, v0;
	[tilespmem:s31+$0xB0] =	vst v6;
	s1 =	sadd.s32 @!p0 s7, s30  }
0x1e0: {  	v63 =	vsub.f32 v3, v0;
	[tilespmem:s31+$0xC0] =	vst v62;
	s1 =	sshll.u32 @!p0 s1, $0x8  }
0x1e1: {  	v0 =	vsub.f32 v2, v0;
	[tilespmem:s31+$0xD0] =	vst v4;
	s1 =	sadd.s32 @!p0 $0xFFFFED00, s1  }
0x1e2: {  	[tilespmem:s31+$0xE0] =	vst v63;
	s0 =	sor.u32 @!p0 $0x8, s0;
	s1 =	sshrl.u32 @!p0 s1, $0x3  }
0x1e3: {  	[tilespmem:s31+$0xF0] =	vst v0;
	s14 =	simm.s32 @!p0 $0x0;
	s30 =	sadd.s32 $0x1, s30;
	s1 =	sadd.s32 @!p0 s6, s1  }
0x1e4: {  	[hbm4b:s1+s14] =	stream.linear.scatter @!p0 [tilespmem:s12], [sflag:s0], $0x1400, $0x38;
	[tilespmem:$0x19000] =	vst v63  }
0x1e5: {  	p0 =	sne.s32 s30, $0x1F4  }
.Ltmp6:
0x1e6: {  	_ = 	snop;
	(pc) =	sbr.rel @p0 .LBB2_2-.Ltmp6, $4  }
.Ltmp7:
0x1e7: {  	_ = 	snop;
	(pc) =	sbr.rel @!p0 .LBB2_11-.Ltmp7, $4  }
0x1e8: {  	_ = 	snop  }
0x1e9: {  	_ = 	snop  }
0x1ea: {  	s29 =	sadd.s32 $0x200, s29;
	s28 =	sadd.s32 $0x1, s28;
	s26 =	sadd.s32 $0x2000, s26  }
0x1eb: {  	_ = 	snop  }
.LBB2_6:
.Ltmp8:
0x1ec: {  	(pc) =	sbr.rel @p0 .LBB2_8-.Ltmp8, $4  }
.Ltmp9:
0x1ed: {  	(pc) =	sbr.rel @!p0 .LBB2_7-.Ltmp9, $4  }
0x1ee: {  	_ = 	snop  }
0x1ef: {  	_ = 	snop  }
0x1f0: {  	_ = 	snop  }
0x1f1: {  	_ = 	snop  }
.LBB2_12:
0x1f2: {  	_ =	sfence.sel $0x180000  }
0x1f3: {  	[bflag:$0x0] =	sbarrier.arrive $0xFFFF  }
0x1f4: {  	_ =	strace $0x90000047  }
0x1f5: {  	s0 =	stileid.u32;
	[bflag:$0x2] =	sbarrier.arrive $0xFFFF  }
0x1f6: {  	p0 =	sne.s32 s0, $0x0;
	s0 =	rddreg [dreg:$0x1]  }
0x1f7: {  	s0 =	sadd.s32 @!p0 $0x100000, s0  }
0x1f8: {  	[sflag:s0] =	ssyncadd.tile.s32 @!p0 $0x1;
	_ =	shalt  }
.Lfunc_end2:
_tile_overlayer_lowered:
.L_overlay_start_2:
0x1f9: {  	(tag) =	ssettag $0x2  }
0x1fa: {  	s0 =	rddreg [dreg:$0x0];
	s2 =	stileid.u32  }
0x1fb: {  	s1 =	rddreg [dreg:$0x1];
	p0 =	sne.s32 s2, $0x0  }
0x1fc: {  	s3 =	rddreg [dreg:$0x2];
	[bflag:$0x3] =	sbarrier.arrive $0xFFFF;
	s2 =	simm.s32 @!p0 $0x1C0A  }
0x1fd: {  	[timem:s3], [sflag:s2] =	dma.local @!p0 [hbm:s0], s1  }
0x1fe: {  	s0 =	simm.s32 @!p0 $0xA  }
0x1ff: {  	_ =	swait.ge @!p0 [sflag:s0], s1  }
0x200: {  	s1 =	ssub.s32 @!p0 $0x0, s1;
	[sflag:s0] =	ssyncset.done @!p0 $0x0  }
0x201: {  	[sflag:s0] =	ssyncadd.s32 @!p0 s1  }
0x202: {  	[bflag:$0x3] =	sbarrier.arrive $0xFFFF  }
0x203: {  	_ =	shalt  }

</sc_bundles>
